<compile_context>
chip_gen: v7x
topology: tpu7x:2x2x1
jax: 0.10.2.dev20260603
libtpu: 0.0.44.dev20260713+nightly
codegen_flags: <defaults>
</compile_context>

<pallas_src>
import dataclasses
import functools

import jax
import jax.numpy as jnp
from jax import lax
from jax.experimental import pallas as pl
from jax.experimental.pallas import tpu as pltpu
from jax.experimental.pallas import tpu_sc as plsc

NC = 2
NS = 16
NW = NC * NS
CHUNK = 128
NBR = 4
NUM_GRAPHS = 64


def _mesh():
    return plsc.VectorSubcoreMesh(core_axis_name="c", subcore_axis_name="s")


def _sc_params():
    cp = pltpu.CompilerParams()
    if "needs_layout_passes" in pltpu.CompilerParams.__dataclass_fields__:
        cp = dataclasses.replace(cp, needs_layout_passes=False)
    return cp


def _fill(ref, rows, d, value):
    @pl.loop(0, rows)
    def _(r):
        @pl.loop(0, d, step=16)
        def _(c):
            ref[r, pl.ds(c, 16)] = jnp.full((16,), value, jnp.float32)


def _sc_degree(dst_p, n_acc, n_chunks):
    hr = n_acc // 128

    @functools.partial(
        pl.kernel,
        out_type=jax.ShapeDtypeStruct((NW, hr, 128), jnp.float32),
        mesh=_mesh(),
        scratch_types=[
            pltpu.VMEM((hr, 128), jnp.float32),
            pltpu.VMEM((4, CHUNK), jnp.int32),
            pltpu.SemaphoreType.DMA((4,)),
        ],
        compiler_params=_sc_params(),
    )
    def k(dst_hbm, out_hbm, hist, dstb, si):
        cid = lax.axis_index("c")
        sid = lax.axis_index("s")
        wid = cid * NS + sid
        _fill(hist, hr, 128, 0.0)
        base = wid * (n_chunks * CHUNK)

        def idx_start(s, ci):
            pltpu.async_copy(dst_hbm.at[pl.ds(base + ci * CHUNK, CHUNK)],
                             dstb.at[s], si.at[s])

        def idx_wait(s, ci):
            pltpu.make_async_copy(dst_hbm.at[pl.ds(base + ci * CHUNK, CHUNK)],
                                  dstb.at[s], si.at[s]).wait()

        for s in range(4):
            idx_start(s, s)

        @pl.loop(0, n_chunks // 4)
        def _(t):
            for j in range(4):
                ci = t * 4 + j
                idx_wait(j, ci)
                for g in range(CHUNK // 16):
                    v = dstb[j, pl.ds(g * 16, 16)]
                    cnt, last = plsc.scan_count(v)
                    plsc.addupdate_scatter(
                        hist,
                        [jax.lax.shift_right_logical(v, 7),
                         jax.lax.bitwise_and(v, 127)],
                        cnt.astype(jnp.float32), mask=last)

                @pl.when(ci + 4 < n_chunks)
                def _():
                    idx_start(j, ci + 4)

        pltpu.sync_copy(hist, out_hbm.at[wid])

    return k(dst_p)


def _sc_edge_pass(g, src_p, dst_p, n_acc, n_chunks):
    d = g.shape[1]

    @functools.partial(
        pl.kernel,
        out_type=jax.ShapeDtypeStruct((NC, n_acc, d), jnp.float32),
        mesh=_mesh(),
        scratch_types=[
            pltpu.VMEM_SHARED((n_acc, d), jnp.float32),
            pltpu.VMEM((4, CHUNK), jnp.int32),
            pltpu.VMEM((4, CHUNK), jnp.int32),
            pltpu.VMEM((2, CHUNK, d), jnp.float32),
            pltpu.VMEM((64, d), jnp.float32),
            pltpu.SemaphoreType.DMA((4,)),
            pltpu.SemaphoreType.DMA((2,)),
            pltpu.SemaphoreType.DMA((4,)),
        ],
    )
    def k(g_hbm, src_hbm, dst_hbm, out_hbm, acc, srcb, dstb, rows, zb,
          si, sg, ss):
        cid = lax.axis_index("c")
        sid = lax.axis_index("s")
        wid = cid * NS + sid
        _fill(zb, 64, d, 0.0)
        rps = n_acc // NS

        @pl.loop(0, rps // 64)
        def _(i):
            pltpu.async_copy(zb, acc.at[pl.ds(sid * rps + i * 64, 64)],
                             si.at[0])

        @pl.loop(0, rps // 64)
        def _(i):
            pltpu.make_async_copy(zb, acc.at[pl.ds(sid * rps + i * 64, 64)],
                                  si.at[0]).wait()

        plsc.subcore_barrier()
        base = wid * (n_chunks * CHUNK)

        def idx_start(s, ci):
            off = base + ci * CHUNK
            pltpu.async_copy(src_hbm.at[pl.ds(off, CHUNK)], srcb.at[s], si.at[s])
            pltpu.async_copy(dst_hbm.at[pl.ds(off, CHUNK)], dstb.at[s], si.at[s])

        def idx_wait(s, ci):
            off = base + ci * CHUNK
            pltpu.make_async_copy(
                src_hbm.at[pl.ds(off, CHUNK)], srcb.at[s], si.at[s]).wait()
            pltpu.make_async_copy(
                dst_hbm.at[pl.ds(off, CHUNK)], dstb.at[s], si.at[s]).wait()

        def gather_start(r, s):
            pltpu.async_copy(g_hbm.at[srcb.at[s]], rows.at[r], sg.at[r])

        def gather_wait(r, s):
            pltpu.make_async_copy(g_hbm.at[srcb.at[s]], rows.at[r],
                                  sg.at[r]).wait()

        def scat_start(r, s):
            pltpu.async_copy(rows.at[r], acc.at[dstb.at[s]], ss.at[s], add=True)

        def scat_wait(r, s):
            pltpu.make_async_copy(rows.at[r], acc.at[dstb.at[s]],
                                  ss.at[s]).wait()

        for s in range(4):
            idx_start(s, s)

        @pl.loop(0, n_chunks // 4)
        def _(t):
            for j in range(4):
                ci = t * 4 + j
                sp = (j + 2) % 4
                sv = (j + 3) % 4

                def pre():
                    scat_wait(j % 2, sp)

                    @pl.when(ci + 2 < n_chunks)
                    def _():
                        idx_start(sp, ci + 2)

                if j >= 2:
                    pre()
                else:
                    @pl.when(t > 0)
                    def _():
                        pre()

                idx_wait(j, ci)
                gather_start(j % 2, j)

                def flow():
                    gather_wait((j + 1) % 2, sv)
                    scat_start((j + 1) % 2, sv)

                if j >= 1:
                    flow()
                else:
                    @pl.when(t > 0)
                    def _():
                        flow()

        gather_wait(1, 3)
        scat_start(1, 3)
        scat_wait(0, 2)
        scat_wait(1, 3)

        plsc.subcore_barrier()

        @pl.loop(0, rps // 64)
        def _(i):
            r0 = sid * rps + i * 64
            pltpu.async_copy(acc.at[pl.ds(r0, 64)], out_hbm.at[cid, pl.ds(r0, 64)],
                             si.at[1])

        @pl.loop(0, rps // 64)
        def _(i):
            r0 = sid * rps + i * 64
            pltpu.make_async_copy(acc.at[pl.ds(r0, 64)],
                                  out_hbm.at[cid, pl.ds(r0, 64)], si.at[1]).wait()

    return k(g, src_p, dst_p)


_DOT = dict(preferred_element_type=jnp.float32)


def _tc_in_proj(x, w, dinv_col):
    n, d = x.shape
    rb = 2000 if n % 2000 == 0 else n

    def body(x_ref, w_ref, dinv_ref, o_ref):
        o_ref[...] = jnp.dot(x_ref[...], w_ref[...], **_DOT) * dinv_ref[...]

    return pl.pallas_call(
        body,
        grid=(n // rb,),
        in_specs=[
            pl.BlockSpec((rb, d), lambda i: (i, 0)),
            pl.BlockSpec((d, w.shape[1]), lambda i: (0, 0)),
            pl.BlockSpec((rb, 1), lambda i: (i, 0)),
        ],
        out_specs=pl.BlockSpec((rb, w.shape[1]), lambda i: (i, 0)),
        out_shape=jax.ShapeDtypeStruct((n, w.shape[1]), jnp.float32),
    )(x, w, dinv_col)


def _tc_degsum(degs, n_acc):
    hr = n_acc // 128

    def body(degs_ref, o_ref):
        deg = jnp.sum(degs_ref[...], axis=0) + 1.0
        o_ref[...] = lax.rsqrt(jnp.maximum(deg, 1.0))

    return pl.pallas_call(
        body,
        out_shape=jax.ShapeDtypeStruct((hr, 128), jnp.float32),
    )(degs)


def _tc_mid(acc, g1, dinv_col, b1, w2):
    n, d = g1.shape
    rb = 2000 if n % 2000 == 0 else n

    def body(acc_ref, g_ref, dinv_ref, b_ref, w_ref, o_ref):
        s = acc_ref[0] + acc_ref[1] + g_ref[...]
        h = jnp.maximum(dinv_ref[...] * s + b_ref[...], 0.0)
        o_ref[...] = jnp.dot(h, w_ref[...], **_DOT) * dinv_ref[...]

    return pl.pallas_call(
        body,
        grid=(n // rb,),
        in_specs=[
            pl.BlockSpec((2, rb, d), lambda i: (0, i, 0)),
            pl.BlockSpec((rb, d), lambda i: (i, 0)),
            pl.BlockSpec((rb, 1), lambda i: (i, 0)),
            pl.BlockSpec((1, d), lambda i: (0, 0)),
            pl.BlockSpec((d, d), lambda i: (0, 0)),
        ],
        out_specs=pl.BlockSpec((rb, d), lambda i: (i, 0)),
        out_shape=jax.ShapeDtypeStruct((n, d), jnp.float32),
    )(acc, g1, dinv_col, b1, w2)


def _tc_final(acc, g2, dinv_col, b2, batch, wc, bc):
    n, d = g2.shape
    dout = wc.shape[1]
    rb = 2000 if n % 2000 == 0 else n
    nblk = n // rb
    batch3d = batch.reshape(nblk, 1, rb)

    def body(acc_ref, g_ref, dinv_ref, b_ref, batch_ref, wc_ref, bc_ref,
             o_ref, s_ref, c_ref):
        i = pl.program_id(0)

        @pl.when(i == 0)
        def _():
            s_ref[...] = jnp.zeros_like(s_ref)
            c_ref[...] = jnp.zeros_like(c_ref)

        s = acc_ref[0] + acc_ref[1] + g_ref[...]
        h = jnp.maximum(dinv_ref[...] * s + b_ref[...], 0.0)
        seg = lax.broadcasted_iota(jnp.int32, (NUM_GRAPHS, rb), 0)
        maskt = (seg == batch_ref[0]).astype(jnp.float32)
        s_ref[...] += jnp.dot(maskt, h, **_DOT)
        c_ref[...] = c_ref[...] + jnp.sum(maskt, axis=1, keepdims=True)

        @pl.when(i == nblk - 1)
        def _():
            pooled = s_ref[...] / jnp.maximum(c_ref[...], 1.0)
            o_ref[...] = jnp.dot(pooled, wc_ref[...], **_DOT) + bc_ref[...]

    return pl.pallas_call(
        body,
        grid=(nblk,),
        in_specs=[
            pl.BlockSpec((2, rb, d), lambda i: (0, i, 0)),
            pl.BlockSpec((rb, d), lambda i: (i, 0)),
            pl.BlockSpec((rb, 1), lambda i: (i, 0)),
            pl.BlockSpec((1, d), lambda i: (0, 0)),
            pl.BlockSpec((1, 1, rb), lambda i: (i, 0, 0)),
            pl.BlockSpec((d, dout), lambda i: (0, 0)),
            pl.BlockSpec((1, dout), lambda i: (0, 0)),
        ],
        out_specs=pl.BlockSpec((NUM_GRAPHS, dout), lambda i: (0, 0)),
        out_shape=jax.ShapeDtypeStruct((NUM_GRAPHS, dout), jnp.float32),
        scratch_shapes=[
            pltpu.VMEM((NUM_GRAPHS, d), jnp.float32),
            pltpu.VMEM((NUM_GRAPHS, d), jnp.float32),
        ],
    )(acc, g2, dinv_col, b2, batch3d, wc, bc)


def kernel(x, edge_index, batch, W1, b1, W2, b2, Wc, bc):
    n, d = x.shape
    src = edge_index[0].astype(jnp.int32)
    dst = edge_index[1].astype(jnp.int32)
    e = src.shape[0]

    n_acc = -(-n // 1024) * 1024
    n_chunks = -(-e // (NW * CHUNK * NBR)) * NBR
    e_pad = NW * n_chunks * CHUNK
    npad = e_pad - e
    pad_idx = jnp.arange(npad, dtype=jnp.int32)
    src_p = jnp.concatenate([src, pad_idx % n])
    dst_p = jnp.concatenate([dst, n + pad_idx % (n_acc - n)])

    degs = _sc_degree(dst_p, n_acc, n_chunks)
    dinvp = _tc_degsum(degs, n_acc)
    dinv_col = dinvp.reshape(n_acc, 1)[:n]
    g1 = _tc_in_proj(x, W1, dinv_col)
    acc1 = _sc_edge_pass(g1, src_p, dst_p, n_acc, n_chunks)
    g2 = _tc_mid(acc1, g1, dinv_col, b1.reshape(1, -1), W2)
    acc2 = _sc_edge_pass(g2, src_p, dst_p, n_acc, n_chunks)
    return _tc_final(acc2, g2, dinv_col, b2.reshape(1, -1),
                     batch.astype(jnp.int32), Wc, bc.reshape(1, -1))

# --- scband reference (transcript-rebuilt; emitter-appended) ---
"""Pipeline reference for scband-gcn-14087492731266 (READ-ONLY COPY).

The authoritative reference and input builder live on the scoring server;
editing this copy changes nothing except your own understanding.
"""

import jax, jax.numpy as jnp
import numpy as np

N_NODES = 10000
N_EDGES = 320000
D_IN = 128
D_HID = 128
D_OUT = 128
NUM_GRAPHS = 64


def gcn_conv(x, edge_index, W, b):
    # GCNConv: symmetric normalization with added self-loops.
    n = x.shape[0]
    loops = jnp.arange(n, dtype=edge_index.dtype)
    src = jnp.concatenate([edge_index[0], loops])
    dst = jnp.concatenate([edge_index[1], loops])
    deg = jnp.zeros((n,), x.dtype).at[dst].add(1.0)
    dinv = jax.lax.rsqrt(jnp.maximum(deg, 1.0))
    norm = dinv[src] * dinv[dst]
    h = x @ W
    msg = h[src] * norm[:, None]
    out = jnp.zeros((n, W.shape[1]), x.dtype).at[dst].add(msg)
    return out + b


def setup_inputs(seed: int = 0) -> dict:
    key = jax.random.key(seed)
    ks = jax.random.split(key, 10)
    x = jax.random.normal(ks[0], (N_NODES, D_IN), dtype=jnp.float32)
    edge_index = jax.random.randint(ks[1], (2, N_EDGES), 0, N_NODES, dtype=jnp.int64)
    batch = jnp.sort(jax.random.randint(ks[2], (N_NODES,), 0, NUM_GRAPHS, dtype=jnp.int64))
    W1 = jax.random.normal(ks[3], (D_IN, D_HID), dtype=jnp.float32) * 0.05
    b1 = jnp.zeros((D_HID,), dtype=jnp.float32)
    W2 = jax.random.normal(ks[4], (D_HID, D_HID), dtype=jnp.float32) * 0.05
    b2 = jnp.zeros((D_HID,), dtype=jnp.float32)
    Wc = jax.random.normal(ks[5], (D_HID, D_OUT), dtype=jnp.float32) * 0.05
    bc = jnp.zeros((D_OUT,), dtype=jnp.float32)
    return {"x": x, "edge_index": edge_index, "batch": batch,
            "W1": W1, "b1": b1, "W2": W2, "b2": b2, "Wc": Wc, "bc": bc}


def reference(x, edge_index, batch, W1, b1, W2, b2, Wc, bc):
    h = jax.nn.relu(gcn_conv(x, edge_index, W1, b1))
    h = jax.nn.relu(gcn_conv(h, edge_index, W2, b2))
    # global_mean_pool over graph ids in `batch`
    sums = jax.ops.segment_sum(h, batch, num_segments=NUM_GRAPHS)
    counts = jax.ops.segment_sum(jnp.ones((h.shape[0],), h.dtype), batch, num_segments=NUM_GRAPHS)
    pooled = sums / jnp.maximum(counts, 1.0)[:, None]
    # dropout(p=0.5) is identity in eval mode
    return pooled @ Wc + bc

if __name__ == "__main__":
    import jax
    _d = setup_inputs()
    print(jax.jit(kernel)(*tuple(_d.values())))

</pallas_src>

<mosaic_0001>
#map = affine_map<(d0, d1) -> (0, 0)>
#map1 = affine_map<(d0, d1) -> (0)>
#map2 = affine_map<(d0, d1) -> (0, 0, 0)>
module attributes {stable_mosaic.version = 14 : i64} {
  func.func @k(%arg0: i32, %arg1: i32, %arg2: memref<10000x128xf32, #tpu.memory_space<hbm>>, %arg3: memref<327680xi32, #tpu.memory_space<hbm>>, %arg4: memref<327680xi32, #tpu.memory_space<hbm>>, %arg5: memref<2x10240x128xf32, #tpu.memory_space<hbm>>, %arg6: memref<10240x128xf32, #tpu.memory_space<vmem_shared>>, %arg7: memref<4x128xi32, #tpu.memory_space<vmem>>, %arg8: memref<4x128xi32, #tpu.memory_space<vmem>>, %arg9: memref<2x128x128xf32, #tpu.memory_space<vmem>>, %arg10: memref<64x128xf32, #tpu.memory_space<vmem>>, %arg11: memref<4x!tpu.dma_semaphore, #tpu.memory_space<semaphore_mem>>, %arg12: memref<2x!tpu.dma_semaphore, #tpu.memory_space<semaphore_mem>>, %arg13: memref<4x!tpu.dma_semaphore, #tpu.memory_space<semaphore_mem>>) attributes {dimension_semantics = [#tpu.dimension_semantics<core_parallel>, #tpu.dimension_semantics<subcore_parallel>], iteration_bounds = array<i64: 2, 16>, scalar_prefetch = 0 : i64, scratch_operands = 8 : i64, tpu.core_type = #tpu.core_type<sc_vector_subcore>, window_params = [{transform_indices = #map}, {transform_indices = #map1}, {transform_indices = #map1}, {transform_indices = #map2}]} {
    %mul3A = arith.constant 16 : i32
    %mul3A_0 = arith.muli %arg0, %mul3A : i32
    %add3A = arith.addi %mul3A_0, %arg1 : i32
    %scan3A = arith.constant 0 : i32
    %scan3A_1 = arith.constant 64 : i32
    %scan3A_2 = arith.addi %scan3A, %scan3A_1 : i32
    %scan3A_3 = arith.constant 1 : i32
    scf.for %scan3A_195 = %scan3A to %scan3A_2 step %scan3A_3  : i32 {
      %mul3A_196 = arith.constant 1 : i32
      %mul3A_197 = arith.muli %scan3A_195, %mul3A_196 : i32
      %add3A_198 = arith.constant 0 : i32
      %add3A_199 = arith.addi %add3A_198, %mul3A_197 : i32
      %scan3A_200 = arith.constant 0 : i32
      %scan3A_201 = arith.constant 8 : i32
      %scan3A_202 = arith.addi %scan3A_200, %scan3A_201 : i32
      %scan3A_203 = arith.constant 1 : i32
      scf.for %scan3A_205 = %scan3A_200 to %scan3A_202 step %scan3A_203  : i32 {
        %mul3A_206 = arith.constant 16 : i32
        %mul3A_207 = arith.muli %scan3A_205, %mul3A_206 : i32
        %add3A_208 = arith.constant 0 : i32
        %add3A_209 = arith.addi %add3A_208, %mul3A_207 : i32
        %broadcast_in_dim3A = arith.constant 0.000000e+00 : f32
        %broadcast_in_dim3A_210 = vector.broadcast %broadcast_in_dim3A : f32 to vector<16xf32>
        %swap3A = arith.index_cast %add3A_199 : i32 to index
        %swap3A_211 = arith.index_cast %add3A_209 : i32 to index
        %swap3A_212 = tpu.vector_load %arg10[%swap3A, %swap3A_211] {strides = array<i32>} : memref<64x128xf32, #tpu.memory_space<vmem>>, vector<1x16xf32>,
        %swap3A_213 = vector.shape_cast %swap3A_212 : vector<1x16xf32> to vector<16xf32>
        %swap3A_214 = vector.shape_cast %broadcast_in_dim3A_210 : vector<16xf32> to vector<1x16xf32>
        tpu.vector_store %arg10[%swap3A, %swap3A_211], %swap3A_214 {strides = array<i32>} : memref<64x128xf32, #tpu.memory_space<vmem>>, vector<1x16xf32>,
      }
      %scan3A_204 = arith.constant 8 : i32
    }
    %scan3A_4 = arith.constant 64 : i32
    %scan3A_5 = arith.constant 0 : i32
    %scan3A_6 = arith.constant 10 : i32
    %scan3A_7 = arith.addi %scan3A_5, %scan3A_6 : i32
    %scan3A_8 = arith.constant 1 : i32
    scf.for %scan3A_195 = %scan3A_5 to %scan3A_7 step %scan3A_8  : i32 {
      %mul3A_196 = arith.constant 1 : i32
      %mul3A_197 = arith.muli %scan3A_195, %mul3A_196 : i32
      %add3A_198 = arith.constant 0 : i32
      %add3A_199 = arith.addi %add3A_198, %mul3A_197 : i32
      %mul3A_200 = arith.constant 640 : i32
      %mul3A_201 = arith.muli %arg1, %mul3A_200 : i32
      %mul3A_202 = arith.constant 64 : i32
      %mul3A_203 = arith.muli %add3A_199, %mul3A_202 : i32
      %add3A_204 = arith.addi %mul3A_201, %mul3A_203 : i32
      %dma_start3A_205 = arith.constant 0 : i32
      %dma_start3A_206 = arith.constant 0 : i32
      %dma_start3A_207 = tpu.memref_slice %arg6[%add3A_204, %dma_start3A_206] : memref<10240x128xf32, #tpu.memory_space<vmem_shared>> -> memref<64x128xf32, #tpu.memory_space<vmem_shared>>
      %dma_start3A_208 = tpu.memref_slice %arg11[%dma_start3A_205] : memref<4x!tpu.dma_semaphore, #tpu.memory_space<semaphore_mem>> -> memref<1x!tpu.dma_semaphore, #tpu.memory_space<semaphore_mem>>
      %dma_start3A_209 = tpu.memref_squeeze %dma_start3A_208 : memref<1x!tpu.dma_semaphore, #tpu.memory_space<semaphore_mem>> -> memref<!tpu.dma_semaphore, #tpu.memory_space<semaphore_mem>>
      %dma_start3A_210 = arith.constant 0 : i32
      %dma_start3A_211 = tpu.memref_slice %arg6[%add3A_204, %dma_start3A_210] : memref<10240x128xf32, #tpu.memory_space<vmem_shared>> -> memref<64x128xf32, #tpu.memory_space<vmem_shared>>
      tpu.enqueue_dma source(%arg10 : memref<64x128xf32, #tpu.memory_space<vmem>>) target(%dma_start3A_211 : memref<64x128xf32, #tpu.memory_space<vmem_shared>>) target_semaphore(%dma_start3A_209 : memref<!tpu.dma_semaphore, #tpu.memory_space<semaphore_mem>>)
    }
    %scan3A_9 = arith.constant 10 : i32
    %scan3A_10 = arith.constant 0 : i32
    %scan3A_11 = arith.constant 10 : i32
    %scan3A_12 = arith.addi %scan3A_10, %scan3A_11 : i32
    %scan3A_13 = arith.constant 1 : i32
    scf.for %scan3A_195 = %scan3A_10 to %scan3A_12 step %scan3A_13  : i32 {
      %mul3A_196 = arith.constant 1 : i32
      %mul3A_197 = arith.muli %scan3A_195, %mul3A_196 : i32
      %add3A_198 = arith.constant 0 : i32
      %add3A_199 = arith.addi %add3A_198, %mul3A_197 : i32
      %mul3A_200 = arith.constant 640 : i32
      %mul3A_201 = arith.muli %arg1, %mul3A_200 : i32
      %mul3A_202 = arith.constant 64 : i32
      %mul3A_203 = arith.muli %add3A_199, %mul3A_202 : i32
      %add3A_204 = arith.addi %mul3A_201, %mul3A_203 : i32
      %dma_wait3A_205 = arith.constant 0 : i32
      %dma_wait3A_206 = arith.constant 0 : i32
      %dma_wait3A_207 = tpu.memref_slice %arg6[%add3A_204, %dma_wait3A_206] : memref<10240x128xf32, #tpu.memory_space<vmem_shared>> -> memref<64x128xf32, #tpu.memory_space<vmem_shared>>
      %dma_wait3A_208 = tpu.memref_slice %arg11[%dma_wait3A_205] : memref<4x!tpu.dma_semaphore, #tpu.memory_space<semaphore_mem>> -> memref<1x!tpu.dma_semaphore, #tpu.memory_space<semaphore_mem>>
      %dma_wait3A_209 = tpu.memref_squeeze %dma_wait3A_208 : memref<1x!tpu.dma_semaphore, #tpu.memory_space<semaphore_mem>> -> memref<!tpu.dma_semaphore, #tpu.memory_space<semaphore_mem>>
      %dma_wait3A_210 = arith.constant 0 : i32
      %dma_wait3A_211 = tpu.memref_slice %arg6[%add3A_204, %dma_wait3A_210] : memref<10240x128xf32, #tpu.memory_space<vmem_shared>> -> memref<64x128xf32, #tpu.memory_space<vmem_shared>>
      tpu.wait_dma2 semaphore(%dma_wait3A_209 : memref<!tpu.dma_semaphore, #tpu.memory_space<semaphore_mem>>) src(%arg10 : memref<64x128xf32, #tpu.memory_space<vmem>>) dst(%dma_wait3A_211 : memref<64x128xf32, #tpu.memory_space<vmem_shared>>)
    }
    %scan3A_14 = arith.constant 10 : i32
    %barrier3A = arith.constant 0 : index
    tpu.barrier barrier_id(%barrier3A)
    %mul3A_15 = arith.constant 10240 : i32
    %mul3A_16 = arith.muli %add3A, %mul3A_15 : i32
    %add3A_17 = arith.constant 0 : i32
    %add3A_18 = arith.addi %mul3A_16, %add3A_17 : i32
    %dma_start3A = arith.constant 0 : i32
    %dma_start3A_19 = arith.constant 0 : i32
    %dma_start3A_20 = arith.constant 0 : i32
    %dma_start3A_21 = tpu.memref_slice %arg7[%dma_start3A, %dma_start3A_20] : memref<4x128xi32, #tpu.memory_space<vmem>> -> memref<1x128xi32, #tpu.memory_space<vmem>>
    %dma_start3A_22 = tpu.memref_squeeze %dma_start3A_21 : memref<1x128xi32, #tpu.memory_space<vmem>> -> memref<128xi32, #tpu.memory_space<vmem>>
    %dma_start3A_23 = tpu.memref_slice %arg3[%add3A_18] : memref<327680xi32, #tpu.memory_space<hbm>> -> memref<128xi32, #tpu.memory_space<hbm>>
    %dma_start3A_24 = tpu.memref_slice %arg11[%dma_start3A_19] : memref<4x!tpu.dma_semaphore, #tpu.memory_space<semaphore_mem>> -> memref<1x!tpu.dma_semaphore, #tpu.memory_space<semaphore_mem>>
    %dma_start3A_25 = tpu.memref_squeeze %dma_start3A_24 : memref<1x!tpu.dma_semaphore, #tpu.memory_space<semaphore_mem>> -> memref<!tpu.dma_semaphore, #tpu.memory_space<semaphore_mem>>
    %dma_start3A_26 = arith.constant 0 : i32
    %dma_start3A_27 = tpu.memref_slice %arg7[%dma_start3A, %dma_start3A_26] : memref<4x128xi32, #tpu.memory_space<vmem>> -> memref<1x128xi32, #tpu.memory_space<vmem>>
    %dma_start3A_28 = tpu.memref_squeeze %dma_start3A_27 : memref<1x128xi32, #tpu.memory_space<vmem>> -> memref<128xi32, #tpu.memory_space<vmem>>
    %dma_start3A_29 = tpu.memref_slice %arg3[%add3A_18] : memref<327680xi32, #tpu.memory_space<hbm>> -> memref<128xi32, #tpu.memory_space<hbm>>
    tpu.enqueue_dma source(%dma_start3A_29 : memref<128xi32, #tpu.memory_space<hbm>>) target(%dma_start3A_28 : memref<128xi32, #tpu.memory_space<vmem>>) target_semaphore(%dma_start3A_25 : memref<!tpu.dma_semaphore, #tpu.memory_space<semaphore_mem>>)
    %dma_start3A_30 = arith.constant 0 : i32
    %dma_start3A_31 = arith.constant 0 : i32
    %dma_start3A_32 = arith.constant 0 : i32
    %dma_start3A_33 = tpu.memref_slice %arg8[%dma_start3A_30, %dma_start3A_32] : memref<4x128xi32, #tpu.memory_space<vmem>> -> memref<1x128xi32, #tpu.memory_space<vmem>>
    %dma_start3A_34 = tpu.memref_squeeze %dma_start3A_33 : memref<1x128xi32, #tpu.memory_space<vmem>> -> memref<128xi32, #tpu.memory_space<vmem>>
    %dma_start3A_35 = tpu.memref_slice %arg4[%add3A_18] : memref<327680xi32, #tpu.memory_space<hbm>> -> memref<128xi32, #tpu.memory_space<hbm>>
    %dma_start3A_36 = tpu.memref_slice %arg11[%dma_start3A_31] : memref<4x!tpu.dma_semaphore, #tpu.memory_space<semaphore_mem>> -> memref<1x!tpu.dma_semaphore, #tpu.memory_space<semaphore_mem>>
    %dma_start3A_37 = tpu.memref_squeeze %dma_start3A_36 : memref<1x!tpu.dma_semaphore, #tpu.memory_space<semaphore_mem>> -> memref<!tpu.dma_semaphore, #tpu.memory_space<semaphore_mem>>
    %dma_start3A_38 = arith.constant 0 : i32
    %dma_start3A_39 = tpu.memref_slice %arg8[%dma_start3A_30, %dma_start3A_38] : memref<4x128xi32, #tpu.memory_space<vmem>> -> memref<1x128xi32, #tpu.memory_space<vmem>>
    %dma_start3A_40 = tpu.memref_squeeze %dma_start3A_39 : memref<1x128xi32, #tpu.memory_space<vmem>> -> memref<128xi32, #tpu.memory_space<vmem>>
    %dma_start3A_41 = tpu.memref_slice %arg4[%add3A_18] : memref<327680xi32, #tpu.memory_space<hbm>> -> memref<128xi32, #tpu.memory_space<hbm>>
    tpu.enqueue_dma source(%dma_start3A_41 : memref<128xi32, #tpu.memory_space<hbm>>) target(%dma_start3A_40 : memref<128xi32, #tpu.memory_space<vmem>>) target_semaphore(%dma_start3A_37 : memref<!tpu.dma_semaphore, #tpu.memory_space<semaphore_mem>>)
    %add3A_42 = arith.constant 128 : i32
    %add3A_43 = arith.addi %mul3A_16, %add3A_42 : i32
    %dma_start3A_44 = arith.constant 1 : i32
    %dma_start3A_45 = arith.constant 1 : i32
    %dma_start3A_46 = arith.constant 0 : i32
    %dma_start3A_47 = tpu.memref_slice %arg7[%dma_start3A_44, %dma_start3A_46] : memref<4x128xi32, #tpu.memory_space<vmem>> -> memref<1x128xi32, #tpu.memory_space<vmem>>
    %dma_start3A_48 = tpu.memref_squeeze %dma_start3A_47 : memref<1x128xi32, #tpu.memory_space<vmem>> -> memref<128xi32, #tpu.memory_space<vmem>>
    %dma_start3A_49 = tpu.memref_slice %arg3[%add3A_43] : memref<327680xi32, #tpu.memory_space<hbm>> -> memref<128xi32, #tpu.memory_space<hbm>>
    %dma_start3A_50 = tpu.memref_slice %arg11[%dma_start3A_45] : memref<4x!tpu.dma_semaphore, #tpu.memory_space<semaphore_mem>> -> memref<1x!tpu.dma_semaphore, #tpu.memory_space<semaphore_mem>>
    %dma_start3A_51 = tpu.memref_squeeze %dma_start3A_50 : memref<1x!tpu.dma_semaphore, #tpu.memory_space<semaphore_mem>> -> memref<!tpu.dma_semaphore, #tpu.memory_space<semaphore_mem>>
    %dma_start3A_52 = arith.constant 0 : i32
    %dma_start3A_53 = tpu.memref_slice %arg7[%dma_start3A_44, %dma_start3A_52] : memref<4x128xi32, #tpu.memory_space<vmem>> -> memref<1x128xi32, #tpu.memory_space<vmem>>
    %dma_start3A_54 = tpu.memref_squeeze %dma_start3A_53 : memref<1x128xi32, #tpu.memory_space<vmem>> -> memref<128xi32, #tpu.memory_space<vmem>>
    %dma_start3A_55 = tpu.memref_slice %arg3[%add3A_43] : memref<327680xi32, #tpu.memory_space<hbm>> -> memref<128xi32, #tpu.memory_space<hbm>>
    tpu.enqueue_dma source(%dma_start3A_55 : memref<128xi32, #tpu.memory_space<hbm>>) target(%dma_start3A_54 : memref<128xi32, #tpu.memory_space<vmem>>) target_semaphore(%dma_start3A_51 : memref<!tpu.dma_semaphore, #tpu.memory_space<semaphore_mem>>)
    %dma_start3A_56 = arith.constant 1 : i32
    %dma_start3A_57 = arith.constant 1 : i32
    %dma_start3A_58 = arith.constant 0 : i32
    %dma_start3A_59 = tpu.memref_slice %arg8[%dma_start3A_56, %dma_start3A_58] : memref<4x128xi32, #tpu.memory_space<vmem>> -> memref<1x128xi32, #tpu.memory_space<vmem>>
    %dma_start3A_60 = tpu.memref_squeeze %dma_start3A_59 : memref<1x128xi32, #tpu.memory_space<vmem>> -> memref<128xi32, #tpu.memory_space<vmem>>
    %dma_start3A_61 = tpu.memref_slice %arg4[%add3A_43] : memref<327680xi32, #tpu.memory_space<hbm>> -> memref<128xi32, #tpu.memory_space<hbm>>
    %dma_start3A_62 = tpu.memref_slice %arg11[%dma_start3A_57] : memref<4x!tpu.dma_semaphore, #tpu.memory_space<semaphore_mem>> -> memref<1x!tpu.dma_semaphore, #tpu.memory_space<semaphore_mem>>
    %dma_start3A_63 = tpu.memref_squeeze %dma_start3A_62 : memref<1x!tpu.dma_semaphore, #tpu.memory_space<semaphore_mem>> -> memref<!tpu.dma_semaphore, #tpu.memory_space<semaphore_mem>>
    %dma_start3A_64 = arith.constant 0 : i32
    %dma_start3A_65 = tpu.memref_slice %arg8[%dma_start3A_56, %dma_start3A_64] : memref<4x128xi32, #tpu.memory_space<vmem>> -> memref<1x128xi32, #tpu.memory_space<vmem>>
    %dma_start3A_66 = tpu.memref_squeeze %dma_start3A_65 : memref<1x128xi32, #tpu.memory_space<vmem>> -> memref<128xi32, #tpu.memory_space<vmem>>
    %dma_start3A_67 = tpu.memref_slice %arg4[%add3A_43] : memref<327680xi32, #tpu.memory_space<hbm>> -> memref<128xi32, #tpu.memory_space<hbm>>
    tpu.enqueue_dma source(%dma_start3A_67 : memref<128xi32, #tpu.memory_space<hbm>>) target(%dma_start3A_66 : memref<128xi32, #tpu.memory_space<vmem>>) target_semaphore(%dma_start3A_63 : memref<!tpu.dma_semaphore, #tpu.memory_space<semaphore_mem>>)
    %add3A_68 = arith.constant 256 : i32
    %add3A_69 = arith.addi %mul3A_16, %add3A_68 : i32
    %dma_start3A_70 = arith.constant 2 : i32
    %dma_start3A_71 = arith.constant 2 : i32
    %dma_start3A_72 = arith.constant 0 : i32
    %dma_start3A_73 = tpu.memref_slice %arg7[%dma_start3A_70, %dma_start3A_72] : memref<4x128xi32, #tpu.memory_space<vmem>> -> memref<1x128xi32, #tpu.memory_space<vmem>>
    %dma_start3A_74 = tpu.memref_squeeze %dma_start3A_73 : memref<1x128xi32, #tpu.memory_space<vmem>> -> memref<128xi32, #tpu.memory_space<vmem>>
    %dma_start3A_75 = tpu.memref_slice %arg3[%add3A_69] : memref<327680xi32, #tpu.memory_space<hbm>> -> memref<128xi32, #tpu.memory_space<hbm>>
    %dma_start3A_76 = tpu.memref_slice %arg11[%dma_start3A_71] : memref<4x!tpu.dma_semaphore, #tpu.memory_space<semaphore_mem>> -> memref<1x!tpu.dma_semaphore, #tpu.memory_space<semaphore_mem>>
    %dma_start3A_77 = tpu.memref_squeeze %dma_start3A_76 : memref<1x!tpu.dma_semaphore, #tpu.memory_space<semaphore_mem>> -> memref<!tpu.dma_semaphore, #tpu.memory_space<semaphore_mem>>
    %dma_start3A_78 = arith.constant 0 : i32
    %dma_start3A_79 = tpu.memref_slice %arg7[%dma_start3A_70, %dma_start3A_78] : memref<4x128xi32, #tpu.memory_space<vmem>> -> memref<1x128xi32, #tpu.memory_space<vmem>>
    %dma_start3A_80 = tpu.memref_squeeze %dma_start3A_79 : memref<1x128xi32, #tpu.memory_space<vmem>> -> memref<128xi32, #tpu.memory_space<vmem>>
    %dma_start3A_81 = tpu.memref_slice %arg3[%add3A_69] : memref<327680xi32, #tpu.memory_space<hbm>> -> memref<128xi32, #tpu.memory_space<hbm>>
    tpu.enqueue_dma source(%dma_start3A_81 : memref<128xi32, #tpu.memory_space<hbm>>) target(%dma_start3A_80 : memref<128xi32, #tpu.memory_space<vmem>>) target_semaphore(%dma_start3A_77 : memref<!tpu.dma_semaphore, #tpu.memory_space<semaphore_mem>>)
    %dma_start3A_82 = arith.constant 2 : i32
    %dma_start3A_83 = arith.constant 2 : i32
    %dma_start3A_84 = arith.constant 0 : i32
    %dma_start3A_85 = tpu.memref_slice %arg8[%dma_start3A_82, %dma_start3A_84] : memref<4x128xi32, #tpu.memory_space<vmem>> -> memref<1x128xi32, #tpu.memory_space<vmem>>
    %dma_start3A_86 = tpu.memref_squeeze %dma_start3A_85 : memref<1x128xi32, #tpu.memory_space<vmem>> -> memref<128xi32, #tpu.memory_space<vmem>>
    %dma_start3A_87 = tpu.memref_slice %arg4[%add3A_69] : memref<327680xi32, #tpu.memory_space<hbm>> -> memref<128xi32, #tpu.memory_space<hbm>>
    %dma_start3A_88 = tpu.memref_slice %arg11[%dma_start3A_83] : memref<4x!tpu.dma_semaphore, #tpu.memory_space<semaphore_mem>> -> memref<1x!tpu.dma_semaphore, #tpu.memory_space<semaphore_mem>>
    %dma_start3A_89 = tpu.memref_squeeze %dma_start3A_88 : memref<1x!tpu.dma_semaphore, #tpu.memory_space<semaphore_mem>> -> memref<!tpu.dma_semaphore, #tpu.memory_space<semaphore_mem>>
    %dma_start3A_90 = arith.constant 0 : i32
    %dma_start3A_91 = tpu.memref_slice %arg8[%dma_start3A_82, %dma_start3A_90] : memref<4x128xi32, #tpu.memory_space<vmem>> -> memref<1x128xi32, #tpu.memory_space<vmem>>
    %dma_start3A_92 = tpu.memref_squeeze %dma_start3A_91 : memref<1x128xi32, #tpu.memory_space<vmem>> -> memref<128xi32, #tpu.memory_space<vmem>>
    %dma_start3A_93 = tpu.memref_slice %arg4[%add3A_69] : memref<327680xi32, #tpu.memory_space<hbm>> -> memref<128xi32, #tpu.memory_space<hbm>>
    tpu.enqueue_dma source(%dma_start3A_93 : memref<128xi32, #tpu.memory_space<hbm>>) target(%dma_start3A_92 : memref<128xi32, #tpu.memory_space<vmem>>) target_semaphore(%dma_start3A_89 : memref<!tpu.dma_semaphore, #tpu.memory_space<semaphore_mem>>)
    %add3A_94 = arith.constant 384 : i32
    %add3A_95 = arith.addi %mul3A_16, %add3A_94 : i32
    %dma_start3A_96 = arith.constant 3 : i32
    %dma_start3A_97 = arith.constant 3 : i32
    %dma_start3A_98 = arith.constant 0 : i32
    %dma_start3A_99 = tpu.memref_slice %arg7[%dma_start3A_96, %dma_start3A_98] : memref<4x128xi32, #tpu.memory_space<vmem>> -> memref<1x128xi32, #tpu.memory_space<vmem>>
    %dma_start3A_100 = tpu.memref_squeeze %dma_start3A_99 : memref<1x128xi32, #tpu.memory_space<vmem>> -> memref<128xi32, #tpu.memory_space<vmem>>
    %dma_start3A_101 = tpu.memref_slice %arg3[%add3A_95] : memref<327680xi32, #tpu.memory_space<hbm>> -> memref<128xi32, #tpu.memory_space<hbm>>
    %dma_start3A_102 = tpu.memref_slice %arg11[%dma_start3A_97] : memref<4x!tpu.dma_semaphore, #tpu.memory_space<semaphore_mem>> -> memref<1x!tpu.dma_semaphore, #tpu.memory_space<semaphore_mem>>
    %dma_start3A_103 = tpu.memref_squeeze %dma_start3A_102 : memref<1x!tpu.dma_semaphore, #tpu.memory_space<semaphore_mem>> -> memref<!tpu.dma_semaphore, #tpu.memory_space<semaphore_mem>>
    %dma_start3A_104 = arith.constant 0 : i32
    %dma_start3A_105 = tpu.memref_slice %arg7[%dma_start3A_96, %dma_start3A_104] : memref<4x128xi32, #tpu.memory_space<vmem>> -> memref<1x128xi32, #tpu.memory_space<vmem>>
    %dma_start3A_106 = tpu.memref_squeeze %dma_start3A_105 : memref<1x128xi32, #tpu.memory_space<vmem>> -> memref<128xi32, #tpu.memory_space<vmem>>
    %dma_start3A_107 = tpu.memref_slice %arg3[%add3A_95] : memref<327680xi32, #tpu.memory_space<hbm>> -> memref<128xi32, #tpu.memory_space<hbm>>
    tpu.enqueue_dma source(%dma_start3A_107 : memref<128xi32, #tpu.memory_space<hbm>>) target(%dma_start3A_106 : memref<128xi32, #tpu.memory_space<vmem>>) target_semaphore(%dma_start3A_103 : memref<!tpu.dma_semaphore, #tpu.memory_space<semaphore_mem>>)
    %dma_start3A_108 = arith.constant 3 : i32
    %dma_start3A_109 = arith.constant 3 : i32
    %dma_start3A_110 = arith.constant 0 : i32
    %dma_start3A_111 = tpu.memref_slice %arg8[%dma_start3A_108, %dma_start3A_110] : memref<4x128xi32, #tpu.memory_space<vmem>> -> memref<1x128xi32, #tpu.memory_space<vmem>>
    %dma_start3A_112 = tpu.memref_squeeze %dma_start3A_111 : memref<1x128xi32, #tpu.memory_space<vmem>> -> memref<128xi32, #tpu.memory_space<vmem>>
    %dma_start3A_113 = tpu.memref_slice %arg4[%add3A_95] : memref<327680xi32, #tpu.memory_space<hbm>> -> memref<128xi32, #tpu.memory_space<hbm>>
    %dma_start3A_114 = tpu.memref_slice %arg11[%dma_start3A_109] : memref<4x!tpu.dma_semaphore, #tpu.memory_space<semaphore_mem>> -> memref<1x!tpu.dma_semaphore, #tpu.memory_space<semaphore_mem>>
    %dma_start3A_115 = tpu.memref_squeeze %dma_start3A_114 : memref<1x!tpu.dma_semaphore, #tpu.memory_space<semaphore_mem>> -> memref<!tpu.dma_semaphore, #tpu.memory_space<semaphore_mem>>
    %dma_start3A_116 = arith.constant 0 : i32
    %dma_start3A_117 = tpu.memref_slice %arg8[%dma_start3A_108, %dma_start3A_116] : memref<4x128xi32, #tpu.memory_space<vmem>> -> memref<1x128xi32, #tpu.memory_space<vmem>>
    %dma_start3A_118 = tpu.memref_squeeze %dma_start3A_117 : memref<1x128xi32, #tpu.memory_space<vmem>> -> memref<128xi32, #tpu.memory_space<vmem>>
    %dma_start3A_119 = tpu.memref_slice %arg4[%add3A_95] : memref<327680xi32, #tpu.memory_space<hbm>> -> memref<128xi32, #tpu.memory_space<hbm>>
    tpu.enqueue_dma source(%dma_start3A_119 : memref<128xi32, #tpu.memory_space<hbm>>) target(%dma_start3A_118 : memref<128xi32, #tpu.memory_space<vmem>>) target_semaphore(%dma_start3A_115 : memref<!tpu.dma_semaphore, #tpu.memory_space<semaphore_mem>>)
    %scan3A_120 = arith.constant 0 : i32
    %scan3A_121 = arith.constant 20 : i32
    %scan3A_122 = arith.addi %scan3A_120, %scan3A_121 : i32
    %scan3A_123 = arith.constant 1 : i32
    scf.for %scan3A_195 = %scan3A_120 to %scan3A_122 step %scan3A_123  : i32 {
      %mul3A_196 = arith.constant 1 : i32
      %mul3A_197 = arith.muli %scan3A_195, %mul3A_196 : i32
      %add3A_198 = arith.constant 0 : i32
      %add3A_199 = arith.addi %add3A_198, %mul3A_197 : i32
      %mul3A_200 = arith.constant 4 : i32
      %mul3A_201 = arith.muli %add3A_199, %mul3A_200 : i32
      %add3A_202 = arith.constant 0 : i32
      %add3A_203 = arith.addi %mul3A_201, %add3A_202 : i32
      %gt3A = arith.constant 0 : i32
      %gt3A_204 = arith.cmpi sgt, %add3A_199, %gt3A : i32
      %convert_element_type3A = arith.extui %gt3A_204 : i1 to i32
      %cond3A = arith.constant 0 : i32
      %cond3A_205 = arith.cmpi ne, %convert_element_type3A, %cond3A : i32
      scf.if %cond3A_205 {
        %dma_wait3A_529 = arith.constant 0 : i32
        %dma_wait3A_530 = arith.constant 2 : i32
        %dma_wait3A_531 = arith.constant 2 : i32
        %dma_wait3A_532 = arith.constant 0 : i32
        %dma_wait3A_533 = arith.constant 0 : i32
        %dma_wait3A_534 = tpu.memref_slice %arg9[%dma_wait3A_529, %dma_wait3A_532, %dma_wait3A_533] : memref<2x128x128xf32, #tpu.memory_space<vmem>> -> memref<1x128x128xf32, #tpu.memory_space<vmem>>
        %dma_wait3A_535 = tpu.memref_squeeze %dma_wait3A_534 : memref<1x128x128xf32, #tpu.memory_space<vmem>> -> memref<128x128xf32, #tpu.memory_space<vmem>>
        %dma_wait3A_536 = arith.constant 0 : i32
        %dma_wait3A_537 = tpu.memref_slice %arg8[%dma_wait3A_530, %dma_wait3A_536] : memref<4x128xi32, #tpu.memory_space<vmem>> -> memref<1x128xi32, #tpu.memory_space<vmem>>
        %dma_wait3A_538 = tpu.memref_squeeze %dma_wait3A_537 : memref<1x128xi32, #tpu.memory_space<vmem>> -> memref<128xi32, #tpu.memory_space<vmem>>
        %dma_wait3A_539 = arith.constant 0 : i32
        %dma_wait3A_540 = arith.constant 0 : i32
        %dma_wait3A_541 = tpu.memref_slice %arg6[%dma_wait3A_539, %dma_wait3A_540] : memref<10240x128xf32, #tpu.memory_space<vmem_shared>> -> memref<10240x128xf32, #tpu.memory_space<vmem_shared>>
        %dma_wait3A_542 = tpu.memref_slice %arg13[%dma_wait3A_531] : memref<4x!tpu.dma_semaphore, #tpu.memory_space<semaphore_mem>> -> memref<1x!tpu.dma_semaphore, #tpu.memory_space<semaphore_mem>>
        %dma_wait3A_543 = tpu.memref_squeeze %dma_wait3A_542 : memref<1x!tpu.dma_semaphore, #tpu.memory_space<semaphore_mem>> -> memref<!tpu.dma_semaphore, #tpu.memory_space<semaphore_mem>>
        tpu.wait_indirect_dma semaphore(%dma_wait3A_543 : memref<!tpu.dma_semaphore, #tpu.memory_space<semaphore_mem>>) src(%dma_wait3A_535 : memref<128x128xf32, #tpu.memory_space<vmem>>) dst(%dma_wait3A_541 : memref<10240x128xf32, #tpu.memory_space<vmem_shared>>)
        %add3A_544 = arith.constant 2 : i32
        %add3A_545 = arith.addi %add3A_203, %add3A_544 : i32
        %lt3A_546 = arith.constant 80 : i32
        %lt3A_547 = arith.cmpi slt, %add3A_545, %lt3A_546 : i32
        %convert_element_type3A_548 = arith.extui %lt3A_547 : i1 to i32
        %cond3A_549 = arith.constant 0 : i32
        %cond3A_550 = arith.cmpi ne, %convert_element_type3A_548, %cond3A_549 : i32
        scf.if %cond3A_550 {
          %add3A_551 = arith.constant 2 : i32
          %add3A_552 = arith.addi %add3A_203, %add3A_551 : i32
          %mul3A_553 = arith.constant 128 : i32
          %mul3A_554 = arith.muli %add3A_552, %mul3A_553 : i32
          %add3A_555 = arith.addi %mul3A_16, %mul3A_554 : i32
          %dma_start3A_556 = arith.constant 2 : i32
          %dma_start3A_557 = arith.constant 2 : i32
          %dma_start3A_558 = arith.constant 0 : i32
          %dma_start3A_559 = tpu.memref_slice %arg7[%dma_start3A_556, %dma_start3A_558] : memref<4x128xi32, #tpu.memory_space<vmem>> -> memref<1x128xi32, #tpu.memory_space<vmem>>
          %dma_start3A_560 = tpu.memref_squeeze %dma_start3A_559 : memref<1x128xi32, #tpu.memory_space<vmem>> -> memref<128xi32, #tpu.memory_space<vmem>>
          %dma_start3A_561 = tpu.memref_slice %arg3[%add3A_555] : memref<327680xi32, #tpu.memory_space<hbm>> -> memref<128xi32, #tpu.memory_space<hbm>>
          %dma_start3A_562 = tpu.memref_slice %arg11[%dma_start3A_557] : memref<4x!tpu.dma_semaphore, #tpu.memory_space<semaphore_mem>> -> memref<1x!tpu.dma_semaphore, #tpu.memory_space<semaphore_mem>>
          %dma_start3A_563 = tpu.memref_squeeze %dma_start3A_562 : memref<1x!tpu.dma_semaphore, #tpu.memory_space<semaphore_mem>> -> memref<!tpu.dma_semaphore, #tpu.memory_space<semaphore_mem>>
          %dma_start3A_564 = arith.constant 0 : i32
          %dma_start3A_565 = tpu.memref_slice %arg7[%dma_start3A_556, %dma_start3A_564] : memref<4x128xi32, #tpu.memory_space<vmem>> -> memref<1x128xi32, #tpu.memory_space<vmem>>
          %dma_start3A_566 = tpu.memref_squeeze %dma_start3A_565 : memref<1x128xi32, #tpu.memory_space<vmem>> -> memref<128xi32, #tpu.memory_space<vmem>>
          %dma_start3A_567 = tpu.memref_slice %arg3[%add3A_555] : memref<327680xi32, #tpu.memory_space<hbm>> -> memref<128xi32, #tpu.memory_space<hbm>>
          tpu.enqueue_dma source(%dma_start3A_567 : memref<128xi32, #tpu.memory_space<hbm>>) target(%dma_start3A_566 : memref<128xi32, #tpu.memory_space<vmem>>) target_semaphore(%dma_start3A_563 : memref<!tpu.dma_semaphore, #tpu.memory_space<semaphore_mem>>)
          %dma_start3A_568 = arith.constant 2 : i32
          %dma_start3A_569 = arith.constant 2 : i32
          %dma_start3A_570 = arith.constant 0 : i32
          %dma_start3A_571 = tpu.memref_slice %arg8[%dma_start3A_568, %dma_start3A_570] : memref<4x128xi32, #tpu.memory_space<vmem>> -> memref<1x128xi32, #tpu.memory_space<vmem>>
          %dma_start3A_572 = tpu.memref_squeeze %dma_start3A_571 : memref<1x128xi32, #tpu.memory_space<vmem>> -> memref<128xi32, #tpu.memory_space<vmem>>
          %dma_start3A_573 = tpu.memref_slice %arg4[%add3A_555] : memref<327680xi32, #tpu.memory_space<hbm>> -> memref<128xi32, #tpu.memory_space<hbm>>
          %dma_start3A_574 = tpu.memref_slice %arg11[%dma_start3A_569] : memref<4x!tpu.dma_semaphore, #tpu.memory_space<semaphore_mem>> -> memref<1x!tpu.dma_semaphore, #tpu.memory_space<semaphore_mem>>
          %dma_start3A_575 = tpu.memref_squeeze %dma_start3A_574 : memref<1x!tpu.dma_semaphore, #tpu.memory_space<semaphore_mem>> -> memref<!tpu.dma_semaphore, #tpu.memory_space<semaphore_mem>>
          %dma_start3A_576 = arith.constant 0 : i32
          %dma_start3A_577 = tpu.memref_slice %arg8[%dma_start3A_568, %dma_start3A_576] : memref<4x128xi32, #tpu.memory_space<vmem>> -> memref<1x128xi32, #tpu.memory_space<vmem>>
          %dma_start3A_578 = tpu.memref_squeeze %dma_start3A_577 : memref<1x128xi32, #tpu.memory_space<vmem>> -> memref<128xi32, #tpu.memory_space<vmem>>
          %dma_start3A_579 = tpu.memref_slice %arg4[%add3A_555] : memref<327680xi32, #tpu.memory_space<hbm>> -> memref<128xi32, #tpu.memory_space<hbm>>
          tpu.enqueue_dma source(%dma_start3A_579 : memref<128xi32, #tpu.memory_space<hbm>>) target(%dma_start3A_578 : memref<128xi32, #tpu.memory_space<vmem>>) target_semaphore(%dma_start3A_575 : memref<!tpu.dma_semaphore, #tpu.memory_space<semaphore_mem>>)
        } else {
        }
      } else {
      }
      %mul3A_206 = arith.constant 128 : i32
      %mul3A_207 = arith.muli %add3A_203, %mul3A_206 : i32
      %add3A_208 = arith.addi %mul3A_16, %mul3A_207 : i32
      %dma_wait3A_209 = arith.constant 0 : i32
      %dma_wait3A_210 = arith.constant 0 : i32
      %dma_wait3A_211 = arith.constant 0 : i32
      %dma_wait3A_212 = tpu.memref_slice %arg7[%dma_wait3A_209, %dma_wait3A_211] : memref<4x128xi32, #tpu.memory_space<vmem>> -> memref<1x128xi32, #tpu.memory_space<vmem>>
      %dma_wait3A_213 = tpu.memref_squeeze %dma_wait3A_212 : memref<1x128xi32, #tpu.memory_space<vmem>> -> memref<128xi32, #tpu.memory_space<vmem>>
      %dma_wait3A_214 = tpu.memref_slice %arg3[%add3A_208] : memref<327680xi32, #tpu.memory_space<hbm>> -> memref<128xi32, #tpu.memory_space<hbm>>
      %dma_wait3A_215 = tpu.memref_slice %arg11[%dma_wait3A_210] : memref<4x!tpu.dma_semaphore, #tpu.memory_space<semaphore_mem>> -> memref<1x!tpu.dma_semaphore, #tpu.memory_space<semaphore_mem>>
      %dma_wait3A_216 = tpu.memref_squeeze %dma_wait3A_215 : memref<1x!tpu.dma_semaphore, #tpu.memory_space<semaphore_mem>> -> memref<!tpu.dma_semaphore, #tpu.memory_space<semaphore_mem>>
      %dma_wait3A_217 = arith.constant 0 : i32
      %dma_wait3A_218 = tpu.memref_slice %arg7[%dma_wait3A_209, %dma_wait3A_217] : memref<4x128xi32, #tpu.memory_space<vmem>> -> memref<1x128xi32, #tpu.memory_space<vmem>>
      %dma_wait3A_219 = tpu.memref_squeeze %dma_wait3A_218 : memref<1x128xi32, #tpu.memory_space<vmem>> -> memref<128xi32, #tpu.memory_space<vmem>>
      %dma_wait3A_220 = tpu.memref_slice %arg3[%add3A_208] : memref<327680xi32, #tpu.memory_space<hbm>> -> memref<128xi32, #tpu.memory_space<hbm>>
      tpu.wait_dma2 semaphore(%dma_wait3A_216 : memref<!tpu.dma_semaphore, #tpu.memory_space<semaphore_mem>>) src(%dma_wait3A_220 : memref<128xi32, #tpu.memory_space<hbm>>) dst(%dma_wait3A_219 : memref<128xi32, #tpu.memory_space<vmem>>)
      %dma_wait3A_221 = arith.constant 0 : i32
      %dma_wait3A_222 = arith.constant 0 : i32
      %dma_wait3A_223 = arith.constant 0 : i32
      %dma_wait3A_224 = tpu.memref_slice %arg8[%dma_wait3A_221, %dma_wait3A_223] : memref<4x128xi32, #tpu.memory_space<vmem>> -> memref<1x128xi32, #tpu.memory_space<vmem>>
      %dma_wait3A_225 = tpu.memref_squeeze %dma_wait3A_224 : memref<1x128xi32, #tpu.memory_space<vmem>> -> memref<128xi32, #tpu.memory_space<vmem>>
      %dma_wait3A_226 = tpu.memref_slice %arg4[%add3A_208] : memref<327680xi32, #tpu.memory_space<hbm>> -> memref<128xi32, #tpu.memory_space<hbm>>
      %dma_wait3A_227 = tpu.memref_slice %arg11[%dma_wait3A_222] : memref<4x!tpu.dma_semaphore, #tpu.memory_space<semaphore_mem>> -> memref<1x!tpu.dma_semaphore, #tpu.memory_space<semaphore_mem>>
      %dma_wait3A_228 = tpu.memref_squeeze %dma_wait3A_227 : memref<1x!tpu.dma_semaphore, #tpu.memory_space<semaphore_mem>> -> memref<!tpu.dma_semaphore, #tpu.memory_space<semaphore_mem>>
      %dma_wait3A_229 = arith.constant 0 : i32
      %dma_wait3A_230 = tpu.memref_slice %arg8[%dma_wait3A_221, %dma_wait3A_229] : memref<4x128xi32, #tpu.memory_space<vmem>> -> memref<1x128xi32, #tpu.memory_space<vmem>>
      %dma_wait3A_231 = tpu.memref_squeeze %dma_wait3A_230 : memref<1x128xi32, #tpu.memory_space<vmem>> -> memref<128xi32, #tpu.memory_space<vmem>>
      %dma_wait3A_232 = tpu.memref_slice %arg4[%add3A_208] : memref<327680xi32, #tpu.memory_space<hbm>> -> memref<128xi32, #tpu.memory_space<hbm>>
      tpu.wait_dma2 semaphore(%dma_wait3A_228 : memref<!tpu.dma_semaphore, #tpu.memory_space<semaphore_mem>>) src(%dma_wait3A_232 : memref<128xi32, #tpu.memory_space<hbm>>) dst(%dma_wait3A_231 : memref<128xi32, #tpu.memory_space<vmem>>)
      %dma_start3A_233 = arith.constant 0 : i32
      %dma_start3A_234 = arith.constant 0 : i32
      %dma_start3A_235 = arith.constant 0 : i32
      %dma_start3A_236 = arith.constant 0 : i32
      %dma_start3A_237 = arith.constant 0 : i32
      %dma_start3A_238 = tpu.memref_slice %arg9[%dma_start3A_234, %dma_start3A_236, %dma_start3A_237] : memref<2x128x128xf32, #tpu.memory_space<vmem>> -> memref<1x128x128xf32, #tpu.memory_space<vmem>>
      %dma_start3A_239 = tpu.memref_squeeze %dma_start3A_238 : memref<1x128x128xf32, #tpu.memory_space<vmem>> -> memref<128x128xf32, #tpu.memory_space<vmem>>
      %dma_start3A_240 = arith.constant 0 : i32
      %dma_start3A_241 = tpu.memref_slice %arg7[%dma_start3A_233, %dma_start3A_240] : memref<4x128xi32, #tpu.memory_space<vmem>> -> memref<1x128xi32, #tpu.memory_space<vmem>>
      %dma_start3A_242 = tpu.memref_squeeze %dma_start3A_241 : memref<1x128xi32, #tpu.memory_space<vmem>> -> memref<128xi32, #tpu.memory_space<vmem>>
      %dma_start3A_243 = arith.constant 0 : i32
      %dma_start3A_244 = arith.constant 0 : i32
      %dma_start3A_245 = tpu.memref_slice %arg2[%dma_start3A_243, %dma_start3A_244] : memref<10000x128xf32, #tpu.memory_space<hbm>> -> memref<10000x128xf32, #tpu.memory_space<hbm>>
      %dma_start3A_246 = tpu.memref_slice %arg12[%dma_start3A_235] : memref<2x!tpu.dma_semaphore, #tpu.memory_space<semaphore_mem>> -> memref<1x!tpu.dma_semaphore, #tpu.memory_space<semaphore_mem>>
      %dma_start3A_247 = tpu.memref_squeeze %dma_start3A_246 : memref<1x!tpu.dma_semaphore, #tpu.memory_space<semaphore_mem>> -> memref<!tpu.dma_semaphore, #tpu.memory_space<semaphore_mem>>
      tpu.enqueue_indirect_dma source(%dma_start3A_245 : memref<10000x128xf32, #tpu.memory_space<hbm>>) target(%dma_start3A_239 : memref<128x128xf32, #tpu.memory_space<vmem>>) offsets(%dma_start3A_242 : memref<128xi32, #tpu.memory_space<vmem>>) semaphore(%dma_start3A_247 : memref<!tpu.dma_semaphore, #tpu.memory_space<semaphore_mem>>)
      %gt3A_248 = arith.constant 0 : i32
      %gt3A_249 = arith.cmpi sgt, %add3A_199, %gt3A_248 : i32
      %convert_element_type3A_250 = arith.extui %gt3A_249 : i1 to i32
      %cond3A_251 = arith.constant 0 : i32
      %cond3A_252 = arith.cmpi ne, %convert_element_type3A_250, %cond3A_251 : i32
      scf.if %cond3A_252 {
        %dma_wait3A_529 = arith.constant 3 : i32
        %dma_wait3A_530 = arith.constant 1 : i32
        %dma_wait3A_531 = arith.constant 1 : i32
        %dma_wait3A_532 = arith.constant 0 : i32
        %dma_wait3A_533 = arith.constant 0 : i32
        %dma_wait3A_534 = tpu.memref_slice %arg9[%dma_wait3A_530, %dma_wait3A_532, %dma_wait3A_533] : memref<2x128x128xf32, #tpu.memory_space<vmem>> -> memref<1x128x128xf32, #tpu.memory_space<vmem>>
        %dma_wait3A_535 = tpu.memref_squeeze %dma_wait3A_534 : memref<1x128x128xf32, #tpu.memory_space<vmem>> -> memref<128x128xf32, #tpu.memory_space<vmem>>
        %dma_wait3A_536 = arith.constant 0 : i32
        %dma_wait3A_537 = tpu.memref_slice %arg7[%dma_wait3A_529, %dma_wait3A_536] : memref<4x128xi32, #tpu.memory_space<vmem>> -> memref<1x128xi32, #tpu.memory_space<vmem>>
        %dma_wait3A_538 = tpu.memref_squeeze %dma_wait3A_537 : memref<1x128xi32, #tpu.memory_space<vmem>> -> memref<128xi32, #tpu.memory_space<vmem>>
        %dma_wait3A_539 = arith.constant 0 : i32
        %dma_wait3A_540 = arith.constant 0 : i32
        %dma_wait3A_541 = tpu.memref_slice %arg2[%dma_wait3A_539, %dma_wait3A_540] : memref<10000x128xf32, #tpu.memory_space<hbm>> -> memref<10000x128xf32, #tpu.memory_space<hbm>>
        %dma_wait3A_542 = tpu.memref_slice %arg12[%dma_wait3A_531] : memref<2x!tpu.dma_semaphore, #tpu.memory_space<semaphore_mem>> -> memref<1x!tpu.dma_semaphore, #tpu.memory_space<semaphore_mem>>
        %dma_wait3A_543 = tpu.memref_squeeze %dma_wait3A_542 : memref<1x!tpu.dma_semaphore, #tpu.memory_space<semaphore_mem>> -> memref<!tpu.dma_semaphore, #tpu.memory_space<semaphore_mem>>
        tpu.wait_indirect_dma semaphore(%dma_wait3A_543 : memref<!tpu.dma_semaphore, #tpu.memory_space<semaphore_mem>>) src(%dma_wait3A_541 : memref<10000x128xf32, #tpu.memory_space<hbm>>) dst(%dma_wait3A_535 : memref<128x128xf32, #tpu.memory_space<vmem>>)
        %dma_start3A_544 = arith.constant 1 : i32
        %dma_start3A_545 = arith.constant 3 : i32
        %dma_start3A_546 = arith.constant 3 : i32
        %dma_start3A_547 = arith.constant 0 : i32
        %dma_start3A_548 = arith.constant 0 : i32
        %dma_start3A_549 = tpu.memref_slice %arg9[%dma_start3A_544, %dma_start3A_547, %dma_start3A_548] : memref<2x128x128xf32, #tpu.memory_space<vmem>> -> memref<1x128x128xf32, #tpu.memory_space<vmem>>
        %dma_start3A_550 = tpu.memref_squeeze %dma_start3A_549 : memref<1x128x128xf32, #tpu.memory_space<vmem>> -> memref<128x128xf32, #tpu.memory_space<vmem>>
        %dma_start3A_551 = arith.constant 0 : i32
        %dma_start3A_552 = tpu.memref_slice %arg8[%dma_start3A_545, %dma_start3A_551] : memref<4x128xi32, #tpu.memory_space<vmem>> -> memref<1x128xi32, #tpu.memory_space<vmem>>
        %dma_start3A_553 = tpu.memref_squeeze %dma_start3A_552 : memref<1x128xi32, #tpu.memory_space<vmem>> -> memref<128xi32, #tpu.memory_space<vmem>>
        %dma_start3A_554 = arith.constant 0 : i32
        %dma_start3A_555 = arith.constant 0 : i32
        %dma_start3A_556 = tpu.memref_slice %arg6[%dma_start3A_554, %dma_start3A_555] : memref<10240x128xf32, #tpu.memory_space<vmem_shared>> -> memref<10240x128xf32, #tpu.memory_space<vmem_shared>>
        %dma_start3A_557 = tpu.memref_slice %arg13[%dma_start3A_546] : memref<4x!tpu.dma_semaphore, #tpu.memory_space<semaphore_mem>> -> memref<1x!tpu.dma_semaphore, #tpu.memory_space<semaphore_mem>>
        %dma_start3A_558 = tpu.memref_squeeze %dma_start3A_557 : memref<1x!tpu.dma_semaphore, #tpu.memory_space<semaphore_mem>> -> memref<!tpu.dma_semaphore, #tpu.memory_space<semaphore_mem>>
        tpu.enqueue_indirect_dma source(%dma_start3A_550 : memref<128x128xf32, #tpu.memory_space<vmem>>) target(%dma_start3A_556 : memref<10240x128xf32, #tpu.memory_space<vmem_shared>>) offsets(%dma_start3A_553 : memref<128xi32, #tpu.memory_space<vmem>>) semaphore(%dma_start3A_558 : memref<!tpu.dma_semaphore, #tpu.memory_space<semaphore_mem>>) {add = true}
      } else {
      }
      %mul3A_253 = arith.constant 4 : i32
      %mul3A_254 = arith.muli %add3A_199, %mul3A_253 : i32
      %add3A_255 = arith.constant 1 : i32
      %add3A_256 = arith.addi %mul3A_254, %add3A_255 : i32
      %gt3A_257 = arith.constant 0 : i32
      %gt3A_258 = arith.cmpi sgt, %add3A_199, %gt3A_257 : i32
      %convert_element_type3A_259 = arith.extui %gt3A_258 : i1 to i32
      %cond3A_260 = arith.constant 0 : i32
      %cond3A_261 = arith.cmpi ne, %convert_element_type3A_259, %cond3A_260 : i32
      scf.if %cond3A_261 {
        %dma_wait3A_529 = arith.constant 1 : i32
        %dma_wait3A_530 = arith.constant 3 : i32
        %dma_wait3A_531 = arith.constant 3 : i32
        %dma_wait3A_532 = arith.constant 0 : i32
        %dma_wait3A_533 = arith.constant 0 : i32
        %dma_wait3A_534 = tpu.memref_slice %arg9[%dma_wait3A_529, %dma_wait3A_532, %dma_wait3A_533] : memref<2x128x128xf32, #tpu.memory_space<vmem>> -> memref<1x128x128xf32, #tpu.memory_space<vmem>>
        %dma_wait3A_535 = tpu.memref_squeeze %dma_wait3A_534 : memref<1x128x128xf32, #tpu.memory_space<vmem>> -> memref<128x128xf32, #tpu.memory_space<vmem>>
        %dma_wait3A_536 = arith.constant 0 : i32
        %dma_wait3A_537 = tpu.memref_slice %arg8[%dma_wait3A_530, %dma_wait3A_536] : memref<4x128xi32, #tpu.memory_space<vmem>> -> memref<1x128xi32, #tpu.memory_space<vmem>>
        %dma_wait3A_538 = tpu.memref_squeeze %dma_wait3A_537 : memref<1x128xi32, #tpu.memory_space<vmem>> -> memref<128xi32, #tpu.memory_space<vmem>>
        %dma_wait3A_539 = arith.constant 0 : i32
        %dma_wait3A_540 = arith.constant 0 : i32
        %dma_wait3A_541 = tpu.memref_slice %arg6[%dma_wait3A_539, %dma_wait3A_540] : memref<10240x128xf32, #tpu.memory_space<vmem_shared>> -> memref<10240x128xf32, #tpu.memory_space<vmem_shared>>
        %dma_wait3A_542 = tpu.memref_slice %arg13[%dma_wait3A_531] : memref<4x!tpu.dma_semaphore, #tpu.memory_space<semaphore_mem>> -> memref<1x!tpu.dma_semaphore, #tpu.memory_space<semaphore_mem>>
        %dma_wait3A_543 = tpu.memref_squeeze %dma_wait3A_542 : memref<1x!tpu.dma_semaphore, #tpu.memory_space<semaphore_mem>> -> memref<!tpu.dma_semaphore, #tpu.memory_space<semaphore_mem>>
        tpu.wait_indirect_dma semaphore(%dma_wait3A_543 : memref<!tpu.dma_semaphore, #tpu.memory_space<semaphore_mem>>) src(%dma_wait3A_535 : memref<128x128xf32, #tpu.memory_space<vmem>>) dst(%dma_wait3A_541 : memref<10240x128xf32, #tpu.memory_space<vmem_shared>>)
        %add3A_544 = arith.constant 2 : i32
        %add3A_545 = arith.addi %add3A_256, %add3A_544 : i32
        %lt3A_546 = arith.constant 80 : i32
        %lt3A_547 = arith.cmpi slt, %add3A_545, %lt3A_546 : i32
        %convert_element_type3A_548 = arith.extui %lt3A_547 : i1 to i32
        %cond3A_549 = arith.constant 0 : i32
        %cond3A_550 = arith.cmpi ne, %convert_element_type3A_548, %cond3A_549 : i32
        scf.if %cond3A_550 {
          %add3A_551 = arith.constant 2 : i32
          %add3A_552 = arith.addi %add3A_256, %add3A_551 : i32
          %mul3A_553 = arith.constant 128 : i32
          %mul3A_554 = arith.muli %add3A_552, %mul3A_553 : i32
          %add3A_555 = arith.addi %mul3A_16, %mul3A_554 : i32
          %dma_start3A_556 = arith.constant 3 : i32
          %dma_start3A_557 = arith.constant 3 : i32
          %dma_start3A_558 = arith.constant 0 : i32
          %dma_start3A_559 = tpu.memref_slice %arg7[%dma_start3A_556, %dma_start3A_558] : memref<4x128xi32, #tpu.memory_space<vmem>> -> memref<1x128xi32, #tpu.memory_space<vmem>>
          %dma_start3A_560 = tpu.memref_squeeze %dma_start3A_559 : memref<1x128xi32, #tpu.memory_space<vmem>> -> memref<128xi32, #tpu.memory_space<vmem>>
          %dma_start3A_561 = tpu.memref_slice %arg3[%add3A_555] : memref<327680xi32, #tpu.memory_space<hbm>> -> memref<128xi32, #tpu.memory_space<hbm>>
          %dma_start3A_562 = tpu.memref_slice %arg11[%dma_start3A_557] : memref<4x!tpu.dma_semaphore, #tpu.memory_space<semaphore_mem>> -> memref<1x!tpu.dma_semaphore, #tpu.memory_space<semaphore_mem>>
          %dma_start3A_563 = tpu.memref_squeeze %dma_start3A_562 : memref<1x!tpu.dma_semaphore, #tpu.memory_space<semaphore_mem>> -> memref<!tpu.dma_semaphore, #tpu.memory_space<semaphore_mem>>
          %dma_start3A_564 = arith.constant 0 : i32
          %dma_start3A_565 = tpu.memref_slice %arg7[%dma_start3A_556, %dma_start3A_564] : memref<4x128xi32, #tpu.memory_space<vmem>> -> memref<1x128xi32, #tpu.memory_space<vmem>>
          %dma_start3A_566 = tpu.memref_squeeze %dma_start3A_565 : memref<1x128xi32, #tpu.memory_space<vmem>> -> memref<128xi32, #tpu.memory_space<vmem>>
          %dma_start3A_567 = tpu.memref_slice %arg3[%add3A_555] : memref<327680xi32, #tpu.memory_space<hbm>> -> memref<128xi32, #tpu.memory_space<hbm>>
          tpu.enqueue_dma source(%dma_start3A_567 : memref<128xi32, #tpu.memory_space<hbm>>) target(%dma_start3A_566 : memref<128xi32, #tpu.memory_space<vmem>>) target_semaphore(%dma_start3A_563 : memref<!tpu.dma_semaphore, #tpu.memory_space<semaphore_mem>>)
          %dma_start3A_568 = arith.constant 3 : i32
          %dma_start3A_569 = arith.constant 3 : i32
          %dma_start3A_570 = arith.constant 0 : i32
          %dma_start3A_571 = tpu.memref_slice %arg8[%dma_start3A_568, %dma_start3A_570] : memref<4x128xi32, #tpu.memory_space<vmem>> -> memref<1x128xi32, #tpu.memory_space<vmem>>
          %dma_start3A_572 = tpu.memref_squeeze %dma_start3A_571 : memref<1x128xi32, #tpu.memory_space<vmem>> -> memref<128xi32, #tpu.memory_space<vmem>>
          %dma_start3A_573 = tpu.memref_slice %arg4[%add3A_555] : memref<327680xi32, #tpu.memory_space<hbm>> -> memref<128xi32, #tpu.memory_space<hbm>>
          %dma_start3A_574 = tpu.memref_slice %arg11[%dma_start3A_569] : memref<4x!tpu.dma_semaphore, #tpu.memory_space<semaphore_mem>> -> memref<1x!tpu.dma_semaphore, #tpu.memory_space<semaphore_mem>>
          %dma_start3A_575 = tpu.memref_squeeze %dma_start3A_574 : memref<1x!tpu.dma_semaphore, #tpu.memory_space<semaphore_mem>> -> memref<!tpu.dma_semaphore, #tpu.memory_space<semaphore_mem>>
          %dma_start3A_576 = arith.constant 0 : i32
          %dma_start3A_577 = tpu.memref_slice %arg8[%dma_start3A_568, %dma_start3A_576] : memref<4x128xi32, #tpu.memory_space<vmem>> -> memref<1x128xi32, #tpu.memory_space<vmem>>
          %dma_start3A_578 = tpu.memref_squeeze %dma_start3A_577 : memref<1x128xi32, #tpu.memory_space<vmem>> -> memref<128xi32, #tpu.memory_space<vmem>>
          %dma_start3A_579 = tpu.memref_slice %arg4[%add3A_555] : memref<327680xi32, #tpu.memory_space<hbm>> -> memref<128xi32, #tpu.memory_space<hbm>>
          tpu.enqueue_dma source(%dma_start3A_579 : memref<128xi32, #tpu.memory_space<hbm>>) target(%dma_start3A_578 : memref<128xi32, #tpu.memory_space<vmem>>) target_semaphore(%dma_start3A_575 : memref<!tpu.dma_semaphore, #tpu.memory_space<semaphore_mem>>)
        } else {
        }
      } else {
      }
      %mul3A_262 = arith.constant 128 : i32
      %mul3A_263 = arith.muli %add3A_256, %mul3A_262 : i32
      %add3A_264 = arith.addi %mul3A_16, %mul3A_263 : i32
      %dma_wait3A_265 = arith.constant 1 : i32
      %dma_wait3A_266 = arith.constant 1 : i32
      %dma_wait3A_267 = arith.constant 0 : i32
      %dma_wait3A_268 = tpu.memref_slice %arg7[%dma_wait3A_265, %dma_wait3A_267] : memref<4x128xi32, #tpu.memory_space<vmem>> -> memref<1x128xi32, #tpu.memory_space<vmem>>
      %dma_wait3A_269 = tpu.memref_squeeze %dma_wait3A_268 : memref<1x128xi32, #tpu.memory_space<vmem>> -> memref<128xi32, #tpu.memory_space<vmem>>
      %dma_wait3A_270 = tpu.memref_slice %arg3[%add3A_264] : memref<327680xi32, #tpu.memory_space<hbm>> -> memref<128xi32, #tpu.memory_space<hbm>>
      %dma_wait3A_271 = tpu.memref_slice %arg11[%dma_wait3A_266] : memref<4x!tpu.dma_semaphore, #tpu.memory_space<semaphore_mem>> -> memref<1x!tpu.dma_semaphore, #tpu.memory_space<semaphore_mem>>
      %dma_wait3A_272 = tpu.memref_squeeze %dma_wait3A_271 : memref<1x!tpu.dma_semaphore, #tpu.memory_space<semaphore_mem>> -> memref<!tpu.dma_semaphore, #tpu.memory_space<semaphore_mem>>
      %dma_wait3A_273 = arith.constant 0 : i32
      %dma_wait3A_274 = tpu.memref_slice %arg7[%dma_wait3A_265, %dma_wait3A_273] : memref<4x128xi32, #tpu.memory_space<vmem>> -> memref<1x128xi32, #tpu.memory_space<vmem>>
      %dma_wait3A_275 = tpu.memref_squeeze %dma_wait3A_274 : memref<1x128xi32, #tpu.memory_space<vmem>> -> memref<128xi32, #tpu.memory_space<vmem>>
      %dma_wait3A_276 = tpu.memref_slice %arg3[%add3A_264] : memref<327680xi32, #tpu.memory_space<hbm>> -> memref<128xi32, #tpu.memory_space<hbm>>
      tpu.wait_dma2 semaphore(%dma_wait3A_272 : memref<!tpu.dma_semaphore, #tpu.memory_space<semaphore_mem>>) src(%dma_wait3A_276 : memref<128xi32, #tpu.memory_space<hbm>>) dst(%dma_wait3A_275 : memref<128xi32, #tpu.memory_space<vmem>>)
      %dma_wait3A_277 = arith.constant 1 : i32
      %dma_wait3A_278 = arith.constant 1 : i32
      %dma_wait3A_279 = arith.constant 0 : i32
      %dma_wait3A_280 = tpu.memref_slice %arg8[%dma_wait3A_277, %dma_wait3A_279] : memref<4x128xi32, #tpu.memory_space<vmem>> -> memref<1x128xi32, #tpu.memory_space<vmem>>
      %dma_wait3A_281 = tpu.memref_squeeze %dma_wait3A_280 : memref<1x128xi32, #tpu.memory_space<vmem>> -> memref<128xi32, #tpu.memory_space<vmem>>
      %dma_wait3A_282 = tpu.memref_slice %arg4[%add3A_264] : memref<327680xi32, #tpu.memory_space<hbm>> -> memref<128xi32, #tpu.memory_space<hbm>>
      %dma_wait3A_283 = tpu.memref_slice %arg11[%dma_wait3A_278] : memref<4x!tpu.dma_semaphore, #tpu.memory_space<semaphore_mem>> -> memref<1x!tpu.dma_semaphore, #tpu.memory_space<semaphore_mem>>
      %dma_wait3A_284 = tpu.memref_squeeze %dma_wait3A_283 : memref<1x!tpu.dma_semaphore, #tpu.memory_space<semaphore_mem>> -> memref<!tpu.dma_semaphore, #tpu.memory_space<semaphore_mem>>
      %dma_wait3A_285 = arith.constant 0 : i32
      %dma_wait3A_286 = tpu.memref_slice %arg8[%dma_wait3A_277, %dma_wait3A_285] : memref<4x128xi32, #tpu.memory_space<vmem>> -> memref<1x128xi32, #tpu.memory_space<vmem>>
      %dma_wait3A_287 = tpu.memref_squeeze %dma_wait3A_286 : memref<1x128xi32, #tpu.memory_space<vmem>> -> memref<128xi32, #tpu.memory_space<vmem>>
      %dma_wait3A_288 = tpu.memref_slice %arg4[%add3A_264] : memref<327680xi32, #tpu.memory_space<hbm>> -> memref<128xi32, #tpu.memory_space<hbm>>
      tpu.wait_dma2 semaphore(%dma_wait3A_284 : memref<!tpu.dma_semaphore, #tpu.memory_space<semaphore_mem>>) src(%dma_wait3A_288 : memref<128xi32, #tpu.memory_space<hbm>>) dst(%dma_wait3A_287 : memref<128xi32, #tpu.memory_space<vmem>>)
      %dma_start3A_289 = arith.constant 1 : i32
      %dma_start3A_290 = arith.constant 1 : i32
      %dma_start3A_291 = arith.constant 1 : i32
      %dma_start3A_292 = arith.constant 0 : i32
      %dma_start3A_293 = arith.constant 0 : i32
      %dma_start3A_294 = tpu.memref_slice %arg9[%dma_start3A_290, %dma_start3A_292, %dma_start3A_293] : memref<2x128x128xf32, #tpu.memory_space<vmem>> -> memref<1x128x128xf32, #tpu.memory_space<vmem>>
      %dma_start3A_295 = tpu.memref_squeeze %dma_start3A_294 : memref<1x128x128xf32, #tpu.memory_space<vmem>> -> memref<128x128xf32, #tpu.memory_space<vmem>>
      %dma_start3A_296 = arith.constant 0 : i32
      %dma_start3A_297 = tpu.memref_slice %arg7[%dma_start3A_289, %dma_start3A_296] : memref<4x128xi32, #tpu.memory_space<vmem>> -> memref<1x128xi32, #tpu.memory_space<vmem>>
      %dma_start3A_298 = tpu.memref_squeeze %dma_start3A_297 : memref<1x128xi32, #tpu.memory_space<vmem>> -> memref<128xi32, #tpu.memory_space<vmem>>
      %dma_start3A_299 = arith.constant 0 : i32
      %dma_start3A_300 = arith.constant 0 : i32
      %dma_start3A_301 = tpu.memref_slice %arg2[%dma_start3A_299, %dma_start3A_300] : memref<10000x128xf32, #tpu.memory_space<hbm>> -> memref<10000x128xf32, #tpu.memory_space<hbm>>
      %dma_start3A_302 = tpu.memref_slice %arg12[%dma_start3A_291] : memref<2x!tpu.dma_semaphore, #tpu.memory_space<semaphore_mem>> -> memref<1x!tpu.dma_semaphore, #tpu.memory_space<semaphore_mem>>
      %dma_start3A_303 = tpu.memref_squeeze %dma_start3A_302 : memref<1x!tpu.dma_semaphore, #tpu.memory_space<semaphore_mem>> -> memref<!tpu.dma_semaphore, #tpu.memory_space<semaphore_mem>>
      tpu.enqueue_indirect_dma source(%dma_start3A_301 : memref<10000x128xf32, #tpu.memory_space<hbm>>) target(%dma_start3A_295 : memref<128x128xf32, #tpu.memory_space<vmem>>) offsets(%dma_start3A_298 : memref<128xi32, #tpu.memory_space<vmem>>) semaphore(%dma_start3A_303 : memref<!tpu.dma_semaphore, #tpu.memory_space<semaphore_mem>>)
      %dma_wait3A_304 = arith.constant 0 : i32
      %dma_wait3A_305 = arith.constant 0 : i32
      %dma_wait3A_306 = arith.constant 0 : i32
      %dma_wait3A_307 = arith.constant 0 : i32
      %dma_wait3A_308 = arith.constant 0 : i32
      %dma_wait3A_309 = tpu.memref_slice %arg9[%dma_wait3A_305, %dma_wait3A_307, %dma_wait3A_308] : memref<2x128x128xf32, #tpu.memory_space<vmem>> -> memref<1x128x128xf32, #tpu.memory_space<vmem>>
      %dma_wait3A_310 = tpu.memref_squeeze %dma_wait3A_309 : memref<1x128x128xf32, #tpu.memory_space<vmem>> -> memref<128x128xf32, #tpu.memory_space<vmem>>
      %dma_wait3A_311 = arith.constant 0 : i32
      %dma_wait3A_312 = tpu.memref_slice %arg7[%dma_wait3A_304, %dma_wait3A_311] : memref<4x128xi32, #tpu.memory_space<vmem>> -> memref<1x128xi32, #tpu.memory_space<vmem>>
      %dma_wait3A_313 = tpu.memref_squeeze %dma_wait3A_312 : memref<1x128xi32, #tpu.memory_space<vmem>> -> memref<128xi32, #tpu.memory_space<vmem>>
      %dma_wait3A_314 = arith.constant 0 : i32
      %dma_wait3A_315 = arith.constant 0 : i32
      %dma_wait3A_316 = tpu.memref_slice %arg2[%dma_wait3A_314, %dma_wait3A_315] : memref<10000x128xf32, #tpu.memory_space<hbm>> -> memref<10000x128xf32, #tpu.memory_space<hbm>>
      %dma_wait3A_317 = tpu.memref_slice %arg12[%dma_wait3A_306] : memref<2x!tpu.dma_semaphore, #tpu.memory_space<semaphore_mem>> -> memref<1x!tpu.dma_semaphore, #tpu.memory_space<semaphore_mem>>
      %dma_wait3A_318 = tpu.memref_squeeze %dma_wait3A_317 : memref<1x!tpu.dma_semaphore, #tpu.memory_space<semaphore_mem>> -> memref<!tpu.dma_semaphore, #tpu.memory_space<semaphore_mem>>
      tpu.wait_indirect_dma semaphore(%dma_wait3A_318 : memref<!tpu.dma_semaphore, #tpu.memory_space<semaphore_mem>>) src(%dma_wait3A_316 : memref<10000x128xf32, #tpu.memory_space<hbm>>) dst(%dma_wait3A_310 : memref<128x128xf32, #tpu.memory_space<vmem>>)
      %dma_start3A_319 = arith.constant 0 : i32
      %dma_start3A_320 = arith.constant 0 : i32
      %dma_start3A_321 = arith.constant 0 : i32
      %dma_start3A_322 = arith.constant 0 : i32
      %dma_start3A_323 = arith.constant 0 : i32
      %dma_start3A_324 = tpu.memref_slice %arg9[%dma_start3A_319, %dma_start3A_322, %dma_start3A_323] : memref<2x128x128xf32, #tpu.memory_space<vmem>> -> memref<1x128x128xf32, #tpu.memory_space<vmem>>
      %dma_start3A_325 = tpu.memref_squeeze %dma_start3A_324 : memref<1x128x128xf32, #tpu.memory_space<vmem>> -> memref<128x128xf32, #tpu.memory_space<vmem>>
      %dma_start3A_326 = arith.constant 0 : i32
      %dma_start3A_327 = tpu.memref_slice %arg8[%dma_start3A_320, %dma_start3A_326] : memref<4x128xi32, #tpu.memory_space<vmem>> -> memref<1x128xi32, #tpu.memory_space<vmem>>
      %dma_start3A_328 = tpu.memref_squeeze %dma_start3A_327 : memref<1x128xi32, #tpu.memory_space<vmem>> -> memref<128xi32, #tpu.memory_space<vmem>>
      %dma_start3A_329 = arith.constant 0 : i32
      %dma_start3A_330 = arith.constant 0 : i32
      %dma_start3A_331 = tpu.memref_slice %arg6[%dma_start3A_329, %dma_start3A_330] : memref<10240x128xf32, #tpu.memory_space<vmem_shared>> -> memref<10240x128xf32, #tpu.memory_space<vmem_shared>>
      %dma_start3A_332 = tpu.memref_slice %arg13[%dma_start3A_321] : memref<4x!tpu.dma_semaphore, #tpu.memory_space<semaphore_mem>> -> memref<1x!tpu.dma_semaphore, #tpu.memory_space<semaphore_mem>>
      %dma_start3A_333 = tpu.memref_squeeze %dma_start3A_332 : memref<1x!tpu.dma_semaphore, #tpu.memory_space<semaphore_mem>> -> memref<!tpu.dma_semaphore, #tpu.memory_space<semaphore_mem>>
      tpu.enqueue_indirect_dma source(%dma_start3A_325 : memref<128x128xf32, #tpu.memory_space<vmem>>) target(%dma_start3A_331 : memref<10240x128xf32, #tpu.memory_space<vmem_shared>>) offsets(%dma_start3A_328 : memref<128xi32, #tpu.memory_space<vmem>>) semaphore(%dma_start3A_333 : memref<!tpu.dma_semaphore, #tpu.memory_space<semaphore_mem>>) {add = true}
      %mul3A_334 = arith.constant 4 : i32
      %mul3A_335 = arith.muli %add3A_199, %mul3A_334 : i32
      %add3A_336 = arith.constant 2 : i32
      %add3A_337 = arith.addi %mul3A_335, %add3A_336 : i32
      %dma_wait3A_338 = arith.constant 0 : i32
      %dma_wait3A_339 = arith.constant 0 : i32
      %dma_wait3A_340 = arith.constant 0 : i32
      %dma_wait3A_341 = arith.constant 0 : i32
      %dma_wait3A_342 = arith.constant 0 : i32
      %dma_wait3A_343 = tpu.memref_slice %arg9[%dma_wait3A_338, %dma_wait3A_341, %dma_wait3A_342] : memref<2x128x128xf32, #tpu.memory_space<vmem>> -> memref<1x128x128xf32, #tpu.memory_space<vmem>>
      %dma_wait3A_344 = tpu.memref_squeeze %dma_wait3A_343 : memref<1x128x128xf32, #tpu.memory_space<vmem>> -> memref<128x128xf32, #tpu.memory_space<vmem>>
      %dma_wait3A_345 = arith.constant 0 : i32
      %dma_wait3A_346 = tpu.memref_slice %arg8[%dma_wait3A_339, %dma_wait3A_345] : memref<4x128xi32, #tpu.memory_space<vmem>> -> memref<1x128xi32, #tpu.memory_space<vmem>>
      %dma_wait3A_347 = tpu.memref_squeeze %dma_wait3A_346 : memref<1x128xi32, #tpu.memory_space<vmem>> -> memref<128xi32, #tpu.memory_space<vmem>>
      %dma_wait3A_348 = arith.constant 0 : i32
      %dma_wait3A_349 = arith.constant 0 : i32
      %dma_wait3A_350 = tpu.memref_slice %arg6[%dma_wait3A_348, %dma_wait3A_349] : memref<10240x128xf32, #tpu.memory_space<vmem_shared>> -> memref<10240x128xf32, #tpu.memory_space<vmem_shared>>
      %dma_wait3A_351 = tpu.memref_slice %arg13[%dma_wait3A_340] : memref<4x!tpu.dma_semaphore, #tpu.memory_space<semaphore_mem>> -> memref<1x!tpu.dma_semaphore, #tpu.memory_space<semaphore_mem>>
      %dma_wait3A_352 = tpu.memref_squeeze %dma_wait3A_351 : memref<1x!tpu.dma_semaphore, #tpu.memory_space<semaphore_mem>> -> memref<!tpu.dma_semaphore, #tpu.memory_space<semaphore_mem>>
      tpu.wait_indirect_dma semaphore(%dma_wait3A_352 : memref<!tpu.dma_semaphore, #tpu.memory_space<semaphore_mem>>) src(%dma_wait3A_344 : memref<128x128xf32, #tpu.memory_space<vmem>>) dst(%dma_wait3A_350 : memref<10240x128xf32, #tpu.memory_space<vmem_shared>>)
      %add3A_353 = arith.constant 2 : i32
      %add3A_354 = arith.addi %add3A_337, %add3A_353 : i32
      %lt3A = arith.constant 80 : i32
      %lt3A_355 = arith.cmpi slt, %add3A_354, %lt3A : i32
      %convert_element_type3A_356 = arith.extui %lt3A_355 : i1 to i32
      %cond3A_357 = arith.constant 0 : i32
      %cond3A_358 = arith.cmpi ne, %convert_element_type3A_356, %cond3A_357 : i32
      scf.if %cond3A_358 {
        %add3A_529 = arith.constant 2 : i32
        %add3A_530 = arith.addi %add3A_337, %add3A_529 : i32
        %mul3A_531 = arith.constant 128 : i32
        %mul3A_532 = arith.muli %add3A_530, %mul3A_531 : i32
        %add3A_533 = arith.addi %mul3A_16, %mul3A_532 : i32
        %dma_start3A_534 = arith.constant 0 : i32
        %dma_start3A_535 = arith.constant 0 : i32
        %dma_start3A_536 = arith.constant 0 : i32
        %dma_start3A_537 = tpu.memref_slice %arg7[%dma_start3A_534, %dma_start3A_536] : memref<4x128xi32, #tpu.memory_space<vmem>> -> memref<1x128xi32, #tpu.memory_space<vmem>>
        %dma_start3A_538 = tpu.memref_squeeze %dma_start3A_537 : memref<1x128xi32, #tpu.memory_space<vmem>> -> memref<128xi32, #tpu.memory_space<vmem>>
        %dma_start3A_539 = tpu.memref_slice %arg3[%add3A_533] : memref<327680xi32, #tpu.memory_space<hbm>> -> memref<128xi32, #tpu.memory_space<hbm>>
        %dma_start3A_540 = tpu.memref_slice %arg11[%dma_start3A_535] : memref<4x!tpu.dma_semaphore, #tpu.memory_space<semaphore_mem>> -> memref<1x!tpu.dma_semaphore, #tpu.memory_space<semaphore_mem>>
        %dma_start3A_541 = tpu.memref_squeeze %dma_start3A_540 : memref<1x!tpu.dma_semaphore, #tpu.memory_space<semaphore_mem>> -> memref<!tpu.dma_semaphore, #tpu.memory_space<semaphore_mem>>
        %dma_start3A_542 = arith.constant 0 : i32
        %dma_start3A_543 = tpu.memref_slice %arg7[%dma_start3A_534, %dma_start3A_542] : memref<4x128xi32, #tpu.memory_space<vmem>> -> memref<1x128xi32, #tpu.memory_space<vmem>>
        %dma_start3A_544 = tpu.memref_squeeze %dma_start3A_543 : memref<1x128xi32, #tpu.memory_space<vmem>> -> memref<128xi32, #tpu.memory_space<vmem>>
        %dma_start3A_545 = tpu.memref_slice %arg3[%add3A_533] : memref<327680xi32, #tpu.memory_space<hbm>> -> memref<128xi32, #tpu.memory_space<hbm>>
        tpu.enqueue_dma source(%dma_start3A_545 : memref<128xi32, #tpu.memory_space<hbm>>) target(%dma_start3A_544 : memref<128xi32, #tpu.memory_space<vmem>>) target_semaphore(%dma_start3A_541 : memref<!tpu.dma_semaphore, #tpu.memory_space<semaphore_mem>>)
        %dma_start3A_546 = arith.constant 0 : i32
        %dma_start3A_547 = arith.constant 0 : i32
        %dma_start3A_548 = arith.constant 0 : i32
        %dma_start3A_549 = tpu.memref_slice %arg8[%dma_start3A_546, %dma_start3A_548] : memref<4x128xi32, #tpu.memory_space<vmem>> -> memref<1x128xi32, #tpu.memory_space<vmem>>
        %dma_start3A_550 = tpu.memref_squeeze %dma_start3A_549 : memref<1x128xi32, #tpu.memory_space<vmem>> -> memref<128xi32, #tpu.memory_space<vmem>>
        %dma_start3A_551 = tpu.memref_slice %arg4[%add3A_533] : memref<327680xi32, #tpu.memory_space<hbm>> -> memref<128xi32, #tpu.memory_space<hbm>>
        %dma_start3A_552 = tpu.memref_slice %arg11[%dma_start3A_547] : memref<4x!tpu.dma_semaphore, #tpu.memory_space<semaphore_mem>> -> memref<1x!tpu.dma_semaphore, #tpu.memory_space<semaphore_mem>>
        %dma_start3A_553 = tpu.memref_squeeze %dma_start3A_552 : memref<1x!tpu.dma_semaphore, #tpu.memory_space<semaphore_mem>> -> memref<!tpu.dma_semaphore, #tpu.memory_space<semaphore_mem>>
        %dma_start3A_554 = arith.constant 0 : i32
        %dma_start3A_555 = tpu.memref_slice %arg8[%dma_start3A_546, %dma_start3A_554] : memref<4x128xi32, #tpu.memory_space<vmem>> -> memref<1x128xi32, #tpu.memory_space<vmem>>
        %dma_start3A_556 = tpu.memref_squeeze %dma_start3A_555 : memref<1x128xi32, #tpu.memory_space<vmem>> -> memref<128xi32, #tpu.memory_space<vmem>>
        %dma_start3A_557 = tpu.memref_slice %arg4[%add3A_533] : memref<327680xi32, #tpu.memory_space<hbm>> -> memref<128xi32, #tpu.memory_space<hbm>>
        tpu.enqueue_dma source(%dma_start3A_557 : memref<128xi32, #tpu.memory_space<hbm>>) target(%dma_start3A_556 : memref<128xi32, #tpu.memory_space<vmem>>) target_semaphore(%dma_start3A_553 : memref<!tpu.dma_semaphore, #tpu.memory_space<semaphore_mem>>)
      } else {
      }
      %mul3A_359 = arith.constant 128 : i32
      %mul3A_360 = arith.muli %add3A_337, %mul3A_359 : i32
      %add3A_361 = arith.addi %mul3A_16, %mul3A_360 : i32
      %dma_wait3A_362 = arith.constant 2 : i32
      %dma_wait3A_363 = arith.constant 2 : i32
      %dma_wait3A_364 = arith.constant 0 : i32
      %dma_wait3A_365 = tpu.memref_slice %arg7[%dma_wait3A_362, %dma_wait3A_364] : memref<4x128xi32, #tpu.memory_space<vmem>> -> memref<1x128xi32, #tpu.memory_space<vmem>>
      %dma_wait3A_366 = tpu.memref_squeeze %dma_wait3A_365 : memref<1x128xi32, #tpu.memory_space<vmem>> -> memref<128xi32, #tpu.memory_space<vmem>>
      %dma_wait3A_367 = tpu.memref_slice %arg3[%add3A_361] : memref<327680xi32, #tpu.memory_space<hbm>> -> memref<128xi32, #tpu.memory_space<hbm>>
      %dma_wait3A_368 = tpu.memref_slice %arg11[%dma_wait3A_363] : memref<4x!tpu.dma_semaphore, #tpu.memory_space<semaphore_mem>> -> memref<1x!tpu.dma_semaphore, #tpu.memory_space<semaphore_mem>>
      %dma_wait3A_369 = tpu.memref_squeeze %dma_wait3A_368 : memref<1x!tpu.dma_semaphore, #tpu.memory_space<semaphore_mem>> -> memref<!tpu.dma_semaphore, #tpu.memory_space<semaphore_mem>>
      %dma_wait3A_370 = arith.constant 0 : i32
      %dma_wait3A_371 = tpu.memref_slice %arg7[%dma_wait3A_362, %dma_wait3A_370] : memref<4x128xi32, #tpu.memory_space<vmem>> -> memref<1x128xi32, #tpu.memory_space<vmem>>
      %dma_wait3A_372 = tpu.memref_squeeze %dma_wait3A_371 : memref<1x128xi32, #tpu.memory_space<vmem>> -> memref<128xi32, #tpu.memory_space<vmem>>
      %dma_wait3A_373 = tpu.memref_slice %arg3[%add3A_361] : memref<327680xi32, #tpu.memory_space<hbm>> -> memref<128xi32, #tpu.memory_space<hbm>>
      tpu.wait_dma2 semaphore(%dma_wait3A_369 : memref<!tpu.dma_semaphore, #tpu.memory_space<semaphore_mem>>) src(%dma_wait3A_373 : memref<128xi32, #tpu.memory_space<hbm>>) dst(%dma_wait3A_372 : memref<128xi32, #tpu.memory_space<vmem>>)
      %dma_wait3A_374 = arith.constant 2 : i32
      %dma_wait3A_375 = arith.constant 2 : i32
      %dma_wait3A_376 = arith.constant 0 : i32
      %dma_wait3A_377 = tpu.memref_slice %arg8[%dma_wait3A_374, %dma_wait3A_376] : memref<4x128xi32, #tpu.memory_space<vmem>> -> memref<1x128xi32, #tpu.memory_space<vmem>>
      %dma_wait3A_378 = tpu.memref_squeeze %dma_wait3A_377 : memref<1x128xi32, #tpu.memory_space<vmem>> -> memref<128xi32, #tpu.memory_space<vmem>>
      %dma_wait3A_379 = tpu.memref_slice %arg4[%add3A_361] : memref<327680xi32, #tpu.memory_space<hbm>> -> memref<128xi32, #tpu.memory_space<hbm>>
      %dma_wait3A_380 = tpu.memref_slice %arg11[%dma_wait3A_375] : memref<4x!tpu.dma_semaphore, #tpu.memory_space<semaphore_mem>> -> memref<1x!tpu.dma_semaphore, #tpu.memory_space<semaphore_mem>>
      %dma_wait3A_381 = tpu.memref_squeeze %dma_wait3A_380 : memref<1x!tpu.dma_semaphore, #tpu.memory_space<semaphore_mem>> -> memref<!tpu.dma_semaphore, #tpu.memory_space<semaphore_mem>>
      %dma_wait3A_382 = arith.constant 0 : i32
      %dma_wait3A_383 = tpu.memref_slice %arg8[%dma_wait3A_374, %dma_wait3A_382] : memref<4x128xi32, #tpu.memory_space<vmem>> -> memref<1x128xi32, #tpu.memory_space<vmem>>
      %dma_wait3A_384 = tpu.memref_squeeze %dma_wait3A_383 : memref<1x128xi32, #tpu.memory_space<vmem>> -> memref<128xi32, #tpu.memory_space<vmem>>
      %dma_wait3A_385 = tpu.memref_slice %arg4[%add3A_361] : memref<327680xi32, #tpu.memory_space<hbm>> -> memref<128xi32, #tpu.memory_space<hbm>>
      tpu.wait_dma2 semaphore(%dma_wait3A_381 : memref<!tpu.dma_semaphore, #tpu.memory_space<semaphore_mem>>) src(%dma_wait3A_385 : memref<128xi32, #tpu.memory_space<hbm>>) dst(%dma_wait3A_384 : memref<128xi32, #tpu.memory_space<vmem>>)
      %dma_start3A_386 = arith.constant 2 : i32
      %dma_start3A_387 = arith.constant 0 : i32
      %dma_start3A_388 = arith.constant 0 : i32
      %dma_start3A_389 = arith.constant 0 : i32
      %dma_start3A_390 = arith.constant 0 : i32
      %dma_start3A_391 = tpu.memref_slice %arg9[%dma_start3A_387, %dma_start3A_389, %dma_start3A_390] : memref<2x128x128xf32, #tpu.memory_space<vmem>> -> memref<1x128x128xf32, #tpu.memory_space<vmem>>
      %dma_start3A_392 = tpu.memref_squeeze %dma_start3A_391 : memref<1x128x128xf32, #tpu.memory_space<vmem>> -> memref<128x128xf32, #tpu.memory_space<vmem>>
      %dma_start3A_393 = arith.constant 0 : i32
      %dma_start3A_394 = tpu.memref_slice %arg7[%dma_start3A_386, %dma_start3A_393] : memref<4x128xi32, #tpu.memory_space<vmem>> -> memref<1x128xi32, #tpu.memory_space<vmem>>
      %dma_start3A_395 = tpu.memref_squeeze %dma_start3A_394 : memref<1x128xi32, #tpu.memory_space<vmem>> -> memref<128xi32, #tpu.memory_space<vmem>>
      %dma_start3A_396 = arith.constant 0 : i32
      %dma_start3A_397 = arith.constant 0 : i32
      %dma_start3A_398 = tpu.memref_slice %arg2[%dma_start3A_396, %dma_start3A_397] : memref<10000x128xf32, #tpu.memory_space<hbm>> -> memref<10000x128xf32, #tpu.memory_space<hbm>>
      %dma_start3A_399 = tpu.memref_slice %arg12[%dma_start3A_388] : memref<2x!tpu.dma_semaphore, #tpu.memory_space<semaphore_mem>> -> memref<1x!tpu.dma_semaphore, #tpu.memory_space<semaphore_mem>>
      %dma_start3A_400 = tpu.memref_squeeze %dma_start3A_399 : memref<1x!tpu.dma_semaphore, #tpu.memory_space<semaphore_mem>> -> memref<!tpu.dma_semaphore, #tpu.memory_space<semaphore_mem>>
      tpu.enqueue_indirect_dma source(%dma_start3A_398 : memref<10000x128xf32, #tpu.memory_space<hbm>>) target(%dma_start3A_392 : memref<128x128xf32, #tpu.memory_space<vmem>>) offsets(%dma_start3A_395 : memref<128xi32, #tpu.memory_space<vmem>>) semaphore(%dma_start3A_400 : memref<!tpu.dma_semaphore, #tpu.memory_space<semaphore_mem>>)
      %dma_wait3A_401 = arith.constant 1 : i32
      %dma_wait3A_402 = arith.constant 1 : i32
      %dma_wait3A_403 = arith.constant 1 : i32
      %dma_wait3A_404 = arith.constant 0 : i32
      %dma_wait3A_405 = arith.constant 0 : i32
      %dma_wait3A_406 = tpu.memref_slice %arg9[%dma_wait3A_402, %dma_wait3A_404, %dma_wait3A_405] : memref<2x128x128xf32, #tpu.memory_space<vmem>> -> memref<1x128x128xf32, #tpu.memory_space<vmem>>
      %dma_wait3A_407 = tpu.memref_squeeze %dma_wait3A_406 : memref<1x128x128xf32, #tpu.memory_space<vmem>> -> memref<128x128xf32, #tpu.memory_space<vmem>>
      %dma_wait3A_408 = arith.constant 0 : i32
      %dma_wait3A_409 = tpu.memref_slice %arg7[%dma_wait3A_401, %dma_wait3A_408] : memref<4x128xi32, #tpu.memory_space<vmem>> -> memref<1x128xi32, #tpu.memory_space<vmem>>
      %dma_wait3A_410 = tpu.memref_squeeze %dma_wait3A_409 : memref<1x128xi32, #tpu.memory_space<vmem>> -> memref<128xi32, #tpu.memory_space<vmem>>
      %dma_wait3A_411 = arith.constant 0 : i32
      %dma_wait3A_412 = arith.constant 0 : i32
      %dma_wait3A_413 = tpu.memref_slice %arg2[%dma_wait3A_411, %dma_wait3A_412] : memref<10000x128xf32, #tpu.memory_space<hbm>> -> memref<10000x128xf32, #tpu.memory_space<hbm>>
      %dma_wait3A_414 = tpu.memref_slice %arg12[%dma_wait3A_403] : memref<2x!tpu.dma_semaphore, #tpu.memory_space<semaphore_mem>> -> memref<1x!tpu.dma_semaphore, #tpu.memory_space<semaphore_mem>>
      %dma_wait3A_415 = tpu.memref_squeeze %dma_wait3A_414 : memref<1x!tpu.dma_semaphore, #tpu.memory_space<semaphore_mem>> -> memref<!tpu.dma_semaphore, #tpu.memory_space<semaphore_mem>>
      tpu.wait_indirect_dma semaphore(%dma_wait3A_415 : memref<!tpu.dma_semaphore, #tpu.memory_space<semaphore_mem>>) src(%dma_wait3A_413 : memref<10000x128xf32, #tpu.memory_space<hbm>>) dst(%dma_wait3A_407 : memref<128x128xf32, #tpu.memory_space<vmem>>)
      %dma_start3A_416 = arith.constant 1 : i32
      %dma_start3A_417 = arith.constant 1 : i32
      %dma_start3A_418 = arith.constant 1 : i32
      %dma_start3A_419 = arith.constant 0 : i32
      %dma_start3A_420 = arith.constant 0 : i32
      %dma_start3A_421 = tpu.memref_slice %arg9[%dma_start3A_416, %dma_start3A_419, %dma_start3A_420] : memref<2x128x128xf32, #tpu.memory_space<vmem>> -> memref<1x128x128xf32, #tpu.memory_space<vmem>>
      %dma_start3A_422 = tpu.memref_squeeze %dma_start3A_421 : memref<1x128x128xf32, #tpu.memory_space<vmem>> -> memref<128x128xf32, #tpu.memory_space<vmem>>
      %dma_start3A_423 = arith.constant 0 : i32
      %dma_start3A_424 = tpu.memref_slice %arg8[%dma_start3A_417, %dma_start3A_423] : memref<4x128xi32, #tpu.memory_space<vmem>> -> memref<1x128xi32, #tpu.memory_space<vmem>>
      %dma_start3A_425 = tpu.memref_squeeze %dma_start3A_424 : memref<1x128xi32, #tpu.memory_space<vmem>> -> memref<128xi32, #tpu.memory_space<vmem>>
      %dma_start3A_426 = arith.constant 0 : i32
      %dma_start3A_427 = arith.constant 0 : i32
      %dma_start3A_428 = tpu.memref_slice %arg6[%dma_start3A_426, %dma_start3A_427] : memref<10240x128xf32, #tpu.memory_space<vmem_shared>> -> memref<10240x128xf32, #tpu.memory_space<vmem_shared>>
      %dma_start3A_429 = tpu.memref_slice %arg13[%dma_start3A_418] : memref<4x!tpu.dma_semaphore, #tpu.memory_space<semaphore_mem>> -> memref<1x!tpu.dma_semaphore, #tpu.memory_space<semaphore_mem>>
      %dma_start3A_430 = tpu.memref_squeeze %dma_start3A_429 : memref<1x!tpu.dma_semaphore, #tpu.memory_space<semaphore_mem>> -> memref<!tpu.dma_semaphore, #tpu.memory_space<semaphore_mem>>
      tpu.enqueue_indirect_dma source(%dma_start3A_422 : memref<128x128xf32, #tpu.memory_space<vmem>>) target(%dma_start3A_428 : memref<10240x128xf32, #tpu.memory_space<vmem_shared>>) offsets(%dma_start3A_425 : memref<128xi32, #tpu.memory_space<vmem>>) semaphore(%dma_start3A_430 : memref<!tpu.dma_semaphore, #tpu.memory_space<semaphore_mem>>) {add = true}
      %mul3A_431 = arith.constant 4 : i32
      %mul3A_432 = arith.muli %add3A_199, %mul3A_431 : i32
      %add3A_433 = arith.constant 3 : i32
      %add3A_434 = arith.addi %mul3A_432, %add3A_433 : i32
      %dma_wait3A_435 = arith.constant 1 : i32
      %dma_wait3A_436 = arith.constant 1 : i32
      %dma_wait3A_437 = arith.constant 1 : i32
      %dma_wait3A_438 = arith.constant 0 : i32
      %dma_wait3A_439 = arith.constant 0 : i32
      %dma_wait3A_440 = tpu.memref_slice %arg9[%dma_wait3A_435, %dma_wait3A_438, %dma_wait3A_439] : memref<2x128x128xf32, #tpu.memory_space<vmem>> -> memref<1x128x128xf32, #tpu.memory_space<vmem>>
      %dma_wait3A_441 = tpu.memref_squeeze %dma_wait3A_440 : memref<1x128x128xf32, #tpu.memory_space<vmem>> -> memref<128x128xf32, #tpu.memory_space<vmem>>
      %dma_wait3A_442 = arith.constant 0 : i32
      %dma_wait3A_443 = tpu.memref_slice %arg8[%dma_wait3A_436, %dma_wait3A_442] : memref<4x128xi32, #tpu.memory_space<vmem>> -> memref<1x128xi32, #tpu.memory_space<vmem>>
      %dma_wait3A_444 = tpu.memref_squeeze %dma_wait3A_443 : memref<1x128xi32, #tpu.memory_space<vmem>> -> memref<128xi32, #tpu.memory_space<vmem>>
      %dma_wait3A_445 = arith.constant 0 : i32
      %dma_wait3A_446 = arith.constant 0 : i32
      %dma_wait3A_447 = tpu.memref_slice %arg6[%dma_wait3A_445, %dma_wait3A_446] : memref<10240x128xf32, #tpu.memory_space<vmem_shared>> -> memref<10240x128xf32, #tpu.memory_space<vmem_shared>>
      %dma_wait3A_448 = tpu.memref_slice %arg13[%dma_wait3A_437] : memref<4x!tpu.dma_semaphore, #tpu.memory_space<semaphore_mem>> -> memref<1x!tpu.dma_semaphore, #tpu.memory_space<semaphore_mem>>
      %dma_wait3A_449 = tpu.memref_squeeze %dma_wait3A_448 : memref<1x!tpu.dma_semaphore, #tpu.memory_space<semaphore_mem>> -> memref<!tpu.dma_semaphore, #tpu.memory_space<semaphore_mem>>
      tpu.wait_indirect_dma semaphore(%dma_wait3A_449 : memref<!tpu.dma_semaphore, #tpu.memory_space<semaphore_mem>>) src(%dma_wait3A_441 : memref<128x128xf32, #tpu.memory_space<vmem>>) dst(%dma_wait3A_447 : memref<10240x128xf32, #tpu.memory_space<vmem_shared>>)
      %add3A_450 = arith.constant 2 : i32
      %add3A_451 = arith.addi %add3A_434, %add3A_450 : i32
      %lt3A_452 = arith.constant 80 : i32
      %lt3A_453 = arith.cmpi slt, %add3A_451, %lt3A_452 : i32
      %convert_element_type3A_454 = arith.extui %lt3A_453 : i1 to i32
      %cond3A_455 = arith.constant 0 : i32
      %cond3A_456 = arith.cmpi ne, %convert_element_type3A_454, %cond3A_455 : i32
      scf.if %cond3A_456 {
        %add3A_529 = arith.constant 2 : i32
        %add3A_530 = arith.addi %add3A_434, %add3A_529 : i32
        %mul3A_531 = arith.constant 128 : i32
        %mul3A_532 = arith.muli %add3A_530, %mul3A_531 : i32
        %add3A_533 = arith.addi %mul3A_16, %mul3A_532 : i32
        %dma_start3A_534 = arith.constant 1 : i32
        %dma_start3A_535 = arith.constant 1 : i32
        %dma_start3A_536 = arith.constant 0 : i32
        %dma_start3A_537 = tpu.memref_slice %arg7[%dma_start3A_534, %dma_start3A_536] : memref<4x128xi32, #tpu.memory_space<vmem>> -> memref<1x128xi32, #tpu.memory_space<vmem>>
        %dma_start3A_538 = tpu.memref_squeeze %dma_start3A_537 : memref<1x128xi32, #tpu.memory_space<vmem>> -> memref<128xi32, #tpu.memory_space<vmem>>
        %dma_start3A_539 = tpu.memref_slice %arg3[%add3A_533] : memref<327680xi32, #tpu.memory_space<hbm>> -> memref<128xi32, #tpu.memory_space<hbm>>
        %dma_start3A_540 = tpu.memref_slice %arg11[%dma_start3A_535] : memref<4x!tpu.dma_semaphore, #tpu.memory_space<semaphore_mem>> -> memref<1x!tpu.dma_semaphore, #tpu.memory_space<semaphore_mem>>
        %dma_start3A_541 = tpu.memref_squeeze %dma_start3A_540 : memref<1x!tpu.dma_semaphore, #tpu.memory_space<semaphore_mem>> -> memref<!tpu.dma_semaphore, #tpu.memory_space<semaphore_mem>>
        %dma_start3A_542 = arith.constant 0 : i32
        %dma_start3A_543 = tpu.memref_slice %arg7[%dma_start3A_534, %dma_start3A_542] : memref<4x128xi32, #tpu.memory_space<vmem>> -> memref<1x128xi32, #tpu.memory_space<vmem>>
        %dma_start3A_544 = tpu.memref_squeeze %dma_start3A_543 : memref<1x128xi32, #tpu.memory_space<vmem>> -> memref<128xi32, #tpu.memory_space<vmem>>
        %dma_start3A_545 = tpu.memref_slice %arg3[%add3A_533] : memref<327680xi32, #tpu.memory_space<hbm>> -> memref<128xi32, #tpu.memory_space<hbm>>
        tpu.enqueue_dma source(%dma_start3A_545 : memref<128xi32, #tpu.memory_space<hbm>>) target(%dma_start3A_544 : memref<128xi32, #tpu.memory_space<vmem>>) target_semaphore(%dma_start3A_541 : memref<!tpu.dma_semaphore, #tpu.memory_space<semaphore_mem>>)
        %dma_start3A_546 = arith.constant 1 : i32
        %dma_start3A_547 = arith.constant 1 : i32
        %dma_start3A_548 = arith.constant 0 : i32
        %dma_start3A_549 = tpu.memref_slice %arg8[%dma_start3A_546, %dma_start3A_548] : memref<4x128xi32, #tpu.memory_space<vmem>> -> memref<1x128xi32, #tpu.memory_space<vmem>>
        %dma_start3A_550 = tpu.memref_squeeze %dma_start3A_549 : memref<1x128xi32, #tpu.memory_space<vmem>> -> memref<128xi32, #tpu.memory_space<vmem>>
        %dma_start3A_551 = tpu.memref_slice %arg4[%add3A_533] : memref<327680xi32, #tpu.memory_space<hbm>> -> memref<128xi32, #tpu.memory_space<hbm>>
        %dma_start3A_552 = tpu.memref_slice %arg11[%dma_start3A_547] : memref<4x!tpu.dma_semaphore, #tpu.memory_space<semaphore_mem>> -> memref<1x!tpu.dma_semaphore, #tpu.memory_space<semaphore_mem>>
        %dma_start3A_553 = tpu.memref_squeeze %dma_start3A_552 : memref<1x!tpu.dma_semaphore, #tpu.memory_space<semaphore_mem>> -> memref<!tpu.dma_semaphore, #tpu.memory_space<semaphore_mem>>
        %dma_start3A_554 = arith.constant 0 : i32
        %dma_start3A_555 = tpu.memref_slice %arg8[%dma_start3A_546, %dma_start3A_554] : memref<4x128xi32, #tpu.memory_space<vmem>> -> memref<1x128xi32, #tpu.memory_space<vmem>>
        %dma_start3A_556 = tpu.memref_squeeze %dma_start3A_555 : memref<1x128xi32, #tpu.memory_space<vmem>> -> memref<128xi32, #tpu.memory_space<vmem>>
        %dma_start3A_557 = tpu.memref_slice %arg4[%add3A_533] : memref<327680xi32, #tpu.memory_space<hbm>> -> memref<128xi32, #tpu.memory_space<hbm>>
        tpu.enqueue_dma source(%dma_start3A_557 : memref<128xi32, #tpu.memory_space<hbm>>) target(%dma_start3A_556 : memref<128xi32, #tpu.memory_space<vmem>>) target_semaphore(%dma_start3A_553 : memref<!tpu.dma_semaphore, #tpu.memory_space<semaphore_mem>>)
      } else {
      }
      %mul3A_457 = arith.constant 128 : i32
      %mul3A_458 = arith.muli %add3A_434, %mul3A_457 : i32
      %add3A_459 = arith.addi %mul3A_16, %mul3A_458 : i32
      %dma_wait3A_460 = arith.constant 3 : i32
      %dma_wait3A_461 = arith.constant 3 : i32
      %dma_wait3A_462 = arith.constant 0 : i32
      %dma_wait3A_463 = tpu.memref_slice %arg7[%dma_wait3A_460, %dma_wait3A_462] : memref<4x128xi32, #tpu.memory_space<vmem>> -> memref<1x128xi32, #tpu.memory_space<vmem>>
      %dma_wait3A_464 = tpu.memref_squeeze %dma_wait3A_463 : memref<1x128xi32, #tpu.memory_space<vmem>> -> memref<128xi32, #tpu.memory_space<vmem>>
      %dma_wait3A_465 = tpu.memref_slice %arg3[%add3A_459] : memref<327680xi32, #tpu.memory_space<hbm>> -> memref<128xi32, #tpu.memory_space<hbm>>
      %dma_wait3A_466 = tpu.memref_slice %arg11[%dma_wait3A_461] : memref<4x!tpu.dma_semaphore, #tpu.memory_space<semaphore_mem>> -> memref<1x!tpu.dma_semaphore, #tpu.memory_space<semaphore_mem>>
      %dma_wait3A_467 = tpu.memref_squeeze %dma_wait3A_466 : memref<1x!tpu.dma_semaphore, #tpu.memory_space<semaphore_mem>> -> memref<!tpu.dma_semaphore, #tpu.memory_space<semaphore_mem>>
      %dma_wait3A_468 = arith.constant 0 : i32
      %dma_wait3A_469 = tpu.memref_slice %arg7[%dma_wait3A_460, %dma_wait3A_468] : memref<4x128xi32, #tpu.memory_space<vmem>> -> memref<1x128xi32, #tpu.memory_space<vmem>>
      %dma_wait3A_470 = tpu.memref_squeeze %dma_wait3A_469 : memref<1x128xi32, #tpu.memory_space<vmem>> -> memref<128xi32, #tpu.memory_space<vmem>>
      %dma_wait3A_471 = tpu.memref_slice %arg3[%add3A_459] : memref<327680xi32, #tpu.memory_space<hbm>> -> memref<128xi32, #tpu.memory_space<hbm>>
      tpu.wait_dma2 semaphore(%dma_wait3A_467 : memref<!tpu.dma_semaphore, #tpu.memory_space<semaphore_mem>>) src(%dma_wait3A_471 : memref<128xi32, #tpu.memory_space<hbm>>) dst(%dma_wait3A_470 : memref<128xi32, #tpu.memory_space<vmem>>)
      %dma_wait3A_472 = arith.constant 3 : i32
      %dma_wait3A_473 = arith.constant 3 : i32
      %dma_wait3A_474 = arith.constant 0 : i32
      %dma_wait3A_475 = tpu.memref_slice %arg8[%dma_wait3A_472, %dma_wait3A_474] : memref<4x128xi32, #tpu.memory_space<vmem>> -> memref<1x128xi32, #tpu.memory_space<vmem>>
      %dma_wait3A_476 = tpu.memref_squeeze %dma_wait3A_475 : memref<1x128xi32, #tpu.memory_space<vmem>> -> memref<128xi32, #tpu.memory_space<vmem>>
      %dma_wait3A_477 = tpu.memref_slice %arg4[%add3A_459] : memref<327680xi32, #tpu.memory_space<hbm>> -> memref<128xi32, #tpu.memory_space<hbm>>
      %dma_wait3A_478 = tpu.memref_slice %arg11[%dma_wait3A_473] : memref<4x!tpu.dma_semaphore, #tpu.memory_space<semaphore_mem>> -> memref<1x!tpu.dma_semaphore, #tpu.memory_space<semaphore_mem>>
      %dma_wait3A_479 = tpu.memref_squeeze %dma_wait3A_478 : memref<1x!tpu.dma_semaphore, #tpu.memory_space<semaphore_mem>> -> memref<!tpu.dma_semaphore, #tpu.memory_space<semaphore_mem>>
      %dma_wait3A_480 = arith.constant 0 : i32
      %dma_wait3A_481 = tpu.memref_slice %arg8[%dma_wait3A_472, %dma_wait3A_480] : memref<4x128xi32, #tpu.memory_space<vmem>> -> memref<1x128xi32, #tpu.memory_space<vmem>>
      %dma_wait3A_482 = tpu.memref_squeeze %dma_wait3A_481 : memref<1x128xi32, #tpu.memory_space<vmem>> -> memref<128xi32, #tpu.memory_space<vmem>>
      %dma_wait3A_483 = tpu.memref_slice %arg4[%add3A_459] : memref<327680xi32, #tpu.memory_space<hbm>> -> memref<128xi32, #tpu.memory_space<hbm>>
      tpu.wait_dma2 semaphore(%dma_wait3A_479 : memref<!tpu.dma_semaphore, #tpu.memory_space<semaphore_mem>>) src(%dma_wait3A_483 : memref<128xi32, #tpu.memory_space<hbm>>) dst(%dma_wait3A_482 : memref<128xi32, #tpu.memory_space<vmem>>)
      %dma_start3A_484 = arith.constant 3 : i32
      %dma_start3A_485 = arith.constant 1 : i32
      %dma_start3A_486 = arith.constant 1 : i32
      %dma_start3A_487 = arith.constant 0 : i32
      %dma_start3A_488 = arith.constant 0 : i32
      %dma_start3A_489 = tpu.memref_slice %arg9[%dma_start3A_485, %dma_start3A_487, %dma_start3A_488] : memref<2x128x128xf32, #tpu.memory_space<vmem>> -> memref<1x128x128xf32, #tpu.memory_space<vmem>>
      %dma_start3A_490 = tpu.memref_squeeze %dma_start3A_489 : memref<1x128x128xf32, #tpu.memory_space<vmem>> -> memref<128x128xf32, #tpu.memory_space<vmem>>
      %dma_start3A_491 = arith.constant 0 : i32
      %dma_start3A_492 = tpu.memref_slice %arg7[%dma_start3A_484, %dma_start3A_491] : memref<4x128xi32, #tpu.memory_space<vmem>> -> memref<1x128xi32, #tpu.memory_space<vmem>>
      %dma_start3A_493 = tpu.memref_squeeze %dma_start3A_492 : memref<1x128xi32, #tpu.memory_space<vmem>> -> memref<128xi32, #tpu.memory_space<vmem>>
      %dma_start3A_494 = arith.constant 0 : i32
      %dma_start3A_495 = arith.constant 0 : i32
      %dma_start3A_496 = tpu.memref_slice %arg2[%dma_start3A_494, %dma_start3A_495] : memref<10000x128xf32, #tpu.memory_space<hbm>> -> memref<10000x128xf32, #tpu.memory_space<hbm>>
      %dma_start3A_497 = tpu.memref_slice %arg12[%dma_start3A_486] : memref<2x!tpu.dma_semaphore, #tpu.memory_space<semaphore_mem>> -> memref<1x!tpu.dma_semaphore, #tpu.memory_space<semaphore_mem>>
      %dma_start3A_498 = tpu.memref_squeeze %dma_start3A_497 : memref<1x!tpu.dma_semaphore, #tpu.memory_space<semaphore_mem>> -> memref<!tpu.dma_semaphore, #tpu.memory_space<semaphore_mem>>
      tpu.enqueue_indirect_dma source(%dma_start3A_496 : memref<10000x128xf32, #tpu.memory_space<hbm>>) target(%dma_start3A_490 : memref<128x128xf32, #tpu.memory_space<vmem>>) offsets(%dma_start3A_493 : memref<128xi32, #tpu.memory_space<vmem>>) semaphore(%dma_start3A_498 : memref<!tpu.dma_semaphore, #tpu.memory_space<semaphore_mem>>)
      %dma_wait3A_499 = arith.constant 2 : i32
      %dma_wait3A_500 = arith.constant 0 : i32
      %dma_wait3A_501 = arith.constant 0 : i32
      %dma_wait3A_502 = arith.constant 0 : i32
      %dma_wait3A_503 = arith.constant 0 : i32
      %dma_wait3A_504 = tpu.memref_slice %arg9[%dma_wait3A_500, %dma_wait3A_502, %dma_wait3A_503] : memref<2x128x128xf32, #tpu.memory_space<vmem>> -> memref<1x128x128xf32, #tpu.memory_space<vmem>>
      %dma_wait3A_505 = tpu.memref_squeeze %dma_wait3A_504 : memref<1x128x128xf32, #tpu.memory_space<vmem>> -> memref<128x128xf32, #tpu.memory_space<vmem>>
      %dma_wait3A_506 = arith.constant 0 : i32
      %dma_wait3A_507 = tpu.memref_slice %arg7[%dma_wait3A_499, %dma_wait3A_506] : memref<4x128xi32, #tpu.memory_space<vmem>> -> memref<1x128xi32, #tpu.memory_space<vmem>>
      %dma_wait3A_508 = tpu.memref_squeeze %dma_wait3A_507 : memref<1x128xi32, #tpu.memory_space<vmem>> -> memref<128xi32, #tpu.memory_space<vmem>>
      %dma_wait3A_509 = arith.constant 0 : i32
      %dma_wait3A_510 = arith.constant 0 : i32
      %dma_wait3A_511 = tpu.memref_slice %arg2[%dma_wait3A_509, %dma_wait3A_510] : memref<10000x128xf32, #tpu.memory_space<hbm>> -> memref<10000x128xf32, #tpu.memory_space<hbm>>
      %dma_wait3A_512 = tpu.memref_slice %arg12[%dma_wait3A_501] : memref<2x!tpu.dma_semaphore, #tpu.memory_space<semaphore_mem>> -> memref<1x!tpu.dma_semaphore, #tpu.memory_space<semaphore_mem>>
      %dma_wait3A_513 = tpu.memref_squeeze %dma_wait3A_512 : memref<1x!tpu.dma_semaphore, #tpu.memory_space<semaphore_mem>> -> memref<!tpu.dma_semaphore, #tpu.memory_space<semaphore_mem>>
      tpu.wait_indirect_dma semaphore(%dma_wait3A_513 : memref<!tpu.dma_semaphore, #tpu.memory_space<semaphore_mem>>) src(%dma_wait3A_511 : memref<10000x128xf32, #tpu.memory_space<hbm>>) dst(%dma_wait3A_505 : memref<128x128xf32, #tpu.memory_space<vmem>>)
      %dma_start3A_514 = arith.constant 0 : i32
      %dma_start3A_515 = arith.constant 2 : i32
      %dma_start3A_516 = arith.constant 2 : i32
      %dma_start3A_517 = arith.constant 0 : i32
      %dma_start3A_518 = arith.constant 0 : i32
      %dma_start3A_519 = tpu.memref_slice %arg9[%dma_start3A_514, %dma_start3A_517, %dma_start3A_518] : memref<2x128x128xf32, #tpu.memory_space<vmem>> -> memref<1x128x128xf32, #tpu.memory_space<vmem>>
      %dma_start3A_520 = tpu.memref_squeeze %dma_start3A_519 : memref<1x128x128xf32, #tpu.memory_space<vmem>> -> memref<128x128xf32, #tpu.memory_space<vmem>>
      %dma_start3A_521 = arith.constant 0 : i32
      %dma_start3A_522 = tpu.memref_slice %arg8[%dma_start3A_515, %dma_start3A_521] : memref<4x128xi32, #tpu.memory_space<vmem>> -> memref<1x128xi32, #tpu.memory_space<vmem>>
      %dma_start3A_523 = tpu.memref_squeeze %dma_start3A_522 : memref<1x128xi32, #tpu.memory_space<vmem>> -> memref<128xi32, #tpu.memory_space<vmem>>
      %dma_start3A_524 = arith.constant 0 : i32
      %dma_start3A_525 = arith.constant 0 : i32
      %dma_start3A_526 = tpu.memref_slice %arg6[%dma_start3A_524, %dma_start3A_525] : memref<10240x128xf32, #tpu.memory_space<vmem_shared>> -> memref<10240x128xf32, #tpu.memory_space<vmem_shared>>
      %dma_start3A_527 = tpu.memref_slice %arg13[%dma_start3A_516] : memref<4x!tpu.dma_semaphore, #tpu.memory_space<semaphore_mem>> -> memref<1x!tpu.dma_semaphore, #tpu.memory_space<semaphore_mem>>
      %dma_start3A_528 = tpu.memref_squeeze %dma_start3A_527 : memref<1x!tpu.dma_semaphore, #tpu.memory_space<semaphore_mem>> -> memref<!tpu.dma_semaphore, #tpu.memory_space<semaphore_mem>>
      tpu.enqueue_indirect_dma source(%dma_start3A_520 : memref<128x128xf32, #tpu.memory_space<vmem>>) target(%dma_start3A_526 : memref<10240x128xf32, #tpu.memory_space<vmem_shared>>) offsets(%dma_start3A_523 : memref<128xi32, #tpu.memory_space<vmem>>) semaphore(%dma_start3A_528 : memref<!tpu.dma_semaphore, #tpu.memory_space<semaphore_mem>>) {add = true}
    }
    %scan3A_124 = arith.constant 20 : i32
    %dma_wait3A = arith.constant 3 : i32
    %dma_wait3A_125 = arith.constant 1 : i32
    %dma_wait3A_126 = arith.constant 1 : i32
    %dma_wait3A_127 = arith.constant 0 : i32
    %dma_wait3A_128 = arith.constant 0 : i32
    %dma_wait3A_129 = tpu.memref_slice %arg9[%dma_wait3A_125, %dma_wait3A_127, %dma_wait3A_128] : memref<2x128x128xf32, #tpu.memory_space<vmem>> -> memref<1x128x128xf32, #tpu.memory_space<vmem>>
    %dma_wait3A_130 = tpu.memref_squeeze %dma_wait3A_129 : memref<1x128x128xf32, #tpu.memory_space<vmem>> -> memref<128x128xf32, #tpu.memory_space<vmem>>
    %dma_wait3A_131 = arith.constant 0 : i32
    %dma_wait3A_132 = tpu.memref_slice %arg7[%dma_wait3A, %dma_wait3A_131] : memref<4x128xi32, #tpu.memory_space<vmem>> -> memref<1x128xi32, #tpu.memory_space<vmem>>
    %dma_wait3A_133 = tpu.memref_squeeze %dma_wait3A_132 : memref<1x128xi32, #tpu.memory_space<vmem>> -> memref<128xi32, #tpu.memory_space<vmem>>
    %dma_wait3A_134 = arith.constant 0 : i32
    %dma_wait3A_135 = arith.constant 0 : i32
    %dma_wait3A_136 = tpu.memref_slice %arg2[%dma_wait3A_134, %dma_wait3A_135] : memref<10000x128xf32, #tpu.memory_space<hbm>> -> memref<10000x128xf32, #tpu.memory_space<hbm>>
    %dma_wait3A_137 = tpu.memref_slice %arg12[%dma_wait3A_126] : memref<2x!tpu.dma_semaphore, #tpu.memory_space<semaphore_mem>> -> memref<1x!tpu.dma_semaphore, #tpu.memory_space<semaphore_mem>>
    %dma_wait3A_138 = tpu.memref_squeeze %dma_wait3A_137 : memref<1x!tpu.dma_semaphore, #tpu.memory_space<semaphore_mem>> -> memref<!tpu.dma_semaphore, #tpu.memory_space<semaphore_mem>>
    tpu.wait_indirect_dma semaphore(%dma_wait3A_138 : memref<!tpu.dma_semaphore, #tpu.memory_space<semaphore_mem>>) src(%dma_wait3A_136 : memref<10000x128xf32, #tpu.memory_space<hbm>>) dst(%dma_wait3A_130 : memref<128x128xf32, #tpu.memory_space<vmem>>)
    %dma_start3A_139 = arith.constant 1 : i32
    %dma_start3A_140 = arith.constant 3 : i32
    %dma_start3A_141 = arith.constant 3 : i32
    %dma_start3A_142 = arith.constant 0 : i32
    %dma_start3A_143 = arith.constant 0 : i32
    %dma_start3A_144 = tpu.memref_slice %arg9[%dma_start3A_139, %dma_start3A_142, %dma_start3A_143] : memref<2x128x128xf32, #tpu.memory_space<vmem>> -> memref<1x128x128xf32, #tpu.memory_space<vmem>>
    %dma_start3A_145 = tpu.memref_squeeze %dma_start3A_144 : memref<1x128x128xf32, #tpu.memory_space<vmem>> -> memref<128x128xf32, #tpu.memory_space<vmem>>
    %dma_start3A_146 = arith.constant 0 : i32
    %dma_start3A_147 = tpu.memref_slice %arg8[%dma_start3A_140, %dma_start3A_146] : memref<4x128xi32, #tpu.memory_space<vmem>> -> memref<1x128xi32, #tpu.memory_space<vmem>>
    %dma_start3A_148 = tpu.memref_squeeze %dma_start3A_147 : memref<1x128xi32, #tpu.memory_space<vmem>> -> memref<128xi32, #tpu.memory_space<vmem>>
    %dma_start3A_149 = arith.constant 0 : i32
    %dma_start3A_150 = arith.constant 0 : i32
    %dma_start3A_151 = tpu.memref_slice %arg6[%dma_start3A_149, %dma_start3A_150] : memref<10240x128xf32, #tpu.memory_space<vmem_shared>> -> memref<10240x128xf32, #tpu.memory_space<vmem_shared>>
    %dma_start3A_152 = tpu.memref_slice %arg13[%dma_start3A_141] : memref<4x!tpu.dma_semaphore, #tpu.memory_space<semaphore_mem>> -> memref<1x!tpu.dma_semaphore, #tpu.memory_space<semaphore_mem>>
    %dma_start3A_153 = tpu.memref_squeeze %dma_start3A_152 : memref<1x!tpu.dma_semaphore, #tpu.memory_space<semaphore_mem>> -> memref<!tpu.dma_semaphore, #tpu.memory_space<semaphore_mem>>
    tpu.enqueue_indirect_dma source(%dma_start3A_145 : memref<128x128xf32, #tpu.memory_space<vmem>>) target(%dma_start3A_151 : memref<10240x128xf32, #tpu.memory_space<vmem_shared>>) offsets(%dma_start3A_148 : memref<128xi32, #tpu.memory_space<vmem>>) semaphore(%dma_start3A_153 : memref<!tpu.dma_semaphore, #tpu.memory_space<semaphore_mem>>) {add = true}
    %dma_wait3A_154 = arith.constant 0 : i32
    %dma_wait3A_155 = arith.constant 2 : i32
    %dma_wait3A_156 = arith.constant 2 : i32
    %dma_wait3A_157 = arith.constant 0 : i32
    %dma_wait3A_158 = arith.constant 0 : i32
    %dma_wait3A_159 = tpu.memref_slice %arg9[%dma_wait3A_154, %dma_wait3A_157, %dma_wait3A_158] : memref<2x128x128xf32, #tpu.memory_space<vmem>> -> memref<1x128x128xf32, #tpu.memory_space<vmem>>
    %dma_wait3A_160 = tpu.memref_squeeze %dma_wait3A_159 : memref<1x128x128xf32, #tpu.memory_space<vmem>> -> memref<128x128xf32, #tpu.memory_space<vmem>>
    %dma_wait3A_161 = arith.constant 0 : i32
    %dma_wait3A_162 = tpu.memref_slice %arg8[%dma_wait3A_155, %dma_wait3A_161] : memref<4x128xi32, #tpu.memory_space<vmem>> -> memref<1x128xi32, #tpu.memory_space<vmem>>
    %dma_wait3A_163 = tpu.memref_squeeze %dma_wait3A_162 : memref<1x128xi32, #tpu.memory_space<vmem>> -> memref<128xi32, #tpu.memory_space<vmem>>
    %dma_wait3A_164 = arith.constant 0 : i32
    %dma_wait3A_165 = arith.constant 0 : i32
    %dma_wait3A_166 = tpu.memref_slice %arg6[%dma_wait3A_164, %dma_wait3A_165] : memref<10240x128xf32, #tpu.memory_space<vmem_shared>> -> memref<10240x128xf32, #tpu.memory_space<vmem_shared>>
    %dma_wait3A_167 = tpu.memref_slice %arg13[%dma_wait3A_156] : memref<4x!tpu.dma_semaphore, #tpu.memory_space<semaphore_mem>> -> memref<1x!tpu.dma_semaphore, #tpu.memory_space<semaphore_mem>>
    %dma_wait3A_168 = tpu.memref_squeeze %dma_wait3A_167 : memref<1x!tpu.dma_semaphore, #tpu.memory_space<semaphore_mem>> -> memref<!tpu.dma_semaphore, #tpu.memory_space<semaphore_mem>>
    tpu.wait_indirect_dma semaphore(%dma_wait3A_168 : memref<!tpu.dma_semaphore, #tpu.memory_space<semaphore_mem>>) src(%dma_wait3A_160 : memref<128x128xf32, #tpu.memory_space<vmem>>) dst(%dma_wait3A_166 : memref<10240x128xf32, #tpu.memory_space<vmem_shared>>)
    %dma_wait3A_169 = arith.constant 1 : i32
    %dma_wait3A_170 = arith.constant 3 : i32
    %dma_wait3A_171 = arith.constant 3 : i32
    %dma_wait3A_172 = arith.constant 0 : i32
    %dma_wait3A_173 = arith.constant 0 : i32
    %dma_wait3A_174 = tpu.memref_slice %arg9[%dma_wait3A_169, %dma_wait3A_172, %dma_wait3A_173] : memref<2x128x128xf32, #tpu.memory_space<vmem>> -> memref<1x128x128xf32, #tpu.memory_space<vmem>>
    %dma_wait3A_175 = tpu.memref_squeeze %dma_wait3A_174 : memref<1x128x128xf32, #tpu.memory_space<vmem>> -> memref<128x128xf32, #tpu.memory_space<vmem>>
    %dma_wait3A_176 = arith.constant 0 : i32
    %dma_wait3A_177 = tpu.memref_slice %arg8[%dma_wait3A_170, %dma_wait3A_176] : memref<4x128xi32, #tpu.memory_space<vmem>> -> memref<1x128xi32, #tpu.memory_space<vmem>>
    %dma_wait3A_178 = tpu.memref_squeeze %dma_wait3A_177 : memref<1x128xi32, #tpu.memory_space<vmem>> -> memref<128xi32, #tpu.memory_space<vmem>>
    %dma_wait3A_179 = arith.constant 0 : i32
    %dma_wait3A_180 = arith.constant 0 : i32
    %dma_wait3A_181 = tpu.memref_slice %arg6[%dma_wait3A_179, %dma_wait3A_180] : memref<10240x128xf32, #tpu.memory_space<vmem_shared>> -> memref<10240x128xf32, #tpu.memory_space<vmem_shared>>
    %dma_wait3A_182 = tpu.memref_slice %arg13[%dma_wait3A_171] : memref<4x!tpu.dma_semaphore, #tpu.memory_space<semaphore_mem>> -> memref<1x!tpu.dma_semaphore, #tpu.memory_space<semaphore_mem>>
    %dma_wait3A_183 = tpu.memref_squeeze %dma_wait3A_182 : memref<1x!tpu.dma_semaphore, #tpu.memory_space<semaphore_mem>> -> memref<!tpu.dma_semaphore, #tpu.memory_space<semaphore_mem>>
    tpu.wait_indirect_dma semaphore(%dma_wait3A_183 : memref<!tpu.dma_semaphore, #tpu.memory_space<semaphore_mem>>) src(%dma_wait3A_175 : memref<128x128xf32, #tpu.memory_space<vmem>>) dst(%dma_wait3A_181 : memref<10240x128xf32, #tpu.memory_space<vmem_shared>>)
    %barrier3A_184 = arith.constant 0 : index
    tpu.barrier barrier_id(%barrier3A_184)
    %scan3A_185 = arith.constant 0 : i32
    %scan3A_186 = arith.constant 10 : i32
    %scan3A_187 = arith.addi %scan3A_185, %scan3A_186 : i32
    %scan3A_188 = arith.constant 1 : i32
    scf.for %scan3A_195 = %scan3A_185 to %scan3A_187 step %scan3A_188  : i32 {
      %mul3A_196 = arith.constant 1 : i32
      %mul3A_197 = arith.muli %scan3A_195, %mul3A_196 : i32
      %add3A_198 = arith.constant 0 : i32
      %add3A_199 = arith.addi %add3A_198, %mul3A_197 : i32
      %mul3A_200 = arith.constant 640 : i32
      %mul3A_201 = arith.muli %arg1, %mul3A_200 : i32
      %mul3A_202 = arith.constant 64 : i32
      %mul3A_203 = arith.muli %add3A_199, %mul3A_202 : i32
      %add3A_204 = arith.addi %mul3A_201, %mul3A_203 : i32
      %dma_start3A_205 = arith.constant 1 : i32
      %dma_start3A_206 = tpu.memref_slice %arg11[%dma_start3A_205] : memref<4x!tpu.dma_semaphore, #tpu.memory_space<semaphore_mem>> -> memref<1x!tpu.dma_semaphore, #tpu.memory_space<semaphore_mem>>
      %dma_start3A_207 = tpu.memref_squeeze %dma_start3A_206 : memref<1x!tpu.dma_semaphore, #tpu.memory_space<semaphore_mem>> -> memref<!tpu.dma_semaphore, #tpu.memory_space<semaphore_mem>>
      %dma_start3A_208 = arith.constant 0 : i32
      %dma_start3A_209 = tpu.memref_slice %arg5[%arg0, %add3A_204, %dma_start3A_208] : memref<2x10240x128xf32, #tpu.memory_space<hbm>> -> memref<1x64x128xf32, #tpu.memory_space<hbm>>
      %dma_start3A_210 = tpu.memref_squeeze %dma_start3A_209 : memref<1x64x128xf32, #tpu.memory_space<hbm>> -> memref<64x128xf32, #tpu.memory_space<hbm>>
      %dma_start3A_211 = arith.constant 0 : i32
      %dma_start3A_212 = tpu.memref_slice %arg6[%add3A_204, %dma_start3A_211] : memref<10240x128xf32, #tpu.memory_space<vmem_shared>> -> memref<64x128xf32, #tpu.memory_space<vmem_shared>>
      tpu.enqueue_dma source(%dma_start3A_212 : memref<64x128xf32, #tpu.memory_space<vmem_shared>>) target(%dma_start3A_210 : memref<64x128xf32, #tpu.memory_space<hbm>>) target_semaphore(%dma_start3A_207 : memref<!tpu.dma_semaphore, #tpu.memory_space<semaphore_mem>>)
    }
    %scan3A_189 = arith.constant 10 : i32
    %scan3A_190 = arith.constant 0 : i32
    %scan3A_191 = arith.constant 10 : i32
    %scan3A_192 = arith.addi %scan3A_190, %scan3A_191 : i32
    %scan3A_193 = arith.constant 1 : i32
    scf.for %scan3A_195 = %scan3A_190 to %scan3A_192 step %scan3A_193  : i32 {
      %mul3A_196 = arith.constant 1 : i32
      %mul3A_197 = arith.muli %scan3A_195, %mul3A_196 : i32
      %add3A_198 = arith.constant 0 : i32
      %add3A_199 = arith.addi %add3A_198, %mul3A_197 : i32
      %mul3A_200 = arith.constant 640 : i32
      %mul3A_201 = arith.muli %arg1, %mul3A_200 : i32
      %mul3A_202 = arith.constant 64 : i32
      %mul3A_203 = arith.muli %add3A_199, %mul3A_202 : i32
      %add3A_204 = arith.addi %mul3A_201, %mul3A_203 : i32
      %dma_wait3A_205 = arith.constant 1 : i32
      %dma_wait3A_206 = tpu.memref_slice %arg11[%dma_wait3A_205] : memref<4x!tpu.dma_semaphore, #tpu.memory_space<semaphore_mem>> -> memref<1x!tpu.dma_semaphore, #tpu.memory_space<semaphore_mem>>
      %dma_wait3A_207 = tpu.memref_squeeze %dma_wait3A_206 : memref<1x!tpu.dma_semaphore, #tpu.memory_space<semaphore_mem>> -> memref<!tpu.dma_semaphore, #tpu.memory_space<semaphore_mem>>
      %dma_wait3A_208 = arith.constant 0 : i32
      %dma_wait3A_209 = tpu.memref_slice %arg5[%arg0, %add3A_204, %dma_wait3A_208] : memref<2x10240x128xf32, #tpu.memory_space<hbm>> -> memref<1x64x128xf32, #tpu.memory_space<hbm>>
      %dma_wait3A_210 = tpu.memref_squeeze %dma_wait3A_209 : memref<1x64x128xf32, #tpu.memory_space<hbm>> -> memref<64x128xf32, #tpu.memory_space<hbm>>
      %dma_wait3A_211 = arith.constant 0 : i32
      %dma_wait3A_212 = tpu.memref_slice %arg6[%add3A_204, %dma_wait3A_211] : memref<10240x128xf32, #tpu.memory_space<vmem_shared>> -> memref<64x128xf32, #tpu.memory_space<vmem_shared>>
      tpu.wait_dma2 semaphore(%dma_wait3A_207 : memref<!tpu.dma_semaphore, #tpu.memory_space<semaphore_mem>>) src(%dma_wait3A_212 : memref<64x128xf32, #tpu.memory_space<vmem_shared>>) dst(%dma_wait3A_210 : memref<64x128xf32, #tpu.memory_space<hbm>>)
    }
    %scan3A_194 = arith.constant 10 : i32
    return
  }
}

#map = affine_map<(d0, d1) -> (0)>
#map1 = affine_map<(d0, d1) -> (0, 0, 0)>
module attributes {stable_mosaic.version = 14 : i64} {
  func.func @k(%arg0: i32, %arg1: i32, %arg2: memref<327680xi32, #tpu.memory_space<hbm>>, %arg3: memref<32x80x128xf32, #tpu.memory_space<hbm>>, %arg4: memref<80x128xf32, #tpu.memory_space<vmem>>, %arg5: memref<4x128xi32, #tpu.memory_space<vmem>>, %arg6: memref<4x!tpu.dma_semaphore, #tpu.memory_space<semaphore_mem>>) attributes {dimension_semantics = [#tpu.dimension_semantics<core_parallel>, #tpu.dimension_semantics<subcore_parallel>], iteration_bounds = array<i64: 2, 16>, scalar_prefetch = 0 : i64, scratch_operands = 3 : i64, tpu.core_type = #tpu.core_type<sc_vector_subcore>, window_params = [{transform_indices = #map}, {transform_indices = #map1}]} {
    %mul3A = arith.constant 16 : i32
    %mul3A_0 = arith.muli %arg0, %mul3A : i32
    %add3A = arith.addi %mul3A_0, %arg1 : i32
    %scan3A = arith.constant 0 : i32
    %scan3A_1 = arith.constant 80 : i32
    %scan3A_2 = arith.addi %scan3A, %scan3A_1 : i32
    %scan3A_3 = arith.constant 1 : i32
    scf.for %scan3A_67 = %scan3A to %scan3A_2 step %scan3A_3  : i32 {
      %mul3A_68 = arith.constant 1 : i32
      %mul3A_69 = arith.muli %scan3A_67, %mul3A_68 : i32
      %add3A_70 = arith.constant 0 : i32
      %add3A_71 = arith.addi %add3A_70, %mul3A_69 : i32
      %scan3A_72 = arith.constant 0 : i32
      %scan3A_73 = arith.constant 8 : i32
      %scan3A_74 = arith.addi %scan3A_72, %scan3A_73 : i32
      %scan3A_75 = arith.constant 1 : i32
      scf.for %scan3A_77 = %scan3A_72 to %scan3A_74 step %scan3A_75  : i32 {
        %mul3A_78 = arith.constant 16 : i32
        %mul3A_79 = arith.muli %scan3A_77, %mul3A_78 : i32
        %add3A_80 = arith.constant 0 : i32
        %add3A_81 = arith.addi %add3A_80, %mul3A_79 : i32
        %broadcast_in_dim3A = arith.constant 0.000000e+00 : f32
        %broadcast_in_dim3A_82 = vector.broadcast %broadcast_in_dim3A : f32 to vector<16xf32>
        %swap3A = arith.index_cast %add3A_71 : i32 to index
        %swap3A_83 = arith.index_cast %add3A_81 : i32 to index
        %swap3A_84 = tpu.vector_load %arg4[%swap3A, %swap3A_83] {strides = array<i32>} : memref<80x128xf32, #tpu.memory_space<vmem>>, vector<16xf32>,
        tpu.vector_store %arg4[%swap3A, %swap3A_83], %broadcast_in_dim3A_82 {strides = array<i32>} : memref<80x128xf32, #tpu.memory_space<vmem>>, vector<16xf32>,
      }
      %scan3A_76 = arith.constant 8 : i32
    }
    %scan3A_4 = arith.constant 80 : i32
    %mul3A_5 = arith.constant 10240 : i32
    %mul3A_6 = arith.muli %add3A, %mul3A_5 : i32
    %add3A_7 = arith.constant 0 : i32
    %add3A_8 = arith.addi %mul3A_6, %add3A_7 : i32
    %dma_start3A = arith.constant 0 : i32
    %dma_start3A_9 = arith.constant 0 : i32
    %dma_start3A_10 = arith.constant 0 : i32
    %dma_start3A_11 = tpu.memref_slice %arg5[%dma_start3A, %dma_start3A_10] : memref<4x128xi32, #tpu.memory_space<vmem>> -> memref<1x128xi32, #tpu.memory_space<vmem>>
    %dma_start3A_12 = tpu.memref_squeeze %dma_start3A_11 : memref<1x128xi32, #tpu.memory_space<vmem>> -> memref<128xi32, #tpu.memory_space<vmem>>
    %dma_start3A_13 = tpu.memref_slice %arg2[%add3A_8] : memref<327680xi32, #tpu.memory_space<hbm>> -> memref<128xi32, #tpu.memory_space<hbm>>
    %dma_start3A_14 = tpu.memref_slice %arg6[%dma_start3A_9] : memref<4x!tpu.dma_semaphore, #tpu.memory_space<semaphore_mem>> -> memref<1x!tpu.dma_semaphore, #tpu.memory_space<semaphore_mem>>
    %dma_start3A_15 = tpu.memref_squeeze %dma_start3A_14 : memref<1x!tpu.dma_semaphore, #tpu.memory_space<semaphore_mem>> -> memref<!tpu.dma_semaphore, #tpu.memory_space<semaphore_mem>>
    %dma_start3A_16 = arith.constant 0 : i32
    %dma_start3A_17 = tpu.memref_slice %arg5[%dma_start3A, %dma_start3A_16] : memref<4x128xi32, #tpu.memory_space<vmem>> -> memref<1x128xi32, #tpu.memory_space<vmem>>
    %dma_start3A_18 = tpu.memref_squeeze %dma_start3A_17 : memref<1x128xi32, #tpu.memory_space<vmem>> -> memref<128xi32, #tpu.memory_space<vmem>>
    %dma_start3A_19 = tpu.memref_slice %arg2[%add3A_8] : memref<327680xi32, #tpu.memory_space<hbm>> -> memref<128xi32, #tpu.memory_space<hbm>>
    tpu.enqueue_dma source(%dma_start3A_19 : memref<128xi32, #tpu.memory_space<hbm>>) target(%dma_start3A_18 : memref<128xi32, #tpu.memory_space<vmem>>) target_semaphore(%dma_start3A_15 : memref<!tpu.dma_semaphore, #tpu.memory_space<semaphore_mem>>)
    %add3A_20 = arith.constant 128 : i32
    %add3A_21 = arith.addi %mul3A_6, %add3A_20 : i32
    %dma_start3A_22 = arith.constant 1 : i32
    %dma_start3A_23 = arith.constant 1 : i32
    %dma_start3A_24 = arith.constant 0 : i32
    %dma_start3A_25 = tpu.memref_slice %arg5[%dma_start3A_22, %dma_start3A_24] : memref<4x128xi32, #tpu.memory_space<vmem>> -> memref<1x128xi32, #tpu.memory_space<vmem>>
    %dma_start3A_26 = tpu.memref_squeeze %dma_start3A_25 : memref<1x128xi32, #tpu.memory_space<vmem>> -> memref<128xi32, #tpu.memory_space<vmem>>
    %dma_start3A_27 = tpu.memref_slice %arg2[%add3A_21] : memref<327680xi32, #tpu.memory_space<hbm>> -> memref<128xi32, #tpu.memory_space<hbm>>
    %dma_start3A_28 = tpu.memref_slice %arg6[%dma_start3A_23] : memref<4x!tpu.dma_semaphore, #tpu.memory_space<semaphore_mem>> -> memref<1x!tpu.dma_semaphore, #tpu.memory_space<semaphore_mem>>
    %dma_start3A_29 = tpu.memref_squeeze %dma_start3A_28 : memref<1x!tpu.dma_semaphore, #tpu.memory_space<semaphore_mem>> -> memref<!tpu.dma_semaphore, #tpu.memory_space<semaphore_mem>>
    %dma_start3A_30 = arith.constant 0 : i32
    %dma_start3A_31 = tpu.memref_slice %arg5[%dma_start3A_22, %dma_start3A_30] : memref<4x128xi32, #tpu.memory_space<vmem>> -> memref<1x128xi32, #tpu.memory_space<vmem>>
    %dma_start3A_32 = tpu.memref_squeeze %dma_start3A_31 : memref<1x128xi32, #tpu.memory_space<vmem>> -> memref<128xi32, #tpu.memory_space<vmem>>
    %dma_start3A_33 = tpu.memref_slice %arg2[%add3A_21] : memref<327680xi32, #tpu.memory_space<hbm>> -> memref<128xi32, #tpu.memory_space<hbm>>
    tpu.enqueue_dma source(%dma_start3A_33 : memref<128xi32, #tpu.memory_space<hbm>>) target(%dma_start3A_32 : memref<128xi32, #tpu.memory_space<vmem>>) target_semaphore(%dma_start3A_29 : memref<!tpu.dma_semaphore, #tpu.memory_space<semaphore_mem>>)
    %add3A_34 = arith.constant 256 : i32
    %add3A_35 = arith.addi %mul3A_6, %add3A_34 : i32
    %dma_start3A_36 = arith.constant 2 : i32
    %dma_start3A_37 = arith.constant 2 : i32
    %dma_start3A_38 = arith.constant 0 : i32
    %dma_start3A_39 = tpu.memref_slice %arg5[%dma_start3A_36, %dma_start3A_38] : memref<4x128xi32, #tpu.memory_space<vmem>> -> memref<1x128xi32, #tpu.memory_space<vmem>>
    %dma_start3A_40 = tpu.memref_squeeze %dma_start3A_39 : memref<1x128xi32, #tpu.memory_space<vmem>> -> memref<128xi32, #tpu.memory_space<vmem>>
    %dma_start3A_41 = tpu.memref_slice %arg2[%add3A_35] : memref<327680xi32, #tpu.memory_space<hbm>> -> memref<128xi32, #tpu.memory_space<hbm>>
    %dma_start3A_42 = tpu.memref_slice %arg6[%dma_start3A_37] : memref<4x!tpu.dma_semaphore, #tpu.memory_space<semaphore_mem>> -> memref<1x!tpu.dma_semaphore, #tpu.memory_space<semaphore_mem>>
    %dma_start3A_43 = tpu.memref_squeeze %dma_start3A_42 : memref<1x!tpu.dma_semaphore, #tpu.memory_space<semaphore_mem>> -> memref<!tpu.dma_semaphore, #tpu.memory_space<semaphore_mem>>
    %dma_start3A_44 = arith.constant 0 : i32
    %dma_start3A_45 = tpu.memref_slice %arg5[%dma_start3A_36, %dma_start3A_44] : memref<4x128xi32, #tpu.memory_space<vmem>> -> memref<1x128xi32, #tpu.memory_space<vmem>>
    %dma_start3A_46 = tpu.memref_squeeze %dma_start3A_45 : memref<1x128xi32, #tpu.memory_space<vmem>> -> memref<128xi32, #tpu.memory_space<vmem>>
    %dma_start3A_47 = tpu.memref_slice %arg2[%add3A_35] : memref<327680xi32, #tpu.memory_space<hbm>> -> memref<128xi32, #tpu.memory_space<hbm>>
    tpu.enqueue_dma source(%dma_start3A_47 : memref<128xi32, #tpu.memory_space<hbm>>) target(%dma_start3A_46 : memref<128xi32, #tpu.memory_space<vmem>>) target_semaphore(%dma_start3A_43 : memref<!tpu.dma_semaphore, #tpu.memory_space<semaphore_mem>>)
    %add3A_48 = arith.constant 384 : i32
    %add3A_49 = arith.addi %mul3A_6, %add3A_48 : i32
    %dma_start3A_50 = arith.constant 3 : i32
    %dma_start3A_51 = arith.constant 3 : i32
    %dma_start3A_52 = arith.constant 0 : i32
    %dma_start3A_53 = tpu.memref_slice %arg5[%dma_start3A_50, %dma_start3A_52] : memref<4x128xi32, #tpu.memory_space<vmem>> -> memref<1x128xi32, #tpu.memory_space<vmem>>
    %dma_start3A_54 = tpu.memref_squeeze %dma_start3A_53 : memref<1x128xi32, #tpu.memory_space<vmem>> -> memref<128xi32, #tpu.memory_space<vmem>>
    %dma_start3A_55 = tpu.memref_slice %arg2[%add3A_49] : memref<327680xi32, #tpu.memory_space<hbm>> -> memref<128xi32, #tpu.memory_space<hbm>>
    %dma_start3A_56 = tpu.memref_slice %arg6[%dma_start3A_51] : memref<4x!tpu.dma_semaphore, #tpu.memory_space<semaphore_mem>> -> memref<1x!tpu.dma_semaphore, #tpu.memory_space<semaphore_mem>>
    %dma_start3A_57 = tpu.memref_squeeze %dma_start3A_56 : memref<1x!tpu.dma_semaphore, #tpu.memory_space<semaphore_mem>> -> memref<!tpu.dma_semaphore, #tpu.memory_space<semaphore_mem>>
    %dma_start3A_58 = arith.constant 0 : i32
    %dma_start3A_59 = tpu.memref_slice %arg5[%dma_start3A_50, %dma_start3A_58] : memref<4x128xi32, #tpu.memory_space<vmem>> -> memref<1x128xi32, #tpu.memory_space<vmem>>
    %dma_start3A_60 = tpu.memref_squeeze %dma_start3A_59 : memref<1x128xi32, #tpu.memory_space<vmem>> -> memref<128xi32, #tpu.memory_space<vmem>>
    %dma_start3A_61 = tpu.memref_slice %arg2[%add3A_49] : memref<327680xi32, #tpu.memory_space<hbm>> -> memref<128xi32, #tpu.memory_space<hbm>>
    tpu.enqueue_dma source(%dma_start3A_61 : memref<128xi32, #tpu.memory_space<hbm>>) target(%dma_start3A_60 : memref<128xi32, #tpu.memory_space<vmem>>) target_semaphore(%dma_start3A_57 : memref<!tpu.dma_semaphore, #tpu.memory_space<semaphore_mem>>)
    %scan3A_62 = arith.constant 0 : i32
    %scan3A_63 = arith.constant 20 : i32
    %scan3A_64 = arith.addi %scan3A_62, %scan3A_63 : i32
    %scan3A_65 = arith.constant 1 : i32
    scf.for %scan3A_67 = %scan3A_62 to %scan3A_64 step %scan3A_65  : i32 {
      %mul3A_68 = arith.constant 1 : i32
      %mul3A_69 = arith.muli %scan3A_67, %mul3A_68 : i32
      %add3A_70 = arith.constant 0 : i32
      %add3A_71 = arith.addi %add3A_70, %mul3A_69 : i32
      %mul3A_72 = arith.constant 4 : i32
      %mul3A_73 = arith.muli %add3A_71, %mul3A_72 : i32
      %add3A_74 = arith.constant 0 : i32
      %add3A_75 = arith.addi %mul3A_73, %add3A_74 : i32
      %mul3A_76 = arith.constant 128 : i32
      %mul3A_77 = arith.muli %add3A_75, %mul3A_76 : i32
      %add3A_78 = arith.addi %mul3A_6, %mul3A_77 : i32
      %dma_wait3A = arith.constant 0 : i32
      %dma_wait3A_79 = arith.constant 0 : i32
      %dma_wait3A_80 = arith.constant 0 : i32
      %dma_wait3A_81 = tpu.memref_slice %arg5[%dma_wait3A, %dma_wait3A_80] : memref<4x128xi32, #tpu.memory_space<vmem>> -> memref<1x128xi32, #tpu.memory_space<vmem>>
      %dma_wait3A_82 = tpu.memref_squeeze %dma_wait3A_81 : memref<1x128xi32, #tpu.memory_space<vmem>> -> memref<128xi32, #tpu.memory_space<vmem>>
      %dma_wait3A_83 = tpu.memref_slice %arg2[%add3A_78] : memref<327680xi32, #tpu.memory_space<hbm>> -> memref<128xi32, #tpu.memory_space<hbm>>
      %dma_wait3A_84 = tpu.memref_slice %arg6[%dma_wait3A_79] : memref<4x!tpu.dma_semaphore, #tpu.memory_space<semaphore_mem>> -> memref<1x!tpu.dma_semaphore, #tpu.memory_space<semaphore_mem>>
      %dma_wait3A_85 = tpu.memref_squeeze %dma_wait3A_84 : memref<1x!tpu.dma_semaphore, #tpu.memory_space<semaphore_mem>> -> memref<!tpu.dma_semaphore, #tpu.memory_space<semaphore_mem>>
      %dma_wait3A_86 = arith.constant 0 : i32
      %dma_wait3A_87 = tpu.memref_slice %arg5[%dma_wait3A, %dma_wait3A_86] : memref<4x128xi32, #tpu.memory_space<vmem>> -> memref<1x128xi32, #tpu.memory_space<vmem>>
      %dma_wait3A_88 = tpu.memref_squeeze %dma_wait3A_87 : memref<1x128xi32, #tpu.memory_space<vmem>> -> memref<128xi32, #tpu.memory_space<vmem>>
      %dma_wait3A_89 = tpu.memref_slice %arg2[%add3A_78] : memref<327680xi32, #tpu.memory_space<hbm>> -> memref<128xi32, #tpu.memory_space<hbm>>
      tpu.wait_dma2 semaphore(%dma_wait3A_85 : memref<!tpu.dma_semaphore, #tpu.memory_space<semaphore_mem>>) src(%dma_wait3A_89 : memref<128xi32, #tpu.memory_space<hbm>>) dst(%dma_wait3A_88 : memref<128xi32, #tpu.memory_space<vmem>>)
      %get3A = arith.constant 0 : i32
      %get3A_90 = arith.index_cast %get3A : i32 to index
      %get3A_91 = arith.constant 0 : index
      %get3A_92 = tpu.vector_load %arg5[%get3A_90, %get3A_91] {strides = array<i32>} : memref<4x128xi32, #tpu.memory_space<vmem>>, vector<16xi32>,
      %broadcast_in_dim3A = arith.constant true
      %broadcast_in_dim3A_93 = vector.broadcast %broadcast_in_dim3A : i1 to vector<16xi1>
      %unique3A, %unique3A_94 = tpu.scan_count mask(%broadcast_in_dim3A_93 : vector<16xi1>) value(%get3A_92 : vector<16xi32>) : vector<16xi1>, vector<16xi32>
      %shift_right_logical3A = arith.constant 7 : i32
      %shift_right_logical3A_95 = vector.broadcast %shift_right_logical3A : i32 to vector<16xi32>
      %shift_right_logical3A_96 = arith.shrui %get3A_92, %shift_right_logical3A_95 : vector<16xi32>
      %and3A = arith.constant 127 : i32
      %and3A_97 = vector.broadcast %and3A : i32 to vector<16xi32>
      %and3A_98 = arith.andi %get3A_92, %and3A_97 : vector<16xi32>
      %convert_element_type3A = arith.sitofp %unique3A_94 : vector<16xi32> to vector<16xf32>
      tpu.vector_store_idx %arg4[%shift_right_logical3A_96, %and3A_98], %convert_element_type3A masked %unique3A {add = true} : memref<80x128xf32, #tpu.memory_space<vmem>>[vector<16xi32>, vector<16xi32>], vector<16xf32>, vector<16xi1>
      %get3A_99 = arith.constant 0 : i32
      %get3A_100 = arith.index_cast %get3A_99 : i32 to index
      %get3A_101 = arith.constant 16 : index
      %get3A_102 = tpu.vector_load %arg5[%get3A_100, %get3A_101] {strides = array<i32>} : memref<4x128xi32, #tpu.memory_space<vmem>>, vector<16xi32>,
      %broadcast_in_dim3A_103 = arith.constant true
      %broadcast_in_dim3A_104 = vector.broadcast %broadcast_in_dim3A_103 : i1 to vector<16xi1>
      %unique3A_105, %unique3A_106 = tpu.scan_count mask(%broadcast_in_dim3A_104 : vector<16xi1>) value(%get3A_102 : vector<16xi32>) : vector<16xi1>, vector<16xi32>
      %shift_right_logical3A_107 = arith.constant 7 : i32
      %shift_right_logical3A_108 = vector.broadcast %shift_right_logical3A_107 : i32 to vector<16xi32>
      %shift_right_logical3A_109 = arith.shrui %get3A_102, %shift_right_logical3A_108 : vector<16xi32>
      %and3A_110 = arith.constant 127 : i32
      %and3A_111 = vector.broadcast %and3A_110 : i32 to vector<16xi32>
      %and3A_112 = arith.andi %get3A_102, %and3A_111 : vector<16xi32>
      %convert_element_type3A_113 = arith.sitofp %unique3A_106 : vector<16xi32> to vector<16xf32>
      tpu.vector_store_idx %arg4[%shift_right_logical3A_109, %and3A_112], %convert_element_type3A_113 masked %unique3A_105 {add = true} : memref<80x128xf32, #tpu.memory_space<vmem>>[vector<16xi32>, vector<16xi32>], vector<16xf32>, vector<16xi1>
      %get3A_114 = arith.constant 0 : i32
      %get3A_115 = arith.index_cast %get3A_114 : i32 to index
      %get3A_116 = arith.constant 32 : index
      %get3A_117 = tpu.vector_load %arg5[%get3A_115, %get3A_116] {strides = array<i32>} : memref<4x128xi32, #tpu.memory_space<vmem>>, vector<16xi32>,
      %broadcast_in_dim3A_118 = arith.constant true
      %broadcast_in_dim3A_119 = vector.broadcast %broadcast_in_dim3A_118 : i1 to vector<16xi1>
      %unique3A_120, %unique3A_121 = tpu.scan_count mask(%broadcast_in_dim3A_119 : vector<16xi1>) value(%get3A_117 : vector<16xi32>) : vector<16xi1>, vector<16xi32>
      %shift_right_logical3A_122 = arith.constant 7 : i32
      %shift_right_logical3A_123 = vector.broadcast %shift_right_logical3A_122 : i32 to vector<16xi32>
      %shift_right_logical3A_124 = arith.shrui %get3A_117, %shift_right_logical3A_123 : vector<16xi32>
      %and3A_125 = arith.constant 127 : i32
      %and3A_126 = vector.broadcast %and3A_125 : i32 to vector<16xi32>
      %and3A_127 = arith.andi %get3A_117, %and3A_126 : vector<16xi32>
      %convert_element_type3A_128 = arith.sitofp %unique3A_121 : vector<16xi32> to vector<16xf32>
      tpu.vector_store_idx %arg4[%shift_right_logical3A_124, %and3A_127], %convert_element_type3A_128 masked %unique3A_120 {add = true} : memref<80x128xf32, #tpu.memory_space<vmem>>[vector<16xi32>, vector<16xi32>], vector<16xf32>, vector<16xi1>
      %get3A_129 = arith.constant 0 : i32
      %get3A_130 = arith.index_cast %get3A_129 : i32 to index
      %get3A_131 = arith.constant 48 : index
      %get3A_132 = tpu.vector_load %arg5[%get3A_130, %get3A_131] {strides = array<i32>} : memref<4x128xi32, #tpu.memory_space<vmem>>, vector<16xi32>,
      %broadcast_in_dim3A_133 = arith.constant true
      %broadcast_in_dim3A_134 = vector.broadcast %broadcast_in_dim3A_133 : i1 to vector<16xi1>
      %unique3A_135, %unique3A_136 = tpu.scan_count mask(%broadcast_in_dim3A_134 : vector<16xi1>) value(%get3A_132 : vector<16xi32>) : vector<16xi1>, vector<16xi32>
      %shift_right_logical3A_137 = arith.constant 7 : i32
      %shift_right_logical3A_138 = vector.broadcast %shift_right_logical3A_137 : i32 to vector<16xi32>
      %shift_right_logical3A_139 = arith.shrui %get3A_132, %shift_right_logical3A_138 : vector<16xi32>
      %and3A_140 = arith.constant 127 : i32
      %and3A_141 = vector.broadcast %and3A_140 : i32 to vector<16xi32>
      %and3A_142 = arith.andi %get3A_132, %and3A_141 : vector<16xi32>
      %convert_element_type3A_143 = arith.sitofp %unique3A_136 : vector<16xi32> to vector<16xf32>
      tpu.vector_store_idx %arg4[%shift_right_logical3A_139, %and3A_142], %convert_element_type3A_143 masked %unique3A_135 {add = true} : memref<80x128xf32, #tpu.memory_space<vmem>>[vector<16xi32>, vector<16xi32>], vector<16xf32>, vector<16xi1>
      %get3A_144 = arith.constant 0 : i32
      %get3A_145 = arith.index_cast %get3A_144 : i32 to index
      %get3A_146 = arith.constant 64 : index
      %get3A_147 = tpu.vector_load %arg5[%get3A_145, %get3A_146] {strides = array<i32>} : memref<4x128xi32, #tpu.memory_space<vmem>>, vector<16xi32>,
      %broadcast_in_dim3A_148 = arith.constant true
      %broadcast_in_dim3A_149 = vector.broadcast %broadcast_in_dim3A_148 : i1 to vector<16xi1>
      %unique3A_150, %unique3A_151 = tpu.scan_count mask(%broadcast_in_dim3A_149 : vector<16xi1>) value(%get3A_147 : vector<16xi32>) : vector<16xi1>, vector<16xi32>
      %shift_right_logical3A_152 = arith.constant 7 : i32
      %shift_right_logical3A_153 = vector.broadcast %shift_right_logical3A_152 : i32 to vector<16xi32>
      %shift_right_logical3A_154 = arith.shrui %get3A_147, %shift_right_logical3A_153 : vector<16xi32>
      %and3A_155 = arith.constant 127 : i32
      %and3A_156 = vector.broadcast %and3A_155 : i32 to vector<16xi32>
      %and3A_157 = arith.andi %get3A_147, %and3A_156 : vector<16xi32>
      %convert_element_type3A_158 = arith.sitofp %unique3A_151 : vector<16xi32> to vector<16xf32>
      tpu.vector_store_idx %arg4[%shift_right_logical3A_154, %and3A_157], %convert_element_type3A_158 masked %unique3A_150 {add = true} : memref<80x128xf32, #tpu.memory_space<vmem>>[vector<16xi32>, vector<16xi32>], vector<16xf32>, vector<16xi1>
      %get3A_159 = arith.constant 0 : i32
      %get3A_160 = arith.index_cast %get3A_159 : i32 to index
      %get3A_161 = arith.constant 80 : index
      %get3A_162 = tpu.vector_load %arg5[%get3A_160, %get3A_161] {strides = array<i32>} : memref<4x128xi32, #tpu.memory_space<vmem>>, vector<16xi32>,
      %broadcast_in_dim3A_163 = arith.constant true
      %broadcast_in_dim3A_164 = vector.broadcast %broadcast_in_dim3A_163 : i1 to vector<16xi1>
      %unique3A_165, %unique3A_166 = tpu.scan_count mask(%broadcast_in_dim3A_164 : vector<16xi1>) value(%get3A_162 : vector<16xi32>) : vector<16xi1>, vector<16xi32>
      %shift_right_logical3A_167 = arith.constant 7 : i32
      %shift_right_logical3A_168 = vector.broadcast %shift_right_logical3A_167 : i32 to vector<16xi32>
      %shift_right_logical3A_169 = arith.shrui %get3A_162, %shift_right_logical3A_168 : vector<16xi32>
      %and3A_170 = arith.constant 127 : i32
      %and3A_171 = vector.broadcast %and3A_170 : i32 to vector<16xi32>
      %and3A_172 = arith.andi %get3A_162, %and3A_171 : vector<16xi32>
      %convert_element_type3A_173 = arith.sitofp %unique3A_166 : vector<16xi32> to vector<16xf32>
      tpu.vector_store_idx %arg4[%shift_right_logical3A_169, %and3A_172], %convert_element_type3A_173 masked %unique3A_165 {add = true} : memref<80x128xf32, #tpu.memory_space<vmem>>[vector<16xi32>, vector<16xi32>], vector<16xf32>, vector<16xi1>
      %get3A_174 = arith.constant 0 : i32
      %get3A_175 = arith.index_cast %get3A_174 : i32 to index
      %get3A_176 = arith.constant 96 : index
      %get3A_177 = tpu.vector_load %arg5[%get3A_175, %get3A_176] {strides = array<i32>} : memref<4x128xi32, #tpu.memory_space<vmem>>, vector<16xi32>,
      %broadcast_in_dim3A_178 = arith.constant true
      %broadcast_in_dim3A_179 = vector.broadcast %broadcast_in_dim3A_178 : i1 to vector<16xi1>
      %unique3A_180, %unique3A_181 = tpu.scan_count mask(%broadcast_in_dim3A_179 : vector<16xi1>) value(%get3A_177 : vector<16xi32>) : vector<16xi1>, vector<16xi32>
      %shift_right_logical3A_182 = arith.constant 7 : i32
      %shift_right_logical3A_183 = vector.broadcast %shift_right_logical3A_182 : i32 to vector<16xi32>
      %shift_right_logical3A_184 = arith.shrui %get3A_177, %shift_right_logical3A_183 : vector<16xi32>
      %and3A_185 = arith.constant 127 : i32
      %and3A_186 = vector.broadcast %and3A_185 : i32 to vector<16xi32>
      %and3A_187 = arith.andi %get3A_177, %and3A_186 : vector<16xi32>
      %convert_element_type3A_188 = arith.sitofp %unique3A_181 : vector<16xi32> to vector<16xf32>
      tpu.vector_store_idx %arg4[%shift_right_logical3A_184, %and3A_187], %convert_element_type3A_188 masked %unique3A_180 {add = true} : memref<80x128xf32, #tpu.memory_space<vmem>>[vector<16xi32>, vector<16xi32>], vector<16xf32>, vector<16xi1>
      %get3A_189 = arith.constant 0 : i32
      %get3A_190 = arith.index_cast %get3A_189 : i32 to index
      %get3A_191 = arith.constant 112 : index
      %get3A_192 = tpu.vector_load %arg5[%get3A_190, %get3A_191] {strides = array<i32>} : memref<4x128xi32, #tpu.memory_space<vmem>>, vector<16xi32>,
      %broadcast_in_dim3A_193 = arith.constant true
      %broadcast_in_dim3A_194 = vector.broadcast %broadcast_in_dim3A_193 : i1 to vector<16xi1>
      %unique3A_195, %unique3A_196 = tpu.scan_count mask(%broadcast_in_dim3A_194 : vector<16xi1>) value(%get3A_192 : vector<16xi32>) : vector<16xi1>, vector<16xi32>
      %shift_right_logical3A_197 = arith.constant 7 : i32
      %shift_right_logical3A_198 = vector.broadcast %shift_right_logical3A_197 : i32 to vector<16xi32>
      %shift_right_logical3A_199 = arith.shrui %get3A_192, %shift_right_logical3A_198 : vector<16xi32>
      %and3A_200 = arith.constant 127 : i32
      %and3A_201 = vector.broadcast %and3A_200 : i32 to vector<16xi32>
      %and3A_202 = arith.andi %get3A_192, %and3A_201 : vector<16xi32>
      %convert_element_type3A_203 = arith.sitofp %unique3A_196 : vector<16xi32> to vector<16xf32>
      tpu.vector_store_idx %arg4[%shift_right_logical3A_199, %and3A_202], %convert_element_type3A_203 masked %unique3A_195 {add = true} : memref<80x128xf32, #tpu.memory_space<vmem>>[vector<16xi32>, vector<16xi32>], vector<16xf32>, vector<16xi1>
      %add3A_204 = arith.constant 4 : i32
      %add3A_205 = arith.addi %add3A_75, %add3A_204 : i32
      %lt3A = arith.constant 80 : i32
      %lt3A_206 = arith.cmpi slt, %add3A_205, %lt3A : i32
      %convert_element_type3A_207 = arith.extui %lt3A_206 : i1 to i32
      %cond3A = arith.constant 0 : i32
      %cond3A_208 = arith.cmpi ne, %convert_element_type3A_207, %cond3A : i32
      scf.if %cond3A_208 {
        %add3A_647 = arith.constant 4 : i32
        %add3A_648 = arith.addi %add3A_75, %add3A_647 : i32
        %mul3A_649 = arith.constant 128 : i32
        %mul3A_650 = arith.muli %add3A_648, %mul3A_649 : i32
        %add3A_651 = arith.addi %mul3A_6, %mul3A_650 : i32
        %dma_start3A_652 = arith.constant 0 : i32
        %dma_start3A_653 = arith.constant 0 : i32
        %dma_start3A_654 = arith.constant 0 : i32
        %dma_start3A_655 = tpu.memref_slice %arg5[%dma_start3A_652, %dma_start3A_654] : memref<4x128xi32, #tpu.memory_space<vmem>> -> memref<1x128xi32, #tpu.memory_space<vmem>>
        %dma_start3A_656 = tpu.memref_squeeze %dma_start3A_655 : memref<1x128xi32, #tpu.memory_space<vmem>> -> memref<128xi32, #tpu.memory_space<vmem>>
        %dma_start3A_657 = tpu.memref_slice %arg2[%add3A_651] : memref<327680xi32, #tpu.memory_space<hbm>> -> memref<128xi32, #tpu.memory_space<hbm>>
        %dma_start3A_658 = tpu.memref_slice %arg6[%dma_start3A_653] : memref<4x!tpu.dma_semaphore, #tpu.memory_space<semaphore_mem>> -> memref<1x!tpu.dma_semaphore, #tpu.memory_space<semaphore_mem>>
        %dma_start3A_659 = tpu.memref_squeeze %dma_start3A_658 : memref<1x!tpu.dma_semaphore, #tpu.memory_space<semaphore_mem>> -> memref<!tpu.dma_semaphore, #tpu.memory_space<semaphore_mem>>
        %dma_start3A_660 = arith.constant 0 : i32
        %dma_start3A_661 = tpu.memref_slice %arg5[%dma_start3A_652, %dma_start3A_660] : memref<4x128xi32, #tpu.memory_space<vmem>> -> memref<1x128xi32, #tpu.memory_space<vmem>>
        %dma_start3A_662 = tpu.memref_squeeze %dma_start3A_661 : memref<1x128xi32, #tpu.memory_space<vmem>> -> memref<128xi32, #tpu.memory_space<vmem>>
        %dma_start3A_663 = tpu.memref_slice %arg2[%add3A_651] : memref<327680xi32, #tpu.memory_space<hbm>> -> memref<128xi32, #tpu.memory_space<hbm>>
        tpu.enqueue_dma source(%dma_start3A_663 : memref<128xi32, #tpu.memory_space<hbm>>) target(%dma_start3A_662 : memref<128xi32, #tpu.memory_space<vmem>>) target_semaphore(%dma_start3A_659 : memref<!tpu.dma_semaphore, #tpu.memory_space<semaphore_mem>>)
      } else {
      }
      %mul3A_209 = arith.constant 4 : i32
      %mul3A_210 = arith.muli %add3A_71, %mul3A_209 : i32
      %add3A_211 = arith.constant 1 : i32
      %add3A_212 = arith.addi %mul3A_210, %add3A_211 : i32
      %mul3A_213 = arith.constant 128 : i32
      %mul3A_214 = arith.muli %add3A_212, %mul3A_213 : i32
      %add3A_215 = arith.addi %mul3A_6, %mul3A_214 : i32
      %dma_wait3A_216 = arith.constant 1 : i32
      %dma_wait3A_217 = arith.constant 1 : i32
      %dma_wait3A_218 = arith.constant 0 : i32
      %dma_wait3A_219 = tpu.memref_slice %arg5[%dma_wait3A_216, %dma_wait3A_218] : memref<4x128xi32, #tpu.memory_space<vmem>> -> memref<1x128xi32, #tpu.memory_space<vmem>>
      %dma_wait3A_220 = tpu.memref_squeeze %dma_wait3A_219 : memref<1x128xi32, #tpu.memory_space<vmem>> -> memref<128xi32, #tpu.memory_space<vmem>>
      %dma_wait3A_221 = tpu.memref_slice %arg2[%add3A_215] : memref<327680xi32, #tpu.memory_space<hbm>> -> memref<128xi32, #tpu.memory_space<hbm>>
      %dma_wait3A_222 = tpu.memref_slice %arg6[%dma_wait3A_217] : memref<4x!tpu.dma_semaphore, #tpu.memory_space<semaphore_mem>> -> memref<1x!tpu.dma_semaphore, #tpu.memory_space<semaphore_mem>>
      %dma_wait3A_223 = tpu.memref_squeeze %dma_wait3A_222 : memref<1x!tpu.dma_semaphore, #tpu.memory_space<semaphore_mem>> -> memref<!tpu.dma_semaphore, #tpu.memory_space<semaphore_mem>>
      %dma_wait3A_224 = arith.constant 0 : i32
      %dma_wait3A_225 = tpu.memref_slice %arg5[%dma_wait3A_216, %dma_wait3A_224] : memref<4x128xi32, #tpu.memory_space<vmem>> -> memref<1x128xi32, #tpu.memory_space<vmem>>
      %dma_wait3A_226 = tpu.memref_squeeze %dma_wait3A_225 : memref<1x128xi32, #tpu.memory_space<vmem>> -> memref<128xi32, #tpu.memory_space<vmem>>
      %dma_wait3A_227 = tpu.memref_slice %arg2[%add3A_215] : memref<327680xi32, #tpu.memory_space<hbm>> -> memref<128xi32, #tpu.memory_space<hbm>>
      tpu.wait_dma2 semaphore(%dma_wait3A_223 : memref<!tpu.dma_semaphore, #tpu.memory_space<semaphore_mem>>) src(%dma_wait3A_227 : memref<128xi32, #tpu.memory_space<hbm>>) dst(%dma_wait3A_226 : memref<128xi32, #tpu.memory_space<vmem>>)
      %get3A_228 = arith.constant 1 : i32
      %get3A_229 = arith.index_cast %get3A_228 : i32 to index
      %get3A_230 = arith.constant 0 : index
      %get3A_231 = tpu.vector_load %arg5[%get3A_229, %get3A_230] {strides = array<i32>} : memref<4x128xi32, #tpu.memory_space<vmem>>, vector<16xi32>,
      %broadcast_in_dim3A_232 = arith.constant true
      %broadcast_in_dim3A_233 = vector.broadcast %broadcast_in_dim3A_232 : i1 to vector<16xi1>
      %unique3A_234, %unique3A_235 = tpu.scan_count mask(%broadcast_in_dim3A_233 : vector<16xi1>) value(%get3A_231 : vector<16xi32>) : vector<16xi1>, vector<16xi32>
      %shift_right_logical3A_236 = arith.constant 7 : i32
      %shift_right_logical3A_237 = vector.broadcast %shift_right_logical3A_236 : i32 to vector<16xi32>
      %shift_right_logical3A_238 = arith.shrui %get3A_231, %shift_right_logical3A_237 : vector<16xi32>
      %and3A_239 = arith.constant 127 : i32
      %and3A_240 = vector.broadcast %and3A_239 : i32 to vector<16xi32>
      %and3A_241 = arith.andi %get3A_231, %and3A_240 : vector<16xi32>
      %convert_element_type3A_242 = arith.sitofp %unique3A_235 : vector<16xi32> to vector<16xf32>
      tpu.vector_store_idx %arg4[%shift_right_logical3A_238, %and3A_241], %convert_element_type3A_242 masked %unique3A_234 {add = true} : memref<80x128xf32, #tpu.memory_space<vmem>>[vector<16xi32>, vector<16xi32>], vector<16xf32>, vector<16xi1>
      %get3A_243 = arith.constant 1 : i32
      %get3A_244 = arith.index_cast %get3A_243 : i32 to index
      %get3A_245 = arith.constant 16 : index
      %get3A_246 = tpu.vector_load %arg5[%get3A_244, %get3A_245] {strides = array<i32>} : memref<4x128xi32, #tpu.memory_space<vmem>>, vector<16xi32>,
      %broadcast_in_dim3A_247 = arith.constant true
      %broadcast_in_dim3A_248 = vector.broadcast %broadcast_in_dim3A_247 : i1 to vector<16xi1>
      %unique3A_249, %unique3A_250 = tpu.scan_count mask(%broadcast_in_dim3A_248 : vector<16xi1>) value(%get3A_246 : vector<16xi32>) : vector<16xi1>, vector<16xi32>
      %shift_right_logical3A_251 = arith.constant 7 : i32
      %shift_right_logical3A_252 = vector.broadcast %shift_right_logical3A_251 : i32 to vector<16xi32>
      %shift_right_logical3A_253 = arith.shrui %get3A_246, %shift_right_logical3A_252 : vector<16xi32>
      %and3A_254 = arith.constant 127 : i32
      %and3A_255 = vector.broadcast %and3A_254 : i32 to vector<16xi32>
      %and3A_256 = arith.andi %get3A_246, %and3A_255 : vector<16xi32>
      %convert_element_type3A_257 = arith.sitofp %unique3A_250 : vector<16xi32> to vector<16xf32>
      tpu.vector_store_idx %arg4[%shift_right_logical3A_253, %and3A_256], %convert_element_type3A_257 masked %unique3A_249 {add = true} : memref<80x128xf32, #tpu.memory_space<vmem>>[vector<16xi32>, vector<16xi32>], vector<16xf32>, vector<16xi1>
      %get3A_258 = arith.constant 1 : i32
      %get3A_259 = arith.index_cast %get3A_258 : i32 to index
      %get3A_260 = arith.constant 32 : index
      %get3A_261 = tpu.vector_load %arg5[%get3A_259, %get3A_260] {strides = array<i32>} : memref<4x128xi32, #tpu.memory_space<vmem>>, vector<16xi32>,
      %broadcast_in_dim3A_262 = arith.constant true
      %broadcast_in_dim3A_263 = vector.broadcast %broadcast_in_dim3A_262 : i1 to vector<16xi1>
      %unique3A_264, %unique3A_265 = tpu.scan_count mask(%broadcast_in_dim3A_263 : vector<16xi1>) value(%get3A_261 : vector<16xi32>) : vector<16xi1>, vector<16xi32>
      %shift_right_logical3A_266 = arith.constant 7 : i32
      %shift_right_logical3A_267 = vector.broadcast %shift_right_logical3A_266 : i32 to vector<16xi32>
      %shift_right_logical3A_268 = arith.shrui %get3A_261, %shift_right_logical3A_267 : vector<16xi32>
      %and3A_269 = arith.constant 127 : i32
      %and3A_270 = vector.broadcast %and3A_269 : i32 to vector<16xi32>
      %and3A_271 = arith.andi %get3A_261, %and3A_270 : vector<16xi32>
      %convert_element_type3A_272 = arith.sitofp %unique3A_265 : vector<16xi32> to vector<16xf32>
      tpu.vector_store_idx %arg4[%shift_right_logical3A_268, %and3A_271], %convert_element_type3A_272 masked %unique3A_264 {add = true} : memref<80x128xf32, #tpu.memory_space<vmem>>[vector<16xi32>, vector<16xi32>], vector<16xf32>, vector<16xi1>
      %get3A_273 = arith.constant 1 : i32
      %get3A_274 = arith.index_cast %get3A_273 : i32 to index
      %get3A_275 = arith.constant 48 : index
      %get3A_276 = tpu.vector_load %arg5[%get3A_274, %get3A_275] {strides = array<i32>} : memref<4x128xi32, #tpu.memory_space<vmem>>, vector<16xi32>,
      %broadcast_in_dim3A_277 = arith.constant true
      %broadcast_in_dim3A_278 = vector.broadcast %broadcast_in_dim3A_277 : i1 to vector<16xi1>
      %unique3A_279, %unique3A_280 = tpu.scan_count mask(%broadcast_in_dim3A_278 : vector<16xi1>) value(%get3A_276 : vector<16xi32>) : vector<16xi1>, vector<16xi32>
      %shift_right_logical3A_281 = arith.constant 7 : i32
      %shift_right_logical3A_282 = vector.broadcast %shift_right_logical3A_281 : i32 to vector<16xi32>
      %shift_right_logical3A_283 = arith.shrui %get3A_276, %shift_right_logical3A_282 : vector<16xi32>
      %and3A_284 = arith.constant 127 : i32
      %and3A_285 = vector.broadcast %and3A_284 : i32 to vector<16xi32>
      %and3A_286 = arith.andi %get3A_276, %and3A_285 : vector<16xi32>
      %convert_element_type3A_287 = arith.sitofp %unique3A_280 : vector<16xi32> to vector<16xf32>
      tpu.vector_store_idx %arg4[%shift_right_logical3A_283, %and3A_286], %convert_element_type3A_287 masked %unique3A_279 {add = true} : memref<80x128xf32, #tpu.memory_space<vmem>>[vector<16xi32>, vector<16xi32>], vector<16xf32>, vector<16xi1>
      %get3A_288 = arith.constant 1 : i32
      %get3A_289 = arith.index_cast %get3A_288 : i32 to index
      %get3A_290 = arith.constant 64 : index
      %get3A_291 = tpu.vector_load %arg5[%get3A_289, %get3A_290] {strides = array<i32>} : memref<4x128xi32, #tpu.memory_space<vmem>>, vector<16xi32>,
      %broadcast_in_dim3A_292 = arith.constant true
      %broadcast_in_dim3A_293 = vector.broadcast %broadcast_in_dim3A_292 : i1 to vector<16xi1>
      %unique3A_294, %unique3A_295 = tpu.scan_count mask(%broadcast_in_dim3A_293 : vector<16xi1>) value(%get3A_291 : vector<16xi32>) : vector<16xi1>, vector<16xi32>
      %shift_right_logical3A_296 = arith.constant 7 : i32
      %shift_right_logical3A_297 = vector.broadcast %shift_right_logical3A_296 : i32 to vector<16xi32>
      %shift_right_logical3A_298 = arith.shrui %get3A_291, %shift_right_logical3A_297 : vector<16xi32>
      %and3A_299 = arith.constant 127 : i32
      %and3A_300 = vector.broadcast %and3A_299 : i32 to vector<16xi32>
      %and3A_301 = arith.andi %get3A_291, %and3A_300 : vector<16xi32>
      %convert_element_type3A_302 = arith.sitofp %unique3A_295 : vector<16xi32> to vector<16xf32>
      tpu.vector_store_idx %arg4[%shift_right_logical3A_298, %and3A_301], %convert_element_type3A_302 masked %unique3A_294 {add = true} : memref<80x128xf32, #tpu.memory_space<vmem>>[vector<16xi32>, vector<16xi32>], vector<16xf32>, vector<16xi1>
      %get3A_303 = arith.constant 1 : i32
      %get3A_304 = arith.index_cast %get3A_303 : i32 to index
      %get3A_305 = arith.constant 80 : index
      %get3A_306 = tpu.vector_load %arg5[%get3A_304, %get3A_305] {strides = array<i32>} : memref<4x128xi32, #tpu.memory_space<vmem>>, vector<16xi32>,
      %broadcast_in_dim3A_307 = arith.constant true
      %broadcast_in_dim3A_308 = vector.broadcast %broadcast_in_dim3A_307 : i1 to vector<16xi1>
      %unique3A_309, %unique3A_310 = tpu.scan_count mask(%broadcast_in_dim3A_308 : vector<16xi1>) value(%get3A_306 : vector<16xi32>) : vector<16xi1>, vector<16xi32>
      %shift_right_logical3A_311 = arith.constant 7 : i32
      %shift_right_logical3A_312 = vector.broadcast %shift_right_logical3A_311 : i32 to vector<16xi32>
      %shift_right_logical3A_313 = arith.shrui %get3A_306, %shift_right_logical3A_312 : vector<16xi32>
      %and3A_314 = arith.constant 127 : i32
      %and3A_315 = vector.broadcast %and3A_314 : i32 to vector<16xi32>
      %and3A_316 = arith.andi %get3A_306, %and3A_315 : vector<16xi32>
      %convert_element_type3A_317 = arith.sitofp %unique3A_310 : vector<16xi32> to vector<16xf32>
      tpu.vector_store_idx %arg4[%shift_right_logical3A_313, %and3A_316], %convert_element_type3A_317 masked %unique3A_309 {add = true} : memref<80x128xf32, #tpu.memory_space<vmem>>[vector<16xi32>, vector<16xi32>], vector<16xf32>, vector<16xi1>
      %get3A_318 = arith.constant 1 : i32
      %get3A_319 = arith.index_cast %get3A_318 : i32 to index
      %get3A_320 = arith.constant 96 : index
      %get3A_321 = tpu.vector_load %arg5[%get3A_319, %get3A_320] {strides = array<i32>} : memref<4x128xi32, #tpu.memory_space<vmem>>, vector<16xi32>,
      %broadcast_in_dim3A_322 = arith.constant true
      %broadcast_in_dim3A_323 = vector.broadcast %broadcast_in_dim3A_322 : i1 to vector<16xi1>
      %unique3A_324, %unique3A_325 = tpu.scan_count mask(%broadcast_in_dim3A_323 : vector<16xi1>) value(%get3A_321 : vector<16xi32>) : vector<16xi1>, vector<16xi32>
      %shift_right_logical3A_326 = arith.constant 7 : i32
      %shift_right_logical3A_327 = vector.broadcast %shift_right_logical3A_326 : i32 to vector<16xi32>
      %shift_right_logical3A_328 = arith.shrui %get3A_321, %shift_right_logical3A_327 : vector<16xi32>
      %and3A_329 = arith.constant 127 : i32
      %and3A_330 = vector.broadcast %and3A_329 : i32 to vector<16xi32>
      %and3A_331 = arith.andi %get3A_321, %and3A_330 : vector<16xi32>
      %convert_element_type3A_332 = arith.sitofp %unique3A_325 : vector<16xi32> to vector<16xf32>
      tpu.vector_store_idx %arg4[%shift_right_logical3A_328, %and3A_331], %convert_element_type3A_332 masked %unique3A_324 {add = true} : memref<80x128xf32, #tpu.memory_space<vmem>>[vector<16xi32>, vector<16xi32>], vector<16xf32>, vector<16xi1>
      %get3A_333 = arith.constant 1 : i32
      %get3A_334 = arith.index_cast %get3A_333 : i32 to index
      %get3A_335 = arith.constant 112 : index
      %get3A_336 = tpu.vector_load %arg5[%get3A_334, %get3A_335] {strides = array<i32>} : memref<4x128xi32, #tpu.memory_space<vmem>>, vector<16xi32>,
      %broadcast_in_dim3A_337 = arith.constant true
      %broadcast_in_dim3A_338 = vector.broadcast %broadcast_in_dim3A_337 : i1 to vector<16xi1>
      %unique3A_339, %unique3A_340 = tpu.scan_count mask(%broadcast_in_dim3A_338 : vector<16xi1>) value(%get3A_336 : vector<16xi32>) : vector<16xi1>, vector<16xi32>
      %shift_right_logical3A_341 = arith.constant 7 : i32
      %shift_right_logical3A_342 = vector.broadcast %shift_right_logical3A_341 : i32 to vector<16xi32>
      %shift_right_logical3A_343 = arith.shrui %get3A_336, %shift_right_logical3A_342 : vector<16xi32>
      %and3A_344 = arith.constant 127 : i32
      %and3A_345 = vector.broadcast %and3A_344 : i32 to vector<16xi32>
      %and3A_346 = arith.andi %get3A_336, %and3A_345 : vector<16xi32>
      %convert_element_type3A_347 = arith.sitofp %unique3A_340 : vector<16xi32> to vector<16xf32>
      tpu.vector_store_idx %arg4[%shift_right_logical3A_343, %and3A_346], %convert_element_type3A_347 masked %unique3A_339 {add = true} : memref<80x128xf32, #tpu.memory_space<vmem>>[vector<16xi32>, vector<16xi32>], vector<16xf32>, vector<16xi1>
      %add3A_348 = arith.constant 4 : i32
      %add3A_349 = arith.addi %add3A_212, %add3A_348 : i32
      %lt3A_350 = arith.constant 80 : i32
      %lt3A_351 = arith.cmpi slt, %add3A_349, %lt3A_350 : i32
      %convert_element_type3A_352 = arith.extui %lt3A_351 : i1 to i32
      %cond3A_353 = arith.constant 0 : i32
      %cond3A_354 = arith.cmpi ne, %convert_element_type3A_352, %cond3A_353 : i32
      scf.if %cond3A_354 {
        %add3A_647 = arith.constant 4 : i32
        %add3A_648 = arith.addi %add3A_212, %add3A_647 : i32
        %mul3A_649 = arith.constant 128 : i32
        %mul3A_650 = arith.muli %add3A_648, %mul3A_649 : i32
        %add3A_651 = arith.addi %mul3A_6, %mul3A_650 : i32
        %dma_start3A_652 = arith.constant 1 : i32
        %dma_start3A_653 = arith.constant 1 : i32
        %dma_start3A_654 = arith.constant 0 : i32
        %dma_start3A_655 = tpu.memref_slice %arg5[%dma_start3A_652, %dma_start3A_654] : memref<4x128xi32, #tpu.memory_space<vmem>> -> memref<1x128xi32, #tpu.memory_space<vmem>>
        %dma_start3A_656 = tpu.memref_squeeze %dma_start3A_655 : memref<1x128xi32, #tpu.memory_space<vmem>> -> memref<128xi32, #tpu.memory_space<vmem>>
        %dma_start3A_657 = tpu.memref_slice %arg2[%add3A_651] : memref<327680xi32, #tpu.memory_space<hbm>> -> memref<128xi32, #tpu.memory_space<hbm>>
        %dma_start3A_658 = tpu.memref_slice %arg6[%dma_start3A_653] : memref<4x!tpu.dma_semaphore, #tpu.memory_space<semaphore_mem>> -> memref<1x!tpu.dma_semaphore, #tpu.memory_space<semaphore_mem>>
        %dma_start3A_659 = tpu.memref_squeeze %dma_start3A_658 : memref<1x!tpu.dma_semaphore, #tpu.memory_space<semaphore_mem>> -> memref<!tpu.dma_semaphore, #tpu.memory_space<semaphore_mem>>
        %dma_start3A_660 = arith.constant 0 : i32
        %dma_start3A_661 = tpu.memref_slice %arg5[%dma_start3A_652, %dma_start3A_660] : memref<4x128xi32, #tpu.memory_space<vmem>> -> memref<1x128xi32, #tpu.memory_space<vmem>>
        %dma_start3A_662 = tpu.memref_squeeze %dma_start3A_661 : memref<1x128xi32, #tpu.memory_space<vmem>> -> memref<128xi32, #tpu.memory_space<vmem>>
        %dma_start3A_663 = tpu.memref_slice %arg2[%add3A_651] : memref<327680xi32, #tpu.memory_space<hbm>> -> memref<128xi32, #tpu.memory_space<hbm>>
        tpu.enqueue_dma source(%dma_start3A_663 : memref<128xi32, #tpu.memory_space<hbm>>) target(%dma_start3A_662 : memref<128xi32, #tpu.memory_space<vmem>>) target_semaphore(%dma_start3A_659 : memref<!tpu.dma_semaphore, #tpu.memory_space<semaphore_mem>>)
      } else {
      }
      %mul3A_355 = arith.constant 4 : i32
      %mul3A_356 = arith.muli %add3A_71, %mul3A_355 : i32
      %add3A_357 = arith.constant 2 : i32
      %add3A_358 = arith.addi %mul3A_356, %add3A_357 : i32
      %mul3A_359 = arith.constant 128 : i32
      %mul3A_360 = arith.muli %add3A_358, %mul3A_359 : i32
      %add3A_361 = arith.addi %mul3A_6, %mul3A_360 : i32
      %dma_wait3A_362 = arith.constant 2 : i32
      %dma_wait3A_363 = arith.constant 2 : i32
      %dma_wait3A_364 = arith.constant 0 : i32
      %dma_wait3A_365 = tpu.memref_slice %arg5[%dma_wait3A_362, %dma_wait3A_364] : memref<4x128xi32, #tpu.memory_space<vmem>> -> memref<1x128xi32, #tpu.memory_space<vmem>>
      %dma_wait3A_366 = tpu.memref_squeeze %dma_wait3A_365 : memref<1x128xi32, #tpu.memory_space<vmem>> -> memref<128xi32, #tpu.memory_space<vmem>>
      %dma_wait3A_367 = tpu.memref_slice %arg2[%add3A_361] : memref<327680xi32, #tpu.memory_space<hbm>> -> memref<128xi32, #tpu.memory_space<hbm>>
      %dma_wait3A_368 = tpu.memref_slice %arg6[%dma_wait3A_363] : memref<4x!tpu.dma_semaphore, #tpu.memory_space<semaphore_mem>> -> memref<1x!tpu.dma_semaphore, #tpu.memory_space<semaphore_mem>>
      %dma_wait3A_369 = tpu.memref_squeeze %dma_wait3A_368 : memref<1x!tpu.dma_semaphore, #tpu.memory_space<semaphore_mem>> -> memref<!tpu.dma_semaphore, #tpu.memory_space<semaphore_mem>>
      %dma_wait3A_370 = arith.constant 0 : i32
      %dma_wait3A_371 = tpu.memref_slice %arg5[%dma_wait3A_362, %dma_wait3A_370] : memref<4x128xi32, #tpu.memory_space<vmem>> -> memref<1x128xi32, #tpu.memory_space<vmem>>
      %dma_wait3A_372 = tpu.memref_squeeze %dma_wait3A_371 : memref<1x128xi32, #tpu.memory_space<vmem>> -> memref<128xi32, #tpu.memory_space<vmem>>
      %dma_wait3A_373 = tpu.memref_slice %arg2[%add3A_361] : memref<327680xi32, #tpu.memory_space<hbm>> -> memref<128xi32, #tpu.memory_space<hbm>>
      tpu.wait_dma2 semaphore(%dma_wait3A_369 : memref<!tpu.dma_semaphore, #tpu.memory_space<semaphore_mem>>) src(%dma_wait3A_373 : memref<128xi32, #tpu.memory_space<hbm>>) dst(%dma_wait3A_372 : memref<128xi32, #tpu.memory_space<vmem>>)
      %get3A_374 = arith.constant 2 : i32
      %get3A_375 = arith.index_cast %get3A_374 : i32 to index
      %get3A_376 = arith.constant 0 : index
      %get3A_377 = tpu.vector_load %arg5[%get3A_375, %get3A_376] {strides = array<i32>} : memref<4x128xi32, #tpu.memory_space<vmem>>, vector<16xi32>,
      %broadcast_in_dim3A_378 = arith.constant true
      %broadcast_in_dim3A_379 = vector.broadcast %broadcast_in_dim3A_378 : i1 to vector<16xi1>
      %unique3A_380, %unique3A_381 = tpu.scan_count mask(%broadcast_in_dim3A_379 : vector<16xi1>) value(%get3A_377 : vector<16xi32>) : vector<16xi1>, vector<16xi32>
      %shift_right_logical3A_382 = arith.constant 7 : i32
      %shift_right_logical3A_383 = vector.broadcast %shift_right_logical3A_382 : i32 to vector<16xi32>
      %shift_right_logical3A_384 = arith.shrui %get3A_377, %shift_right_logical3A_383 : vector<16xi32>
      %and3A_385 = arith.constant 127 : i32
      %and3A_386 = vector.broadcast %and3A_385 : i32 to vector<16xi32>
      %and3A_387 = arith.andi %get3A_377, %and3A_386 : vector<16xi32>
      %convert_element_type3A_388 = arith.sitofp %unique3A_381 : vector<16xi32> to vector<16xf32>
      tpu.vector_store_idx %arg4[%shift_right_logical3A_384, %and3A_387], %convert_element_type3A_388 masked %unique3A_380 {add = true} : memref<80x128xf32, #tpu.memory_space<vmem>>[vector<16xi32>, vector<16xi32>], vector<16xf32>, vector<16xi1>
      %get3A_389 = arith.constant 2 : i32
      %get3A_390 = arith.index_cast %get3A_389 : i32 to index
      %get3A_391 = arith.constant 16 : index
      %get3A_392 = tpu.vector_load %arg5[%get3A_390, %get3A_391] {strides = array<i32>} : memref<4x128xi32, #tpu.memory_space<vmem>>, vector<16xi32>,
      %broadcast_in_dim3A_393 = arith.constant true
      %broadcast_in_dim3A_394 = vector.broadcast %broadcast_in_dim3A_393 : i1 to vector<16xi1>
      %unique3A_395, %unique3A_396 = tpu.scan_count mask(%broadcast_in_dim3A_394 : vector<16xi1>) value(%get3A_392 : vector<16xi32>) : vector<16xi1>, vector<16xi32>
      %shift_right_logical3A_397 = arith.constant 7 : i32
      %shift_right_logical3A_398 = vector.broadcast %shift_right_logical3A_397 : i32 to vector<16xi32>
      %shift_right_logical3A_399 = arith.shrui %get3A_392, %shift_right_logical3A_398 : vector<16xi32>
      %and3A_400 = arith.constant 127 : i32
      %and3A_401 = vector.broadcast %and3A_400 : i32 to vector<16xi32>
      %and3A_402 = arith.andi %get3A_392, %and3A_401 : vector<16xi32>
      %convert_element_type3A_403 = arith.sitofp %unique3A_396 : vector<16xi32> to vector<16xf32>
      tpu.vector_store_idx %arg4[%shift_right_logical3A_399, %and3A_402], %convert_element_type3A_403 masked %unique3A_395 {add = true} : memref<80x128xf32, #tpu.memory_space<vmem>>[vector<16xi32>, vector<16xi32>], vector<16xf32>, vector<16xi1>
      %get3A_404 = arith.constant 2 : i32
      %get3A_405 = arith.index_cast %get3A_404 : i32 to index
      %get3A_406 = arith.constant 32 : index
      %get3A_407 = tpu.vector_load %arg5[%get3A_405, %get3A_406] {strides = array<i32>} : memref<4x128xi32, #tpu.memory_space<vmem>>, vector<16xi32>,
      %broadcast_in_dim3A_408 = arith.constant true
      %broadcast_in_dim3A_409 = vector.broadcast %broadcast_in_dim3A_408 : i1 to vector<16xi1>
      %unique3A_410, %unique3A_411 = tpu.scan_count mask(%broadcast_in_dim3A_409 : vector<16xi1>) value(%get3A_407 : vector<16xi32>) : vector<16xi1>, vector<16xi32>
      %shift_right_logical3A_412 = arith.constant 7 : i32
      %shift_right_logical3A_413 = vector.broadcast %shift_right_logical3A_412 : i32 to vector<16xi32>
      %shift_right_logical3A_414 = arith.shrui %get3A_407, %shift_right_logical3A_413 : vector<16xi32>
      %and3A_415 = arith.constant 127 : i32
      %and3A_416 = vector.broadcast %and3A_415 : i32 to vector<16xi32>
      %and3A_417 = arith.andi %get3A_407, %and3A_416 : vector<16xi32>
      %convert_element_type3A_418 = arith.sitofp %unique3A_411 : vector<16xi32> to vector<16xf32>
      tpu.vector_store_idx %arg4[%shift_right_logical3A_414, %and3A_417], %convert_element_type3A_418 masked %unique3A_410 {add = true} : memref<80x128xf32, #tpu.memory_space<vmem>>[vector<16xi32>, vector<16xi32>], vector<16xf32>, vector<16xi1>
      %get3A_419 = arith.constant 2 : i32
      %get3A_420 = arith.index_cast %get3A_419 : i32 to index
      %get3A_421 = arith.constant 48 : index
      %get3A_422 = tpu.vector_load %arg5[%get3A_420, %get3A_421] {strides = array<i32>} : memref<4x128xi32, #tpu.memory_space<vmem>>, vector<16xi32>,
      %broadcast_in_dim3A_423 = arith.constant true
      %broadcast_in_dim3A_424 = vector.broadcast %broadcast_in_dim3A_423 : i1 to vector<16xi1>
      %unique3A_425, %unique3A_426 = tpu.scan_count mask(%broadcast_in_dim3A_424 : vector<16xi1>) value(%get3A_422 : vector<16xi32>) : vector<16xi1>, vector<16xi32>
      %shift_right_logical3A_427 = arith.constant 7 : i32
      %shift_right_logical3A_428 = vector.broadcast %shift_right_logical3A_427 : i32 to vector<16xi32>
      %shift_right_logical3A_429 = arith.shrui %get3A_422, %shift_right_logical3A_428 : vector<16xi32>
      %and3A_430 = arith.constant 127 : i32
      %and3A_431 = vector.broadcast %and3A_430 : i32 to vector<16xi32>
      %and3A_432 = arith.andi %get3A_422, %and3A_431 : vector<16xi32>
      %convert_element_type3A_433 = arith.sitofp %unique3A_426 : vector<16xi32> to vector<16xf32>
      tpu.vector_store_idx %arg4[%shift_right_logical3A_429, %and3A_432], %convert_element_type3A_433 masked %unique3A_425 {add = true} : memref<80x128xf32, #tpu.memory_space<vmem>>[vector<16xi32>, vector<16xi32>], vector<16xf32>, vector<16xi1>
      %get3A_434 = arith.constant 2 : i32
      %get3A_435 = arith.index_cast %get3A_434 : i32 to index
      %get3A_436 = arith.constant 64 : index
      %get3A_437 = tpu.vector_load %arg5[%get3A_435, %get3A_436] {strides = array<i32>} : memref<4x128xi32, #tpu.memory_space<vmem>>, vector<16xi32>,
      %broadcast_in_dim3A_438 = arith.constant true
      %broadcast_in_dim3A_439 = vector.broadcast %broadcast_in_dim3A_438 : i1 to vector<16xi1>
      %unique3A_440, %unique3A_441 = tpu.scan_count mask(%broadcast_in_dim3A_439 : vector<16xi1>) value(%get3A_437 : vector<16xi32>) : vector<16xi1>, vector<16xi32>
      %shift_right_logical3A_442 = arith.constant 7 : i32
      %shift_right_logical3A_443 = vector.broadcast %shift_right_logical3A_442 : i32 to vector<16xi32>
      %shift_right_logical3A_444 = arith.shrui %get3A_437, %shift_right_logical3A_443 : vector<16xi32>
      %and3A_445 = arith.constant 127 : i32
      %and3A_446 = vector.broadcast %and3A_445 : i32 to vector<16xi32>
      %and3A_447 = arith.andi %get3A_437, %and3A_446 : vector<16xi32>
      %convert_element_type3A_448 = arith.sitofp %unique3A_441 : vector<16xi32> to vector<16xf32>
      tpu.vector_store_idx %arg4[%shift_right_logical3A_444, %and3A_447], %convert_element_type3A_448 masked %unique3A_440 {add = true} : memref<80x128xf32, #tpu.memory_space<vmem>>[vector<16xi32>, vector<16xi32>], vector<16xf32>, vector<16xi1>
      %get3A_449 = arith.constant 2 : i32
      %get3A_450 = arith.index_cast %get3A_449 : i32 to index
      %get3A_451 = arith.constant 80 : index
      %get3A_452 = tpu.vector_load %arg5[%get3A_450, %get3A_451] {strides = array<i32>} : memref<4x128xi32, #tpu.memory_space<vmem>>, vector<16xi32>,
      %broadcast_in_dim3A_453 = arith.constant true
      %broadcast_in_dim3A_454 = vector.broadcast %broadcast_in_dim3A_453 : i1 to vector<16xi1>
      %unique3A_455, %unique3A_456 = tpu.scan_count mask(%broadcast_in_dim3A_454 : vector<16xi1>) value(%get3A_452 : vector<16xi32>) : vector<16xi1>, vector<16xi32>
      %shift_right_logical3A_457 = arith.constant 7 : i32
      %shift_right_logical3A_458 = vector.broadcast %shift_right_logical3A_457 : i32 to vector<16xi32>
      %shift_right_logical3A_459 = arith.shrui %get3A_452, %shift_right_logical3A_458 : vector<16xi32>
      %and3A_460 = arith.constant 127 : i32
      %and3A_461 = vector.broadcast %and3A_460 : i32 to vector<16xi32>
      %and3A_462 = arith.andi %get3A_452, %and3A_461 : vector<16xi32>
      %convert_element_type3A_463 = arith.sitofp %unique3A_456 : vector<16xi32> to vector<16xf32>
      tpu.vector_store_idx %arg4[%shift_right_logical3A_459, %and3A_462], %convert_element_type3A_463 masked %unique3A_455 {add = true} : memref<80x128xf32, #tpu.memory_space<vmem>>[vector<16xi32>, vector<16xi32>], vector<16xf32>, vector<16xi1>
      %get3A_464 = arith.constant 2 : i32
      %get3A_465 = arith.index_cast %get3A_464 : i32 to index
      %get3A_466 = arith.constant 96 : index
      %get3A_467 = tpu.vector_load %arg5[%get3A_465, %get3A_466] {strides = array<i32>} : memref<4x128xi32, #tpu.memory_space<vmem>>, vector<16xi32>,
      %broadcast_in_dim3A_468 = arith.constant true
      %broadcast_in_dim3A_469 = vector.broadcast %broadcast_in_dim3A_468 : i1 to vector<16xi1>
      %unique3A_470, %unique3A_471 = tpu.scan_count mask(%broadcast_in_dim3A_469 : vector<16xi1>) value(%get3A_467 : vector<16xi32>) : vector<16xi1>, vector<16xi32>
      %shift_right_logical3A_472 = arith.constant 7 : i32
      %shift_right_logical3A_473 = vector.broadcast %shift_right_logical3A_472 : i32 to vector<16xi32>
      %shift_right_logical3A_474 = arith.shrui %get3A_467, %shift_right_logical3A_473 : vector<16xi32>
      %and3A_475 = arith.constant 127 : i32
      %and3A_476 = vector.broadcast %and3A_475 : i32 to vector<16xi32>
      %and3A_477 = arith.andi %get3A_467, %and3A_476 : vector<16xi32>
      %convert_element_type3A_478 = arith.sitofp %unique3A_471 : vector<16xi32> to vector<16xf32>
      tpu.vector_store_idx %arg4[%shift_right_logical3A_474, %and3A_477], %convert_element_type3A_478 masked %unique3A_470 {add = true} : memref<80x128xf32, #tpu.memory_space<vmem>>[vector<16xi32>, vector<16xi32>], vector<16xf32>, vector<16xi1>
      %get3A_479 = arith.constant 2 : i32
      %get3A_480 = arith.index_cast %get3A_479 : i32 to index
      %get3A_481 = arith.constant 112 : index
      %get3A_482 = tpu.vector_load %arg5[%get3A_480, %get3A_481] {strides = array<i32>} : memref<4x128xi32, #tpu.memory_space<vmem>>, vector<16xi32>,
      %broadcast_in_dim3A_483 = arith.constant true
      %broadcast_in_dim3A_484 = vector.broadcast %broadcast_in_dim3A_483 : i1 to vector<16xi1>
      %unique3A_485, %unique3A_486 = tpu.scan_count mask(%broadcast_in_dim3A_484 : vector<16xi1>) value(%get3A_482 : vector<16xi32>) : vector<16xi1>, vector<16xi32>
      %shift_right_logical3A_487 = arith.constant 7 : i32
      %shift_right_logical3A_488 = vector.broadcast %shift_right_logical3A_487 : i32 to vector<16xi32>
      %shift_right_logical3A_489 = arith.shrui %get3A_482, %shift_right_logical3A_488 : vector<16xi32>
      %and3A_490 = arith.constant 127 : i32
      %and3A_491 = vector.broadcast %and3A_490 : i32 to vector<16xi32>
      %and3A_492 = arith.andi %get3A_482, %and3A_491 : vector<16xi32>
      %convert_element_type3A_493 = arith.sitofp %unique3A_486 : vector<16xi32> to vector<16xf32>
      tpu.vector_store_idx %arg4[%shift_right_logical3A_489, %and3A_492], %convert_element_type3A_493 masked %unique3A_485 {add = true} : memref<80x128xf32, #tpu.memory_space<vmem>>[vector<16xi32>, vector<16xi32>], vector<16xf32>, vector<16xi1>
      %add3A_494 = arith.constant 4 : i32
      %add3A_495 = arith.addi %add3A_358, %add3A_494 : i32
      %lt3A_496 = arith.constant 80 : i32
      %lt3A_497 = arith.cmpi slt, %add3A_495, %lt3A_496 : i32
      %convert_element_type3A_498 = arith.extui %lt3A_497 : i1 to i32
      %cond3A_499 = arith.constant 0 : i32
      %cond3A_500 = arith.cmpi ne, %convert_element_type3A_498, %cond3A_499 : i32
      scf.if %cond3A_500 {
        %add3A_647 = arith.constant 4 : i32
        %add3A_648 = arith.addi %add3A_358, %add3A_647 : i32
        %mul3A_649 = arith.constant 128 : i32
        %mul3A_650 = arith.muli %add3A_648, %mul3A_649 : i32
        %add3A_651 = arith.addi %mul3A_6, %mul3A_650 : i32
        %dma_start3A_652 = arith.constant 2 : i32
        %dma_start3A_653 = arith.constant 2 : i32
        %dma_start3A_654 = arith.constant 0 : i32
        %dma_start3A_655 = tpu.memref_slice %arg5[%dma_start3A_652, %dma_start3A_654] : memref<4x128xi32, #tpu.memory_space<vmem>> -> memref<1x128xi32, #tpu.memory_space<vmem>>
        %dma_start3A_656 = tpu.memref_squeeze %dma_start3A_655 : memref<1x128xi32, #tpu.memory_space<vmem>> -> memref<128xi32, #tpu.memory_space<vmem>>
        %dma_start3A_657 = tpu.memref_slice %arg2[%add3A_651] : memref<327680xi32, #tpu.memory_space<hbm>> -> memref<128xi32, #tpu.memory_space<hbm>>
        %dma_start3A_658 = tpu.memref_slice %arg6[%dma_start3A_653] : memref<4x!tpu.dma_semaphore, #tpu.memory_space<semaphore_mem>> -> memref<1x!tpu.dma_semaphore, #tpu.memory_space<semaphore_mem>>
        %dma_start3A_659 = tpu.memref_squeeze %dma_start3A_658 : memref<1x!tpu.dma_semaphore, #tpu.memory_space<semaphore_mem>> -> memref<!tpu.dma_semaphore, #tpu.memory_space<semaphore_mem>>
        %dma_start3A_660 = arith.constant 0 : i32
        %dma_start3A_661 = tpu.memref_slice %arg5[%dma_start3A_652, %dma_start3A_660] : memref<4x128xi32, #tpu.memory_space<vmem>> -> memref<1x128xi32, #tpu.memory_space<vmem>>
        %dma_start3A_662 = tpu.memref_squeeze %dma_start3A_661 : memref<1x128xi32, #tpu.memory_space<vmem>> -> memref<128xi32, #tpu.memory_space<vmem>>
        %dma_start3A_663 = tpu.memref_slice %arg2[%add3A_651] : memref<327680xi32, #tpu.memory_space<hbm>> -> memref<128xi32, #tpu.memory_space<hbm>>
        tpu.enqueue_dma source(%dma_start3A_663 : memref<128xi32, #tpu.memory_space<hbm>>) target(%dma_start3A_662 : memref<128xi32, #tpu.memory_space<vmem>>) target_semaphore(%dma_start3A_659 : memref<!tpu.dma_semaphore, #tpu.memory_space<semaphore_mem>>)
      } else {
      }
      %mul3A_501 = arith.constant 4 : i32
      %mul3A_502 = arith.muli %add3A_71, %mul3A_501 : i32
      %add3A_503 = arith.constant 3 : i32
      %add3A_504 = arith.addi %mul3A_502, %add3A_503 : i32
      %mul3A_505 = arith.constant 128 : i32
      %mul3A_506 = arith.muli %add3A_504, %mul3A_505 : i32
      %add3A_507 = arith.addi %mul3A_6, %mul3A_506 : i32
      %dma_wait3A_508 = arith.constant 3 : i32
      %dma_wait3A_509 = arith.constant 3 : i32
      %dma_wait3A_510 = arith.constant 0 : i32
      %dma_wait3A_511 = tpu.memref_slice %arg5[%dma_wait3A_508, %dma_wait3A_510] : memref<4x128xi32, #tpu.memory_space<vmem>> -> memref<1x128xi32, #tpu.memory_space<vmem>>
      %dma_wait3A_512 = tpu.memref_squeeze %dma_wait3A_511 : memref<1x128xi32, #tpu.memory_space<vmem>> -> memref<128xi32, #tpu.memory_space<vmem>>
      %dma_wait3A_513 = tpu.memref_slice %arg2[%add3A_507] : memref<327680xi32, #tpu.memory_space<hbm>> -> memref<128xi32, #tpu.memory_space<hbm>>
      %dma_wait3A_514 = tpu.memref_slice %arg6[%dma_wait3A_509] : memref<4x!tpu.dma_semaphore, #tpu.memory_space<semaphore_mem>> -> memref<1x!tpu.dma_semaphore, #tpu.memory_space<semaphore_mem>>
      %dma_wait3A_515 = tpu.memref_squeeze %dma_wait3A_514 : memref<1x!tpu.dma_semaphore, #tpu.memory_space<semaphore_mem>> -> memref<!tpu.dma_semaphore, #tpu.memory_space<semaphore_mem>>
      %dma_wait3A_516 = arith.constant 0 : i32
      %dma_wait3A_517 = tpu.memref_slice %arg5[%dma_wait3A_508, %dma_wait3A_516] : memref<4x128xi32, #tpu.memory_space<vmem>> -> memref<1x128xi32, #tpu.memory_space<vmem>>
      %dma_wait3A_518 = tpu.memref_squeeze %dma_wait3A_517 : memref<1x128xi32, #tpu.memory_space<vmem>> -> memref<128xi32, #tpu.memory_space<vmem>>
      %dma_wait3A_519 = tpu.memref_slice %arg2[%add3A_507] : memref<327680xi32, #tpu.memory_space<hbm>> -> memref<128xi32, #tpu.memory_space<hbm>>
      tpu.wait_dma2 semaphore(%dma_wait3A_515 : memref<!tpu.dma_semaphore, #tpu.memory_space<semaphore_mem>>) src(%dma_wait3A_519 : memref<128xi32, #tpu.memory_space<hbm>>) dst(%dma_wait3A_518 : memref<128xi32, #tpu.memory_space<vmem>>)
      %get3A_520 = arith.constant 3 : i32
      %get3A_521 = arith.index_cast %get3A_520 : i32 to index
      %get3A_522 = arith.constant 0 : index
      %get3A_523 = tpu.vector_load %arg5[%get3A_521, %get3A_522] {strides = array<i32>} : memref<4x128xi32, #tpu.memory_space<vmem>>, vector<16xi32>,
      %broadcast_in_dim3A_524 = arith.constant true
      %broadcast_in_dim3A_525 = vector.broadcast %broadcast_in_dim3A_524 : i1 to vector<16xi1>
      %unique3A_526, %unique3A_527 = tpu.scan_count mask(%broadcast_in_dim3A_525 : vector<16xi1>) value(%get3A_523 : vector<16xi32>) : vector<16xi1>, vector<16xi32>
      %shift_right_logical3A_528 = arith.constant 7 : i32
      %shift_right_logical3A_529 = vector.broadcast %shift_right_logical3A_528 : i32 to vector<16xi32>
      %shift_right_logical3A_530 = arith.shrui %get3A_523, %shift_right_logical3A_529 : vector<16xi32>
      %and3A_531 = arith.constant 127 : i32
      %and3A_532 = vector.broadcast %and3A_531 : i32 to vector<16xi32>
      %and3A_533 = arith.andi %get3A_523, %and3A_532 : vector<16xi32>
      %convert_element_type3A_534 = arith.sitofp %unique3A_527 : vector<16xi32> to vector<16xf32>
      tpu.vector_store_idx %arg4[%shift_right_logical3A_530, %and3A_533], %convert_element_type3A_534 masked %unique3A_526 {add = true} : memref<80x128xf32, #tpu.memory_space<vmem>>[vector<16xi32>, vector<16xi32>], vector<16xf32>, vector<16xi1>
      %get3A_535 = arith.constant 3 : i32
      %get3A_536 = arith.index_cast %get3A_535 : i32 to index
      %get3A_537 = arith.constant 16 : index
      %get3A_538 = tpu.vector_load %arg5[%get3A_536, %get3A_537] {strides = array<i32>} : memref<4x128xi32, #tpu.memory_space<vmem>>, vector<16xi32>,
      %broadcast_in_dim3A_539 = arith.constant true
      %broadcast_in_dim3A_540 = vector.broadcast %broadcast_in_dim3A_539 : i1 to vector<16xi1>
      %unique3A_541, %unique3A_542 = tpu.scan_count mask(%broadcast_in_dim3A_540 : vector<16xi1>) value(%get3A_538 : vector<16xi32>) : vector<16xi1>, vector<16xi32>
      %shift_right_logical3A_543 = arith.constant 7 : i32
      %shift_right_logical3A_544 = vector.broadcast %shift_right_logical3A_543 : i32 to vector<16xi32>
      %shift_right_logical3A_545 = arith.shrui %get3A_538, %shift_right_logical3A_544 : vector<16xi32>
      %and3A_546 = arith.constant 127 : i32
      %and3A_547 = vector.broadcast %and3A_546 : i32 to vector<16xi32>
      %and3A_548 = arith.andi %get3A_538, %and3A_547 : vector<16xi32>
      %convert_element_type3A_549 = arith.sitofp %unique3A_542 : vector<16xi32> to vector<16xf32>
      tpu.vector_store_idx %arg4[%shift_right_logical3A_545, %and3A_548], %convert_element_type3A_549 masked %unique3A_541 {add = true} : memref<80x128xf32, #tpu.memory_space<vmem>>[vector<16xi32>, vector<16xi32>], vector<16xf32>, vector<16xi1>
      %get3A_550 = arith.constant 3 : i32
      %get3A_551 = arith.index_cast %get3A_550 : i32 to index
      %get3A_552 = arith.constant 32 : index
      %get3A_553 = tpu.vector_load %arg5[%get3A_551, %get3A_552] {strides = array<i32>} : memref<4x128xi32, #tpu.memory_space<vmem>>, vector<16xi32>,
      %broadcast_in_dim3A_554 = arith.constant true
      %broadcast_in_dim3A_555 = vector.broadcast %broadcast_in_dim3A_554 : i1 to vector<16xi1>
      %unique3A_556, %unique3A_557 = tpu.scan_count mask(%broadcast_in_dim3A_555 : vector<16xi1>) value(%get3A_553 : vector<16xi32>) : vector<16xi1>, vector<16xi32>
      %shift_right_logical3A_558 = arith.constant 7 : i32
      %shift_right_logical3A_559 = vector.broadcast %shift_right_logical3A_558 : i32 to vector<16xi32>
      %shift_right_logical3A_560 = arith.shrui %get3A_553, %shift_right_logical3A_559 : vector<16xi32>
      %and3A_561 = arith.constant 127 : i32
      %and3A_562 = vector.broadcast %and3A_561 : i32 to vector<16xi32>
      %and3A_563 = arith.andi %get3A_553, %and3A_562 : vector<16xi32>
      %convert_element_type3A_564 = arith.sitofp %unique3A_557 : vector<16xi32> to vector<16xf32>
      tpu.vector_store_idx %arg4[%shift_right_logical3A_560, %and3A_563], %convert_element_type3A_564 masked %unique3A_556 {add = true} : memref<80x128xf32, #tpu.memory_space<vmem>>[vector<16xi32>, vector<16xi32>], vector<16xf32>, vector<16xi1>
      %get3A_565 = arith.constant 3 : i32
      %get3A_566 = arith.index_cast %get3A_565 : i32 to index
      %get3A_567 = arith.constant 48 : index
      %get3A_568 = tpu.vector_load %arg5[%get3A_566, %get3A_567] {strides = array<i32>} : memref<4x128xi32, #tpu.memory_space<vmem>>, vector<16xi32>,
      %broadcast_in_dim3A_569 = arith.constant true
      %broadcast_in_dim3A_570 = vector.broadcast %broadcast_in_dim3A_569 : i1 to vector<16xi1>
      %unique3A_571, %unique3A_572 = tpu.scan_count mask(%broadcast_in_dim3A_570 : vector<16xi1>) value(%get3A_568 : vector<16xi32>) : vector<16xi1>, vector<16xi32>
      %shift_right_logical3A_573 = arith.constant 7 : i32
      %shift_right_logical3A_574 = vector.broadcast %shift_right_logical3A_573 : i32 to vector<16xi32>
      %shift_right_logical3A_575 = arith.shrui %get3A_568, %shift_right_logical3A_574 : vector<16xi32>
      %and3A_576 = arith.constant 127 : i32
      %and3A_577 = vector.broadcast %and3A_576 : i32 to vector<16xi32>
      %and3A_578 = arith.andi %get3A_568, %and3A_577 : vector<16xi32>
      %convert_element_type3A_579 = arith.sitofp %unique3A_572 : vector<16xi32> to vector<16xf32>
      tpu.vector_store_idx %arg4[%shift_right_logical3A_575, %and3A_578], %convert_element_type3A_579 masked %unique3A_571 {add = true} : memref<80x128xf32, #tpu.memory_space<vmem>>[vector<16xi32>, vector<16xi32>], vector<16xf32>, vector<16xi1>
      %get3A_580 = arith.constant 3 : i32
      %get3A_581 = arith.index_cast %get3A_580 : i32 to index
      %get3A_582 = arith.constant 64 : index
      %get3A_583 = tpu.vector_load %arg5[%get3A_581, %get3A_582] {strides = array<i32>} : memref<4x128xi32, #tpu.memory_space<vmem>>, vector<16xi32>,
      %broadcast_in_dim3A_584 = arith.constant true
      %broadcast_in_dim3A_585 = vector.broadcast %broadcast_in_dim3A_584 : i1 to vector<16xi1>
      %unique3A_586, %unique3A_587 = tpu.scan_count mask(%broadcast_in_dim3A_585 : vector<16xi1>) value(%get3A_583 : vector<16xi32>) : vector<16xi1>, vector<16xi32>
      %shift_right_logical3A_588 = arith.constant 7 : i32
      %shift_right_logical3A_589 = vector.broadcast %shift_right_logical3A_588 : i32 to vector<16xi32>
      %shift_right_logical3A_590 = arith.shrui %get3A_583, %shift_right_logical3A_589 : vector<16xi32>
      %and3A_591 = arith.constant 127 : i32
      %and3A_592 = vector.broadcast %and3A_591 : i32 to vector<16xi32>
      %and3A_593 = arith.andi %get3A_583, %and3A_592 : vector<16xi32>
      %convert_element_type3A_594 = arith.sitofp %unique3A_587 : vector<16xi32> to vector<16xf32>
      tpu.vector_store_idx %arg4[%shift_right_logical3A_590, %and3A_593], %convert_element_type3A_594 masked %unique3A_586 {add = true} : memref<80x128xf32, #tpu.memory_space<vmem>>[vector<16xi32>, vector<16xi32>], vector<16xf32>, vector<16xi1>
      %get3A_595 = arith.constant 3 : i32
      %get3A_596 = arith.index_cast %get3A_595 : i32 to index
      %get3A_597 = arith.constant 80 : index
      %get3A_598 = tpu.vector_load %arg5[%get3A_596, %get3A_597] {strides = array<i32>} : memref<4x128xi32, #tpu.memory_space<vmem>>, vector<16xi32>,
      %broadcast_in_dim3A_599 = arith.constant true
      %broadcast_in_dim3A_600 = vector.broadcast %broadcast_in_dim3A_599 : i1 to vector<16xi1>
      %unique3A_601, %unique3A_602 = tpu.scan_count mask(%broadcast_in_dim3A_600 : vector<16xi1>) value(%get3A_598 : vector<16xi32>) : vector<16xi1>, vector<16xi32>
      %shift_right_logical3A_603 = arith.constant 7 : i32
      %shift_right_logical3A_604 = vector.broadcast %shift_right_logical3A_603 : i32 to vector<16xi32>
      %shift_right_logical3A_605 = arith.shrui %get3A_598, %shift_right_logical3A_604 : vector<16xi32>
      %and3A_606 = arith.constant 127 : i32
      %and3A_607 = vector.broadcast %and3A_606 : i32 to vector<16xi32>
      %and3A_608 = arith.andi %get3A_598, %and3A_607 : vector<16xi32>
      %convert_element_type3A_609 = arith.sitofp %unique3A_602 : vector<16xi32> to vector<16xf32>
      tpu.vector_store_idx %arg4[%shift_right_logical3A_605, %and3A_608], %convert_element_type3A_609 masked %unique3A_601 {add = true} : memref<80x128xf32, #tpu.memory_space<vmem>>[vector<16xi32>, vector<16xi32>], vector<16xf32>, vector<16xi1>
      %get3A_610 = arith.constant 3 : i32
      %get3A_611 = arith.index_cast %get3A_610 : i32 to index
      %get3A_612 = arith.constant 96 : index
      %get3A_613 = tpu.vector_load %arg5[%get3A_611, %get3A_612] {strides = array<i32>} : memref<4x128xi32, #tpu.memory_space<vmem>>, vector<16xi32>,
      %broadcast_in_dim3A_614 = arith.constant true
      %broadcast_in_dim3A_615 = vector.broadcast %broadcast_in_dim3A_614 : i1 to vector<16xi1>
      %unique3A_616, %unique3A_617 = tpu.scan_count mask(%broadcast_in_dim3A_615 : vector<16xi1>) value(%get3A_613 : vector<16xi32>) : vector<16xi1>, vector<16xi32>
      %shift_right_logical3A_618 = arith.constant 7 : i32
      %shift_right_logical3A_619 = vector.broadcast %shift_right_logical3A_618 : i32 to vector<16xi32>
      %shift_right_logical3A_620 = arith.shrui %get3A_613, %shift_right_logical3A_619 : vector<16xi32>
      %and3A_621 = arith.constant 127 : i32
      %and3A_622 = vector.broadcast %and3A_621 : i32 to vector<16xi32>
      %and3A_623 = arith.andi %get3A_613, %and3A_622 : vector<16xi32>
      %convert_element_type3A_624 = arith.sitofp %unique3A_617 : vector<16xi32> to vector<16xf32>
      tpu.vector_store_idx %arg4[%shift_right_logical3A_620, %and3A_623], %convert_element_type3A_624 masked %unique3A_616 {add = true} : memref<80x128xf32, #tpu.memory_space<vmem>>[vector<16xi32>, vector<16xi32>], vector<16xf32>, vector<16xi1>
      %get3A_625 = arith.constant 3 : i32
      %get3A_626 = arith.index_cast %get3A_625 : i32 to index
      %get3A_627 = arith.constant 112 : index
      %get3A_628 = tpu.vector_load %arg5[%get3A_626, %get3A_627] {strides = array<i32>} : memref<4x128xi32, #tpu.memory_space<vmem>>, vector<16xi32>,
      %broadcast_in_dim3A_629 = arith.constant true
      %broadcast_in_dim3A_630 = vector.broadcast %broadcast_in_dim3A_629 : i1 to vector<16xi1>
      %unique3A_631, %unique3A_632 = tpu.scan_count mask(%broadcast_in_dim3A_630 : vector<16xi1>) value(%get3A_628 : vector<16xi32>) : vector<16xi1>, vector<16xi32>
      %shift_right_logical3A_633 = arith.constant 7 : i32
      %shift_right_logical3A_634 = vector.broadcast %shift_right_logical3A_633 : i32 to vector<16xi32>
      %shift_right_logical3A_635 = arith.shrui %get3A_628, %shift_right_logical3A_634 : vector<16xi32>
      %and3A_636 = arith.constant 127 : i32
      %and3A_637 = vector.broadcast %and3A_636 : i32 to vector<16xi32>
      %and3A_638 = arith.andi %get3A_628, %and3A_637 : vector<16xi32>
      %convert_element_type3A_639 = arith.sitofp %unique3A_632 : vector<16xi32> to vector<16xf32>
      tpu.vector_store_idx %arg4[%shift_right_logical3A_635, %and3A_638], %convert_element_type3A_639 masked %unique3A_631 {add = true} : memref<80x128xf32, #tpu.memory_space<vmem>>[vector<16xi32>, vector<16xi32>], vector<16xf32>, vector<16xi1>
      %add3A_640 = arith.constant 4 : i32
      %add3A_641 = arith.addi %add3A_504, %add3A_640 : i32
      %lt3A_642 = arith.constant 80 : i32
      %lt3A_643 = arith.cmpi slt, %add3A_641, %lt3A_642 : i32
      %convert_element_type3A_644 = arith.extui %lt3A_643 : i1 to i32
      %cond3A_645 = arith.constant 0 : i32
      %cond3A_646 = arith.cmpi ne, %convert_element_type3A_644, %cond3A_645 : i32
      scf.if %cond3A_646 {
        %add3A_647 = arith.constant 4 : i32
        %add3A_648 = arith.addi %add3A_504, %add3A_647 : i32
        %mul3A_649 = arith.constant 128 : i32
        %mul3A_650 = arith.muli %add3A_648, %mul3A_649 : i32
        %add3A_651 = arith.addi %mul3A_6, %mul3A_650 : i32
        %dma_start3A_652 = arith.constant 3 : i32
        %dma_start3A_653 = arith.constant 3 : i32
        %dma_start3A_654 = arith.constant 0 : i32
        %dma_start3A_655 = tpu.memref_slice %arg5[%dma_start3A_652, %dma_start3A_654] : memref<4x128xi32, #tpu.memory_space<vmem>> -> memref<1x128xi32, #tpu.memory_space<vmem>>
        %dma_start3A_656 = tpu.memref_squeeze %dma_start3A_655 : memref<1x128xi32, #tpu.memory_space<vmem>> -> memref<128xi32, #tpu.memory_space<vmem>>
        %dma_start3A_657 = tpu.memref_slice %arg2[%add3A_651] : memref<327680xi32, #tpu.memory_space<hbm>> -> memref<128xi32, #tpu.memory_space<hbm>>
        %dma_start3A_658 = tpu.memref_slice %arg6[%dma_start3A_653] : memref<4x!tpu.dma_semaphore, #tpu.memory_space<semaphore_mem>> -> memref<1x!tpu.dma_semaphore, #tpu.memory_space<semaphore_mem>>
        %dma_start3A_659 = tpu.memref_squeeze %dma_start3A_658 : memref<1x!tpu.dma_semaphore, #tpu.memory_space<semaphore_mem>> -> memref<!tpu.dma_semaphore, #tpu.memory_space<semaphore_mem>>
        %dma_start3A_660 = arith.constant 0 : i32
        %dma_start3A_661 = tpu.memref_slice %arg5[%dma_start3A_652, %dma_start3A_660] : memref<4x128xi32, #tpu.memory_space<vmem>> -> memref<1x128xi32, #tpu.memory_space<vmem>>
        %dma_start3A_662 = tpu.memref_squeeze %dma_start3A_661 : memref<1x128xi32, #tpu.memory_space<vmem>> -> memref<128xi32, #tpu.memory_space<vmem>>
        %dma_start3A_663 = tpu.memref_slice %arg2[%add3A_651] : memref<327680xi32, #tpu.memory_space<hbm>> -> memref<128xi32, #tpu.memory_space<hbm>>
        tpu.enqueue_dma source(%dma_start3A_663 : memref<128xi32, #tpu.memory_space<hbm>>) target(%dma_start3A_662 : memref<128xi32, #tpu.memory_space<vmem>>) target_semaphore(%dma_start3A_659 : memref<!tpu.dma_semaphore, #tpu.memory_space<semaphore_mem>>)
      } else {
      }
    }
    %scan3A_66 = arith.constant 20 : i32
    "tpu.region"() ({
      %run_scoped3A = tpu.sem_alloc : memref<!tpu.dma_semaphore, #tpu.memory_space<semaphore_mem>>
      %dma_start3A_67 = arith.constant 0 : i32
      %dma_start3A_68 = arith.constant 0 : i32
      %dma_start3A_69 = tpu.memref_slice %arg3[%add3A, %dma_start3A_67, %dma_start3A_68] : memref<32x80x128xf32, #tpu.memory_space<hbm>> -> memref<1x80x128xf32, #tpu.memory_space<hbm>>
      %dma_start3A_70 = tpu.memref_squeeze %dma_start3A_69 : memref<1x80x128xf32, #tpu.memory_space<hbm>> -> memref<80x128xf32, #tpu.memory_space<hbm>>
      %dma_start3A_71 = arith.constant 0 : i32
      %dma_start3A_72 = arith.constant 0 : i32
      %dma_start3A_73 = tpu.memref_slice %arg3[%add3A, %dma_start3A_71, %dma_start3A_72] : memref<32x80x128xf32, #tpu.memory_space<hbm>> -> memref<1x80x128xf32, #tpu.memory_space<hbm>>
      %dma_start3A_74 = tpu.memref_squeeze %dma_start3A_73 : memref<1x80x128xf32, #tpu.memory_space<hbm>> -> memref<80x128xf32, #tpu.memory_space<hbm>>
      tpu.enqueue_dma source(%arg4 : memref<80x128xf32, #tpu.memory_space<vmem>>) target(%dma_start3A_74 : memref<80x128xf32, #tpu.memory_space<hbm>>) target_semaphore(%run_scoped3A : memref<!tpu.dma_semaphore, #tpu.memory_space<semaphore_mem>>)
      %dma_wait3A = arith.constant 0 : i32
      %dma_wait3A_75 = arith.constant 0 : i32
      %dma_wait3A_76 = tpu.memref_slice %arg3[%add3A, %dma_wait3A, %dma_wait3A_75] : memref<32x80x128xf32, #tpu.memory_space<hbm>> -> memref<1x80x128xf32, #tpu.memory_space<hbm>>
      %dma_wait3A_77 = tpu.memref_squeeze %dma_wait3A_76 : memref<1x80x128xf32, #tpu.memory_space<hbm>> -> memref<80x128xf32, #tpu.memory_space<hbm>>
      %dma_wait3A_78 = arith.constant 0 : i32
      %dma_wait3A_79 = arith.constant 0 : i32
      %dma_wait3A_80 = tpu.memref_slice %arg3[%add3A, %dma_wait3A_78, %dma_wait3A_79] : memref<32x80x128xf32, #tpu.memory_space<hbm>> -> memref<1x80x128xf32, #tpu.memory_space<hbm>>
      %dma_wait3A_81 = tpu.memref_squeeze %dma_wait3A_80 : memref<1x80x128xf32, #tpu.memory_space<hbm>> -> memref<80x128xf32, #tpu.memory_space<hbm>>
      tpu.wait_dma2 semaphore(%run_scoped3A : memref<!tpu.dma_semaphore, #tpu.memory_space<semaphore_mem>>) src(%arg4 : memref<80x128xf32, #tpu.memory_space<vmem>>) dst(%dma_wait3A_81 : memref<80x128xf32, #tpu.memory_space<hbm>>)
      tpu.yield
    }) : () -> ()
    return
  }
}

#map = affine_map<(d0, d1) -> (0, 0)>
#map1 = affine_map<(d0, d1) -> (0)>
#map2 = affine_map<(d0, d1) -> (0, 0, 0)>
module attributes {stable_mosaic.version = 14 : i64} {
  func.func @k(%arg0: i32, %arg1: i32, %arg2: memref<10000x128xf32, #tpu.memory_space<hbm>>, %arg3: memref<327680xi32, #tpu.memory_space<hbm>>, %arg4: memref<327680xi32, #tpu.memory_space<hbm>>, %arg5: memref<2x10240x128xf32, #tpu.memory_space<hbm>>, %arg6: memref<10240x128xf32, #tpu.memory_space<vmem_shared>>, %arg7: memref<4x128xi32, #tpu.memory_space<vmem>>, %arg8: memref<4x128xi32, #tpu.memory_space<vmem>>, %arg9: memref<2x128x128xf32, #tpu.memory_space<vmem>>, %arg10: memref<64x128xf32, #tpu.memory_space<vmem>>, %arg11: memref<4x!tpu.dma_semaphore, #tpu.memory_space<semaphore_mem>>, %arg12: memref<2x!tpu.dma_semaphore, #tpu.memory_space<semaphore_mem>>, %arg13: memref<4x!tpu.dma_semaphore, #tpu.memory_space<semaphore_mem>>) attributes {dimension_semantics = [#tpu.dimension_semantics<core_parallel>, #tpu.dimension_semantics<subcore_parallel>], iteration_bounds = array<i64: 2, 16>, scalar_prefetch = 0 : i64, scratch_operands = 8 : i64, tpu.core_type = #tpu.core_type<sc_vector_subcore>, window_params = [{transform_indices = #map}, {transform_indices = #map1}, {transform_indices = #map1}, {transform_indices = #map2}]} {
    %mul3A = arith.constant 16 : i32
    %mul3A_0 = arith.muli %arg0, %mul3A : i32
    %add3A = arith.addi %mul3A_0, %arg1 : i32
    %scan3A = arith.constant 0 : i32
    %scan3A_1 = arith.constant 64 : i32
    %scan3A_2 = arith.addi %scan3A, %scan3A_1 : i32
    %scan3A_3 = arith.constant 1 : i32
    scf.for %scan3A_195 = %scan3A to %scan3A_2 step %scan3A_3  : i32 {
      %mul3A_196 = arith.constant 1 : i32
      %mul3A_197 = arith.muli %scan3A_195, %mul3A_196 : i32
      %add3A_198 = arith.constant 0 : i32
      %add3A_199 = arith.addi %add3A_198, %mul3A_197 : i32
      %scan3A_200 = arith.constant 0 : i32
      %scan3A_201 = arith.constant 8 : i32
      %scan3A_202 = arith.addi %scan3A_200, %scan3A_201 : i32
      %scan3A_203 = arith.constant 1 : i32
      scf.for %scan3A_205 = %scan3A_200 to %scan3A_202 step %scan3A_203  : i32 {
        %mul3A_206 = arith.constant 16 : i32
        %mul3A_207 = arith.muli %scan3A_205, %mul3A_206 : i32
        %add3A_208 = arith.constant 0 : i32
        %add3A_209 = arith.addi %add3A_208, %mul3A_207 : i32
        %broadcast_in_dim3A = arith.constant 0.000000e+00 : f32
        %broadcast_in_dim3A_210 = vector.broadcast %broadcast_in_dim3A : f32 to vector<16xf32>
        %swap3A = arith.index_cast %add3A_199 : i32 to index
        %swap3A_211 = arith.index_cast %add3A_209 : i32 to index
        %swap3A_212 = tpu.vector_load %arg10[%swap3A, %swap3A_211] {strides = array<i32>} : memref<64x128xf32, #tpu.memory_space<vmem>>, vector<1x16xf32>,
        %swap3A_213 = vector.shape_cast %swap3A_212 : vector<1x16xf32> to vector<16xf32>
        %swap3A_214 = vector.shape_cast %broadcast_in_dim3A_210 : vector<16xf32> to vector<1x16xf32>
        tpu.vector_store %arg10[%swap3A, %swap3A_211], %swap3A_214 {strides = array<i32>} : memref<64x128xf32, #tpu.memory_space<vmem>>, vector<1x16xf32>,
      }
      %scan3A_204 = arith.constant 8 : i32
    }
    %scan3A_4 = arith.constant 64 : i32
    %scan3A_5 = arith.constant 0 : i32
    %scan3A_6 = arith.constant 10 : i32
    %scan3A_7 = arith.addi %scan3A_5, %scan3A_6 : i32
    %scan3A_8 = arith.constant 1 : i32
    scf.for %scan3A_195 = %scan3A_5 to %scan3A_7 step %scan3A_8  : i32 {
      %mul3A_196 = arith.constant 1 : i32
      %mul3A_197 = arith.muli %scan3A_195, %mul3A_196 : i32
      %add3A_198 = arith.constant 0 : i32
      %add3A_199 = arith.addi %add3A_198, %mul3A_197 : i32
      %mul3A_200 = arith.constant 640 : i32
      %mul3A_201 = arith.muli %arg1, %mul3A_200 : i32
      %mul3A_202 = arith.constant 64 : i32
      %mul3A_203 = arith.muli %add3A_199, %mul3A_202 : i32
      %add3A_204 = arith.addi %mul3A_201, %mul3A_203 : i32
      %dma_start3A_205 = arith.constant 0 : i32
      %dma_start3A_206 = arith.constant 0 : i32
      %dma_start3A_207 = tpu.memref_slice %arg6[%add3A_204, %dma_start3A_206] : memref<10240x128xf32, #tpu.memory_space<vmem_shared>> -> memref<64x128xf32, #tpu.memory_space<vmem_shared>>
      %dma_start3A_208 = tpu.memref_slice %arg11[%dma_start3A_205] : memref<4x!tpu.dma_semaphore, #tpu.memory_space<semaphore_mem>> -> memref<1x!tpu.dma_semaphore, #tpu.memory_space<semaphore_mem>>
      %dma_start3A_209 = tpu.memref_squeeze %dma_start3A_208 : memref<1x!tpu.dma_semaphore, #tpu.memory_space<semaphore_mem>> -> memref<!tpu.dma_semaphore, #tpu.memory_space<semaphore_mem>>
      %dma_start3A_210 = arith.constant 0 : i32
      %dma_start3A_211 = tpu.memref_slice %arg6[%add3A_204, %dma_start3A_210] : memref<10240x128xf32, #tpu.memory_space<vmem_shared>> -> memref<64x128xf32, #tpu.memory_space<vmem_shared>>
      tpu.enqueue_dma source(%arg10 : memref<64x128xf32, #tpu.memory_space<vmem>>) target(%dma_start3A_211 : memref<64x128xf32, #tpu.memory_space<vmem_shared>>) target_semaphore(%dma_start3A_209 : memref<!tpu.dma_semaphore, #tpu.memory_space<semaphore_mem>>)
    }
    %scan3A_9 = arith.constant 10 : i32
    %scan3A_10 = arith.constant 0 : i32
    %scan3A_11 = arith.constant 10 : i32
    %scan3A_12 = arith.addi %scan3A_10, %scan3A_11 : i32
    %scan3A_13 = arith.constant 1 : i32
    scf.for %scan3A_195 = %scan3A_10 to %scan3A_12 step %scan3A_13  : i32 {
      %mul3A_196 = arith.constant 1 : i32
      %mul3A_197 = arith.muli %scan3A_195, %mul3A_196 : i32
      %add3A_198 = arith.constant 0 : i32
      %add3A_199 = arith.addi %add3A_198, %mul3A_197 : i32
      %mul3A_200 = arith.constant 640 : i32
      %mul3A_201 = arith.muli %arg1, %mul3A_200 : i32
      %mul3A_202 = arith.constant 64 : i32
      %mul3A_203 = arith.muli %add3A_199, %mul3A_202 : i32
      %add3A_204 = arith.addi %mul3A_201, %mul3A_203 : i32
      %dma_wait3A_205 = arith.constant 0 : i32
      %dma_wait3A_206 = arith.constant 0 : i32
      %dma_wait3A_207 = tpu.memref_slice %arg6[%add3A_204, %dma_wait3A_206] : memref<10240x128xf32, #tpu.memory_space<vmem_shared>> -> memref<64x128xf32, #tpu.memory_space<vmem_shared>>
      %dma_wait3A_208 = tpu.memref_slice %arg11[%dma_wait3A_205] : memref<4x!tpu.dma_semaphore, #tpu.memory_space<semaphore_mem>> -> memref<1x!tpu.dma_semaphore, #tpu.memory_space<semaphore_mem>>
      %dma_wait3A_209 = tpu.memref_squeeze %dma_wait3A_208 : memref<1x!tpu.dma_semaphore, #tpu.memory_space<semaphore_mem>> -> memref<!tpu.dma_semaphore, #tpu.memory_space<semaphore_mem>>
      %dma_wait3A_210 = arith.constant 0 : i32
      %dma_wait3A_211 = tpu.memref_slice %arg6[%add3A_204, %dma_wait3A_210] : memref<10240x128xf32, #tpu.memory_space<vmem_shared>> -> memref<64x128xf32, #tpu.memory_space<vmem_shared>>
      tpu.wait_dma2 semaphore(%dma_wait3A_209 : memref<!tpu.dma_semaphore, #tpu.memory_space<semaphore_mem>>) src(%arg10 : memref<64x128xf32, #tpu.memory_space<vmem>>) dst(%dma_wait3A_211 : memref<64x128xf32, #tpu.memory_space<vmem_shared>>)
    }
    %scan3A_14 = arith.constant 10 : i32
    %barrier3A = arith.constant 0 : index
    tpu.barrier barrier_id(%barrier3A)
    %mul3A_15 = arith.constant 10240 : i32
    %mul3A_16 = arith.muli %add3A, %mul3A_15 : i32
    %add3A_17 = arith.constant 0 : i32
    %add3A_18 = arith.addi %mul3A_16, %add3A_17 : i32
    %dma_start3A = arith.constant 0 : i32
    %dma_start3A_19 = arith.constant 0 : i32
    %dma_start3A_20 = arith.constant 0 : i32
    %dma_start3A_21 = tpu.memref_slice %arg7[%dma_start3A, %dma_start3A_20] : memref<4x128xi32, #tpu.memory_space<vmem>> -> memref<1x128xi32, #tpu.memory_space<vmem>>
    %dma_start3A_22 = tpu.memref_squeeze %dma_start3A_21 : memref<1x128xi32, #tpu.memory_space<vmem>> -> memref<128xi32, #tpu.memory_space<vmem>>
    %dma_start3A_23 = tpu.memref_slice %arg3[%add3A_18] : memref<327680xi32, #tpu.memory_space<hbm>> -> memref<128xi32, #tpu.memory_space<hbm>>
    %dma_start3A_24 = tpu.memref_slice %arg11[%dma_start3A_19] : memref<4x!tpu.dma_semaphore, #tpu.memory_space<semaphore_mem>> -> memref<1x!tpu.dma_semaphore, #tpu.memory_space<semaphore_mem>>
    %dma_start3A_25 = tpu.memref_squeeze %dma_start3A_24 : memref<1x!tpu.dma_semaphore, #tpu.memory_space<semaphore_mem>> -> memref<!tpu.dma_semaphore, #tpu.memory_space<semaphore_mem>>
    %dma_start3A_26 = arith.constant 0 : i32
    %dma_start3A_27 = tpu.memref_slice %arg7[%dma_start3A, %dma_start3A_26] : memref<4x128xi32, #tpu.memory_space<vmem>> -> memref<1x128xi32, #tpu.memory_space<vmem>>
    %dma_start3A_28 = tpu.memref_squeeze %dma_start3A_27 : memref<1x128xi32, #tpu.memory_space<vmem>> -> memref<128xi32, #tpu.memory_space<vmem>>
    %dma_start3A_29 = tpu.memref_slice %arg3[%add3A_18] : memref<327680xi32, #tpu.memory_space<hbm>> -> memref<128xi32, #tpu.memory_space<hbm>>
    tpu.enqueue_dma source(%dma_start3A_29 : memref<128xi32, #tpu.memory_space<hbm>>) target(%dma_start3A_28 : memref<128xi32, #tpu.memory_space<vmem>>) target_semaphore(%dma_start3A_25 : memref<!tpu.dma_semaphore, #tpu.memory_space<semaphore_mem>>)
    %dma_start3A_30 = arith.constant 0 : i32
    %dma_start3A_31 = arith.constant 0 : i32
    %dma_start3A_32 = arith.constant 0 : i32
    %dma_start3A_33 = tpu.memref_slice %arg8[%dma_start3A_30, %dma_start3A_32] : memref<4x128xi32, #tpu.memory_space<vmem>> -> memref<1x128xi32, #tpu.memory_space<vmem>>
    %dma_start3A_34 = tpu.memref_squeeze %dma_start3A_33 : memref<1x128xi32, #tpu.memory_space<vmem>> -> memref<128xi32, #tpu.memory_space<vmem>>
    %dma_start3A_35 = tpu.memref_slice %arg4[%add3A_18] : memref<327680xi32, #tpu.memory_space<hbm>> -> memref<128xi32, #tpu.memory_space<hbm>>
    %dma_start3A_36 = tpu.memref_slice %arg11[%dma_start3A_31] : memref<4x!tpu.dma_semaphore, #tpu.memory_space<semaphore_mem>> -> memref<1x!tpu.dma_semaphore, #tpu.memory_space<semaphore_mem>>
    %dma_start3A_37 = tpu.memref_squeeze %dma_start3A_36 : memref<1x!tpu.dma_semaphore, #tpu.memory_space<semaphore_mem>> -> memref<!tpu.dma_semaphore, #tpu.memory_space<semaphore_mem>>
    %dma_start3A_38 = arith.constant 0 : i32
    %dma_start3A_39 = tpu.memref_slice %arg8[%dma_start3A_30, %dma_start3A_38] : memref<4x128xi32, #tpu.memory_space<vmem>> -> memref<1x128xi32, #tpu.memory_space<vmem>>
    %dma_start3A_40 = tpu.memref_squeeze %dma_start3A_39 : memref<1x128xi32, #tpu.memory_space<vmem>> -> memref<128xi32, #tpu.memory_space<vmem>>
    %dma_start3A_41 = tpu.memref_slice %arg4[%add3A_18] : memref<327680xi32, #tpu.memory_space<hbm>> -> memref<128xi32, #tpu.memory_space<hbm>>
    tpu.enqueue_dma source(%dma_start3A_41 : memref<128xi32, #tpu.memory_space<hbm>>) target(%dma_start3A_40 : memref<128xi32, #tpu.memory_space<vmem>>) target_semaphore(%dma_start3A_37 : memref<!tpu.dma_semaphore, #tpu.memory_space<semaphore_mem>>)
    %add3A_42 = arith.constant 128 : i32
    %add3A_43 = arith.addi %mul3A_16, %add3A_42 : i32
    %dma_start3A_44 = arith.constant 1 : i32
    %dma_start3A_45 = arith.constant 1 : i32
    %dma_start3A_46 = arith.constant 0 : i32
    %dma_start3A_47 = tpu.memref_slice %arg7[%dma_start3A_44, %dma_start3A_46] : memref<4x128xi32, #tpu.memory_space<vmem>> -> memref<1x128xi32, #tpu.memory_space<vmem>>
    %dma_start3A_48 = tpu.memref_squeeze %dma_start3A_47 : memref<1x128xi32, #tpu.memory_space<vmem>> -> memref<128xi32, #tpu.memory_space<vmem>>
    %dma_start3A_49 = tpu.memref_slice %arg3[%add3A_43] : memref<327680xi32, #tpu.memory_space<hbm>> -> memref<128xi32, #tpu.memory_space<hbm>>
    %dma_start3A_50 = tpu.memref_slice %arg11[%dma_start3A_45] : memref<4x!tpu.dma_semaphore, #tpu.memory_space<semaphore_mem>> -> memref<1x!tpu.dma_semaphore, #tpu.memory_space<semaphore_mem>>
    %dma_start3A_51 = tpu.memref_squeeze %dma_start3A_50 : memref<1x!tpu.dma_semaphore, #tpu.memory_space<semaphore_mem>> -> memref<!tpu.dma_semaphore, #tpu.memory_space<semaphore_mem>>
    %dma_start3A_52 = arith.constant 0 : i32
    %dma_start3A_53 = tpu.memref_slice %arg7[%dma_start3A_44, %dma_start3A_52] : memref<4x128xi32, #tpu.memory_space<vmem>> -> memref<1x128xi32, #tpu.memory_space<vmem>>
    %dma_start3A_54 = tpu.memref_squeeze %dma_start3A_53 : memref<1x128xi32, #tpu.memory_space<vmem>> -> memref<128xi32, #tpu.memory_space<vmem>>
    %dma_start3A_55 = tpu.memref_slice %arg3[%add3A_43] : memref<327680xi32, #tpu.memory_space<hbm>> -> memref<128xi32, #tpu.memory_space<hbm>>
    tpu.enqueue_dma source(%dma_start3A_55 : memref<128xi32, #tpu.memory_space<hbm>>) target(%dma_start3A_54 : memref<128xi32, #tpu.memory_space<vmem>>) target_semaphore(%dma_start3A_51 : memref<!tpu.dma_semaphore, #tpu.memory_space<semaphore_mem>>)
    %dma_start3A_56 = arith.constant 1 : i32
    %dma_start3A_57 = arith.constant 1 : i32
    %dma_start3A_58 = arith.constant 0 : i32
    %dma_start3A_59 = tpu.memref_slice %arg8[%dma_start3A_56, %dma_start3A_58] : memref<4x128xi32, #tpu.memory_space<vmem>> -> memref<1x128xi32, #tpu.memory_space<vmem>>
    %dma_start3A_60 = tpu.memref_squeeze %dma_start3A_59 : memref<1x128xi32, #tpu.memory_space<vmem>> -> memref<128xi32, #tpu.memory_space<vmem>>
    %dma_start3A_61 = tpu.memref_slice %arg4[%add3A_43] : memref<327680xi32, #tpu.memory_space<hbm>> -> memref<128xi32, #tpu.memory_space<hbm>>
    %dma_start3A_62 = tpu.memref_slice %arg11[%dma_start3A_57] : memref<4x!tpu.dma_semaphore, #tpu.memory_space<semaphore_mem>> -> memref<1x!tpu.dma_semaphore, #tpu.memory_space<semaphore_mem>>
    %dma_start3A_63 = tpu.memref_squeeze %dma_start3A_62 : memref<1x!tpu.dma_semaphore, #tpu.memory_space<semaphore_mem>> -> memref<!tpu.dma_semaphore, #tpu.memory_space<semaphore_mem>>
    %dma_start3A_64 = arith.constant 0 : i32
    %dma_start3A_65 = tpu.memref_slice %arg8[%dma_start3A_56, %dma_start3A_64] : memref<4x128xi32, #tpu.memory_space<vmem>> -> memref<1x128xi32, #tpu.memory_space<vmem>>
    %dma_start3A_66 = tpu.memref_squeeze %dma_start3A_65 : memref<1x128xi32, #tpu.memory_space<vmem>> -> memref<128xi32, #tpu.memory_space<vmem>>
    %dma_start3A_67 = tpu.memref_slice %arg4[%add3A_43] : memref<327680xi32, #tpu.memory_space<hbm>> -> memref<128xi32, #tpu.memory_space<hbm>>
    tpu.enqueue_dma source(%dma_start3A_67 : memref<128xi32, #tpu.memory_space<hbm>>) target(%dma_start3A_66 : memref<128xi32, #tpu.memory_space<vmem>>) target_semaphore(%dma_start3A_63 : memref<!tpu.dma_semaphore, #tpu.memory_space<semaphore_mem>>)
    %add3A_68 = arith.constant 256 : i32
    %add3A_69 = arith.addi %mul3A_16, %add3A_68 : i32
    %dma_start3A_70 = arith.constant 2 : i32
    %dma_start3A_71 = arith.constant 2 : i32
    %dma_start3A_72 = arith.constant 0 : i32
    %dma_start3A_73 = tpu.memref_slice %arg7[%dma_start3A_70, %dma_start3A_72] : memref<4x128xi32, #tpu.memory_space<vmem>> -> memref<1x128xi32, #tpu.memory_space<vmem>>
    %dma_start3A_74 = tpu.memref_squeeze %dma_start3A_73 : memref<1x128xi32, #tpu.memory_space<vmem>> -> memref<128xi32, #tpu.memory_space<vmem>>
    %dma_start3A_75 = tpu.memref_slice %arg3[%add3A_69] : memref<327680xi32, #tpu.memory_space<hbm>> -> memref<128xi32, #tpu.memory_space<hbm>>
    %dma_start3A_76 = tpu.memref_slice %arg11[%dma_start3A_71] : memref<4x!tpu.dma_semaphore, #tpu.memory_space<semaphore_mem>> -> memref<1x!tpu.dma_semaphore, #tpu.memory_space<semaphore_mem>>
    %dma_start3A_77 = tpu.memref_squeeze %dma_start3A_76 : memref<1x!tpu.dma_semaphore, #tpu.memory_space<semaphore_mem>> -> memref<!tpu.dma_semaphore, #tpu.memory_space<semaphore_mem>>
    %dma_start3A_78 = arith.constant 0 : i32
    %dma_start3A_79 = tpu.memref_slice %arg7[%dma_start3A_70, %dma_start3A_78] : memref<4x128xi32, #tpu.memory_space<vmem>> -> memref<1x128xi32, #tpu.memory_space<vmem>>
    %dma_start3A_80 = tpu.memref_squeeze %dma_start3A_79 : memref<1x128xi32, #tpu.memory_space<vmem>> -> memref<128xi32, #tpu.memory_space<vmem>>
    %dma_start3A_81 = tpu.memref_slice %arg3[%add3A_69] : memref<327680xi32, #tpu.memory_space<hbm>> -> memref<128xi32, #tpu.memory_space<hbm>>
    tpu.enqueue_dma source(%dma_start3A_81 : memref<128xi32, #tpu.memory_space<hbm>>) target(%dma_start3A_80 : memref<128xi32, #tpu.memory_space<vmem>>) target_semaphore(%dma_start3A_77 : memref<!tpu.dma_semaphore, #tpu.memory_space<semaphore_mem>>)
    %dma_start3A_82 = arith.constant 2 : i32
    %dma_start3A_83 = arith.constant 2 : i32
    %dma_start3A_84 = arith.constant 0 : i32
    %dma_start3A_85 = tpu.memref_slice %arg8[%dma_start3A_82, %dma_start3A_84] : memref<4x128xi32, #tpu.memory_space<vmem>> -> memref<1x128xi32, #tpu.memory_space<vmem>>
    %dma_start3A_86 = tpu.memref_squeeze %dma_start3A_85 : memref<1x128xi32, #tpu.memory_space<vmem>> -> memref<128xi32, #tpu.memory_space<vmem>>
    %dma_start3A_87 = tpu.memref_slice %arg4[%add3A_69] : memref<327680xi32, #tpu.memory_space<hbm>> -> memref<128xi32, #tpu.memory_space<hbm>>
    %dma_start3A_88 = tpu.memref_slice %arg11[%dma_start3A_83] : memref<4x!tpu.dma_semaphore, #tpu.memory_space<semaphore_mem>> -> memref<1x!tpu.dma_semaphore, #tpu.memory_space<semaphore_mem>>
    %dma_start3A_89 = tpu.memref_squeeze %dma_start3A_88 : memref<1x!tpu.dma_semaphore, #tpu.memory_space<semaphore_mem>> -> memref<!tpu.dma_semaphore, #tpu.memory_space<semaphore_mem>>
    %dma_start3A_90 = arith.constant 0 : i32
    %dma_start3A_91 = tpu.memref_slice %arg8[%dma_start3A_82, %dma_start3A_90] : memref<4x128xi32, #tpu.memory_space<vmem>> -> memref<1x128xi32, #tpu.memory_space<vmem>>
    %dma_start3A_92 = tpu.memref_squeeze %dma_start3A_91 : memref<1x128xi32, #tpu.memory_space<vmem>> -> memref<128xi32, #tpu.memory_space<vmem>>
    %dma_start3A_93 = tpu.memref_slice %arg4[%add3A_69] : memref<327680xi32, #tpu.memory_space<hbm>> -> memref<128xi32, #tpu.memory_space<hbm>>
    tpu.enqueue_dma source(%dma_start3A_93 : memref<128xi32, #tpu.memory_space<hbm>>) target(%dma_start3A_92 : memref<128xi32, #tpu.memory_space<vmem>>) target_semaphore(%dma_start3A_89 : memref<!tpu.dma_semaphore, #tpu.memory_space<semaphore_mem>>)
    %add3A_94 = arith.constant 384 : i32
    %add3A_95 = arith.addi %mul3A_16, %add3A_94 : i32
    %dma_start3A_96 = arith.constant 3 : i32
    %dma_start3A_97 = arith.constant 3 : i32
    %dma_start3A_98 = arith.constant 0 : i32
    %dma_start3A_99 = tpu.memref_slice %arg7[%dma_start3A_96, %dma_start3A_98] : memref<4x128xi32, #tpu.memory_space<vmem>> -> memref<1x128xi32, #tpu.memory_space<vmem>>
    %dma_start3A_100 = tpu.memref_squeeze %dma_start3A_99 : memref<1x128xi32, #tpu.memory_space<vmem>> -> memref<128xi32, #tpu.memory_space<vmem>>
    %dma_start3A_101 = tpu.memref_slice %arg3[%add3A_95] : memref<327680xi32, #tpu.memory_space<hbm>> -> memref<128xi32, #tpu.memory_space<hbm>>
    %dma_start3A_102 = tpu.memref_slice %arg11[%dma_start3A_97] : memref<4x!tpu.dma_semaphore, #tpu.memory_space<semaphore_mem>> -> memref<1x!tpu.dma_semaphore, #tpu.memory_space<semaphore_mem>>
    %dma_start3A_103 = tpu.memref_squeeze %dma_start3A_102 : memref<1x!tpu.dma_semaphore, #tpu.memory_space<semaphore_mem>> -> memref<!tpu.dma_semaphore, #tpu.memory_space<semaphore_mem>>
    %dma_start3A_104 = arith.constant 0 : i32
    %dma_start3A_105 = tpu.memref_slice %arg7[%dma_start3A_96, %dma_start3A_104] : memref<4x128xi32, #tpu.memory_space<vmem>> -> memref<1x128xi32, #tpu.memory_space<vmem>>
    %dma_start3A_106 = tpu.memref_squeeze %dma_start3A_105 : memref<1x128xi32, #tpu.memory_space<vmem>> -> memref<128xi32, #tpu.memory_space<vmem>>
    %dma_start3A_107 = tpu.memref_slice %arg3[%add3A_95] : memref<327680xi32, #tpu.memory_space<hbm>> -> memref<128xi32, #tpu.memory_space<hbm>>
    tpu.enqueue_dma source(%dma_start3A_107 : memref<128xi32, #tpu.memory_space<hbm>>) target(%dma_start3A_106 : memref<128xi32, #tpu.memory_space<vmem>>) target_semaphore(%dma_start3A_103 : memref<!tpu.dma_semaphore, #tpu.memory_space<semaphore_mem>>)
    %dma_start3A_108 = arith.constant 3 : i32
    %dma_start3A_109 = arith.constant 3 : i32
    %dma_start3A_110 = arith.constant 0 : i32
    %dma_start3A_111 = tpu.memref_slice %arg8[%dma_start3A_108, %dma_start3A_110] : memref<4x128xi32, #tpu.memory_space<vmem>> -> memref<1x128xi32, #tpu.memory_space<vmem>>
    %dma_start3A_112 = tpu.memref_squeeze %dma_start3A_111 : memref<1x128xi32, #tpu.memory_space<vmem>> -> memref<128xi32, #tpu.memory_space<vmem>>
    %dma_start3A_113 = tpu.memref_slice %arg4[%add3A_95] : memref<327680xi32, #tpu.memory_space<hbm>> -> memref<128xi32, #tpu.memory_space<hbm>>
    %dma_start3A_114 = tpu.memref_slice %arg11[%dma_start3A_109] : memref<4x!tpu.dma_semaphore, #tpu.memory_space<semaphore_mem>> -> memref<1x!tpu.dma_semaphore, #tpu.memory_space<semaphore_mem>>
    %dma_start3A_115 = tpu.memref_squeeze %dma_start3A_114 : memref<1x!tpu.dma_semaphore, #tpu.memory_space<semaphore_mem>> -> memref<!tpu.dma_semaphore, #tpu.memory_space<semaphore_mem>>
    %dma_start3A_116 = arith.constant 0 : i32
    %dma_start3A_117 = tpu.memref_slice %arg8[%dma_start3A_108, %dma_start3A_116] : memref<4x128xi32, #tpu.memory_space<vmem>> -> memref<1x128xi32, #tpu.memory_space<vmem>>
    %dma_start3A_118 = tpu.memref_squeeze %dma_start3A_117 : memref<1x128xi32, #tpu.memory_space<vmem>> -> memref<128xi32, #tpu.memory_space<vmem>>
    %dma_start3A_119 = tpu.memref_slice %arg4[%add3A_95] : memref<327680xi32, #tpu.memory_space<hbm>> -> memref<128xi32, #tpu.memory_space<hbm>>
    tpu.enqueue_dma source(%dma_start3A_119 : memref<128xi32, #tpu.memory_space<hbm>>) target(%dma_start3A_118 : memref<128xi32, #tpu.memory_space<vmem>>) target_semaphore(%dma_start3A_115 : memref<!tpu.dma_semaphore, #tpu.memory_space<semaphore_mem>>)
    %scan3A_120 = arith.constant 0 : i32
    %scan3A_121 = arith.constant 20 : i32
    %scan3A_122 = arith.addi %scan3A_120, %scan3A_121 : i32
    %scan3A_123 = arith.constant 1 : i32
    scf.for %scan3A_195 = %scan3A_120 to %scan3A_122 step %scan3A_123  : i32 {
      %mul3A_196 = arith.constant 1 : i32
      %mul3A_197 = arith.muli %scan3A_195, %mul3A_196 : i32
      %add3A_198 = arith.constant 0 : i32
      %add3A_199 = arith.addi %add3A_198, %mul3A_197 : i32
      %mul3A_200 = arith.constant 4 : i32
      %mul3A_201 = arith.muli %add3A_199, %mul3A_200 : i32
      %add3A_202 = arith.constant 0 : i32
      %add3A_203 = arith.addi %mul3A_201, %add3A_202 : i32
      %gt3A = arith.constant 0 : i32
      %gt3A_204 = arith.cmpi sgt, %add3A_199, %gt3A : i32
      %convert_element_type3A = arith.extui %gt3A_204 : i1 to i32
      %cond3A = arith.constant 0 : i32
      %cond3A_205 = arith.cmpi ne, %convert_element_type3A, %cond3A : i32
      scf.if %cond3A_205 {
        %dma_wait3A_529 = arith.constant 0 : i32
        %dma_wait3A_530 = arith.constant 2 : i32
        %dma_wait3A_531 = arith.constant 2 : i32
        %dma_wait3A_532 = arith.constant 0 : i32
        %dma_wait3A_533 = arith.constant 0 : i32
        %dma_wait3A_534 = tpu.memref_slice %arg9[%dma_wait3A_529, %dma_wait3A_532, %dma_wait3A_533] : memref<2x128x128xf32, #tpu.memory_space<vmem>> -> memref<1x128x128xf32, #tpu.memory_space<vmem>>
        %dma_wait3A_535 = tpu.memref_squeeze %dma_wait3A_534 : memref<1x128x128xf32, #tpu.memory_space<vmem>> -> memref<128x128xf32, #tpu.memory_space<vmem>>
        %dma_wait3A_536 = arith.constant 0 : i32
        %dma_wait3A_537 = tpu.memref_slice %arg8[%dma_wait3A_530, %dma_wait3A_536] : memref<4x128xi32, #tpu.memory_space<vmem>> -> memref<1x128xi32, #tpu.memory_space<vmem>>
        %dma_wait3A_538 = tpu.memref_squeeze %dma_wait3A_537 : memref<1x128xi32, #tpu.memory_space<vmem>> -> memref<128xi32, #tpu.memory_space<vmem>>
        %dma_wait3A_539 = arith.constant 0 : i32
        %dma_wait3A_540 = arith.constant 0 : i32
        %dma_wait3A_541 = tpu.memref_slice %arg6[%dma_wait3A_539, %dma_wait3A_540] : memref<10240x128xf32, #tpu.memory_space<vmem_shared>> -> memref<10240x128xf32, #tpu.memory_space<vmem_shared>>
        %dma_wait3A_542 = tpu.memref_slice %arg13[%dma_wait3A_531] : memref<4x!tpu.dma_semaphore, #tpu.memory_space<semaphore_mem>> -> memref<1x!tpu.dma_semaphore, #tpu.memory_space<semaphore_mem>>
        %dma_wait3A_543 = tpu.memref_squeeze %dma_wait3A_542 : memref<1x!tpu.dma_semaphore, #tpu.memory_space<semaphore_mem>> -> memref<!tpu.dma_semaphore, #tpu.memory_space<semaphore_mem>>
        tpu.wait_indirect_dma semaphore(%dma_wait3A_543 : memref<!tpu.dma_semaphore, #tpu.memory_space<semaphore_mem>>) src(%dma_wait3A_535 : memref<128x128xf32, #tpu.memory_space<vmem>>) dst(%dma_wait3A_541 : memref<10240x128xf32, #tpu.memory_space<vmem_shared>>)
        %add3A_544 = arith.constant 2 : i32
        %add3A_545 = arith.addi %add3A_203, %add3A_544 : i32
        %lt3A_546 = arith.constant 80 : i32
        %lt3A_547 = arith.cmpi slt, %add3A_545, %lt3A_546 : i32
        %convert_element_type3A_548 = arith.extui %lt3A_547 : i1 to i32
        %cond3A_549 = arith.constant 0 : i32
        %cond3A_550 = arith.cmpi ne, %convert_element_type3A_548, %cond3A_549 : i32
        scf.if %cond3A_550 {
          %add3A_551 = arith.constant 2 : i32
          %add3A_552 = arith.addi %add3A_203, %add3A_551 : i32
          %mul3A_553 = arith.constant 128 : i32
          %mul3A_554 = arith.muli %add3A_552, %mul3A_553 : i32
          %add3A_555 = arith.addi %mul3A_16, %mul3A_554 : i32
          %dma_start3A_556 = arith.constant 2 : i32
          %dma_start3A_557 = arith.constant 2 : i32
          %dma_start3A_558 = arith.constant 0 : i32
          %dma_start3A_559 = tpu.memref_slice %arg7[%dma_start3A_556, %dma_start3A_558] : memref<4x128xi32, #tpu.memory_space<vmem>> -> memref<1x128xi32, #tpu.memory_space<vmem>>
          %dma_start3A_560 = tpu.memref_squeeze %dma_start3A_559 : memref<1x128xi32, #tpu.memory_space<vmem>> -> memref<128xi32, #tpu.memory_space<vmem>>
          %dma_start3A_561 = tpu.memref_slice %arg3[%add3A_555] : memref<327680xi32, #tpu.memory_space<hbm>> -> memref<128xi32, #tpu.memory_space<hbm>>
          %dma_start3A_562 = tpu.memref_slice %arg11[%dma_start3A_557] : memref<4x!tpu.dma_semaphore, #tpu.memory_space<semaphore_mem>> -> memref<1x!tpu.dma_semaphore, #tpu.memory_space<semaphore_mem>>
          %dma_start3A_563 = tpu.memref_squeeze %dma_start3A_562 : memref<1x!tpu.dma_semaphore, #tpu.memory_space<semaphore_mem>> -> memref<!tpu.dma_semaphore, #tpu.memory_space<semaphore_mem>>
          %dma_start3A_564 = arith.constant 0 : i32
          %dma_start3A_565 = tpu.memref_slice %arg7[%dma_start3A_556, %dma_start3A_564] : memref<4x128xi32, #tpu.memory_space<vmem>> -> memref<1x128xi32, #tpu.memory_space<vmem>>
          %dma_start3A_566 = tpu.memref_squeeze %dma_start3A_565 : memref<1x128xi32, #tpu.memory_space<vmem>> -> memref<128xi32, #tpu.memory_space<vmem>>
          %dma_start3A_567 = tpu.memref_slice %arg3[%add3A_555] : memref<327680xi32, #tpu.memory_space<hbm>> -> memref<128xi32, #tpu.memory_space<hbm>>
          tpu.enqueue_dma source(%dma_start3A_567 : memref<128xi32, #tpu.memory_space<hbm>>) target(%dma_start3A_566 : memref<128xi32, #tpu.memory_space<vmem>>) target_semaphore(%dma_start3A_563 : memref<!tpu.dma_semaphore, #tpu.memory_space<semaphore_mem>>)
          %dma_start3A_568 = arith.constant 2 : i32
          %dma_start3A_569 = arith.constant 2 : i32
          %dma_start3A_570 = arith.constant 0 : i32
          %dma_start3A_571 = tpu.memref_slice %arg8[%dma_start3A_568, %dma_start3A_570] : memref<4x128xi32, #tpu.memory_space<vmem>> -> memref<1x128xi32, #tpu.memory_space<vmem>>
          %dma_start3A_572 = tpu.memref_squeeze %dma_start3A_571 : memref<1x128xi32, #tpu.memory_space<vmem>> -> memref<128xi32, #tpu.memory_space<vmem>>
          %dma_start3A_573 = tpu.memref_slice %arg4[%add3A_555] : memref<327680xi32, #tpu.memory_space<hbm>> -> memref<128xi32, #tpu.memory_space<hbm>>
          %dma_start3A_574 = tpu.memref_slice %arg11[%dma_start3A_569] : memref<4x!tpu.dma_semaphore, #tpu.memory_space<semaphore_mem>> -> memref<1x!tpu.dma_semaphore, #tpu.memory_space<semaphore_mem>>
          %dma_start3A_575 = tpu.memref_squeeze %dma_start3A_574 : memref<1x!tpu.dma_semaphore, #tpu.memory_space<semaphore_mem>> -> memref<!tpu.dma_semaphore, #tpu.memory_space<semaphore_mem>>
          %dma_start3A_576 = arith.constant 0 : i32
          %dma_start3A_577 = tpu.memref_slice %arg8[%dma_start3A_568, %dma_start3A_576] : memref<4x128xi32, #tpu.memory_space<vmem>> -> memref<1x128xi32, #tpu.memory_space<vmem>>
          %dma_start3A_578 = tpu.memref_squeeze %dma_start3A_577 : memref<1x128xi32, #tpu.memory_space<vmem>> -> memref<128xi32, #tpu.memory_space<vmem>>
          %dma_start3A_579 = tpu.memref_slice %arg4[%add3A_555] : memref<327680xi32, #tpu.memory_space<hbm>> -> memref<128xi32, #tpu.memory_space<hbm>>
          tpu.enqueue_dma source(%dma_start3A_579 : memref<128xi32, #tpu.memory_space<hbm>>) target(%dma_start3A_578 : memref<128xi32, #tpu.memory_space<vmem>>) target_semaphore(%dma_start3A_575 : memref<!tpu.dma_semaphore, #tpu.memory_space<semaphore_mem>>)
        } else {
        }
      } else {
      }
      %mul3A_206 = arith.constant 128 : i32
      %mul3A_207 = arith.muli %add3A_203, %mul3A_206 : i32
      %add3A_208 = arith.addi %mul3A_16, %mul3A_207 : i32
      %dma_wait3A_209 = arith.constant 0 : i32
      %dma_wait3A_210 = arith.constant 0 : i32
      %dma_wait3A_211 = arith.constant 0 : i32
      %dma_wait3A_212 = tpu.memref_slice %arg7[%dma_wait3A_209, %dma_wait3A_211] : memref<4x128xi32, #tpu.memory_space<vmem>> -> memref<1x128xi32, #tpu.memory_space<vmem>>
      %dma_wait3A_213 = tpu.memref_squeeze %dma_wait3A_212 : memref<1x128xi32, #tpu.memory_space<vmem>> -> memref<128xi32, #tpu.memory_space<vmem>>
      %dma_wait3A_214 = tpu.memref_slice %arg3[%add3A_208] : memref<327680xi32, #tpu.memory_space<hbm>> -> memref<128xi32, #tpu.memory_space<hbm>>
      %dma_wait3A_215 = tpu.memref_slice %arg11[%dma_wait3A_210] : memref<4x!tpu.dma_semaphore, #tpu.memory_space<semaphore_mem>> -> memref<1x!tpu.dma_semaphore, #tpu.memory_space<semaphore_mem>>
      %dma_wait3A_216 = tpu.memref_squeeze %dma_wait3A_215 : memref<1x!tpu.dma_semaphore, #tpu.memory_space<semaphore_mem>> -> memref<!tpu.dma_semaphore, #tpu.memory_space<semaphore_mem>>
      %dma_wait3A_217 = arith.constant 0 : i32
      %dma_wait3A_218 = tpu.memref_slice %arg7[%dma_wait3A_209, %dma_wait3A_217] : memref<4x128xi32, #tpu.memory_space<vmem>> -> memref<1x128xi32, #tpu.memory_space<vmem>>
      %dma_wait3A_219 = tpu.memref_squeeze %dma_wait3A_218 : memref<1x128xi32, #tpu.memory_space<vmem>> -> memref<128xi32, #tpu.memory_space<vmem>>
      %dma_wait3A_220 = tpu.memref_slice %arg3[%add3A_208] : memref<327680xi32, #tpu.memory_space<hbm>> -> memref<128xi32, #tpu.memory_space<hbm>>
      tpu.wait_dma2 semaphore(%dma_wait3A_216 : memref<!tpu.dma_semaphore, #tpu.memory_space<semaphore_mem>>) src(%dma_wait3A_220 : memref<128xi32, #tpu.memory_space<hbm>>) dst(%dma_wait3A_219 : memref<128xi32, #tpu.memory_space<vmem>>)
      %dma_wait3A_221 = arith.constant 0 : i32
      %dma_wait3A_222 = arith.constant 0 : i32
      %dma_wait3A_223 = arith.constant 0 : i32
      %dma_wait3A_224 = tpu.memref_slice %arg8[%dma_wait3A_221, %dma_wait3A_223] : memref<4x128xi32, #tpu.memory_space<vmem>> -> memref<1x128xi32, #tpu.memory_space<vmem>>
      %dma_wait3A_225 = tpu.memref_squeeze %dma_wait3A_224 : memref<1x128xi32, #tpu.memory_space<vmem>> -> memref<128xi32, #tpu.memory_space<vmem>>
      %dma_wait3A_226 = tpu.memref_slice %arg4[%add3A_208] : memref<327680xi32, #tpu.memory_space<hbm>> -> memref<128xi32, #tpu.memory_space<hbm>>
      %dma_wait3A_227 = tpu.memref_slice %arg11[%dma_wait3A_222] : memref<4x!tpu.dma_semaphore, #tpu.memory_space<semaphore_mem>> -> memref<1x!tpu.dma_semaphore, #tpu.memory_space<semaphore_mem>>
      %dma_wait3A_228 = tpu.memref_squeeze %dma_wait3A_227 : memref<1x!tpu.dma_semaphore, #tpu.memory_space<semaphore_mem>> -> memref<!tpu.dma_semaphore, #tpu.memory_space<semaphore_mem>>
      %dma_wait3A_229 = arith.constant 0 : i32
      %dma_wait3A_230 = tpu.memref_slice %arg8[%dma_wait3A_221, %dma_wait3A_229] : memref<4x128xi32, #tpu.memory_space<vmem>> -> memref<1x128xi32, #tpu.memory_space<vmem>>
      %dma_wait3A_231 = tpu.memref_squeeze %dma_wait3A_230 : memref<1x128xi32, #tpu.memory_space<vmem>> -> memref<128xi32, #tpu.memory_space<vmem>>
      %dma_wait3A_232 = tpu.memref_slice %arg4[%add3A_208] : memref<327680xi32, #tpu.memory_space<hbm>> -> memref<128xi32, #tpu.memory_space<hbm>>
      tpu.wait_dma2 semaphore(%dma_wait3A_228 : memref<!tpu.dma_semaphore, #tpu.memory_space<semaphore_mem>>) src(%dma_wait3A_232 : memref<128xi32, #tpu.memory_space<hbm>>) dst(%dma_wait3A_231 : memref<128xi32, #tpu.memory_space<vmem>>)
      %dma_start3A_233 = arith.constant 0 : i32
      %dma_start3A_234 = arith.constant 0 : i32
      %dma_start3A_235 = arith.constant 0 : i32
      %dma_start3A_236 = arith.constant 0 : i32
      %dma_start3A_237 = arith.constant 0 : i32
      %dma_start3A_238 = tpu.memref_slice %arg9[%dma_start3A_234, %dma_start3A_236, %dma_start3A_237] : memref<2x128x128xf32, #tpu.memory_space<vmem>> -> memref<1x128x128xf32, #tpu.memory_space<vmem>>
      %dma_start3A_239 = tpu.memref_squeeze %dma_start3A_238 : memref<1x128x128xf32, #tpu.memory_space<vmem>> -> memref<128x128xf32, #tpu.memory_space<vmem>>
      %dma_start3A_240 = arith.constant 0 : i32
      %dma_start3A_241 = tpu.memref_slice %arg7[%dma_start3A_233, %dma_start3A_240] : memref<4x128xi32, #tpu.memory_space<vmem>> -> memref<1x128xi32, #tpu.memory_space<vmem>>
      %dma_start3A_242 = tpu.memref_squeeze %dma_start3A_241 : memref<1x128xi32, #tpu.memory_space<vmem>> -> memref<128xi32, #tpu.memory_space<vmem>>
      %dma_start3A_243 = arith.constant 0 : i32
      %dma_start3A_244 = arith.constant 0 : i32
      %dma_start3A_245 = tpu.memref_slice %arg2[%dma_start3A_243, %dma_start3A_244] : memref<10000x128xf32, #tpu.memory_space<hbm>> -> memref<10000x128xf32, #tpu.memory_space<hbm>>
      %dma_start3A_246 = tpu.memref_slice %arg12[%dma_start3A_235] : memref<2x!tpu.dma_semaphore, #tpu.memory_space<semaphore_mem>> -> memref<1x!tpu.dma_semaphore, #tpu.memory_space<semaphore_mem>>
      %dma_start3A_247 = tpu.memref_squeeze %dma_start3A_246 : memref<1x!tpu.dma_semaphore, #tpu.memory_space<semaphore_mem>> -> memref<!tpu.dma_semaphore, #tpu.memory_space<semaphore_mem>>
      tpu.enqueue_indirect_dma source(%dma_start3A_245 : memref<10000x128xf32, #tpu.memory_space<hbm>>) target(%dma_start3A_239 : memref<128x128xf32, #tpu.memory_space<vmem>>) offsets(%dma_start3A_242 : memref<128xi32, #tpu.memory_space<vmem>>) semaphore(%dma_start3A_247 : memref<!tpu.dma_semaphore, #tpu.memory_space<semaphore_mem>>)
      %gt3A_248 = arith.constant 0 : i32
      %gt3A_249 = arith.cmpi sgt, %add3A_199, %gt3A_248 : i32
      %convert_element_type3A_250 = arith.extui %gt3A_249 : i1 to i32
      %cond3A_251 = arith.constant 0 : i32
      %cond3A_252 = arith.cmpi ne, %convert_element_type3A_250, %cond3A_251 : i32
      scf.if %cond3A_252 {
        %dma_wait3A_529 = arith.constant 3 : i32
        %dma_wait3A_530 = arith.constant 1 : i32
        %dma_wait3A_531 = arith.constant 1 : i32
        %dma_wait3A_532 = arith.constant 0 : i32
        %dma_wait3A_533 = arith.constant 0 : i32
        %dma_wait3A_534 = tpu.memref_slice %arg9[%dma_wait3A_530, %dma_wait3A_532, %dma_wait3A_533] : memref<2x128x128xf32, #tpu.memory_space<vmem>> -> memref<1x128x128xf32, #tpu.memory_space<vmem>>
        %dma_wait3A_535 = tpu.memref_squeeze %dma_wait3A_534 : memref<1x128x128xf32, #tpu.memory_space<vmem>> -> memref<128x128xf32, #tpu.memory_space<vmem>>
        %dma_wait3A_536 = arith.constant 0 : i32
        %dma_wait3A_537 = tpu.memref_slice %arg7[%dma_wait3A_529, %dma_wait3A_536] : memref<4x128xi32, #tpu.memory_space<vmem>> -> memref<1x128xi32, #tpu.memory_space<vmem>>
        %dma_wait3A_538 = tpu.memref_squeeze %dma_wait3A_537 : memref<1x128xi32, #tpu.memory_space<vmem>> -> memref<128xi32, #tpu.memory_space<vmem>>
        %dma_wait3A_539 = arith.constant 0 : i32
        %dma_wait3A_540 = arith.constant 0 : i32
        %dma_wait3A_541 = tpu.memref_slice %arg2[%dma_wait3A_539, %dma_wait3A_540] : memref<10000x128xf32, #tpu.memory_space<hbm>> -> memref<10000x128xf32, #tpu.memory_space<hbm>>
        %dma_wait3A_542 = tpu.memref_slice %arg12[%dma_wait3A_531] : memref<2x!tpu.dma_semaphore, #tpu.memory_space<semaphore_mem>> -> memref<1x!tpu.dma_semaphore, #tpu.memory_space<semaphore_mem>>
        %dma_wait3A_543 = tpu.memref_squeeze %dma_wait3A_542 : memref<1x!tpu.dma_semaphore, #tpu.memory_space<semaphore_mem>> -> memref<!tpu.dma_semaphore, #tpu.memory_space<semaphore_mem>>
        tpu.wait_indirect_dma semaphore(%dma_wait3A_543 : memref<!tpu.dma_semaphore, #tpu.memory_space<semaphore_mem>>) src(%dma_wait3A_541 : memref<10000x128xf32, #tpu.memory_space<hbm>>) dst(%dma_wait3A_535 : memref<128x128xf32, #tpu.memory_space<vmem>>)
        %dma_start3A_544 = arith.constant 1 : i32
        %dma_start3A_545 = arith.constant 3 : i32
        %dma_start3A_546 = arith.constant 3 : i32
        %dma_start3A_547 = arith.constant 0 : i32
        %dma_start3A_548 = arith.constant 0 : i32
        %dma_start3A_549 = tpu.memref_slice %arg9[%dma_start3A_544, %dma_start3A_547, %dma_start3A_548] : memref<2x128x128xf32, #tpu.memory_space<vmem>> -> memref<1x128x128xf32, #tpu.memory_space<vmem>>
        %dma_start3A_550 = tpu.memref_squeeze %dma_start3A_549 : memref<1x128x128xf32, #tpu.memory_space<vmem>> -> memref<128x128xf32, #tpu.memory_space<vmem>>
        %dma_start3A_551 = arith.constant 0 : i32
        %dma_start3A_552 = tpu.memref_slice %arg8[%dma_start3A_545, %dma_start3A_551] : memref<4x128xi32, #tpu.memory_space<vmem>> -> memref<1x128xi32, #tpu.memory_space<vmem>>
        %dma_start3A_553 = tpu.memref_squeeze %dma_start3A_552 : memref<1x128xi32, #tpu.memory_space<vmem>> -> memref<128xi32, #tpu.memory_space<vmem>>
        %dma_start3A_554 = arith.constant 0 : i32
        %dma_start3A_555 = arith.constant 0 : i32
        %dma_start3A_556 = tpu.memref_slice %arg6[%dma_start3A_554, %dma_start3A_555] : memref<10240x128xf32, #tpu.memory_space<vmem_shared>> -> memref<10240x128xf32, #tpu.memory_space<vmem_shared>>
        %dma_start3A_557 = tpu.memref_slice %arg13[%dma_start3A_546] : memref<4x!tpu.dma_semaphore, #tpu.memory_space<semaphore_mem>> -> memref<1x!tpu.dma_semaphore, #tpu.memory_space<semaphore_mem>>
        %dma_start3A_558 = tpu.memref_squeeze %dma_start3A_557 : memref<1x!tpu.dma_semaphore, #tpu.memory_space<semaphore_mem>> -> memref<!tpu.dma_semaphore, #tpu.memory_space<semaphore_mem>>
        tpu.enqueue_indirect_dma source(%dma_start3A_550 : memref<128x128xf32, #tpu.memory_space<vmem>>) target(%dma_start3A_556 : memref<10240x128xf32, #tpu.memory_space<vmem_shared>>) offsets(%dma_start3A_553 : memref<128xi32, #tpu.memory_space<vmem>>) semaphore(%dma_start3A_558 : memref<!tpu.dma_semaphore, #tpu.memory_space<semaphore_mem>>) {add = true}
      } else {
      }
      %mul3A_253 = arith.constant 4 : i32
      %mul3A_254 = arith.muli %add3A_199, %mul3A_253 : i32
      %add3A_255 = arith.constant 1 : i32
      %add3A_256 = arith.addi %mul3A_254, %add3A_255 : i32
      %gt3A_257 = arith.constant 0 : i32
      %gt3A_258 = arith.cmpi sgt, %add3A_199, %gt3A_257 : i32
      %convert_element_type3A_259 = arith.extui %gt3A_258 : i1 to i32
      %cond3A_260 = arith.constant 0 : i32
      %cond3A_261 = arith.cmpi ne, %convert_element_type3A_259, %cond3A_260 : i32
      scf.if %cond3A_261 {
        %dma_wait3A_529 = arith.constant 1 : i32
        %dma_wait3A_530 = arith.constant 3 : i32
        %dma_wait3A_531 = arith.constant 3 : i32
        %dma_wait3A_532 = arith.constant 0 : i32
        %dma_wait3A_533 = arith.constant 0 : i32
        %dma_wait3A_534 = tpu.memref_slice %arg9[%dma_wait3A_529, %dma_wait3A_532, %dma_wait3A_533] : memref<2x128x128xf32, #tpu.memory_space<vmem>> -> memref<1x128x128xf32, #tpu.memory_space<vmem>>
        %dma_wait3A_535 = tpu.memref_squeeze %dma_wait3A_534 : memref<1x128x128xf32, #tpu.memory_space<vmem>> -> memref<128x128xf32, #tpu.memory_space<vmem>>
        %dma_wait3A_536 = arith.constant 0 : i32
        %dma_wait3A_537 = tpu.memref_slice %arg8[%dma_wait3A_530, %dma_wait3A_536] : memref<4x128xi32, #tpu.memory_space<vmem>> -> memref<1x128xi32, #tpu.memory_space<vmem>>
        %dma_wait3A_538 = tpu.memref_squeeze %dma_wait3A_537 : memref<1x128xi32, #tpu.memory_space<vmem>> -> memref<128xi32, #tpu.memory_space<vmem>>
        %dma_wait3A_539 = arith.constant 0 : i32
        %dma_wait3A_540 = arith.constant 0 : i32
        %dma_wait3A_541 = tpu.memref_slice %arg6[%dma_wait3A_539, %dma_wait3A_540] : memref<10240x128xf32, #tpu.memory_space<vmem_shared>> -> memref<10240x128xf32, #tpu.memory_space<vmem_shared>>
        %dma_wait3A_542 = tpu.memref_slice %arg13[%dma_wait3A_531] : memref<4x!tpu.dma_semaphore, #tpu.memory_space<semaphore_mem>> -> memref<1x!tpu.dma_semaphore, #tpu.memory_space<semaphore_mem>>
        %dma_wait3A_543 = tpu.memref_squeeze %dma_wait3A_542 : memref<1x!tpu.dma_semaphore, #tpu.memory_space<semaphore_mem>> -> memref<!tpu.dma_semaphore, #tpu.memory_space<semaphore_mem>>
        tpu.wait_indirect_dma semaphore(%dma_wait3A_543 : memref<!tpu.dma_semaphore, #tpu.memory_space<semaphore_mem>>) src(%dma_wait3A_535 : memref<128x128xf32, #tpu.memory_space<vmem>>) dst(%dma_wait3A_541 : memref<10240x128xf32, #tpu.memory_space<vmem_shared>>)
        %add3A_544 = arith.constant 2 : i32
        %add3A_545 = arith.addi %add3A_256, %add3A_544 : i32
        %lt3A_546 = arith.constant 80 : i32
        %lt3A_547 = arith.cmpi slt, %add3A_545, %lt3A_546 : i32
        %convert_element_type3A_548 = arith.extui %lt3A_547 : i1 to i32
        %cond3A_549 = arith.constant 0 : i32
        %cond3A_550 = arith.cmpi ne, %convert_element_type3A_548, %cond3A_549 : i32
        scf.if %cond3A_550 {
          %add3A_551 = arith.constant 2 : i32
          %add3A_552 = arith.addi %add3A_256, %add3A_551 : i32
          %mul3A_553 = arith.constant 128 : i32
          %mul3A_554 = arith.muli %add3A_552, %mul3A_553 : i32
          %add3A_555 = arith.addi %mul3A_16, %mul3A_554 : i32
          %dma_start3A_556 = arith.constant 3 : i32
          %dma_start3A_557 = arith.constant 3 : i32
          %dma_start3A_558 = arith.constant 0 : i32
          %dma_start3A_559 = tpu.memref_slice %arg7[%dma_start3A_556, %dma_start3A_558] : memref<4x128xi32, #tpu.memory_space<vmem>> -> memref<1x128xi32, #tpu.memory_space<vmem>>
          %dma_start3A_560 = tpu.memref_squeeze %dma_start3A_559 : memref<1x128xi32, #tpu.memory_space<vmem>> -> memref<128xi32, #tpu.memory_space<vmem>>
          %dma_start3A_561 = tpu.memref_slice %arg3[%add3A_555] : memref<327680xi32, #tpu.memory_space<hbm>> -> memref<128xi32, #tpu.memory_space<hbm>>
          %dma_start3A_562 = tpu.memref_slice %arg11[%dma_start3A_557] : memref<4x!tpu.dma_semaphore, #tpu.memory_space<semaphore_mem>> -> memref<1x!tpu.dma_semaphore, #tpu.memory_space<semaphore_mem>>
          %dma_start3A_563 = tpu.memref_squeeze %dma_start3A_562 : memref<1x!tpu.dma_semaphore, #tpu.memory_space<semaphore_mem>> -> memref<!tpu.dma_semaphore, #tpu.memory_space<semaphore_mem>>
          %dma_start3A_564 = arith.constant 0 : i32
          %dma_start3A_565 = tpu.memref_slice %arg7[%dma_start3A_556, %dma_start3A_564] : memref<4x128xi32, #tpu.memory_space<vmem>> -> memref<1x128xi32, #tpu.memory_space<vmem>>
          %dma_start3A_566 = tpu.memref_squeeze %dma_start3A_565 : memref<1x128xi32, #tpu.memory_space<vmem>> -> memref<128xi32, #tpu.memory_space<vmem>>
          %dma_start3A_567 = tpu.memref_slice %arg3[%add3A_555] : memref<327680xi32, #tpu.memory_space<hbm>> -> memref<128xi32, #tpu.memory_space<hbm>>
          tpu.enqueue_dma source(%dma_start3A_567 : memref<128xi32, #tpu.memory_space<hbm>>) target(%dma_start3A_566 : memref<128xi32, #tpu.memory_space<vmem>>) target_semaphore(%dma_start3A_563 : memref<!tpu.dma_semaphore, #tpu.memory_space<semaphore_mem>>)
          %dma_start3A_568 = arith.constant 3 : i32
          %dma_start3A_569 = arith.constant 3 : i32
          %dma_start3A_570 = arith.constant 0 : i32
          %dma_start3A_571 = tpu.memref_slice %arg8[%dma_start3A_568, %dma_start3A_570] : memref<4x128xi32, #tpu.memory_space<vmem>> -> memref<1x128xi32, #tpu.memory_space<vmem>>
          %dma_start3A_572 = tpu.memref_squeeze %dma_start3A_571 : memref<1x128xi32, #tpu.memory_space<vmem>> -> memref<128xi32, #tpu.memory_space<vmem>>
          %dma_start3A_573 = tpu.memref_slice %arg4[%add3A_555] : memref<327680xi32, #tpu.memory_space<hbm>> -> memref<128xi32, #tpu.memory_space<hbm>>
          %dma_start3A_574 = tpu.memref_slice %arg11[%dma_start3A_569] : memref<4x!tpu.dma_semaphore, #tpu.memory_space<semaphore_mem>> -> memref<1x!tpu.dma_semaphore, #tpu.memory_space<semaphore_mem>>
          %dma_start3A_575 = tpu.memref_squeeze %dma_start3A_574 : memref<1x!tpu.dma_semaphore, #tpu.memory_space<semaphore_mem>> -> memref<!tpu.dma_semaphore, #tpu.memory_space<semaphore_mem>>
          %dma_start3A_576 = arith.constant 0 : i32
          %dma_start3A_577 = tpu.memref_slice %arg8[%dma_start3A_568, %dma_start3A_576] : memref<4x128xi32, #tpu.memory_space<vmem>> -> memref<1x128xi32, #tpu.memory_space<vmem>>
          %dma_start3A_578 = tpu.memref_squeeze %dma_start3A_577 : memref<1x128xi32, #tpu.memory_space<vmem>> -> memref<128xi32, #tpu.memory_space<vmem>>
          %dma_start3A_579 = tpu.memref_slice %arg4[%add3A_555] : memref<327680xi32, #tpu.memory_space<hbm>> -> memref<128xi32, #tpu.memory_space<hbm>>
          tpu.enqueue_dma source(%dma_start3A_579 : memref<128xi32, #tpu.memory_space<hbm>>) target(%dma_start3A_578 : memref<128xi32, #tpu.memory_space<vmem>>) target_semaphore(%dma_start3A_575 : memref<!tpu.dma_semaphore, #tpu.memory_space<semaphore_mem>>)
        } else {
        }
      } else {
      }
      %mul3A_262 = arith.constant 128 : i32
      %mul3A_263 = arith.muli %add3A_256, %mul3A_262 : i32
      %add3A_264 = arith.addi %mul3A_16, %mul3A_263 : i32
      %dma_wait3A_265 = arith.constant 1 : i32
      %dma_wait3A_266 = arith.constant 1 : i32
      %dma_wait3A_267 = arith.constant 0 : i32
      %dma_wait3A_268 = tpu.memref_slice %arg7[%dma_wait3A_265, %dma_wait3A_267] : memref<4x128xi32, #tpu.memory_space<vmem>> -> memref<1x128xi32, #tpu.memory_space<vmem>>
      %dma_wait3A_269 = tpu.memref_squeeze %dma_wait3A_268 : memref<1x128xi32, #tpu.memory_space<vmem>> -> memref<128xi32, #tpu.memory_space<vmem>>
      %dma_wait3A_270 = tpu.memref_slice %arg3[%add3A_264] : memref<327680xi32, #tpu.memory_space<hbm>> -> memref<128xi32, #tpu.memory_space<hbm>>
      %dma_wait3A_271 = tpu.memref_slice %arg11[%dma_wait3A_266] : memref<4x!tpu.dma_semaphore, #tpu.memory_space<semaphore_mem>> -> memref<1x!tpu.dma_semaphore, #tpu.memory_space<semaphore_mem>>
      %dma_wait3A_272 = tpu.memref_squeeze %dma_wait3A_271 : memref<1x!tpu.dma_semaphore, #tpu.memory_space<semaphore_mem>> -> memref<!tpu.dma_semaphore, #tpu.memory_space<semaphore_mem>>
      %dma_wait3A_273 = arith.constant 0 : i32
      %dma_wait3A_274 = tpu.memref_slice %arg7[%dma_wait3A_265, %dma_wait3A_273] : memref<4x128xi32, #tpu.memory_space<vmem>> -> memref<1x128xi32, #tpu.memory_space<vmem>>
      %dma_wait3A_275 = tpu.memref_squeeze %dma_wait3A_274 : memref<1x128xi32, #tpu.memory_space<vmem>> -> memref<128xi32, #tpu.memory_space<vmem>>
      %dma_wait3A_276 = tpu.memref_slice %arg3[%add3A_264] : memref<327680xi32, #tpu.memory_space<hbm>> -> memref<128xi32, #tpu.memory_space<hbm>>
      tpu.wait_dma2 semaphore(%dma_wait3A_272 : memref<!tpu.dma_semaphore, #tpu.memory_space<semaphore_mem>>) src(%dma_wait3A_276 : memref<128xi32, #tpu.memory_space<hbm>>) dst(%dma_wait3A_275 : memref<128xi32, #tpu.memory_space<vmem>>)
      %dma_wait3A_277 = arith.constant 1 : i32
      %dma_wait3A_278 = arith.constant 1 : i32
      %dma_wait3A_279 = arith.constant 0 : i32
      %dma_wait3A_280 = tpu.memref_slice %arg8[%dma_wait3A_277, %dma_wait3A_279] : memref<4x128xi32, #tpu.memory_space<vmem>> -> memref<1x128xi32, #tpu.memory_space<vmem>>
      %dma_wait3A_281 = tpu.memref_squeeze %dma_wait3A_280 : memref<1x128xi32, #tpu.memory_space<vmem>> -> memref<128xi32, #tpu.memory_space<vmem>>
      %dma_wait3A_282 = tpu.memref_slice %arg4[%add3A_264] : memref<327680xi32, #tpu.memory_space<hbm>> -> memref<128xi32, #tpu.memory_space<hbm>>
      %dma_wait3A_283 = tpu.memref_slice %arg11[%dma_wait3A_278] : memref<4x!tpu.dma_semaphore, #tpu.memory_space<semaphore_mem>> -> memref<1x!tpu.dma_semaphore, #tpu.memory_space<semaphore_mem>>
      %dma_wait3A_284 = tpu.memref_squeeze %dma_wait3A_283 : memref<1x!tpu.dma_semaphore, #tpu.memory_space<semaphore_mem>> -> memref<!tpu.dma_semaphore, #tpu.memory_space<semaphore_mem>>
      %dma_wait3A_285 = arith.constant 0 : i32
      %dma_wait3A_286 = tpu.memref_slice %arg8[%dma_wait3A_277, %dma_wait3A_285] : memref<4x128xi32, #tpu.memory_space<vmem>> -> memref<1x128xi32, #tpu.memory_space<vmem>>
      %dma_wait3A_287 = tpu.memref_squeeze %dma_wait3A_286 : memref<1x128xi32, #tpu.memory_space<vmem>> -> memref<128xi32, #tpu.memory_space<vmem>>
      %dma_wait3A_288 = tpu.memref_slice %arg4[%add3A_264] : memref<327680xi32, #tpu.memory_space<hbm>> -> memref<128xi32, #tpu.memory_space<hbm>>
      tpu.wait_dma2 semaphore(%dma_wait3A_284 : memref<!tpu.dma_semaphore, #tpu.memory_space<semaphore_mem>>) src(%dma_wait3A_288 : memref<128xi32, #tpu.memory_space<hbm>>) dst(%dma_wait3A_287 : memref<128xi32, #tpu.memory_space<vmem>>)
      %dma_start3A_289 = arith.constant 1 : i32
      %dma_start3A_290 = arith.constant 1 : i32
      %dma_start3A_291 = arith.constant 1 : i32
      %dma_start3A_292 = arith.constant 0 : i32
      %dma_start3A_293 = arith.constant 0 : i32
      %dma_start3A_294 = tpu.memref_slice %arg9[%dma_start3A_290, %dma_start3A_292, %dma_start3A_293] : memref<2x128x128xf32, #tpu.memory_space<vmem>> -> memref<1x128x128xf32, #tpu.memory_space<vmem>>
      %dma_start3A_295 = tpu.memref_squeeze %dma_start3A_294 : memref<1x128x128xf32, #tpu.memory_space<vmem>> -> memref<128x128xf32, #tpu.memory_space<vmem>>
      %dma_start3A_296 = arith.constant 0 : i32
      %dma_start3A_297 = tpu.memref_slice %arg7[%dma_start3A_289, %dma_start3A_296] : memref<4x128xi32, #tpu.memory_space<vmem>> -> memref<1x128xi32, #tpu.memory_space<vmem>>
      %dma_start3A_298 = tpu.memref_squeeze %dma_start3A_297 : memref<1x128xi32, #tpu.memory_space<vmem>> -> memref<128xi32, #tpu.memory_space<vmem>>
      %dma_start3A_299 = arith.constant 0 : i32
      %dma_start3A_300 = arith.constant 0 : i32
      %dma_start3A_301 = tpu.memref_slice %arg2[%dma_start3A_299, %dma_start3A_300] : memref<10000x128xf32, #tpu.memory_space<hbm>> -> memref<10000x128xf32, #tpu.memory_space<hbm>>
      %dma_start3A_302 = tpu.memref_slice %arg12[%dma_start3A_291] : memref<2x!tpu.dma_semaphore, #tpu.memory_space<semaphore_mem>> -> memref<1x!tpu.dma_semaphore, #tpu.memory_space<semaphore_mem>>
      %dma_start3A_303 = tpu.memref_squeeze %dma_start3A_302 : memref<1x!tpu.dma_semaphore, #tpu.memory_space<semaphore_mem>> -> memref<!tpu.dma_semaphore, #tpu.memory_space<semaphore_mem>>
      tpu.enqueue_indirect_dma source(%dma_start3A_301 : memref<10000x128xf32, #tpu.memory_space<hbm>>) target(%dma_start3A_295 : memref<128x128xf32, #tpu.memory_space<vmem>>) offsets(%dma_start3A_298 : memref<128xi32, #tpu.memory_space<vmem>>) semaphore(%dma_start3A_303 : memref<!tpu.dma_semaphore, #tpu.memory_space<semaphore_mem>>)
      %dma_wait3A_304 = arith.constant 0 : i32
      %dma_wait3A_305 = arith.constant 0 : i32
      %dma_wait3A_306 = arith.constant 0 : i32
      %dma_wait3A_307 = arith.constant 0 : i32
      %dma_wait3A_308 = arith.constant 0 : i32
      %dma_wait3A_309 = tpu.memref_slice %arg9[%dma_wait3A_305, %dma_wait3A_307, %dma_wait3A_308] : memref<2x128x128xf32, #tpu.memory_space<vmem>> -> memref<1x128x128xf32, #tpu.memory_space<vmem>>
      %dma_wait3A_310 = tpu.memref_squeeze %dma_wait3A_309 : memref<1x128x128xf32, #tpu.memory_space<vmem>> -> memref<128x128xf32, #tpu.memory_space<vmem>>
      %dma_wait3A_311 = arith.constant 0 : i32
      %dma_wait3A_312 = tpu.memref_slice %arg7[%dma_wait3A_304, %dma_wait3A_311] : memref<4x128xi32, #tpu.memory_space<vmem>> -> memref<1x128xi32, #tpu.memory_space<vmem>>
      %dma_wait3A_313 = tpu.memref_squeeze %dma_wait3A_312 : memref<1x128xi32, #tpu.memory_space<vmem>> -> memref<128xi32, #tpu.memory_space<vmem>>
      %dma_wait3A_314 = arith.constant 0 : i32
      %dma_wait3A_315 = arith.constant 0 : i32
      %dma_wait3A_316 = tpu.memref_slice %arg2[%dma_wait3A_314, %dma_wait3A_315] : memref<10000x128xf32, #tpu.memory_space<hbm>> -> memref<10000x128xf32, #tpu.memory_space<hbm>>
      %dma_wait3A_317 = tpu.memref_slice %arg12[%dma_wait3A_306] : memref<2x!tpu.dma_semaphore, #tpu.memory_space<semaphore_mem>> -> memref<1x!tpu.dma_semaphore, #tpu.memory_space<semaphore_mem>>
      %dma_wait3A_318 = tpu.memref_squeeze %dma_wait3A_317 : memref<1x!tpu.dma_semaphore, #tpu.memory_space<semaphore_mem>> -> memref<!tpu.dma_semaphore, #tpu.memory_space<semaphore_mem>>
      tpu.wait_indirect_dma semaphore(%dma_wait3A_318 : memref<!tpu.dma_semaphore, #tpu.memory_space<semaphore_mem>>) src(%dma_wait3A_316 : memref<10000x128xf32, #tpu.memory_space<hbm>>) dst(%dma_wait3A_310 : memref<128x128xf32, #tpu.memory_space<vmem>>)
      %dma_start3A_319 = arith.constant 0 : i32
      %dma_start3A_320 = arith.constant 0 : i32
      %dma_start3A_321 = arith.constant 0 : i32
      %dma_start3A_322 = arith.constant 0 : i32
      %dma_start3A_323 = arith.constant 0 : i32
      %dma_start3A_324 = tpu.memref_slice %arg9[%dma_start3A_319, %dma_start3A_322, %dma_start3A_323] : memref<2x128x128xf32, #tpu.memory_space<vmem>> -> memref<1x128x128xf32, #tpu.memory_space<vmem>>
      %dma_start3A_325 = tpu.memref_squeeze %dma_start3A_324 : memref<1x128x128xf32, #tpu.memory_space<vmem>> -> memref<128x128xf32, #tpu.memory_space<vmem>>
      %dma_start3A_326 = arith.constant 0 : i32
      %dma_start3A_327 = tpu.memref_slice %arg8[%dma_start3A_320, %dma_start3A_326] : memref<4x128xi32, #tpu.memory_space<vmem>> -> memref<1x128xi32, #tpu.memory_space<vmem>>
      %dma_start3A_328 = tpu.memref_squeeze %dma_start3A_327 : memref<1x128xi32, #tpu.memory_space<vmem>> -> memref<128xi32, #tpu.memory_space<vmem>>
      %dma_start3A_329 = arith.constant 0 : i32
      %dma_start3A_330 = arith.constant 0 : i32
      %dma_start3A_331 = tpu.memref_slice %arg6[%dma_start3A_329, %dma_start3A_330] : memref<10240x128xf32, #tpu.memory_space<vmem_shared>> -> memref<10240x128xf32, #tpu.memory_space<vmem_shared>>
      %dma_start3A_332 = tpu.memref_slice %arg13[%dma_start3A_321] : memref<4x!tpu.dma_semaphore, #tpu.memory_space<semaphore_mem>> -> memref<1x!tpu.dma_semaphore, #tpu.memory_space<semaphore_mem>>
      %dma_start3A_333 = tpu.memref_squeeze %dma_start3A_332 : memref<1x!tpu.dma_semaphore, #tpu.memory_space<semaphore_mem>> -> memref<!tpu.dma_semaphore, #tpu.memory_space<semaphore_mem>>
      tpu.enqueue_indirect_dma source(%dma_start3A_325 : memref<128x128xf32, #tpu.memory_space<vmem>>) target(%dma_start3A_331 : memref<10240x128xf32, #tpu.memory_space<vmem_shared>>) offsets(%dma_start3A_328 : memref<128xi32, #tpu.memory_space<vmem>>) semaphore(%dma_start3A_333 : memref<!tpu.dma_semaphore, #tpu.memory_space<semaphore_mem>>) {add = true}
      %mul3A_334 = arith.constant 4 : i32
      %mul3A_335 = arith.muli %add3A_199, %mul3A_334 : i32
      %add3A_336 = arith.constant 2 : i32
      %add3A_337 = arith.addi %mul3A_335, %add3A_336 : i32
      %dma_wait3A_338 = arith.constant 0 : i32
      %dma_wait3A_339 = arith.constant 0 : i32
      %dma_wait3A_340 = arith.constant 0 : i32
      %dma_wait3A_341 = arith.constant 0 : i32
      %dma_wait3A_342 = arith.constant 0 : i32
      %dma_wait3A_343 = tpu.memref_slice %arg9[%dma_wait3A_338, %dma_wait3A_341, %dma_wait3A_342] : memref<2x128x128xf32, #tpu.memory_space<vmem>> -> memref<1x128x128xf32, #tpu.memory_space<vmem>>
      %dma_wait3A_344 = tpu.memref_squeeze %dma_wait3A_343 : memref<1x128x128xf32, #tpu.memory_space<vmem>> -> memref<128x128xf32, #tpu.memory_space<vmem>>
      %dma_wait3A_345 = arith.constant 0 : i32
      %dma_wait3A_346 = tpu.memref_slice %arg8[%dma_wait3A_339, %dma_wait3A_345] : memref<4x128xi32, #tpu.memory_space<vmem>> -> memref<1x128xi32, #tpu.memory_space<vmem>>
      %dma_wait3A_347 = tpu.memref_squeeze %dma_wait3A_346 : memref<1x128xi32, #tpu.memory_space<vmem>> -> memref<128xi32, #tpu.memory_space<vmem>>
      %dma_wait3A_348 = arith.constant 0 : i32
      %dma_wait3A_349 = arith.constant 0 : i32
      %dma_wait3A_350 = tpu.memref_slice %arg6[%dma_wait3A_348, %dma_wait3A_349] : memref<10240x128xf32, #tpu.memory_space<vmem_shared>> -> memref<10240x128xf32, #tpu.memory_space<vmem_shared>>
      %dma_wait3A_351 = tpu.memref_slice %arg13[%dma_wait3A_340] : memref<4x!tpu.dma_semaphore, #tpu.memory_space<semaphore_mem>> -> memref<1x!tpu.dma_semaphore, #tpu.memory_space<semaphore_mem>>
      %dma_wait3A_352 = tpu.memref_squeeze %dma_wait3A_351 : memref<1x!tpu.dma_semaphore, #tpu.memory_space<semaphore_mem>> -> memref<!tpu.dma_semaphore, #tpu.memory_space<semaphore_mem>>
      tpu.wait_indirect_dma semaphore(%dma_wait3A_352 : memref<!tpu.dma_semaphore, #tpu.memory_space<semaphore_mem>>) src(%dma_wait3A_344 : memref<128x128xf32, #tpu.memory_space<vmem>>) dst(%dma_wait3A_350 : memref<10240x128xf32, #tpu.memory_space<vmem_shared>>)
      %add3A_353 = arith.constant 2 : i32
      %add3A_354 = arith.addi %add3A_337, %add3A_353 : i32
      %lt3A = arith.constant 80 : i32
      %lt3A_355 = arith.cmpi slt, %add3A_354, %lt3A : i32
      %convert_element_type3A_356 = arith.extui %lt3A_355 : i1 to i32
      %cond3A_357 = arith.constant 0 : i32
      %cond3A_358 = arith.cmpi ne, %convert_element_type3A_356, %cond3A_357 : i32
      scf.if %cond3A_358 {
        %add3A_529 = arith.constant 2 : i32
        %add3A_530 = arith.addi %add3A_337, %add3A_529 : i32
        %mul3A_531 = arith.constant 128 : i32
        %mul3A_532 = arith.muli %add3A_530, %mul3A_531 : i32
        %add3A_533 = arith.addi %mul3A_16, %mul3A_532 : i32
        %dma_start3A_534 = arith.constant 0 : i32
        %dma_start3A_535 = arith.constant 0 : i32
        %dma_start3A_536 = arith.constant 0 : i32
        %dma_start3A_537 = tpu.memref_slice %arg7[%dma_start3A_534, %dma_start3A_536] : memref<4x128xi32, #tpu.memory_space<vmem>> -> memref<1x128xi32, #tpu.memory_space<vmem>>
        %dma_start3A_538 = tpu.memref_squeeze %dma_start3A_537 : memref<1x128xi32, #tpu.memory_space<vmem>> -> memref<128xi32, #tpu.memory_space<vmem>>
        %dma_start3A_539 = tpu.memref_slice %arg3[%add3A_533] : memref<327680xi32, #tpu.memory_space<hbm>> -> memref<128xi32, #tpu.memory_space<hbm>>
        %dma_start3A_540 = tpu.memref_slice %arg11[%dma_start3A_535] : memref<4x!tpu.dma_semaphore, #tpu.memory_space<semaphore_mem>> -> memref<1x!tpu.dma_semaphore, #tpu.memory_space<semaphore_mem>>
        %dma_start3A_541 = tpu.memref_squeeze %dma_start3A_540 : memref<1x!tpu.dma_semaphore, #tpu.memory_space<semaphore_mem>> -> memref<!tpu.dma_semaphore, #tpu.memory_space<semaphore_mem>>
        %dma_start3A_542 = arith.constant 0 : i32
        %dma_start3A_543 = tpu.memref_slice %arg7[%dma_start3A_534, %dma_start3A_542] : memref<4x128xi32, #tpu.memory_space<vmem>> -> memref<1x128xi32, #tpu.memory_space<vmem>>
        %dma_start3A_544 = tpu.memref_squeeze %dma_start3A_543 : memref<1x128xi32, #tpu.memory_space<vmem>> -> memref<128xi32, #tpu.memory_space<vmem>>
        %dma_start3A_545 = tpu.memref_slice %arg3[%add3A_533] : memref<327680xi32, #tpu.memory_space<hbm>> -> memref<128xi32, #tpu.memory_space<hbm>>
        tpu.enqueue_dma source(%dma_start3A_545 : memref<128xi32, #tpu.memory_space<hbm>>) target(%dma_start3A_544 : memref<128xi32, #tpu.memory_space<vmem>>) target_semaphore(%dma_start3A_541 : memref<!tpu.dma_semaphore, #tpu.memory_space<semaphore_mem>>)
        %dma_start3A_546 = arith.constant 0 : i32
        %dma_start3A_547 = arith.constant 0 : i32
        %dma_start3A_548 = arith.constant 0 : i32
        %dma_start3A_549 = tpu.memref_slice %arg8[%dma_start3A_546, %dma_start3A_548] : memref<4x128xi32, #tpu.memory_space<vmem>> -> memref<1x128xi32, #tpu.memory_space<vmem>>
        %dma_start3A_550 = tpu.memref_squeeze %dma_start3A_549 : memref<1x128xi32, #tpu.memory_space<vmem>> -> memref<128xi32, #tpu.memory_space<vmem>>
        %dma_start3A_551 = tpu.memref_slice %arg4[%add3A_533] : memref<327680xi32, #tpu.memory_space<hbm>> -> memref<128xi32, #tpu.memory_space<hbm>>
        %dma_start3A_552 = tpu.memref_slice %arg11[%dma_start3A_547] : memref<4x!tpu.dma_semaphore, #tpu.memory_space<semaphore_mem>> -> memref<1x!tpu.dma_semaphore, #tpu.memory_space<semaphore_mem>>
        %dma_start3A_553 = tpu.memref_squeeze %dma_start3A_552 : memref<1x!tpu.dma_semaphore, #tpu.memory_space<semaphore_mem>> -> memref<!tpu.dma_semaphore, #tpu.memory_space<semaphore_mem>>
        %dma_start3A_554 = arith.constant 0 : i32
        %dma_start3A_555 = tpu.memref_slice %arg8[%dma_start3A_546, %dma_start3A_554] : memref<4x128xi32, #tpu.memory_space<vmem>> -> memref<1x128xi32, #tpu.memory_space<vmem>>
        %dma_start3A_556 = tpu.memref_squeeze %dma_start3A_555 : memref<1x128xi32, #tpu.memory_space<vmem>> -> memref<128xi32, #tpu.memory_space<vmem>>
        %dma_start3A_557 = tpu.memref_slice %arg4[%add3A_533] : memref<327680xi32, #tpu.memory_space<hbm>> -> memref<128xi32, #tpu.memory_space<hbm>>
        tpu.enqueue_dma source(%dma_start3A_557 : memref<128xi32, #tpu.memory_space<hbm>>) target(%dma_start3A_556 : memref<128xi32, #tpu.memory_space<vmem>>) target_semaphore(%dma_start3A_553 : memref<!tpu.dma_semaphore, #tpu.memory_space<semaphore_mem>>)
      } else {
      }
      %mul3A_359 = arith.constant 128 : i32
      %mul3A_360 = arith.muli %add3A_337, %mul3A_359 : i32
      %add3A_361 = arith.addi %mul3A_16, %mul3A_360 : i32
      %dma_wait3A_362 = arith.constant 2 : i32
      %dma_wait3A_363 = arith.constant 2 : i32
      %dma_wait3A_364 = arith.constant 0 : i32
      %dma_wait3A_365 = tpu.memref_slice %arg7[%dma_wait3A_362, %dma_wait3A_364] : memref<4x128xi32, #tpu.memory_space<vmem>> -> memref<1x128xi32, #tpu.memory_space<vmem>>
      %dma_wait3A_366 = tpu.memref_squeeze %dma_wait3A_365 : memref<1x128xi32, #tpu.memory_space<vmem>> -> memref<128xi32, #tpu.memory_space<vmem>>
      %dma_wait3A_367 = tpu.memref_slice %arg3[%add3A_361] : memref<327680xi32, #tpu.memory_space<hbm>> -> memref<128xi32, #tpu.memory_space<hbm>>
      %dma_wait3A_368 = tpu.memref_slice %arg11[%dma_wait3A_363] : memref<4x!tpu.dma_semaphore, #tpu.memory_space<semaphore_mem>> -> memref<1x!tpu.dma_semaphore, #tpu.memory_space<semaphore_mem>>
      %dma_wait3A_369 = tpu.memref_squeeze %dma_wait3A_368 : memref<1x!tpu.dma_semaphore, #tpu.memory_space<semaphore_mem>> -> memref<!tpu.dma_semaphore, #tpu.memory_space<semaphore_mem>>
      %dma_wait3A_370 = arith.constant 0 : i32
      %dma_wait3A_371 = tpu.memref_slice %arg7[%dma_wait3A_362, %dma_wait3A_370] : memref<4x128xi32, #tpu.memory_space<vmem>> -> memref<1x128xi32, #tpu.memory_space<vmem>>
      %dma_wait3A_372 = tpu.memref_squeeze %dma_wait3A_371 : memref<1x128xi32, #tpu.memory_space<vmem>> -> memref<128xi32, #tpu.memory_space<vmem>>
      %dma_wait3A_373 = tpu.memref_slice %arg3[%add3A_361] : memref<327680xi32, #tpu.memory_space<hbm>> -> memref<128xi32, #tpu.memory_space<hbm>>
      tpu.wait_dma2 semaphore(%dma_wait3A_369 : memref<!tpu.dma_semaphore, #tpu.memory_space<semaphore_mem>>) src(%dma_wait3A_373 : memref<128xi32, #tpu.memory_space<hbm>>) dst(%dma_wait3A_372 : memref<128xi32, #tpu.memory_space<vmem>>)
      %dma_wait3A_374 = arith.constant 2 : i32
      %dma_wait3A_375 = arith.constant 2 : i32
      %dma_wait3A_376 = arith.constant 0 : i32
      %dma_wait3A_377 = tpu.memref_slice %arg8[%dma_wait3A_374, %dma_wait3A_376] : memref<4x128xi32, #tpu.memory_space<vmem>> -> memref<1x128xi32, #tpu.memory_space<vmem>>
      %dma_wait3A_378 = tpu.memref_squeeze %dma_wait3A_377 : memref<1x128xi32, #tpu.memory_space<vmem>> -> memref<128xi32, #tpu.memory_space<vmem>>
      %dma_wait3A_379 = tpu.memref_slice %arg4[%add3A_361] : memref<327680xi32, #tpu.memory_space<hbm>> -> memref<128xi32, #tpu.memory_space<hbm>>
      %dma_wait3A_380 = tpu.memref_slice %arg11[%dma_wait3A_375] : memref<4x!tpu.dma_semaphore, #tpu.memory_space<semaphore_mem>> -> memref<1x!tpu.dma_semaphore, #tpu.memory_space<semaphore_mem>>
      %dma_wait3A_381 = tpu.memref_squeeze %dma_wait3A_380 : memref<1x!tpu.dma_semaphore, #tpu.memory_space<semaphore_mem>> -> memref<!tpu.dma_semaphore, #tpu.memory_space<semaphore_mem>>
      %dma_wait3A_382 = arith.constant 0 : i32
      %dma_wait3A_383 = tpu.memref_slice %arg8[%dma_wait3A_374, %dma_wait3A_382] : memref<4x128xi32, #tpu.memory_space<vmem>> -> memref<1x128xi32, #tpu.memory_space<vmem>>
      %dma_wait3A_384 = tpu.memref_squeeze %dma_wait3A_383 : memref<1x128xi32, #tpu.memory_space<vmem>> -> memref<128xi32, #tpu.memory_space<vmem>>
      %dma_wait3A_385 = tpu.memref_slice %arg4[%add3A_361] : memref<327680xi32, #tpu.memory_space<hbm>> -> memref<128xi32, #tpu.memory_space<hbm>>
      tpu.wait_dma2 semaphore(%dma_wait3A_381 : memref<!tpu.dma_semaphore, #tpu.memory_space<semaphore_mem>>) src(%dma_wait3A_385 : memref<128xi32, #tpu.memory_space<hbm>>) dst(%dma_wait3A_384 : memref<128xi32, #tpu.memory_space<vmem>>)
      %dma_start3A_386 = arith.constant 2 : i32
      %dma_start3A_387 = arith.constant 0 : i32
      %dma_start3A_388 = arith.constant 0 : i32
      %dma_start3A_389 = arith.constant 0 : i32
      %dma_start3A_390 = arith.constant 0 : i32
      %dma_start3A_391 = tpu.memref_slice %arg9[%dma_start3A_387, %dma_start3A_389, %dma_start3A_390] : memref<2x128x128xf32, #tpu.memory_space<vmem>> -> memref<1x128x128xf32, #tpu.memory_space<vmem>>
      %dma_start3A_392 = tpu.memref_squeeze %dma_start3A_391 : memref<1x128x128xf32, #tpu.memory_space<vmem>> -> memref<128x128xf32, #tpu.memory_space<vmem>>
      %dma_start3A_393 = arith.constant 0 : i32
      %dma_start3A_394 = tpu.memref_slice %arg7[%dma_start3A_386, %dma_start3A_393] : memref<4x128xi32, #tpu.memory_space<vmem>> -> memref<1x128xi32, #tpu.memory_space<vmem>>
      %dma_start3A_395 = tpu.memref_squeeze %dma_start3A_394 : memref<1x128xi32, #tpu.memory_space<vmem>> -> memref<128xi32, #tpu.memory_space<vmem>>
      %dma_start3A_396 = arith.constant 0 : i32
      %dma_start3A_397 = arith.constant 0 : i32
      %dma_start3A_398 = tpu.memref_slice %arg2[%dma_start3A_396, %dma_start3A_397] : memref<10000x128xf32, #tpu.memory_space<hbm>> -> memref<10000x128xf32, #tpu.memory_space<hbm>>
      %dma_start3A_399 = tpu.memref_slice %arg12[%dma_start3A_388] : memref<2x!tpu.dma_semaphore, #tpu.memory_space<semaphore_mem>> -> memref<1x!tpu.dma_semaphore, #tpu.memory_space<semaphore_mem>>
      %dma_start3A_400 = tpu.memref_squeeze %dma_start3A_399 : memref<1x!tpu.dma_semaphore, #tpu.memory_space<semaphore_mem>> -> memref<!tpu.dma_semaphore, #tpu.memory_space<semaphore_mem>>
      tpu.enqueue_indirect_dma source(%dma_start3A_398 : memref<10000x128xf32, #tpu.memory_space<hbm>>) target(%dma_start3A_392 : memref<128x128xf32, #tpu.memory_space<vmem>>) offsets(%dma_start3A_395 : memref<128xi32, #tpu.memory_space<vmem>>) semaphore(%dma_start3A_400 : memref<!tpu.dma_semaphore, #tpu.memory_space<semaphore_mem>>)
      %dma_wait3A_401 = arith.constant 1 : i32
      %dma_wait3A_402 = arith.constant 1 : i32
      %dma_wait3A_403 = arith.constant 1 : i32
      %dma_wait3A_404 = arith.constant 0 : i32
      %dma_wait3A_405 = arith.constant 0 : i32
      %dma_wait3A_406 = tpu.memref_slice %arg9[%dma_wait3A_402, %dma_wait3A_404, %dma_wait3A_405] : memref<2x128x128xf32, #tpu.memory_space<vmem>> -> memref<1x128x128xf32, #tpu.memory_space<vmem>>
      %dma_wait3A_407 = tpu.memref_squeeze %dma_wait3A_406 : memref<1x128x128xf32, #tpu.memory_space<vmem>> -> memref<128x128xf32, #tpu.memory_space<vmem>>
      %dma_wait3A_408 = arith.constant 0 : i32
      %dma_wait3A_409 = tpu.memref_slice %arg7[%dma_wait3A_401, %dma_wait3A_408] : memref<4x128xi32, #tpu.memory_space<vmem>> -> memref<1x128xi32, #tpu.memory_space<vmem>>
      %dma_wait3A_410 = tpu.memref_squeeze %dma_wait3A_409 : memref<1x128xi32, #tpu.memory_space<vmem>> -> memref<128xi32, #tpu.memory_space<vmem>>
      %dma_wait3A_411 = arith.constant 0 : i32
      %dma_wait3A_412 = arith.constant 0 : i32
      %dma_wait3A_413 = tpu.memref_slice %arg2[%dma_wait3A_411, %dma_wait3A_412] : memref<10000x128xf32, #tpu.memory_space<hbm>> -> memref<10000x128xf32, #tpu.memory_space<hbm>>
      %dma_wait3A_414 = tpu.memref_slice %arg12[%dma_wait3A_403] : memref<2x!tpu.dma_semaphore, #tpu.memory_space<semaphore_mem>> -> memref<1x!tpu.dma_semaphore, #tpu.memory_space<semaphore_mem>>
      %dma_wait3A_415 = tpu.memref_squeeze %dma_wait3A_414 : memref<1x!tpu.dma_semaphore, #tpu.memory_space<semaphore_mem>> -> memref<!tpu.dma_semaphore, #tpu.memory_space<semaphore_mem>>
      tpu.wait_indirect_dma semaphore(%dma_wait3A_415 : memref<!tpu.dma_semaphore, #tpu.memory_space<semaphore_mem>>) src(%dma_wait3A_413 : memref<10000x128xf32, #tpu.memory_space<hbm>>) dst(%dma_wait3A_407 : memref<128x128xf32, #tpu.memory_space<vmem>>)
      %dma_start3A_416 = arith.constant 1 : i32
      %dma_start3A_417 = arith.constant 1 : i32
      %dma_start3A_418 = arith.constant 1 : i32
      %dma_start3A_419 = arith.constant 0 : i32
      %dma_start3A_420 = arith.constant 0 : i32
      %dma_start3A_421 = tpu.memref_slice %arg9[%dma_start3A_416, %dma_start3A_419, %dma_start3A_420] : memref<2x128x128xf32, #tpu.memory_space<vmem>> -> memref<1x128x128xf32, #tpu.memory_space<vmem>>
      %dma_start3A_422 = tpu.memref_squeeze %dma_start3A_421 : memref<1x128x128xf32, #tpu.memory_space<vmem>> -> memref<128x128xf32, #tpu.memory_space<vmem>>
      %dma_start3A_423 = arith.constant 0 : i32
      %dma_start3A_424 = tpu.memref_slice %arg8[%dma_start3A_417, %dma_start3A_423] : memref<4x128xi32, #tpu.memory_space<vmem>> -> memref<1x128xi32, #tpu.memory_space<vmem>>
      %dma_start3A_425 = tpu.memref_squeeze %dma_start3A_424 : memref<1x128xi32, #tpu.memory_space<vmem>> -> memref<128xi32, #tpu.memory_space<vmem>>
      %dma_start3A_426 = arith.constant 0 : i32
      %dma_start3A_427 = arith.constant 0 : i32
      %dma_start3A_428 = tpu.memref_slice %arg6[%dma_start3A_426, %dma_start3A_427] : memref<10240x128xf32, #tpu.memory_space<vmem_shared>> -> memref<10240x128xf32, #tpu.memory_space<vmem_shared>>
      %dma_start3A_429 = tpu.memref_slice %arg13[%dma_start3A_418] : memref<4x!tpu.dma_semaphore, #tpu.memory_space<semaphore_mem>> -> memref<1x!tpu.dma_semaphore, #tpu.memory_space<semaphore_mem>>
      %dma_start3A_430 = tpu.memref_squeeze %dma_start3A_429 : memref<1x!tpu.dma_semaphore, #tpu.memory_space<semaphore_mem>> -> memref<!tpu.dma_semaphore, #tpu.memory_space<semaphore_mem>>
      tpu.enqueue_indirect_dma source(%dma_start3A_422 : memref<128x128xf32, #tpu.memory_space<vmem>>) target(%dma_start3A_428 : memref<10240x128xf32, #tpu.memory_space<vmem_shared>>) offsets(%dma_start3A_425 : memref<128xi32, #tpu.memory_space<vmem>>) semaphore(%dma_start3A_430 : memref<!tpu.dma_semaphore, #tpu.memory_space<semaphore_mem>>) {add = true}
      %mul3A_431 = arith.constant 4 : i32
      %mul3A_432 = arith.muli %add3A_199, %mul3A_431 : i32
      %add3A_433 = arith.constant 3 : i32
      %add3A_434 = arith.addi %mul3A_432, %add3A_433 : i32
      %dma_wait3A_435 = arith.constant 1 : i32
      %dma_wait3A_436 = arith.constant 1 : i32
      %dma_wait3A_437 = arith.constant 1 : i32
      %dma_wait3A_438 = arith.constant 0 : i32
      %dma_wait3A_439 = arith.constant 0 : i32
      %dma_wait3A_440 = tpu.memref_slice %arg9[%dma_wait3A_435, %dma_wait3A_438, %dma_wait3A_439] : memref<2x128x128xf32, #tpu.memory_space<vmem>> -> memref<1x128x128xf32, #tpu.memory_space<vmem>>
      %dma_wait3A_441 = tpu.memref_squeeze %dma_wait3A_440 : memref<1x128x128xf32, #tpu.memory_space<vmem>> -> memref<128x128xf32, #tpu.memory_space<vmem>>
      %dma_wait3A_442 = arith.constant 0 : i32
      %dma_wait3A_443 = tpu.memref_slice %arg8[%dma_wait3A_436, %dma_wait3A_442] : memref<4x128xi32, #tpu.memory_space<vmem>> -> memref<1x128xi32, #tpu.memory_space<vmem>>
      %dma_wait3A_444 = tpu.memref_squeeze %dma_wait3A_443 : memref<1x128xi32, #tpu.memory_space<vmem>> -> memref<128xi32, #tpu.memory_space<vmem>>
      %dma_wait3A_445 = arith.constant 0 : i32
      %dma_wait3A_446 = arith.constant 0 : i32
      %dma_wait3A_447 = tpu.memref_slice %arg6[%dma_wait3A_445, %dma_wait3A_446] : memref<10240x128xf32, #tpu.memory_space<vmem_shared>> -> memref<10240x128xf32, #tpu.memory_space<vmem_shared>>
      %dma_wait3A_448 = tpu.memref_slice %arg13[%dma_wait3A_437] : memref<4x!tpu.dma_semaphore, #tpu.memory_space<semaphore_mem>> -> memref<1x!tpu.dma_semaphore, #tpu.memory_space<semaphore_mem>>
      %dma_wait3A_449 = tpu.memref_squeeze %dma_wait3A_448 : memref<1x!tpu.dma_semaphore, #tpu.memory_space<semaphore_mem>> -> memref<!tpu.dma_semaphore, #tpu.memory_space<semaphore_mem>>
      tpu.wait_indirect_dma semaphore(%dma_wait3A_449 : memref<!tpu.dma_semaphore, #tpu.memory_space<semaphore_mem>>) src(%dma_wait3A_441 : memref<128x128xf32, #tpu.memory_space<vmem>>) dst(%dma_wait3A_447 : memref<10240x128xf32, #tpu.memory_space<vmem_shared>>)
      %add3A_450 = arith.constant 2 : i32
      %add3A_451 = arith.addi %add3A_434, %add3A_450 : i32
      %lt3A_452 = arith.constant 80 : i32
      %lt3A_453 = arith.cmpi slt, %add3A_451, %lt3A_452 : i32
      %convert_element_type3A_454 = arith.extui %lt3A_453 : i1 to i32
      %cond3A_455 = arith.constant 0 : i32
      %cond3A_456 = arith.cmpi ne, %convert_element_type3A_454, %cond3A_455 : i32
      scf.if %cond3A_456 {
        %add3A_529 = arith.constant 2 : i32
        %add3A_530 = arith.addi %add3A_434, %add3A_529 : i32
        %mul3A_531 = arith.constant 128 : i32
        %mul3A_532 = arith.muli %add3A_530, %mul3A_531 : i32
        %add3A_533 = arith.addi %mul3A_16, %mul3A_532 : i32
        %dma_start3A_534 = arith.constant 1 : i32
        %dma_start3A_535 = arith.constant 1 : i32
        %dma_start3A_536 = arith.constant 0 : i32
        %dma_start3A_537 = tpu.memref_slice %arg7[%dma_start3A_534, %dma_start3A_536] : memref<4x128xi32, #tpu.memory_space<vmem>> -> memref<1x128xi32, #tpu.memory_space<vmem>>
        %dma_start3A_538 = tpu.memref_squeeze %dma_start3A_537 : memref<1x128xi32, #tpu.memory_space<vmem>> -> memref<128xi32, #tpu.memory_space<vmem>>
        %dma_start3A_539 = tpu.memref_slice %arg3[%add3A_533] : memref<327680xi32, #tpu.memory_space<hbm>> -> memref<128xi32, #tpu.memory_space<hbm>>
        %dma_start3A_540 = tpu.memref_slice %arg11[%dma_start3A_535] : memref<4x!tpu.dma_semaphore, #tpu.memory_space<semaphore_mem>> -> memref<1x!tpu.dma_semaphore, #tpu.memory_space<semaphore_mem>>
        %dma_start3A_541 = tpu.memref_squeeze %dma_start3A_540 : memref<1x!tpu.dma_semaphore, #tpu.memory_space<semaphore_mem>> -> memref<!tpu.dma_semaphore, #tpu.memory_space<semaphore_mem>>
        %dma_start3A_542 = arith.constant 0 : i32
        %dma_start3A_543 = tpu.memref_slice %arg7[%dma_start3A_534, %dma_start3A_542] : memref<4x128xi32, #tpu.memory_space<vmem>> -> memref<1x128xi32, #tpu.memory_space<vmem>>
        %dma_start3A_544 = tpu.memref_squeeze %dma_start3A_543 : memref<1x128xi32, #tpu.memory_space<vmem>> -> memref<128xi32, #tpu.memory_space<vmem>>
        %dma_start3A_545 = tpu.memref_slice %arg3[%add3A_533] : memref<327680xi32, #tpu.memory_space<hbm>> -> memref<128xi32, #tpu.memory_space<hbm>>
        tpu.enqueue_dma source(%dma_start3A_545 : memref<128xi32, #tpu.memory_space<hbm>>) target(%dma_start3A_544 : memref<128xi32, #tpu.memory_space<vmem>>) target_semaphore(%dma_start3A_541 : memref<!tpu.dma_semaphore, #tpu.memory_space<semaphore_mem>>)
        %dma_start3A_546 = arith.constant 1 : i32
        %dma_start3A_547 = arith.constant 1 : i32
        %dma_start3A_548 = arith.constant 0 : i32
        %dma_start3A_549 = tpu.memref_slice %arg8[%dma_start3A_546, %dma_start3A_548] : memref<4x128xi32, #tpu.memory_space<vmem>> -> memref<1x128xi32, #tpu.memory_space<vmem>>
        %dma_start3A_550 = tpu.memref_squeeze %dma_start3A_549 : memref<1x128xi32, #tpu.memory_space<vmem>> -> memref<128xi32, #tpu.memory_space<vmem>>
        %dma_start3A_551 = tpu.memref_slice %arg4[%add3A_533] : memref<327680xi32, #tpu.memory_space<hbm>> -> memref<128xi32, #tpu.memory_space<hbm>>
        %dma_start3A_552 = tpu.memref_slice %arg11[%dma_start3A_547] : memref<4x!tpu.dma_semaphore, #tpu.memory_space<semaphore_mem>> -> memref<1x!tpu.dma_semaphore, #tpu.memory_space<semaphore_mem>>
        %dma_start3A_553 = tpu.memref_squeeze %dma_start3A_552 : memref<1x!tpu.dma_semaphore, #tpu.memory_space<semaphore_mem>> -> memref<!tpu.dma_semaphore, #tpu.memory_space<semaphore_mem>>
        %dma_start3A_554 = arith.constant 0 : i32
        %dma_start3A_555 = tpu.memref_slice %arg8[%dma_start3A_546, %dma_start3A_554] : memref<4x128xi32, #tpu.memory_space<vmem>> -> memref<1x128xi32, #tpu.memory_space<vmem>>
        %dma_start3A_556 = tpu.memref_squeeze %dma_start3A_555 : memref<1x128xi32, #tpu.memory_space<vmem>> -> memref<128xi32, #tpu.memory_space<vmem>>
        %dma_start3A_557 = tpu.memref_slice %arg4[%add3A_533] : memref<327680xi32, #tpu.memory_space<hbm>> -> memref<128xi32, #tpu.memory_space<hbm>>
        tpu.enqueue_dma source(%dma_start3A_557 : memref<128xi32, #tpu.memory_space<hbm>>) target(%dma_start3A_556 : memref<128xi32, #tpu.memory_space<vmem>>) target_semaphore(%dma_start3A_553 : memref<!tpu.dma_semaphore, #tpu.memory_space<semaphore_mem>>)
      } else {
      }
      %mul3A_457 = arith.constant 128 : i32
      %mul3A_458 = arith.muli %add3A_434, %mul3A_457 : i32
      %add3A_459 = arith.addi %mul3A_16, %mul3A_458 : i32
      %dma_wait3A_460 = arith.constant 3 : i32
      %dma_wait3A_461 = arith.constant 3 : i32
      %dma_wait3A_462 = arith.constant 0 : i32
      %dma_wait3A_463 = tpu.memref_slice %arg7[%dma_wait3A_460, %dma_wait3A_462] : memref<4x128xi32, #tpu.memory_space<vmem>> -> memref<1x128xi32, #tpu.memory_space<vmem>>
      %dma_wait3A_464 = tpu.memref_squeeze %dma_wait3A_463 : memref<1x128xi32, #tpu.memory_space<vmem>> -> memref<128xi32, #tpu.memory_space<vmem>>
      %dma_wait3A_465 = tpu.memref_slice %arg3[%add3A_459] : memref<327680xi32, #tpu.memory_space<hbm>> -> memref<128xi32, #tpu.memory_space<hbm>>
      %dma_wait3A_466 = tpu.memref_slice %arg11[%dma_wait3A_461] : memref<4x!tpu.dma_semaphore, #tpu.memory_space<semaphore_mem>> -> memref<1x!tpu.dma_semaphore, #tpu.memory_space<semaphore_mem>>
      %dma_wait3A_467 = tpu.memref_squeeze %dma_wait3A_466 : memref<1x!tpu.dma_semaphore, #tpu.memory_space<semaphore_mem>> -> memref<!tpu.dma_semaphore, #tpu.memory_space<semaphore_mem>>
      %dma_wait3A_468 = arith.constant 0 : i32
      %dma_wait3A_469 = tpu.memref_slice %arg7[%dma_wait3A_460, %dma_wait3A_468] : memref<4x128xi32, #tpu.memory_space<vmem>> -> memref<1x128xi32, #tpu.memory_space<vmem>>
      %dma_wait3A_470 = tpu.memref_squeeze %dma_wait3A_469 : memref<1x128xi32, #tpu.memory_space<vmem>> -> memref<128xi32, #tpu.memory_space<vmem>>
      %dma_wait3A_471 = tpu.memref_slice %arg3[%add3A_459] : memref<327680xi32, #tpu.memory_space<hbm>> -> memref<128xi32, #tpu.memory_space<hbm>>
      tpu.wait_dma2 semaphore(%dma_wait3A_467 : memref<!tpu.dma_semaphore, #tpu.memory_space<semaphore_mem>>) src(%dma_wait3A_471 : memref<128xi32, #tpu.memory_space<hbm>>) dst(%dma_wait3A_470 : memref<128xi32, #tpu.memory_space<vmem>>)
      %dma_wait3A_472 = arith.constant 3 : i32
      %dma_wait3A_473 = arith.constant 3 : i32
      %dma_wait3A_474 = arith.constant 0 : i32
      %dma_wait3A_475 = tpu.memref_slice %arg8[%dma_wait3A_472, %dma_wait3A_474] : memref<4x128xi32, #tpu.memory_space<vmem>> -> memref<1x128xi32, #tpu.memory_space<vmem>>
      %dma_wait3A_476 = tpu.memref_squeeze %dma_wait3A_475 : memref<1x128xi32, #tpu.memory_space<vmem>> -> memref<128xi32, #tpu.memory_space<vmem>>
      %dma_wait3A_477 = tpu.memref_slice %arg4[%add3A_459] : memref<327680xi32, #tpu.memory_space<hbm>> -> memref<128xi32, #tpu.memory_space<hbm>>
      %dma_wait3A_478 = tpu.memref_slice %arg11[%dma_wait3A_473] : memref<4x!tpu.dma_semaphore, #tpu.memory_space<semaphore_mem>> -> memref<1x!tpu.dma_semaphore, #tpu.memory_space<semaphore_mem>>
      %dma_wait3A_479 = tpu.memref_squeeze %dma_wait3A_478 : memref<1x!tpu.dma_semaphore, #tpu.memory_space<semaphore_mem>> -> memref<!tpu.dma_semaphore, #tpu.memory_space<semaphore_mem>>
      %dma_wait3A_480 = arith.constant 0 : i32
      %dma_wait3A_481 = tpu.memref_slice %arg8[%dma_wait3A_472, %dma_wait3A_480] : memref<4x128xi32, #tpu.memory_space<vmem>> -> memref<1x128xi32, #tpu.memory_space<vmem>>
      %dma_wait3A_482 = tpu.memref_squeeze %dma_wait3A_481 : memref<1x128xi32, #tpu.memory_space<vmem>> -> memref<128xi32, #tpu.memory_space<vmem>>
      %dma_wait3A_483 = tpu.memref_slice %arg4[%add3A_459] : memref<327680xi32, #tpu.memory_space<hbm>> -> memref<128xi32, #tpu.memory_space<hbm>>
      tpu.wait_dma2 semaphore(%dma_wait3A_479 : memref<!tpu.dma_semaphore, #tpu.memory_space<semaphore_mem>>) src(%dma_wait3A_483 : memref<128xi32, #tpu.memory_space<hbm>>) dst(%dma_wait3A_482 : memref<128xi32, #tpu.memory_space<vmem>>)
      %dma_start3A_484 = arith.constant 3 : i32
      %dma_start3A_485 = arith.constant 1 : i32
      %dma_start3A_486 = arith.constant 1 : i32
      %dma_start3A_487 = arith.constant 0 : i32
      %dma_start3A_488 = arith.constant 0 : i32
      %dma_start3A_489 = tpu.memref_slice %arg9[%dma_start3A_485, %dma_start3A_487, %dma_start3A_488] : memref<2x128x128xf32, #tpu.memory_space<vmem>> -> memref<1x128x128xf32, #tpu.memory_space<vmem>>
      %dma_start3A_490 = tpu.memref_squeeze %dma_start3A_489 : memref<1x128x128xf32, #tpu.memory_space<vmem>> -> memref<128x128xf32, #tpu.memory_space<vmem>>
      %dma_start3A_491 = arith.constant 0 : i32
      %dma_start3A_492 = tpu.memref_slice %arg7[%dma_start3A_484, %dma_start3A_491] : memref<4x128xi32, #tpu.memory_space<vmem>> -> memref<1x128xi32, #tpu.memory_space<vmem>>
      %dma_start3A_493 = tpu.memref_squeeze %dma_start3A_492 : memref<1x128xi32, #tpu.memory_space<vmem>> -> memref<128xi32, #tpu.memory_space<vmem>>
      %dma_start3A_494 = arith.constant 0 : i32
      %dma_start3A_495 = arith.constant 0 : i32
      %dma_start3A_496 = tpu.memref_slice %arg2[%dma_start3A_494, %dma_start3A_495] : memref<10000x128xf32, #tpu.memory_space<hbm>> -> memref<10000x128xf32, #tpu.memory_space<hbm>>
      %dma_start3A_497 = tpu.memref_slice %arg12[%dma_start3A_486] : memref<2x!tpu.dma_semaphore, #tpu.memory_space<semaphore_mem>> -> memref<1x!tpu.dma_semaphore, #tpu.memory_space<semaphore_mem>>
      %dma_start3A_498 = tpu.memref_squeeze %dma_start3A_497 : memref<1x!tpu.dma_semaphore, #tpu.memory_space<semaphore_mem>> -> memref<!tpu.dma_semaphore, #tpu.memory_space<semaphore_mem>>
      tpu.enqueue_indirect_dma source(%dma_start3A_496 : memref<10000x128xf32, #tpu.memory_space<hbm>>) target(%dma_start3A_490 : memref<128x128xf32, #tpu.memory_space<vmem>>) offsets(%dma_start3A_493 : memref<128xi32, #tpu.memory_space<vmem>>) semaphore(%dma_start3A_498 : memref<!tpu.dma_semaphore, #tpu.memory_space<semaphore_mem>>)
      %dma_wait3A_499 = arith.constant 2 : i32
      %dma_wait3A_500 = arith.constant 0 : i32
      %dma_wait3A_501 = arith.constant 0 : i32
      %dma_wait3A_502 = arith.constant 0 : i32
      %dma_wait3A_503 = arith.constant 0 : i32
      %dma_wait3A_504 = tpu.memref_slice %arg9[%dma_wait3A_500, %dma_wait3A_502, %dma_wait3A_503] : memref<2x128x128xf32, #tpu.memory_space<vmem>> -> memref<1x128x128xf32, #tpu.memory_space<vmem>>
      %dma_wait3A_505 = tpu.memref_squeeze %dma_wait3A_504 : memref<1x128x128xf32, #tpu.memory_space<vmem>> -> memref<128x128xf32, #tpu.memory_space<vmem>>
      %dma_wait3A_506 = arith.constant 0 : i32
      %dma_wait3A_507 = tpu.memref_slice %arg7[%dma_wait3A_499, %dma_wait3A_506] : memref<4x128xi32, #tpu.memory_space<vmem>> -> memref<1x128xi32, #tpu.memory_space<vmem>>
      %dma_wait3A_508 = tpu.memref_squeeze %dma_wait3A_507 : memref<1x128xi32, #tpu.memory_space<vmem>> -> memref<128xi32, #tpu.memory_space<vmem>>
      %dma_wait3A_509 = arith.constant 0 : i32
      %dma_wait3A_510 = arith.constant 0 : i32
      %dma_wait3A_511 = tpu.memref_slice %arg2[%dma_wait3A_509, %dma_wait3A_510] : memref<10000x128xf32, #tpu.memory_space<hbm>> -> memref<10000x128xf32, #tpu.memory_space<hbm>>
      %dma_wait3A_512 = tpu.memref_slice %arg12[%dma_wait3A_501] : memref<2x!tpu.dma_semaphore, #tpu.memory_space<semaphore_mem>> -> memref<1x!tpu.dma_semaphore, #tpu.memory_space<semaphore_mem>>
      %dma_wait3A_513 = tpu.memref_squeeze %dma_wait3A_512 : memref<1x!tpu.dma_semaphore, #tpu.memory_space<semaphore_mem>> -> memref<!tpu.dma_semaphore, #tpu.memory_space<semaphore_mem>>
      tpu.wait_indirect_dma semaphore(%dma_wait3A_513 : memref<!tpu.dma_semaphore, #tpu.memory_space<semaphore_mem>>) src(%dma_wait3A_511 : memref<10000x128xf32, #tpu.memory_space<hbm>>) dst(%dma_wait3A_505 : memref<128x128xf32, #tpu.memory_space<vmem>>)
      %dma_start3A_514 = arith.constant 0 : i32
      %dma_start3A_515 = arith.constant 2 : i32
      %dma_start3A_516 = arith.constant 2 : i32
      %dma_start3A_517 = arith.constant 0 : i32
      %dma_start3A_518 = arith.constant 0 : i32
      %dma_start3A_519 = tpu.memref_slice %arg9[%dma_start3A_514, %dma_start3A_517, %dma_start3A_518] : memref<2x128x128xf32, #tpu.memory_space<vmem>> -> memref<1x128x128xf32, #tpu.memory_space<vmem>>
      %dma_start3A_520 = tpu.memref_squeeze %dma_start3A_519 : memref<1x128x128xf32, #tpu.memory_space<vmem>> -> memref<128x128xf32, #tpu.memory_space<vmem>>
      %dma_start3A_521 = arith.constant 0 : i32
      %dma_start3A_522 = tpu.memref_slice %arg8[%dma_start3A_515, %dma_start3A_521] : memref<4x128xi32, #tpu.memory_space<vmem>> -> memref<1x128xi32, #tpu.memory_space<vmem>>
      %dma_start3A_523 = tpu.memref_squeeze %dma_start3A_522 : memref<1x128xi32, #tpu.memory_space<vmem>> -> memref<128xi32, #tpu.memory_space<vmem>>
      %dma_start3A_524 = arith.constant 0 : i32
      %dma_start3A_525 = arith.constant 0 : i32
      %dma_start3A_526 = tpu.memref_slice %arg6[%dma_start3A_524, %dma_start3A_525] : memref<10240x128xf32, #tpu.memory_space<vmem_shared>> -> memref<10240x128xf32, #tpu.memory_space<vmem_shared>>
      %dma_start3A_527 = tpu.memref_slice %arg13[%dma_start3A_516] : memref<4x!tpu.dma_semaphore, #tpu.memory_space<semaphore_mem>> -> memref<1x!tpu.dma_semaphore, #tpu.memory_space<semaphore_mem>>
      %dma_start3A_528 = tpu.memref_squeeze %dma_start3A_527 : memref<1x!tpu.dma_semaphore, #tpu.memory_space<semaphore_mem>> -> memref<!tpu.dma_semaphore, #tpu.memory_space<semaphore_mem>>
      tpu.enqueue_indirect_dma source(%dma_start3A_520 : memref<128x128xf32, #tpu.memory_space<vmem>>) target(%dma_start3A_526 : memref<10240x128xf32, #tpu.memory_space<vmem_shared>>) offsets(%dma_start3A_523 : memref<128xi32, #tpu.memory_space<vmem>>) semaphore(%dma_start3A_528 : memref<!tpu.dma_semaphore, #tpu.memory_space<semaphore_mem>>) {add = true}
    }
    %scan3A_124 = arith.constant 20 : i32
    %dma_wait3A = arith.constant 3 : i32
    %dma_wait3A_125 = arith.constant 1 : i32
    %dma_wait3A_126 = arith.constant 1 : i32
    %dma_wait3A_127 = arith.constant 0 : i32
    %dma_wait3A_128 = arith.constant 0 : i32
    %dma_wait3A_129 = tpu.memref_slice %arg9[%dma_wait3A_125, %dma_wait3A_127, %dma_wait3A_128] : memref<2x128x128xf32, #tpu.memory_space<vmem>> -> memref<1x128x128xf32, #tpu.memory_space<vmem>>
    %dma_wait3A_130 = tpu.memref_squeeze %dma_wait3A_129 : memref<1x128x128xf32, #tpu.memory_space<vmem>> -> memref<128x128xf32, #tpu.memory_space<vmem>>
    %dma_wait3A_131 = arith.constant 0 : i32
    %dma_wait3A_132 = tpu.memref_slice %arg7[%dma_wait3A, %dma_wait3A_131] : memref<4x128xi32, #tpu.memory_space<vmem>> -> memref<1x128xi32, #tpu.memory_space<vmem>>
    %dma_wait3A_133 = tpu.memref_squeeze %dma_wait3A_132 : memref<1x128xi32, #tpu.memory_space<vmem>> -> memref<128xi32, #tpu.memory_space<vmem>>
    %dma_wait3A_134 = arith.constant 0 : i32
    %dma_wait3A_135 = arith.constant 0 : i32
    %dma_wait3A_136 = tpu.memref_slice %arg2[%dma_wait3A_134, %dma_wait3A_135] : memref<10000x128xf32, #tpu.memory_space<hbm>> -> memref<10000x128xf32, #tpu.memory_space<hbm>>
    %dma_wait3A_137 = tpu.memref_slice %arg12[%dma_wait3A_126] : memref<2x!tpu.dma_semaphore, #tpu.memory_space<semaphore_mem>> -> memref<1x!tpu.dma_semaphore, #tpu.memory_space<semaphore_mem>>
    %dma_wait3A_138 = tpu.memref_squeeze %dma_wait3A_137 : memref<1x!tpu.dma_semaphore, #tpu.memory_space<semaphore_mem>> -> memref<!tpu.dma_semaphore, #tpu.memory_space<semaphore_mem>>
    tpu.wait_indirect_dma semaphore(%dma_wait3A_138 : memref<!tpu.dma_semaphore, #tpu.memory_space<semaphore_mem>>) src(%dma_wait3A_136 : memref<10000x128xf32, #tpu.memory_space<hbm>>) dst(%dma_wait3A_130 : memref<128x128xf32, #tpu.memory_space<vmem>>)
    %dma_start3A_139 = arith.constant 1 : i32
    %dma_start3A_140 = arith.constant 3 : i32
    %dma_start3A_141 = arith.constant 3 : i32
    %dma_start3A_142 = arith.constant 0 : i32
    %dma_start3A_143 = arith.constant 0 : i32
    %dma_start3A_144 = tpu.memref_slice %arg9[%dma_start3A_139, %dma_start3A_142, %dma_start3A_143] : memref<2x128x128xf32, #tpu.memory_space<vmem>> -> memref<1x128x128xf32, #tpu.memory_space<vmem>>
    %dma_start3A_145 = tpu.memref_squeeze %dma_start3A_144 : memref<1x128x128xf32, #tpu.memory_space<vmem>> -> memref<128x128xf32, #tpu.memory_space<vmem>>
    %dma_start3A_146 = arith.constant 0 : i32
    %dma_start3A_147 = tpu.memref_slice %arg8[%dma_start3A_140, %dma_start3A_146] : memref<4x128xi32, #tpu.memory_space<vmem>> -> memref<1x128xi32, #tpu.memory_space<vmem>>
    %dma_start3A_148 = tpu.memref_squeeze %dma_start3A_147 : memref<1x128xi32, #tpu.memory_space<vmem>> -> memref<128xi32, #tpu.memory_space<vmem>>
    %dma_start3A_149 = arith.constant 0 : i32
    %dma_start3A_150 = arith.constant 0 : i32
    %dma_start3A_151 = tpu.memref_slice %arg6[%dma_start3A_149, %dma_start3A_150] : memref<10240x128xf32, #tpu.memory_space<vmem_shared>> -> memref<10240x128xf32, #tpu.memory_space<vmem_shared>>
    %dma_start3A_152 = tpu.memref_slice %arg13[%dma_start3A_141] : memref<4x!tpu.dma_semaphore, #tpu.memory_space<semaphore_mem>> -> memref<1x!tpu.dma_semaphore, #tpu.memory_space<semaphore_mem>>
    %dma_start3A_153 = tpu.memref_squeeze %dma_start3A_152 : memref<1x!tpu.dma_semaphore, #tpu.memory_space<semaphore_mem>> -> memref<!tpu.dma_semaphore, #tpu.memory_space<semaphore_mem>>
    tpu.enqueue_indirect_dma source(%dma_start3A_145 : memref<128x128xf32, #tpu.memory_space<vmem>>) target(%dma_start3A_151 : memref<10240x128xf32, #tpu.memory_space<vmem_shared>>) offsets(%dma_start3A_148 : memref<128xi32, #tpu.memory_space<vmem>>) semaphore(%dma_start3A_153 : memref<!tpu.dma_semaphore, #tpu.memory_space<semaphore_mem>>) {add = true}
    %dma_wait3A_154 = arith.constant 0 : i32
    %dma_wait3A_155 = arith.constant 2 : i32
    %dma_wait3A_156 = arith.constant 2 : i32
    %dma_wait3A_157 = arith.constant 0 : i32
    %dma_wait3A_158 = arith.constant 0 : i32
    %dma_wait3A_159 = tpu.memref_slice %arg9[%dma_wait3A_154, %dma_wait3A_157, %dma_wait3A_158] : memref<2x128x128xf32, #tpu.memory_space<vmem>> -> memref<1x128x128xf32, #tpu.memory_space<vmem>>
    %dma_wait3A_160 = tpu.memref_squeeze %dma_wait3A_159 : memref<1x128x128xf32, #tpu.memory_space<vmem>> -> memref<128x128xf32, #tpu.memory_space<vmem>>
    %dma_wait3A_161 = arith.constant 0 : i32
    %dma_wait3A_162 = tpu.memref_slice %arg8[%dma_wait3A_155, %dma_wait3A_161] : memref<4x128xi32, #tpu.memory_space<vmem>> -> memref<1x128xi32, #tpu.memory_space<vmem>>
    %dma_wait3A_163 = tpu.memref_squeeze %dma_wait3A_162 : memref<1x128xi32, #tpu.memory_space<vmem>> -> memref<128xi32, #tpu.memory_space<vmem>>
    %dma_wait3A_164 = arith.constant 0 : i32
    %dma_wait3A_165 = arith.constant 0 : i32
    %dma_wait3A_166 = tpu.memref_slice %arg6[%dma_wait3A_164, %dma_wait3A_165] : memref<10240x128xf32, #tpu.memory_space<vmem_shared>> -> memref<10240x128xf32, #tpu.memory_space<vmem_shared>>
    %dma_wait3A_167 = tpu.memref_slice %arg13[%dma_wait3A_156] : memref<4x!tpu.dma_semaphore, #tpu.memory_space<semaphore_mem>> -> memref<1x!tpu.dma_semaphore, #tpu.memory_space<semaphore_mem>>
    %dma_wait3A_168 = tpu.memref_squeeze %dma_wait3A_167 : memref<1x!tpu.dma_semaphore, #tpu.memory_space<semaphore_mem>> -> memref<!tpu.dma_semaphore, #tpu.memory_space<semaphore_mem>>
    tpu.wait_indirect_dma semaphore(%dma_wait3A_168 : memref<!tpu.dma_semaphore, #tpu.memory_space<semaphore_mem>>) src(%dma_wait3A_160 : memref<128x128xf32, #tpu.memory_space<vmem>>) dst(%dma_wait3A_166 : memref<10240x128xf32, #tpu.memory_space<vmem_shared>>)
    %dma_wait3A_169 = arith.constant 1 : i32
    %dma_wait3A_170 = arith.constant 3 : i32
    %dma_wait3A_171 = arith.constant 3 : i32
    %dma_wait3A_172 = arith.constant 0 : i32
    %dma_wait3A_173 = arith.constant 0 : i32
    %dma_wait3A_174 = tpu.memref_slice %arg9[%dma_wait3A_169, %dma_wait3A_172, %dma_wait3A_173] : memref<2x128x128xf32, #tpu.memory_space<vmem>> -> memref<1x128x128xf32, #tpu.memory_space<vmem>>
    %dma_wait3A_175 = tpu.memref_squeeze %dma_wait3A_174 : memref<1x128x128xf32, #tpu.memory_space<vmem>> -> memref<128x128xf32, #tpu.memory_space<vmem>>
    %dma_wait3A_176 = arith.constant 0 : i32
    %dma_wait3A_177 = tpu.memref_slice %arg8[%dma_wait3A_170, %dma_wait3A_176] : memref<4x128xi32, #tpu.memory_space<vmem>> -> memref<1x128xi32, #tpu.memory_space<vmem>>
    %dma_wait3A_178 = tpu.memref_squeeze %dma_wait3A_177 : memref<1x128xi32, #tpu.memory_space<vmem>> -> memref<128xi32, #tpu.memory_space<vmem>>
    %dma_wait3A_179 = arith.constant 0 : i32
    %dma_wait3A_180 = arith.constant 0 : i32
    %dma_wait3A_181 = tpu.memref_slice %arg6[%dma_wait3A_179, %dma_wait3A_180] : memref<10240x128xf32, #tpu.memory_space<vmem_shared>> -> memref<10240x128xf32, #tpu.memory_space<vmem_shared>>
    %dma_wait3A_182 = tpu.memref_slice %arg13[%dma_wait3A_171] : memref<4x!tpu.dma_semaphore, #tpu.memory_space<semaphore_mem>> -> memref<1x!tpu.dma_semaphore, #tpu.memory_space<semaphore_mem>>
    %dma_wait3A_183 = tpu.memref_squeeze %dma_wait3A_182 : memref<1x!tpu.dma_semaphore, #tpu.memory_space<semaphore_mem>> -> memref<!tpu.dma_semaphore, #tpu.memory_space<semaphore_mem>>
    tpu.wait_indirect_dma semaphore(%dma_wait3A_183 : memref<!tpu.dma_semaphore, #tpu.memory_space<semaphore_mem>>) src(%dma_wait3A_175 : memref<128x128xf32, #tpu.memory_space<vmem>>) dst(%dma_wait3A_181 : memref<10240x128xf32, #tpu.memory_space<vmem_shared>>)
    %barrier3A_184 = arith.constant 0 : index
    tpu.barrier barrier_id(%barrier3A_184)
    %scan3A_185 = arith.constant 0 : i32
    %scan3A_186 = arith.constant 10 : i32
    %scan3A_187 = arith.addi %scan3A_185, %scan3A_186 : i32
    %scan3A_188 = arith.constant 1 : i32
    scf.for %scan3A_195 = %scan3A_185 to %scan3A_187 step %scan3A_188  : i32 {
      %mul3A_196 = arith.constant 1 : i32
      %mul3A_197 = arith.muli %scan3A_195, %mul3A_196 : i32
      %add3A_198 = arith.constant 0 : i32
      %add3A_199 = arith.addi %add3A_198, %mul3A_197 : i32
      %mul3A_200 = arith.constant 640 : i32
      %mul3A_201 = arith.muli %arg1, %mul3A_200 : i32
      %mul3A_202 = arith.constant 64 : i32
      %mul3A_203 = arith.muli %add3A_199, %mul3A_202 : i32
      %add3A_204 = arith.addi %mul3A_201, %mul3A_203 : i32
      %dma_start3A_205 = arith.constant 1 : i32
      %dma_start3A_206 = tpu.memref_slice %arg11[%dma_start3A_205] : memref<4x!tpu.dma_semaphore, #tpu.memory_space<semaphore_mem>> -> memref<1x!tpu.dma_semaphore, #tpu.memory_space<semaphore_mem>>
      %dma_start3A_207 = tpu.memref_squeeze %dma_start3A_206 : memref<1x!tpu.dma_semaphore, #tpu.memory_space<semaphore_mem>> -> memref<!tpu.dma_semaphore, #tpu.memory_space<semaphore_mem>>
      %dma_start3A_208 = arith.constant 0 : i32
      %dma_start3A_209 = tpu.memref_slice %arg5[%arg0, %add3A_204, %dma_start3A_208] : memref<2x10240x128xf32, #tpu.memory_space<hbm>> -> memref<1x64x128xf32, #tpu.memory_space<hbm>>
      %dma_start3A_210 = tpu.memref_squeeze %dma_start3A_209 : memref<1x64x128xf32, #tpu.memory_space<hbm>> -> memref<64x128xf32, #tpu.memory_space<hbm>>
      %dma_start3A_211 = arith.constant 0 : i32
      %dma_start3A_212 = tpu.memref_slice %arg6[%add3A_204, %dma_start3A_211] : memref<10240x128xf32, #tpu.memory_space<vmem_shared>> -> memref<64x128xf32, #tpu.memory_space<vmem_shared>>
      tpu.enqueue_dma source(%dma_start3A_212 : memref<64x128xf32, #tpu.memory_space<vmem_shared>>) target(%dma_start3A_210 : memref<64x128xf32, #tpu.memory_space<hbm>>) target_semaphore(%dma_start3A_207 : memref<!tpu.dma_semaphore, #tpu.memory_space<semaphore_mem>>)
    }
    %scan3A_189 = arith.constant 10 : i32
    %scan3A_190 = arith.constant 0 : i32
    %scan3A_191 = arith.constant 10 : i32
    %scan3A_192 = arith.addi %scan3A_190, %scan3A_191 : i32
    %scan3A_193 = arith.constant 1 : i32
    scf.for %scan3A_195 = %scan3A_190 to %scan3A_192 step %scan3A_193  : i32 {
      %mul3A_196 = arith.constant 1 : i32
      %mul3A_197 = arith.muli %scan3A_195, %mul3A_196 : i32
      %add3A_198 = arith.constant 0 : i32
      %add3A_199 = arith.addi %add3A_198, %mul3A_197 : i32
      %mul3A_200 = arith.constant 640 : i32
      %mul3A_201 = arith.muli %arg1, %mul3A_200 : i32
      %mul3A_202 = arith.constant 64 : i32
      %mul3A_203 = arith.muli %add3A_199, %mul3A_202 : i32
      %add3A_204 = arith.addi %mul3A_201, %mul3A_203 : i32
      %dma_wait3A_205 = arith.constant 1 : i32
      %dma_wait3A_206 = tpu.memref_slice %arg11[%dma_wait3A_205] : memref<4x!tpu.dma_semaphore, #tpu.memory_space<semaphore_mem>> -> memref<1x!tpu.dma_semaphore, #tpu.memory_space<semaphore_mem>>
      %dma_wait3A_207 = tpu.memref_squeeze %dma_wait3A_206 : memref<1x!tpu.dma_semaphore, #tpu.memory_space<semaphore_mem>> -> memref<!tpu.dma_semaphore, #tpu.memory_space<semaphore_mem>>
      %dma_wait3A_208 = arith.constant 0 : i32
      %dma_wait3A_209 = tpu.memref_slice %arg5[%arg0, %add3A_204, %dma_wait3A_208] : memref<2x10240x128xf32, #tpu.memory_space<hbm>> -> memref<1x64x128xf32, #tpu.memory_space<hbm>>
      %dma_wait3A_210 = tpu.memref_squeeze %dma_wait3A_209 : memref<1x64x128xf32, #tpu.memory_space<hbm>> -> memref<64x128xf32, #tpu.memory_space<hbm>>
      %dma_wait3A_211 = arith.constant 0 : i32
      %dma_wait3A_212 = tpu.memref_slice %arg6[%add3A_204, %dma_wait3A_211] : memref<10240x128xf32, #tpu.memory_space<vmem_shared>> -> memref<64x128xf32, #tpu.memory_space<vmem_shared>>
      tpu.wait_dma2 semaphore(%dma_wait3A_207 : memref<!tpu.dma_semaphore, #tpu.memory_space<semaphore_mem>>) src(%dma_wait3A_212 : memref<64x128xf32, #tpu.memory_space<vmem_shared>>) dst(%dma_wait3A_210 : memref<64x128xf32, #tpu.memory_space<hbm>>)
    }
    %scan3A_194 = arith.constant 10 : i32
    return
  }
}

module attributes {stable_mosaic.version = 14 : i64} {
  func.func @body(%arg0: memref<32x80x128xf32, #tpu.memory_space<vmem>>, %arg1: memref<80x128xf32, #tpu.memory_space<vmem>>) attributes {dimension_semantics = [], scalar_prefetch = 0 : i64, scratch_operands = 0 : i64, tpu.core_type = #tpu.core_type<tc>} {
    %get3A = arith.constant 0 : index
    %get3A_0 = arith.constant 0 : index
    %get3A_1 = arith.constant 0 : index
    %get3A_2 = vector.load %arg0[%get3A, %get3A_0, %get3A_1] : memref<32x80x128xf32, #tpu.memory_space<vmem>>, vector<32x80x128xf32>
    %reduce_sum3A = arith.constant dense<0.000000e+00> : vector<80x128xf32>
    %reduce_sum3A_3 = vector.multi_reduction <add>, %get3A_2, %reduce_sum3A [0] : vector<32x80x128xf32> to vector<80x128xf32>
    %add3A = arith.constant 1.000000e+00 : f32
    %add3A_4 = vector.broadcast %add3A : f32 to vector<80x128xf32>
    %add3A_5 = arith.addf %reduce_sum3A_3, %add3A_4 : vector<80x128xf32>
    %max3A = arith.constant 1.000000e+00 : f32
    %max3A_6 = vector.broadcast %max3A : f32 to vector<80x128xf32>
    %max3A_7 = arith.maximumf %add3A_5, %max3A_6 : vector<80x128xf32>
    %rsqrt3A = math.rsqrt %max3A_7 : vector<80x128xf32>
    %swap3A = arith.constant 0 : index
    %swap3A_8 = arith.constant 0 : index
    %swap3A_9 = vector.load %arg1[%swap3A, %swap3A_8] : memref<80x128xf32, #tpu.memory_space<vmem>>, vector<80x128xf32>
    tpu.vector_store %arg1[%swap3A, %swap3A_8], %rsqrt3A {strides = array<i32>} : memref<80x128xf32, #tpu.memory_space<vmem>>, vector<80x128xf32>,
    return
  }
}

module attributes {stable_mosaic.version = 14 : i64} {
  func.func @body(%arg0: i32, %arg1: memref<2000x128xf32, #tpu.memory_space<vmem>>, %arg2: memref<128x128xf32, #tpu.memory_space<vmem>>, %arg3: memref<2000x1xf32, #tpu.memory_space<vmem>>, %arg4: memref<2000x128xf32, #tpu.memory_space<vmem>>) attributes {dimension_semantics = [#tpu.dimension_semantics<arbitrary>], iteration_bounds = array<i64: 5>, scalar_prefetch = 0 : i64, scratch_operands = 0 : i64, tpu.core_type = #tpu.core_type<tc>, window_params = [{transform_indices = @transform_0, window_bounds = array<i64: 2000, 128>}, {pipeline_mode = #tpu.pipeline_mode<synchronous>, transform_indices = @transform_1, window_bounds = array<i64: 128, 128>}, {transform_indices = @transform_2, window_bounds = array<i64: 2000, 1>}, {transform_indices = @transform_3, window_bounds = array<i64: 2000, 128>}]} {
    %get3A = arith.constant 0 : index
    %get3A_0 = arith.constant 0 : index
    %get3A_1 = vector.load %arg1[%get3A, %get3A_0] : memref<2000x128xf32, #tpu.memory_space<vmem>>, vector<2000x128xf32>
    %get3A_2 = arith.constant 0 : index
    %get3A_3 = arith.constant 0 : index
    %get3A_4 = vector.load %arg2[%get3A_2, %get3A_3] : memref<128x128xf32, #tpu.memory_space<vmem>>, vector<128x128xf32>
    %dot_general3A = arith.constant dense<0.000000e+00> : vector<2000x128xf32>
    %dot_general3A_5 = tpu.matmul %get3A_1, %get3A_4, %dot_general3A {dimension_numbers = #tpu.dot_dimension_numbers<[1], [0], [0], [1], [0, 0, 1, 1], [], []>, transpose_lhs_hint = false} : vector<2000x128xf32>, vector<128x128xf32>, vector<2000x128xf32> -> vector<2000x128xf32>
    %get3A_6 = arith.constant 0 : index
    %get3A_7 = arith.constant 0 : index
    %get3A_8 = vector.load %arg3[%get3A_6, %get3A_7] : memref<2000x1xf32, #tpu.memory_space<vmem>>, vector<2000x1xf32>
    %mul3A = vector.broadcast %get3A_8 : vector<2000x1xf32> to vector<2000x128xf32>
    %mul3A_9 = arith.mulf %dot_general3A_5, %mul3A : vector<2000x128xf32>
    %swap3A = arith.constant 0 : index
    %swap3A_10 = arith.constant 0 : index
    %swap3A_11 = vector.load %arg4[%swap3A, %swap3A_10] : memref<2000x128xf32, #tpu.memory_space<vmem>>, vector<2000x128xf32>
    tpu.vector_store %arg4[%swap3A, %swap3A_10], %mul3A_9 {strides = array<i32>} : memref<2000x128xf32, #tpu.memory_space<vmem>>, vector<2000x128xf32>,
    return
  }
  func.func @transform_0(%arg0: i32) -> (i32, i32) {
    %c0_i32 = arith.constant 0 : i32
    %c0_i32_0 = arith.constant 0 : i32
    return %arg0, %c0_i32 : i32, i32
  }
  func.func @transform_1(%arg0: i32) -> (i32, i32) {
    %c0_i32 = arith.constant 0 : i32
    %c0_i32_0 = arith.constant 0 : i32
    %c0_i32_1 = arith.constant 0 : i32
    return %c0_i32, %c0_i32_0 : i32, i32
  }
  func.func @transform_2(%arg0: i32) -> (i32, i32) {
    %c0_i32 = arith.constant 0 : i32
    %c0_i32_0 = arith.constant 0 : i32
    return %arg0, %c0_i32 : i32, i32
  }
  func.func @transform_3(%arg0: i32) -> (i32, i32) {
    %c0_i32 = arith.constant 0 : i32
    %c0_i32_0 = arith.constant 0 : i32
    return %arg0, %c0_i32 : i32, i32
  }
}

module attributes {stable_mosaic.version = 14 : i64} {
  func.func @body(%arg0: i32, %arg1: memref<2x2000x128xf32, #tpu.memory_space<vmem>>, %arg2: memref<2000x128xf32, #tpu.memory_space<vmem>>, %arg3: memref<2000x1xf32, #tpu.memory_space<vmem>>, %arg4: memref<1x128xf32, #tpu.memory_space<vmem>>, %arg5: memref<128x128xf32, #tpu.memory_space<vmem>>, %arg6: memref<2000x128xf32, #tpu.memory_space<vmem>>) attributes {dimension_semantics = [#tpu.dimension_semantics<arbitrary>], iteration_bounds = array<i64: 5>, scalar_prefetch = 0 : i64, scratch_operands = 0 : i64, tpu.core_type = #tpu.core_type<tc>, window_params = [{transform_indices = @transform_0, window_bounds = array<i64: 2, 2000, 128>}, {transform_indices = @transform_1, window_bounds = array<i64: 2000, 128>}, {transform_indices = @transform_2, window_bounds = array<i64: 2000, 1>}, {pipeline_mode = #tpu.pipeline_mode<synchronous>, transform_indices = @transform_3, window_bounds = array<i64: 1, 128>}, {pipeline_mode = #tpu.pipeline_mode<synchronous>, transform_indices = @transform_4, window_bounds = array<i64: 128, 128>}, {transform_indices = @transform_5, window_bounds = array<i64: 2000, 128>}]} {
    %get3A = arith.constant 0 : index
    %get3A_0 = arith.constant 0 : index
    %get3A_1 = arith.constant 0 : index
    %get3A_2 = vector.load %arg1[%get3A, %get3A_0, %get3A_1] : memref<2x2000x128xf32, #tpu.memory_space<vmem>>, vector<1x2000x128xf32>
    %get3A_3 = vector.shape_cast %get3A_2 : vector<1x2000x128xf32> to vector<2000x128xf32>
    %get3A_4 = arith.constant 1 : index
    %get3A_5 = arith.constant 0 : index
    %get3A_6 = arith.constant 0 : index
    %get3A_7 = vector.load %arg1[%get3A_4, %get3A_5, %get3A_6] : memref<2x2000x128xf32, #tpu.memory_space<vmem>>, vector<1x2000x128xf32>
    %get3A_8 = vector.shape_cast %get3A_7 : vector<1x2000x128xf32> to vector<2000x128xf32>
    %add3A = arith.addf %get3A_3, %get3A_8 : vector<2000x128xf32>
    %get3A_9 = arith.constant 0 : index
    %get3A_10 = arith.constant 0 : index
    %get3A_11 = vector.load %arg2[%get3A_9, %get3A_10] : memref<2000x128xf32, #tpu.memory_space<vmem>>, vector<2000x128xf32>
    %add3A_12 = arith.addf %add3A, %get3A_11 : vector<2000x128xf32>
    %get3A_13 = arith.constant 0 : index
    %get3A_14 = arith.constant 0 : index
    %get3A_15 = vector.load %arg3[%get3A_13, %get3A_14] : memref<2000x1xf32, #tpu.memory_space<vmem>>, vector<2000x1xf32>
    %mul3A = vector.broadcast %get3A_15 : vector<2000x1xf32> to vector<2000x128xf32>
    %mul3A_16 = arith.mulf %mul3A, %add3A_12 : vector<2000x128xf32>
    %get3A_17 = arith.constant 0 : index
    %get3A_18 = arith.constant 0 : index
    %get3A_19 = vector.load %arg4[%get3A_17, %get3A_18] : memref<1x128xf32, #tpu.memory_space<vmem>>, vector<1x128xf32>
    %add3A_20 = vector.broadcast %get3A_19 : vector<1x128xf32> to vector<2000x128xf32>
    %add3A_21 = arith.addf %mul3A_16, %add3A_20 : vector<2000x128xf32>
    %max3A = arith.constant 0.000000e+00 : f32
    %max3A_22 = vector.broadcast %max3A : f32 to vector<2000x128xf32>
    %max3A_23 = arith.maximumf %add3A_21, %max3A_22 : vector<2000x128xf32>
    %get3A_24 = arith.constant 0 : index
    %get3A_25 = arith.constant 0 : index
    %get3A_26 = vector.load %arg5[%get3A_24, %get3A_25] : memref<128x128xf32, #tpu.memory_space<vmem>>, vector<128x128xf32>
    %dot_general3A = arith.constant dense<0.000000e+00> : vector<2000x128xf32>
    %dot_general3A_27 = tpu.matmul %max3A_23, %get3A_26, %dot_general3A {dimension_numbers = #tpu.dot_dimension_numbers<[1], [0], [0], [1], [0, 0, 1, 1], [], []>, transpose_lhs_hint = false} : vector<2000x128xf32>, vector<128x128xf32>, vector<2000x128xf32> -> vector<2000x128xf32>
    %get3A_28 = arith.constant 0 : index
    %get3A_29 = arith.constant 0 : index
    %get3A_30 = vector.load %arg3[%get3A_28, %get3A_29] : memref<2000x1xf32, #tpu.memory_space<vmem>>, vector<2000x1xf32>
    %mul3A_31 = vector.broadcast %get3A_30 : vector<2000x1xf32> to vector<2000x128xf32>
    %mul3A_32 = arith.mulf %dot_general3A_27, %mul3A_31 : vector<2000x128xf32>
    %swap3A = arith.constant 0 : index
    %swap3A_33 = arith.constant 0 : index
    %swap3A_34 = vector.load %arg6[%swap3A, %swap3A_33] : memref<2000x128xf32, #tpu.memory_space<vmem>>, vector<2000x128xf32>
    tpu.vector_store %arg6[%swap3A, %swap3A_33], %mul3A_32 {strides = array<i32>} : memref<2000x128xf32, #tpu.memory_space<vmem>>, vector<2000x128xf32>,
    return
  }
  func.func @transform_0(%arg0: i32) -> (i32, i32, i32) {
    %c0_i32 = arith.constant 0 : i32
    %c0_i32_0 = arith.constant 0 : i32
    %c0_i32_1 = arith.constant 0 : i32
    return %c0_i32, %arg0, %c0_i32_0 : i32, i32, i32
  }
  func.func @transform_1(%arg0: i32) -> (i32, i32) {
    %c0_i32 = arith.constant 0 : i32
    %c0_i32_0 = arith.constant 0 : i32
    return %arg0, %c0_i32 : i32, i32
  }
  func.func @transform_2(%arg0: i32) -> (i32, i32) {
    %c0_i32 = arith.constant 0 : i32
    %c0_i32_0 = arith.constant 0 : i32
    return %arg0, %c0_i32 : i32, i32
  }
  func.func @transform_3(%arg0: i32) -> (i32, i32) {
    %c0_i32 = arith.constant 0 : i32
    %c0_i32_0 = arith.constant 0 : i32
    %c0_i32_1 = arith.constant 0 : i32
    return %c0_i32, %c0_i32_0 : i32, i32
  }
  func.func @transform_4(%arg0: i32) -> (i32, i32) {
    %c0_i32 = arith.constant 0 : i32
    %c0_i32_0 = arith.constant 0 : i32
    %c0_i32_1 = arith.constant 0 : i32
    return %c0_i32, %c0_i32_0 : i32, i32
  }
  func.func @transform_5(%arg0: i32) -> (i32, i32) {
    %c0_i32 = arith.constant 0 : i32
    %c0_i32_0 = arith.constant 0 : i32
    return %arg0, %c0_i32 : i32, i32
  }
}

module attributes {stable_mosaic.version = 14 : i64} {
  func.func @body(%arg0: i32, %arg1: memref<2x2000x128xf32, #tpu.memory_space<vmem>>, %arg2: memref<2000x128xf32, #tpu.memory_space<vmem>>, %arg3: memref<2000x1xf32, #tpu.memory_space<vmem>>, %arg4: memref<1x128xf32, #tpu.memory_space<vmem>>, %arg5: memref<1x1x2000xi32, #tpu.memory_space<vmem>>, %arg6: memref<128x128xf32, #tpu.memory_space<vmem>>, %arg7: memref<1x128xf32, #tpu.memory_space<vmem>>, %arg8: memref<64x128xf32, #tpu.memory_space<vmem>>, %arg9: memref<64x128xf32, #tpu.memory_space<vmem>>, %arg10: memref<64x128xf32, #tpu.memory_space<vmem>>) attributes {dimension_semantics = [#tpu.dimension_semantics<arbitrary>], iteration_bounds = array<i64: 5>, scalar_prefetch = 0 : i64, scratch_operands = 2 : i64, tpu.core_type = #tpu.core_type<tc>, window_params = [{transform_indices = @transform_0, window_bounds = array<i64: 2, 2000, 128>}, {transform_indices = @transform_1, window_bounds = array<i64: 2000, 128>}, {transform_indices = @transform_2, window_bounds = array<i64: 2000, 1>}, {pipeline_mode = #tpu.pipeline_mode<synchronous>, transform_indices = @transform_3, window_bounds = array<i64: 1, 128>}, {transform_indices = @transform_4, window_bounds = array<i64: 1, 1, 2000>}, {pipeline_mode = #tpu.pipeline_mode<synchronous>, transform_indices = @transform_5, window_bounds = array<i64: 128, 128>}, {pipeline_mode = #tpu.pipeline_mode<synchronous>, transform_indices = @transform_6, window_bounds = array<i64: 1, 128>}, {pipeline_mode = #tpu.pipeline_mode<synchronous>, transform_indices = @transform_7, window_bounds = array<i64: 64, 128>}]} {
    %eq3A = arith.constant 0 : i32
    %eq3A_0 = arith.cmpi eq, %arg0, %eq3A : i32
    %convert_element_type3A = arith.extui %eq3A_0 : i1 to i32
    %cond3A = arith.constant 0 : i32
    %cond3A_1 = arith.cmpi ne, %convert_element_type3A, %cond3A : i32
    scf.if %cond3A_1 {
      %broadcast_in_dim3A_56 = arith.constant 0.000000e+00 : f32
      %broadcast_in_dim3A_57 = vector.broadcast %broadcast_in_dim3A_56 : f32 to vector<64x128xf32>
      %swap3A_58 = arith.constant 0 : index
      %swap3A_59 = arith.constant 0 : index
      %swap3A_60 = vector.load %arg9[%swap3A_58, %swap3A_59] : memref<64x128xf32, #tpu.memory_space<vmem>>, vector<64x128xf32>
      tpu.vector_store %arg9[%swap3A_58, %swap3A_59], %broadcast_in_dim3A_57 {strides = array<i32>} : memref<64x128xf32, #tpu.memory_space<vmem>>, vector<64x128xf32>,
      %broadcast_in_dim3A_61 = arith.constant 0.000000e+00 : f32
      %broadcast_in_dim3A_62 = vector.broadcast %broadcast_in_dim3A_61 : f32 to vector<64x128xf32>
      %swap3A_63 = arith.constant 0 : index
      %swap3A_64 = arith.constant 0 : index
      %swap3A_65 = vector.load %arg10[%swap3A_63, %swap3A_64] : memref<64x128xf32, #tpu.memory_space<vmem>>, vector<64x128xf32>
      tpu.vector_store %arg10[%swap3A_63, %swap3A_64], %broadcast_in_dim3A_62 {strides = array<i32>} : memref<64x128xf32, #tpu.memory_space<vmem>>, vector<64x128xf32>,
    } else {
    }
    %get3A = arith.constant 0 : index
    %get3A_2 = arith.constant 0 : index
    %get3A_3 = arith.constant 0 : index
    %get3A_4 = vector.load %arg1[%get3A, %get3A_2, %get3A_3] : memref<2x2000x128xf32, #tpu.memory_space<vmem>>, vector<1x2000x128xf32>
    %get3A_5 = vector.shape_cast %get3A_4 : vector<1x2000x128xf32> to vector<2000x128xf32>
    %get3A_6 = arith.constant 1 : index
    %get3A_7 = arith.constant 0 : index
    %get3A_8 = arith.constant 0 : index
    %get3A_9 = vector.load %arg1[%get3A_6, %get3A_7, %get3A_8] : memref<2x2000x128xf32, #tpu.memory_space<vmem>>, vector<1x2000x128xf32>
    %get3A_10 = vector.shape_cast %get3A_9 : vector<1x2000x128xf32> to vector<2000x128xf32>
    %add3A = arith.addf %get3A_5, %get3A_10 : vector<2000x128xf32>
    %get3A_11 = arith.constant 0 : index
    %get3A_12 = arith.constant 0 : index
    %get3A_13 = vector.load %arg2[%get3A_11, %get3A_12] : memref<2000x128xf32, #tpu.memory_space<vmem>>, vector<2000x128xf32>
    %add3A_14 = arith.addf %add3A, %get3A_13 : vector<2000x128xf32>
    %get3A_15 = arith.constant 0 : index
    %get3A_16 = arith.constant 0 : index
    %get3A_17 = vector.load %arg3[%get3A_15, %get3A_16] : memref<2000x1xf32, #tpu.memory_space<vmem>>, vector<2000x1xf32>
    %mul3A = vector.broadcast %get3A_17 : vector<2000x1xf32> to vector<2000x128xf32>
    %mul3A_18 = arith.mulf %mul3A, %add3A_14 : vector<2000x128xf32>
    %get3A_19 = arith.constant 0 : index
    %get3A_20 = arith.constant 0 : index
    %get3A_21 = vector.load %arg4[%get3A_19, %get3A_20] : memref<1x128xf32, #tpu.memory_space<vmem>>, vector<1x128xf32>
    %add3A_22 = vector.broadcast %get3A_21 : vector<1x128xf32> to vector<2000x128xf32>
    %add3A_23 = arith.addf %mul3A_18, %add3A_22 : vector<2000x128xf32>
    %max3A = arith.constant 0.000000e+00 : f32
    %max3A_24 = vector.broadcast %max3A : f32 to vector<2000x128xf32>
    %max3A_25 = arith.maximumf %add3A_23, %max3A_24 : vector<2000x128xf32>
    %iota3A = tpu.iota {dimensions = array<i32: 0>} : vector<64x2000xi32>
    %get3A_26 = arith.constant 0 : index
    %get3A_27 = arith.constant 0 : index
    %get3A_28 = arith.constant 0 : index
    %get3A_29 = vector.load %arg5[%get3A_26, %get3A_27, %get3A_28] : memref<1x1x2000xi32, #tpu.memory_space<vmem>>, vector<1x1x2000xi32>
    %get3A_30 = vector.shape_cast %get3A_29 : vector<1x1x2000xi32> to vector<1x2000xi32>
    %eq3A_31 = vector.broadcast %get3A_30 : vector<1x2000xi32> to vector<64x2000xi32>
    %eq3A_32 = arith.cmpi eq, %iota3A, %eq3A_31 : vector<64x2000xi32>
    %convert_element_type3A_33 = arith.extui %eq3A_32 : vector<64x2000xi1> to vector<64x2000xi32>
    %convert_element_type3A_34 = arith.sitofp %convert_element_type3A_33 : vector<64x2000xi32> to vector<64x2000xf32>
    %get3A_35 = arith.constant 0 : index
    %get3A_36 = arith.constant 0 : index
    %get3A_37 = vector.load %arg9[%get3A_35, %get3A_36] : memref<64x128xf32, #tpu.memory_space<vmem>>, vector<64x128xf32>
    %dot_general3A = arith.constant dense<0.000000e+00> : vector<64x128xf32>
    %dot_general3A_38 = tpu.matmul %convert_element_type3A_34, %max3A_25, %dot_general3A {dimension_numbers = #tpu.dot_dimension_numbers<[1], [0], [0], [1], [0, 0, 1, 1], [], []>, transpose_lhs_hint = false} : vector<64x2000xf32>, vector<2000x128xf32>, vector<64x128xf32> -> vector<64x128xf32>
    %add3A_39 = arith.addf %get3A_37, %dot_general3A_38 : vector<64x128xf32>
    %swap3A = arith.constant 0 : index
    %swap3A_40 = arith.constant 0 : index
    %swap3A_41 = vector.load %arg9[%swap3A, %swap3A_40] : memref<64x128xf32, #tpu.memory_space<vmem>>, vector<64x128xf32>
    tpu.vector_store %arg9[%swap3A, %swap3A_40], %add3A_39 {strides = array<i32>} : memref<64x128xf32, #tpu.memory_space<vmem>>, vector<64x128xf32>,
    %get3A_42 = arith.constant 0 : index
    %get3A_43 = arith.constant 0 : index
    %get3A_44 = vector.load %arg10[%get3A_42, %get3A_43] : memref<64x128xf32, #tpu.memory_space<vmem>>, vector<64x128xf32>
    %reduce_sum3A = arith.constant dense<0.000000e+00> : vector<64xf32>
    %reduce_sum3A_45 = vector.multi_reduction <add>, %convert_element_type3A_34, %reduce_sum3A [1] : vector<64x2000xf32> to vector<64xf32>
    %broadcast_in_dim3A = vector.shape_cast %reduce_sum3A_45 : vector<64xf32> to vector<64x1xf32>
    %add3A_46 = vector.broadcast %broadcast_in_dim3A : vector<64x1xf32> to vector<64x128xf32>
    %add3A_47 = arith.addf %get3A_44, %add3A_46 : vector<64x128xf32>
    %swap3A_48 = arith.constant 0 : index
    %swap3A_49 = arith.constant 0 : index
    %swap3A_50 = vector.load %arg10[%swap3A_48, %swap3A_49] : memref<64x128xf32, #tpu.memory_space<vmem>>, vector<64x128xf32>
    tpu.vector_store %arg10[%swap3A_48, %swap3A_49], %add3A_47 {strides = array<i32>} : memref<64x128xf32, #tpu.memory_space<vmem>>, vector<64x128xf32>,
    %eq3A_51 = arith.constant 4 : i32
    %eq3A_52 = arith.cmpi eq, %arg0, %eq3A_51 : i32
    %convert_element_type3A_53 = arith.extui %eq3A_52 : i1 to i32
    %cond3A_54 = arith.constant 0 : i32
    %cond3A_55 = arith.cmpi ne, %convert_element_type3A_53, %cond3A_54 : i32
    scf.if %cond3A_55 {
      %get3A_56 = arith.constant 0 : index
      %get3A_57 = arith.constant 0 : index
      %get3A_58 = vector.load %arg9[%get3A_56, %get3A_57] : memref<64x128xf32, #tpu.memory_space<vmem>>, vector<64x128xf32>
      %get3A_59 = arith.constant 0 : index
      %get3A_60 = arith.constant 0 : index
      %get3A_61 = vector.load %arg10[%get3A_59, %get3A_60] : memref<64x128xf32, #tpu.memory_space<vmem>>, vector<64x128xf32>
      %max3A_62 = arith.constant 1.000000e+00 : f32
      %max3A_63 = vector.broadcast %max3A_62 : f32 to vector<64x128xf32>
      %max3A_64 = arith.maximumf %get3A_61, %max3A_63 : vector<64x128xf32>
      %div3A = arith.divf %get3A_58, %max3A_64 : vector<64x128xf32>
      %get3A_65 = arith.constant 0 : index
      %get3A_66 = arith.constant 0 : index
      %get3A_67 = vector.load %arg6[%get3A_65, %get3A_66] : memref<128x128xf32, #tpu.memory_space<vmem>>, vector<128x128xf32>
      %dot_general3A_68 = arith.constant dense<0.000000e+00> : vector<64x128xf32>
      %dot_general3A_69 = tpu.matmul %div3A, %get3A_67, %dot_general3A_68 {dimension_numbers = #tpu.dot_dimension_numbers<[1], [0], [0], [1], [0, 0, 1, 1], [], []>, transpose_lhs_hint = false} : vector<64x128xf32>, vector<128x128xf32>, vector<64x128xf32> -> vector<64x128xf32>
      %get3A_70 = arith.constant 0 : index
      %get3A_71 = arith.constant 0 : index
      %get3A_72 = vector.load %arg7[%get3A_70, %get3A_71] : memref<1x128xf32, #tpu.memory_space<vmem>>, vector<1x128xf32>
      %add3A_73 = vector.broadcast %get3A_72 : vector<1x128xf32> to vector<64x128xf32>
      %add3A_74 = arith.addf %dot_general3A_69, %add3A_73 : vector<64x128xf32>
      %swap3A_75 = arith.constant 0 : index
      %swap3A_76 = arith.constant 0 : index
      %swap3A_77 = vector.load %arg8[%swap3A_75, %swap3A_76] : memref<64x128xf32, #tpu.memory_space<vmem>>, vector<64x128xf32>
      tpu.vector_store %arg8[%swap3A_75, %swap3A_76], %add3A_74 {strides = array<i32>} : memref<64x128xf32, #tpu.memory_space<vmem>>, vector<64x128xf32>,
    } else {
    }
    return
  }
  func.func @transform_0(%arg0: i32) -> (i32, i32, i32) {
    %c0_i32 = arith.constant 0 : i32
    %c0_i32_0 = arith.constant 0 : i32
    %c0_i32_1 = arith.constant 0 : i32
    return %c0_i32, %arg0, %c0_i32_0 : i32, i32, i32
  }
  func.func @transform_1(%arg0: i32) -> (i32, i32) {
    %c0_i32 = arith.constant 0 : i32
    %c0_i32_0 = arith.constant 0 : i32
    return %arg0, %c0_i32 : i32, i32
  }
  func.func @transform_2(%arg0: i32) -> (i32, i32) {
    %c0_i32 = arith.constant 0 : i32
    %c0_i32_0 = arith.constant 0 : i32
    return %arg0, %c0_i32 : i32, i32
  }
  func.func @transform_3(%arg0: i32) -> (i32, i32) {
    %c0_i32 = arith.constant 0 : i32
    %c0_i32_0 = arith.constant 0 : i32
    %c0_i32_1 = arith.constant 0 : i32
    return %c0_i32, %c0_i32_0 : i32, i32
  }
  func.func @transform_4(%arg0: i32) -> (i32, i32, i32) {
    %c0_i32 = arith.constant 0 : i32
    %c0_i32_0 = arith.constant 0 : i32
    %c0_i32_1 = arith.constant 0 : i32
    return %arg0, %c0_i32, %c0_i32_0 : i32, i32, i32
  }
  func.func @transform_5(%arg0: i32) -> (i32, i32) {
    %c0_i32 = arith.constant 0 : i32
    %c0_i32_0 = arith.constant 0 : i32
    %c0_i32_1 = arith.constant 0 : i32
    return %c0_i32, %c0_i32_0 : i32, i32
  }
  func.func @transform_6(%arg0: i32) -> (i32, i32) {
    %c0_i32 = arith.constant 0 : i32
    %c0_i32_0 = arith.constant 0 : i32
    %c0_i32_1 = arith.constant 0 : i32
    return %c0_i32, %c0_i32_0 : i32, i32
  }
  func.func @transform_7(%arg0: i32) -> (i32, i32) {
    %c0_i32 = arith.constant 0 : i32
    %c0_i32_0 = arith.constant 0 : i32
    %c0_i32_1 = arith.constant 0 : i32
    return %c0_i32, %c0_i32_0 : i32, i32
  }
}

</mosaic_0001>

<sc_bundles>
// kernel: kernel.12.cloned.1.call-start
scs
__scs_entry_jumppad:
0x0: {  	(pc) =	sbr.rel $0x88, $3  }
0x1: {  	(tag) =	ssettag $0x0;
	lr =	simm.s32 $0x1  }
0x2: {  	[smem:$0x3F98] =	sst lr;
	_ =	strace $0xD0000000  }
0x3: {  	_ = 	snop  }
0x4: {  	_ = 	snop  }
0x5: {  	_ = 	snop  }
0x6: {  	_ = 	snop  }
0x7: {  	_ = 	snop  }
__scs_overlays_trampoline_lowered:
0x8: {  	[smem:$0x3FA7] =	sst s0  }
0x9: {  	[smem:$0x3FA8] =	sst s1  }
0xa: {  	[smem:$0x3FA9] =	sst s2  }
0xb: {  	[smem:$0x3FAA] =	sst s3  }
0xc: {  	[smem:$0x3FAB] =	sst s4  }
0xd: {  	[smem:$0x3FAC] =	sst s5  }
0xe: {  	[smem:$0x3FAD] =	sst s6  }
0xf: {  	[smem:$0x3FAE] =	sst s7  }
0x10: {  	[smem:$0x3FAF] =	sst s8  }
0x11: {  	[smem:$0x3FB0] =	sst s9;
	s0 =	simm.s32 @!p0 $0x0  }
0x12: {  	s1 =	sld [smem:$0x3F96];
	s0 =	simm.s32 @p0 $0x1  }
0x13: {  	[smem:$0x3FB1] =	sst s0;
	s0 =	simm.s32 @!p1 $0x0  }
0x14: {  	s2 =	sld [smem:$0x3F95];
	s0 =	simm.s32 @p1 $0x1  }
0x15: {  	[smem:$0x3FB2] =	sst s0;
	s0 =	simm.s32 @!p2 $0x0  }
0x16: {  	s3 =	sld [smem:$0x3FDB];
	s0 =	simm.s32 @p2 $0x1  }
0x17: {  	s4 =	simm.s32 $0x1BF5;
	[smem:$0x3FB4] =	sst s0  }
0x18: {  	s0 =	sld [smem:$0x3F97];
	_ =	swait.ge [sflag:s4], $0x0  }
0x19: {  	s7 =	sld [smem:$0x3F98]  }
0x1a: {  	s8 =	sadd.s32 $0xFFFFE003, lr  }
0x1b: {  	s9 =	sadd.s32 $0xFFFFFEF7, lr;
	s5 =	simm.s32 $0xFFFFFFFF;
	p2 =	slt.u32 s8, $0xFFFFF086  }
0x1c: {  	p1 =	slt.u32 s9, $0xF7A;
	s5 =	simm.s32 @!p2 $0x0  }
0x1d: {  	s5 =	simm.s32 @p1 $0x1;
	p0 =	seq.s32 s7, s2  }
0x1e: {  	s7 =	smul.u32 @!p0 $0xF7A, s2;
	p2 =	seq.s32 @!p0 s5, $0x0  }
0x1f: {  	s9 =	smul.u32 $0xF7A, s1;
	s8 =	simm.s32 @!p0 $0x1BF5;
	p2 =	por !p2, p0  }
0x20: {  	[sflag:s8] =	ssyncset.s32 @!p0 $0xFFFFF086;
	s6 =	sadd.s32 @!p0 s3, s7;
	s7 =	simm.s32 @!p0 $0x108  }
0x21: {  	s3 =	sadd.s32 s3, s9;
	s6 =	sadd.s32 @!p0 $0x88, s6;
	s7 =	simm.s32 @p2 $0x1082  }
0x22: {  	[simem:s7], [sflag:s8] =	dma.local @!p0 [hbm:s6], $0xF7A  }
0x23: {  	s9 =	sor.u32 $0xD0000000, s2;
	s6 =	simm.s32 $0x108;
	_ =	swait.ge @!p0 [sflag:s8], $0x0  }
0x24: {  	s3 =	sadd.s32 $0x88, s3;
	s6 =	simm.s32 @!p1 $0x1082;
	[sflag:s4] =	ssyncset.s32 $0xFFFFF086  }
0x25: {  	[simem:s6], [sflag:s4] =	dma.local [hbm:s3], $0xF7A  }
0x26: {  	[smem:$0x3F98] =	sst s1;
	(tag) =	ssettag s2;
	_ =	strace s9  }
0x27: {  	s1 =	sld [smem:$0x3FA8]  }
0x28: {  	s2 =	sld [smem:$0x3FA9]  }
0x29: {  	s4 =	sld [smem:$0x3FAB]  }
0x2a: {  	p0 =	seq.s32 s5, $0x0;
	s5 =	sld [smem:$0x3FAC]  }
0x2b: {  	s6 =	sld [smem:$0x3FAD]  }
0x2c: {  	s7 =	sld [smem:$0x3FAE]  }
0x2d: {  	s3 =	simm.s32 $0x108;
	s8 =	sld [smem:$0x3FAF]  }
0x2e: {  	s3 =	simm.s32 @!p0 $0x1082;
	s9 =	sld [smem:$0x3FB0]  }
0x2f: {  	lr =	sadd.s32 s0, s3;
	s0 =	sld [smem:$0x3FA7]  }
0x30: {  	s3 =	sld [smem:$0x3FAA]  }
0x31: {  	[smem:$0x3FB3] =	sst s10  }
0x32: {  	s10 =	sld [smem:$0x3FB1];
	_ =	sdelay $0x3  }
0x33: {  	p0 =	seq.s32 s10, $0x1;
	s10 =	sld [smem:$0x3FB3];
	_ =	sdelay $0x3  }
0x34: {  	[smem:$0x3FB3] =	sst s10  }
0x35: {  	s10 =	sld [smem:$0x3FB2];
	_ =	sdelay $0x3  }
0x36: {  	p1 =	seq.s32 s10, $0x1;
	s10 =	sld [smem:$0x3FB3];
	_ =	sdelay $0x3  }
0x37: {  	[smem:$0x3FB3] =	sst s10  }
0x38: {  	s10 =	sld [smem:$0x3FB4]  }
0x39: {  	_ = 	snop;
	(pc) =	sbr.ind lr, $3  }
0x3a: {  	_ = 	snop  }
0x3b: {  	_ = 	snop  }
0x3c: {  	p2 =	seq.s32 s10, $0x1;
	s10 =	sld [smem:$0x3FB3]  }
0x3d: {  	_ =	shalt  }
0x3e: {  	_ =	shalt  }
0x3f: {  	_ =	shalt  }
0x40: {  	_ =	shalt  }
0x41: {  	_ =	shalt  }
0x42: {  	_ =	shalt  }
0x43: {  	_ =	shalt  }
0x44: {  	_ =	shalt  }
0x45: {  	_ =	shalt  }
0x46: {  	_ =	shalt  }
0x47: {  	_ =	shalt  }
0x48: {  	_ =	shalt  }
0x49: {  	_ =	shalt  }
0x4a: {  	_ =	shalt  }
0x4b: {  	_ =	shalt  }
0x4c: {  	_ =	shalt  }
0x4d: {  	_ =	shalt  }
0x4e: {  	_ =	shalt  }
0x4f: {  	_ =	shalt  }
0x50: {  	_ =	shalt  }
0x51: {  	_ =	shalt  }
0x52: {  	_ =	shalt  }
0x53: {  	_ =	shalt  }
0x54: {  	_ =	shalt  }
0x55: {  	_ =	shalt  }
0x56: {  	_ =	shalt  }
0x57: {  	_ =	shalt  }
0x58: {  	_ =	shalt  }
0x59: {  	_ =	shalt  }
0x5a: {  	_ =	shalt  }
0x5b: {  	_ =	shalt  }
0x5c: {  	_ =	shalt  }
0x5d: {  	_ =	shalt  }
0x5e: {  	_ =	shalt  }
0x5f: {  	_ =	shalt  }
0x60: {  	_ =	shalt  }
0x61: {  	_ =	shalt  }
0x62: {  	_ =	shalt  }
0x63: {  	_ =	shalt  }
0x64: {  	_ =	shalt  }
0x65: {  	_ =	shalt  }
0x66: {  	_ =	shalt  }
0x67: {  	_ =	shalt  }
0x68: {  	_ =	shalt  }
0x69: {  	_ =	shalt  }
0x6a: {  	_ =	shalt  }
0x6b: {  	_ =	shalt  }
0x6c: {  	_ =	shalt  }
0x6d: {  	_ =	shalt  }
0x6e: {  	_ =	shalt  }
0x6f: {  	_ =	shalt  }
0x70: {  	_ =	shalt  }
0x71: {  	_ =	shalt  }
0x72: {  	_ =	shalt  }
0x73: {  	_ =	shalt  }
0x74: {  	_ =	shalt  }
0x75: {  	_ =	shalt  }
0x76: {  	_ =	shalt  }
0x77: {  	_ =	shalt  }
0x78: {  	_ =	shalt  }
0x79: {  	_ =	shalt  }
0x7a: {  	_ =	shalt  }
0x7b: {  	_ =	shalt  }
0x7c: {  	_ =	shalt  }
0x7d: {  	_ =	shalt  }
0x7e: {  	_ =	shalt  }
0x7f: {  	_ =	shalt  }
0x80: {  	_ =	shalt  }
0x81: {  	_ =	shalt  }
0x82: {  	_ =	shalt  }
0x83: {  	_ =	shalt  }
0x84: {  	_ =	shalt  }
0x85: {  	_ =	shalt  }
0x86: {  	_ =	shalt  }
0x87: {  	_ =	shalt  }
.Lfunc_end0:
.L_simem_size_0:
called_computation.1_lowered:
.L_overlay_start_0:
0x88: {  	s2 =	sld [smem:$0x3FD9]  }
0x89: {  	s3 =	sld [smem:$0x3FFE];
	_ =	sdelay $0x1  }
0x8a: {  	s1 =	srdreg.scid  }
0x8b: {  	s0 =	sand.u32 $0x1, s1  }
0x8c: {  	s16 =	sshll.u32 s0, $0xA;
	s2 =	sadd.s32 s3, s2  }
0x8d: {  	s2 =	sadd.s32 s2, s16  }
0x8e: {  	[smem:$0x3FBF] =	sst s2  }
0x8f: {  	_ = 	snop  }
0x90: {  	(tm) =	ssettm $0x1  }
0x91: {  	s17 =	sld [smem:$0x3FFB];
	_ =	sdelay $0x3  }
0x92: {  	_ =	strace s17  }
0x93: {  	s2 =	sld [smem:$0x3FFC];
	_ =	sdelay $0x3  }
0x94: {  	_ =	strace s2  }
0x95: {  	s2 =	sld [smem:$0x3FFD];
	_ =	sdelay $0x3  }
0x96: {  	_ =	strace s2  }
0x97: {  	_ =	strace $0x8FFFFFFF  }
0x98: {  	s18 =	sld [smem:$0x3FDB];
	_ =	sdelay $0x1  }
0x99: {  	s19 =	simm.s32 $_scs_section_size  }
0x9a: {  	s4 =	simm.s32 $_size__tile_overlayer_lowered;
	s5 =	simm.s32 $_tile_overlayer_lowered  }
0x9b: {  	s22 =	simm.s32 $0x1BFF;
	s21 =	sshll.u32 s5, $0x1;
	s2 =	sadd.s32 s19, s18  }
0x9c: {  	s6 =	simm.s32 $0x0;
	s20 =	sshll.u32 s4, $0x1;
	s4 =	sadd.s32 s21, s2  }
0x9d: {  	[timem:s6], [sflag:s22] =	dma.local [hbm:s4], s20  }
0x9e: {  	_ =	swait.ge [sflag:s22], s20  }
0x9f: {  	s3 =	ssub.s32 $0x0, s20;
	[sflag:s22] =	ssyncset.done $0x0  }
0xa0: {  	[sflag:s22] =	ssyncadd.s32 s3;
	_ =	sdelay $0x1  }
0xa1: {  	s23 =	simm.s32 $0x1B8B  }
0xa2: {  	_ =	swait.ge [sflag:s23], $0x1  }
0xa3: {  	[sflag:s23] =	ssyncset.done $0x0  }
0xa4: {  	s25 =	simm.s32 $0x1B8E;
	s24 =	sld [smem:$0x3FFE];
	[sflag:s23] =	ssyncadd.s32 $0xFFFFFFFF  }
0xa5: {  	s26 =	simm.s32 $execute0_lowered;
	[smem:$0x3FD2] =	sst s25  }
0xa6: {  	s4 =	sshll.u32 s26, $0x1;
	_ =	strace $0x80000049;
	[dreg:$0x1] =	wrdreg $0xFFFFFFFF  }
0xa7: {  	s28 =	simm.s32 $_size_execute0_lowered;
	s2 =	sadd.s32 s2, s4;
	[dreg:$0x0] =	wrdreg $0x0  }
0xa8: {  	s4 =	sshll.u32 s28, $0x1;
	[dreg:$0x2] =	wrdreg s2  }
0xa9: {  	[dreg:$0x3] =	wrdreg s4  }
0xaa: {  	[dreg:$0x4] =	wrdreg $0xC0  }
0xab: {  	_ =	task [dreg:s6], $0x5FFFF  }
0xac: {  	[dreg:$0x1] =	wrdreg $0xFFFFFFFF  }
0xad: {  	[dreg:$0x0] =	wrdreg $0x60  }
0xae: {  	[dreg:$0x2] =	wrdreg s24  }
0xaf: {  	[dreg:$0x3] =	wrdreg $0x0  }
0xb0: {  	[dreg:$0x4] =	wrdreg $0x9  }
0xb1: {  	_ =	task.clear_ibuf [dreg:s6], $0x5FFFF;
	_ =	strace $0x90000049  }
0xb2: {  	s29 =	simm.s32 $0x9;
	_ =	strace $0x8000004B  }
0xb3: {  	_ =	swait.ge [sflag:s29], $0x1  }
0xb4: {  	[sflag:s29] =	ssyncadd.s32 $0xFFFFFFFF  }
0xb5: {  	_ =	strace $0x9000004B  }
0xb6: {  	_ =	sfence  }
0xb7: {  	s30 =	sld [smem:$0x0];
	_ =	sdelay $0x2  }
0xb8: {  	s31 =	sshll.u32 s1, $0xD;
	s1 =	sshrl.u32 s1, $0x2  }
0xb9: {  	s3 =	sand.u32 $0x4000, s31;
	s1 =	sadd.s32 s1, s30  }
0xba: {  	s0 =	sor.u32 s3, s0;
	s1 =	sshll.u32 s1, $0x11  }
0xbb: {  	s0 =	sor.u32 s1, s0  }
0xbc: {  	s0 =	sadd.s32 $0x8F2B, s0  }
0xbd: {  	[sflag:s0] =	ssyncadd.remote.s32 $0x1  }
0xbe: {  	_ =	sfence.sel $0xFFFF  }
0xbf: {  	[dreg:$0x0] =	wrdreg $0xFFFFFFFF;
	(pc) =	sbr.abs _section_cstart, $3  }
0xc0: {  	[dreg:$0x1] =	wrdreg $0xFFFFFFFF  }
0xc1: {  	_ =	task.clear_ibuf [dreg:s6], $0x2FFFF;
	_ =	strace $0x9FFFFFFF  }
0xc2: {  	(tm) =	ssettm $0x7FFFFFFF  }
0xc3: {  	_ =	shalt  }
tec
execute0_lowered:
.L_overlay_start_1:
0x0: {  	(tag) =	ssettag $0x1  }
0x1: {  	s0 =	rddreg [dreg:$0x0]  }
0x2: {  	s1 =	rddreg [dreg:$0x1]  }
0x3: {  	s2 =	simm.s32 $0x0;
	s3 =	srdreg.scid;
	s21 =	stileid.u32  }
0x4: {  	[smem:$0x7FF] =	sst s2;
	s9 =	sand.u32 $0x1, s3;
	s13 =	smul.u32 $0x14000, s21  }
0x5: {  	s3 =	sadd.s32 $0xCE00, s0;
	s5 =	sadd.s32 $0x2E00, s0;
	s18 =	smul.u32 $0x2800, s21  }
0x6: {  	s12 =	sadd.s32 $0x3E000, s0;
	s4 =	sshll.u32 s9, $0x4;
	s11 =	smul.u32 $0x140000, s9  }
0x7: {  	_ =	strace $0x8000004A;
	s6 =	ssub.s32 $0x2, s9;
	s4 =	sor.u32 s21, s4  }
0x8: {  	s24 =	sshrl.u32 s6, $0x1;
	s7 =	smul.u32 $0x2800, s4;
	s10 =	sadd.s32 s11, s13  }
0x9: {  	s15 =	smul.u32 $0x28000, s9;
	s4 =	ssub.s32 s6, s24;
	s25 =	sshrl.u32 s10, $0x3  }
0xa: {  	s10 =	sadd.s32 $0x8000, s13;
	s8 =	sshrl.u32 s7, $0x3;
	s6 =	sadd.s32 s12, s25  }
0xb: {  	s7 =	sadd.s32 $0x4000, s13;
	s22 =	sadd.s32 s11, s10;
	[dreg:$0xb] =	wrdreg s6  }
0xc: {  	s6 =	sor.u32 $0x2000, s13;
	s14 =	sadd.s32 s11, s7;
	s23 =	sshrl.u32 s22, $0x3  }
0xd: {  	s26 =	sadd.s32 s11, s6;
	s17 =	sshrl.u32 s14, $0x3;
	s14 =	sadd.s32 s18, s15  }
0xe: {  	s16 =	sshrl.u32 s26, $0x3;
	s19 =	sadd.s32 s12, s17;
	s17 =	sor.u32 $0x280, s14  }
0xf: {  	s26 =	sor.u32 $0x200, s14;
	s22 =	sor.u32 $0x180, s14;
	s14 =	sor.u32 $0x100, s14  }
0x10: {  	s9 =	sadd.s32 s12, s16;
	[dreg:$0xd] =	wrdreg s19;
	s24 =	sshrl.u32 s17, $0x3  }
0x11: {  	s19 =	sshrl.u32 s26, $0x3;
	s17 =	sadd.s32 $0xA000, s13;
	s14 =	sshrl.u32 s14, $0x3  }
0x12: {  	[dreg:$0xc] =	wrdreg s9;
	s9 =	sadd.s32 $0x6000, s13;
	s25 =	sadd.s32 s24, s5  }
0x13: {  	s18 =	sadd.s32 s24, s3;
	s24 =	sshrl.u32 s22, $0x3;
	[dreg:$0x3] =	wrdreg s25  }
0x14: {  	s16 =	sadd.s32 s11, s9;
	[dreg:$0x4] =	wrdreg s18;
	s25 =	sadd.s32 s24, s5  }
0x15: {  	s18 =	sadd.s32 s11, s17;
	s26 =	sadd.s32 s24, s3;
	[dreg:$0x7] =	wrdreg s25  }
0x16: {  	s20 =	sshrl.u32 s16, $0x3;
	[dreg:$0x8] =	wrdreg s26;
	s25 =	sadd.s32 s14, s5  }
0x17: {  	s16 =	sadd.s32 $0xC000, s13;
	s15 =	sadd.s32 s12, s20;
	[dreg:$0x9] =	wrdreg s25  }
0x18: {  	s18 =	sshrl.u32 s18, $0x3;
	s20 =	sadd.s32 s19, s5;
	[dreg:$0xe] =	wrdreg s15  }
0x19: {  	s18 =	sadd.s32 s12, s18;
	s15 =	sadd.s32 s12, s23;
	[dreg:$0x5] =	wrdreg s20  }
0x1a: {  	s23 =	sadd.s32 s19, s3;
	s19 =	sadd.s32 s11, s16;
	[dreg:$0x10] =	wrdreg s18  }
0x1b: {  	[dreg:$0xf] =	wrdreg s15;
	s15 =	sadd.s32 $0xE000, s13;
	s19 =	sshrl.u32 s19, $0x3  }
0x1c: {  	[dreg:$0x6] =	wrdreg s23;
	s20 =	sadd.s32 s11, s15;
	s18 =	sadd.s32 s12, s19  }
0x1d: {  	s22 =	sshrl.u32 s20, $0x3;
	[dreg:$0x11] =	wrdreg s18;
	s18 =	sadd.s32 $0x10000, s13  }
0x1e: {  	s13 =	sadd.s32 $0x12000, s13;
	s20 =	sor.u32 $0x20, s8;
	s23 =	sadd.s32 s12, s22  }
0x1f: {  	s24 =	sadd.s32 s11, s18;
	s22 =	sadd.s32 s3, s20;
	[dreg:$0x12] =	wrdreg s23  }
0x20: {  	s11 =	sadd.s32 s11, s13;
	[dreg:$0x17] =	wrdreg s22;
	s23 =	sadd.s32 s3, s8  }
0x21: {  	s19 =	sshrl.u32 s24, $0x3;
	s24 =	sadd.s32 s5, s8;
	[dreg:$0x19] =	wrdreg s23  }
0x22: {  	s11 =	sshrl.u32 s11, $0x3;
	s19 =	sadd.s32 s12, s19;
	[dreg:$0x1a] =	wrdreg s24  }
0x23: {  	s26 =	sor.u32 $0x10, s8;
	s11 =	sadd.s32 s12, s11;
	[dreg:$0x13] =	wrdreg s19  }
0x24: {  	s28 =	simm.s32 $0x18400;
	[dreg:$0x14] =	wrdreg s11;
	s19 =	sadd.s32 s3, s26  }
0x25: {  	s8 =	sor.u32 $0x30, s8;
	s11 =	sadd.s32 s5, s26;
	[dreg:$0x15] =	wrdreg s19  }
0x26: {  	s25 =	smul.u32 $0x50000, s21;
	s26 =	sadd.s32 s3, s8;
	[dreg:$0x16] =	wrdreg s11  }
0x27: {  	s21 =	sadd.s32 s16, s1;
	s3 =	sadd.s32 s14, s3;
	[dreg:$0x1c] =	wrdreg s26  }
0x28: {  	s22 =	sadd.s32 $0x16E00, s0;
	s11 =	sadd.s32 s5, s20;
	[dreg:$0xa] =	wrdreg s3  }
0x29: {  	s12 =	sadd.s32 s7, s1;
	s5 =	sadd.s32 s5, s8;
	[dreg:$0x18] =	wrdreg s11  }
0x2a: {  	s24 =	sadd.s32 s15, s1;
	s8 =	smax.u32 s4, $0x1;
	[dreg:$0x1b] =	wrdreg s5  }
0x2b: {  	s14 =	sadd.s32 s9, s1;
	s3 =	sshrl.u32 s12, $0x3;
	[dreg:$0x1d] =	wrdreg s8  }
0x2c: {  	s19 =	sadd.s32 s10, s1;
	s4 =	sshrl.u32 s14, $0x3;
	[dreg:$0x1f] =	wrdreg s3  }
0x2d: {  	s20 =	sadd.s32 s17, s1;
	s12 =	sshrl.u32 s21, $0x3;
	[smem:$0x7EE] =	sst s4  }
0x2e: {  	s26 =	sadd.s32 s13, s1;
	s13 =	sshrl.u32 s24, $0x3;
	[smem:$0x7F1] =	sst s12  }
0x2f: {  	s11 =	sadd.s32 s6, s1;
	[smem:$0x7F2] =	sst s13;
	s15 =	sshrl.u32 s26, $0x3  }
0x30: {  	s5 =	sshrl.u32 s25, $0x2;
	s0 =	sshrl.u32 s11, $0x3;
	[smem:$0x7F4] =	sst s15  }
0x31: {  	s23 =	sadd.s32 s5, s1;
	s5 =	sshrl.u32 s19, $0x3;
	[dreg:$0x1e] =	wrdreg s0  }
0x32: {  	s25 =	sadd.s32 s18, s1;
	s11 =	sshrl.u32 s20, $0x3;
	[smem:$0x7EF] =	sst s5  }
0x33: {  	s29 =	simm.s32 $0x5;
	s14 =	sshrl.u32 s25, $0x3;
	[smem:$0x7F0] =	sst s11  }
0x34: {  	s30 =	simm.s32 $0x14400;
	[smem:$0x7F3] =	sst s14;
	s16 =	sadd.s32 $0x2000, s23  }
0x35: {  	s31 =	simm.s32 $0x7;
	s17 =	sadd.s32 $0x4000, s23;
	[smem:$0x7F5] =	sst s16  }
0x36: {  	s10 =	simm.s32 $0x14380;
	s18 =	sadd.s32 $0x6000, s23;
	[smem:$0x7F6] =	sst s17  }
0x37: {  	s3 =	simm.s32 $0x6;
	s19 =	sadd.s32 $0x8000, s23;
	[smem:$0x7F7] =	sst s18  }
0x38: {  	s4 =	simm.s32 $0x8;
	s20 =	sadd.s32 $0xA000, s23;
	[smem:$0x7F8] =	sst s19  }
0x39: {  	s15 =	simm.s32 $0x1;
	s21 =	sadd.s32 $0xC000, s23;
	[smem:$0x7F9] =	sst s20  }
0x3a: {  	s24 =	sadd.s32 $0xE000, s23;
	s25 =	sadd.s32 $0x10000, s23;
	[smem:$0x7FA] =	sst s21  }
0x3b: {  	s26 =	sadd.s32 $0x12000, s23;
	s14 =	simm.s32 $0x1C400;
	[smem:$0x7FB] =	sst s24  }
0x3c: {  	s0 =	simm.s32 $0x3;
	s5 =	simm.s32 $0x4;
	[smem:$0x7FC] =	sst s25  }
0x3d: {  	[smem:$0x7FD] =	sst s26;
	s16 =	simm.s32 $0x14200;
	s17 =	simm.s32 $0x14080  }
0x3e: {  	s18 =	simm.s32 $0x14280;
	s19 =	simm.s32 $0x14100;
	s20 =	simm.s32 $0x14300  }
0x3f: {  	v0 =	vimm.f32 $0.0e+00;
	s21 =	simm.s32 $0x14180;
	s25 =	simm.s32 $0x2;
	s26 =	simm.s32 $0x80  }
.LBB2_1:
0x40: {  	s8 =	simm.s32 $0x0;
	s9 =	simm.s32 $0x200  }
.LBB2_2:
0x41: {  	p0 =	sne.s32 s9, $0x7E00;
	[tilespmem:s8+$0x1C470] =	vst v0  }
0x42: {  	[tilespmem:s8+$0x1C400] =	vst v0  }
0x43: {  	[tilespmem:s8+$0x1C410] =	vst v0  }
.Ltmp0:
0x44: {  	[tilespmem:s8+$0x1C420] =	vst v0;
	(pc) =	sbr.rel @p0 .LBB2_2-.Ltmp0, $4  }
0x45: {  	[tilespmem:s8+$0x1C430] =	vst v0  }
0x46: {  	[tilespmem:s8+$0x1C440] =	vst v0  }
0x47: {  	[tilespmem:s8+$0x1C450] =	vst v0  }
0x48: {  	[tilespmem:s8+$0x1C460] =	vst v0;
	s8 =	sshra.s32 s9, $0x2;
	s9 =	sadd.s32 $0x200, s9  }
0x49: {  	[tilespmem:s8+$0x1C470] =	vst v0  }
0x4a: {  	[tilespmem:s8+$0x1C400] =	vst v0  }
0x4b: {  	[tilespmem:s8+$0x1C410] =	vst v0  }
0x4c: {  	[tilespmem:s8+$0x1C420] =	vst v0  }
0x4d: {  	[tilespmem:s8+$0x1C430] =	vst v0  }
0x4e: {  	[tilespmem:s8+$0x1C440] =	vst v0  }
0x4f: {  	[tilespmem:s8+$0x1C450] =	vst v0  }
0x50: {  	[tilespmem:s8+$0x1C460] =	vst v0;
	s6 =	sld [smem:$0x7F5]  }
0x51: {  	[spmem:s23] =	stream.linear.scatter [tilespmem:s14], [sflag:$0x1], $0x2000, $0x38;
	[tilespmem:$0x1E400] =	vst v63  }
0x52: {  	s12 =	sld [smem:$0x7F6]  }
0x53: {  	[spmem:s6] =	stream.linear.scatter [tilespmem:s14], [sflag:$0x1], $0x2000, $0x38;
	[tilespmem:$0x1E400] =	vst v63  }
0x54: {  	s13 =	sld [smem:$0x7F7]  }
0x55: {  	[spmem:s12] =	stream.linear.scatter [tilespmem:s14], [sflag:$0x1], $0x2000, $0x38;
	[tilespmem:$0x1E400] =	vst v63  }
0x56: {  	s24 =	sld [smem:$0x7F8]  }
0x57: {  	[spmem:s13] =	stream.linear.scatter [tilespmem:s14], [sflag:$0x1], $0x2000, $0x38;
	[tilespmem:$0x1E400] =	vst v63  }
0x58: {  	s7 =	sld [smem:$0x7F9]  }
0x59: {  	[spmem:s24] =	stream.linear.scatter [tilespmem:s14], [sflag:$0x1], $0x2000, $0x38;
	[tilespmem:$0x1E400] =	vst v63  }
0x5a: {  	s8 =	sld [smem:$0x7FA]  }
0x5b: {  	[spmem:s7] =	stream.linear.scatter [tilespmem:s14], [sflag:$0x1], $0x2000, $0x38;
	[tilespmem:$0x1E400] =	vst v63  }
0x5c: {  	s9 =	sld [smem:$0x7FB]  }
0x5d: {  	[spmem:s8] =	stream.linear.scatter [tilespmem:s14], [sflag:$0x1], $0x2000, $0x38;
	[tilespmem:$0x1E400] =	vst v63  }
0x5e: {  	s11 =	sld [smem:$0x7FC]  }
0x5f: {  	[spmem:s9] =	stream.linear.scatter [tilespmem:s14], [sflag:$0x1], $0x2000, $0x38;
	[tilespmem:$0x1E400] =	vst v63  }
0x60: {  	s12 =	sld [smem:$0x7FD]  }
0x61: {  	[spmem:s11] =	stream.linear.scatter [tilespmem:s14], [sflag:$0x1], $0x2000, $0x38;
	[tilespmem:$0x1E400] =	vst v63  }
0x62: {  	_ = 	snop  }
0x63: {  	[spmem:s12] =	stream.linear.scatter [tilespmem:s14], [sflag:$0x1], $0x2000, $0x38;
	[tilespmem:$0x1E400] =	vst v63  }
0x64: {  	_ =	swait.ge [sflag:s15], $0x2000  }
0x65: {  	[sflag:s15] =	ssyncset.done $0x0  }
0x66: {  	[sflag:s15] =	ssyncadd.s32 $0xFFFFE000  }
0x67: {  	_ =	swait.ge [sflag:s15], $0x2000  }
0x68: {  	[sflag:s15] =	ssyncset.done $0x0  }
0x69: {  	[sflag:s15] =	ssyncadd.s32 $0xFFFFE000  }
0x6a: {  	_ =	swait.ge [sflag:s15], $0x2000  }
0x6b: {  	[sflag:s15] =	ssyncset.done $0x0  }
0x6c: {  	[sflag:s15] =	ssyncadd.s32 $0xFFFFE000  }
0x6d: {  	_ =	swait.ge [sflag:s15], $0x2000  }
0x6e: {  	[sflag:s15] =	ssyncset.done $0x0  }
0x6f: {  	[sflag:s15] =	ssyncadd.s32 $0xFFFFE000  }
0x70: {  	_ =	swait.ge [sflag:s15], $0x2000  }
0x71: {  	[sflag:s15] =	ssyncset.done $0x0  }
0x72: {  	[sflag:s15] =	ssyncadd.s32 $0xFFFFE000  }
0x73: {  	_ =	swait.ge [sflag:s15], $0x2000  }
0x74: {  	[sflag:s15] =	ssyncset.done $0x0  }
0x75: {  	[sflag:s15] =	ssyncadd.s32 $0xFFFFE000  }
0x76: {  	_ =	swait.ge [sflag:s15], $0x2000  }
0x77: {  	[sflag:s15] =	ssyncset.done $0x0  }
0x78: {  	[sflag:s15] =	ssyncadd.s32 $0xFFFFE000  }
0x79: {  	_ =	swait.ge [sflag:s15], $0x2000  }
0x7a: {  	[sflag:s15] =	ssyncset.done $0x0  }
0x7b: {  	[sflag:s15] =	ssyncadd.s32 $0xFFFFE000  }
0x7c: {  	_ =	swait.ge [sflag:s15], $0x2000  }
0x7d: {  	[sflag:s15] =	ssyncset.done $0x0  }
0x7e: {  	[sflag:s15] =	ssyncadd.s32 $0xFFFFE000  }
0x7f: {  	_ =	swait.ge [sflag:s15], $0x2000  }
0x80: {  	[sflag:s15] =	ssyncset.done $0x0  }
0x81: {  	[sflag:s15] =	ssyncadd.s32 $0xFFFFE000  }
0x82: {  	[bflag:$0x0] =	sbarrier.arrive $0xFFFF  }
0x83: {  	s7 =	simm.s32 $0x14000;
	s8 =	simm.s32 $0x0;
	s13 =	rddreg [dreg:$0x19]  }
0x84: {  	[tilespmem:s7], [sflag:$0x1] =	stream.linear.gather [hbm4b:s13+s8], $0x80, $0x38;
	[tilespmem:$0x1E400] =	vst v63  }
0x85: {  	s24 =	rddreg [dreg:$0x1a]  }
0x86: {  	[tilespmem:s16], [sflag:$0x1] =	stream.linear.gather [hbm4b:s24+s8], $0x80, $0x38;
	[tilespmem:$0x1E400] =	vst v63  }
0x87: {  	s7 =	rddreg [dreg:$0x15]  }
0x88: {  	[tilespmem:s17], [sflag:$0x2] =	stream.linear.gather [hbm4b:s7+s8], $0x80, $0x38;
	[tilespmem:$0x1E400] =	vst v63  }
0x89: {  	s9 =	rddreg [dreg:$0x16]  }
0x8a: {  	[tilespmem:s18], [sflag:$0x2] =	stream.linear.gather [hbm4b:s9+s8], $0x80, $0x38;
	[tilespmem:$0x1E400] =	vst v63  }
0x8b: {  	s11 =	rddreg [dreg:$0x17]  }
0x8c: {  	[tilespmem:s19], [sflag:$0x3] =	stream.linear.gather [hbm4b:s11+s8], $0x80, $0x38;
	[tilespmem:$0x1E400] =	vst v63  }
0x8d: {  	s12 =	rddreg [dreg:$0x18]  }
0x8e: {  	[tilespmem:s20], [sflag:$0x3] =	stream.linear.gather [hbm4b:s12+s8], $0x80, $0x38;
	[tilespmem:$0x1E400] =	vst v63  }
0x8f: {  	s13 =	rddreg [dreg:$0x1c]  }
0x90: {  	[tilespmem:s21], [sflag:$0x4] =	stream.linear.gather [hbm4b:s13+s8], $0x80, $0x38;
	[tilespmem:$0x1E400] =	vst v63  }
0x91: {  	p0 =	por $0x1, $0x1;
	s24 =	rddreg [dreg:$0x1b]  }
0x92: {  	[tilespmem:s10], [sflag:$0x4] =	stream.linear.gather [hbm4b:s24+s8], $0x80, $0x38;
	[tilespmem:$0x1E400] =	vst v63  }
0x93: {  	s8 =	simm.s32 @p0 $0x1  }
0x94: {  	_ =	swait.ge @p0 [sflag:s8], $0x80  }
0x95: {  	[sflag:s8] =	ssyncset.done @p0 $0x0  }
0x96: {  	[sflag:s8] =	ssyncadd.s32 @p0 $0xFFFFFF80  }
0x97: {  	_ =	swait.ge @p0 [sflag:s8], $0x80  }
0x98: {  	s9 =	simm.s32 @p0 $0x14400;
	s11 =	simm.s32 @p0 $0x80;
	[sflag:s8] =	ssyncset.done @p0 $0x0  }
0x99: {  	s12 =	simm.s32 @p0 $0x14000;
	s10 =	simm.s32 @!p0 $0x9;
	[sflag:s8] =	ssyncadd.s32 @p0 $0xFFFFFF80  }
0x9a: {  	[tilespmem:s9], [sflag:$0x5] =	stream.indirect.gather @p0 [hbm4b:s22+s11], $0x80, s12, s11, $0xb8;
	[tilespmem:$0x1E400] =	vst v63  }
0x9b: {  	_ =	swait.ge @!p0 [sflag:s10], $0x4000  }
0x9c: {  	s8 =	rddreg [dreg:$0xa]  }
0x9d: {  	s9 =	simm.s32 @!p0 $0x14100;
	[sflag:s10] =	ssyncset.done @!p0 $0x0;
	s11 =	rddreg [dreg:$0x9]  }
0x9e: {  	[sflag:s10] =	ssyncadd.s32 @!p0 $0xFFFFC000;
	s10 =	simm.s32 @!p0 $0x0;
	s8 =	sadd.s32 @!p0 $0x0, s8  }
0x9f: {  	[tilespmem:s9], [sflag:$0x3] =	stream.linear.gather @!p0 [hbm4b:s8+s10], $0x80, $0x38;
	[tilespmem:$0x1E400] =	vst v63  }
0xa0: {  	s8 =	sadd.s32 @!p0 $0x0, s11;
	s9 =	simm.s32 @!p0 $0x14300;
	s11 =	simm.s32 @!p0 $0x1  }
0xa1: {  	[tilespmem:s9], [sflag:$0x3] =	stream.linear.gather @!p0 [hbm4b:s8+s10], $0x80, $0x38;
	[tilespmem:$0x1E400] =	vst v63  }
0xa2: {  	_ =	swait.ge @!p0 [sflag:s11], $0x80  }
0xa3: {  	[sflag:s11] =	ssyncset.done @!p0 $0x0  }
0xa4: {  	[sflag:s11] =	ssyncadd.s32 @!p0 $0xFFFFFF80  }
0xa5: {  	_ =	swait.ge @!p0 [sflag:s11], $0x80  }
0xa6: {  	s12 =	simm.s32 @!p0 $0x80;
	s8 =	simm.s32 @!p0 $0x14400;
	[sflag:s11] =	ssyncset.done @!p0 $0x0  }
0xa7: {  	s9 =	simm.s32 @!p0 $0x6;
	[sflag:s11] =	ssyncadd.s32 @!p0 $0xFFFFFF80;
	s11 =	simm.s32 @!p0 $0x14000  }
0xa8: {  	[tilespmem:s8], [sflag:$0x5] =	stream.indirect.gather @!p0 [hbm4b:s22+s12], $0x80, s11, s12, $0xb8;
	[tilespmem:$0x1E400] =	vst v63  }
0xa9: {  	_ =	swait.ge @!p0 [sflag:s9], $0x4000  }
0xaa: {  	s8 =	simm.s32 @!p0 $0xA;
	[sflag:s9] =	ssyncset.done @!p0 $0x0  }
0xab: {  	s11 =	simm.s32 @!p0 $0x14380;
	[sflag:s9] =	ssyncadd.s32 @!p0 $0xFFFFC000;
	s9 =	simm.s32 @!p0 $0x18400  }
0xac: {  	[spmem:s1] =	stream.indirect.scatter.add.f32 @!p0 [tilespmem:s9], [sflag:$0xA], $0x80, s11, s12, $0xb8;
	[tilespmem:$0x1E400] =	vst v63  }
0xad: {  	_ =	swait.ge @!p0 [sflag:s8], $0x4000  }
0xae: {  	s9 =	rddreg [dreg:$0x8]  }
0xaf: {  	[sflag:s8] =	ssyncset.done @!p0 $0x0;
	s12 =	rddreg [dreg:$0x7]  }
0xb0: {  	[sflag:s8] =	ssyncadd.s32 @!p0 $0xFFFFC000;
	s8 =	simm.s32 @!p0 $0x14180;
	s9 =	sadd.s32 @!p0 $0x0, s9  }
0xb1: {  	[tilespmem:s8], [sflag:$0x4] =	stream.linear.gather @!p0 [hbm4b:s9+s10], $0x80, $0x38;
	[tilespmem:$0x1E400] =	vst v63  }
0xb2: {  	s8 =	sadd.s32 @!p0 $0x0, s12  }
0xb3: {  	[tilespmem:s11], [sflag:$0x4] =	stream.linear.gather @!p0 [hbm4b:s8+s10], $0x80, $0x38;
	[tilespmem:$0x1E400] =	vst v63  }
0xb4: {  	_ =	swait.ge [sflag:s25], $0x80  }
0xb5: {  	[sflag:s25] =	ssyncset.done $0x0  }
0xb6: {  	[sflag:s25] =	ssyncadd.s32 $0xFFFFFF80  }
0xb7: {  	_ =	swait.ge [sflag:s25], $0x80  }
0xb8: {  	[sflag:s25] =	ssyncset.done $0x0  }
0xb9: {  	[sflag:s25] =	ssyncadd.s32 $0xFFFFFF80  }
0xba: {  	[tilespmem:s28], [sflag:$0x6] =	stream.indirect.gather [hbm4b:s22+s26], $0x80, s17, s26, $0xb8;
	[tilespmem:$0x1E400] =	vst v63  }
0xbb: {  	_ =	swait.ge [sflag:s29], $0x4000  }
0xbc: {  	[sflag:s29] =	ssyncset.done $0x0  }
0xbd: {  	p0 =	por $0x0, $0x0;
	[sflag:s29] =	ssyncadd.s32 $0xFFFFC000  }
0xbe: {  	[spmem:s1] =	stream.indirect.scatter.add.f32 [tilespmem:s30], [sflag:$0x7], $0x80, s16, s26, $0xb8;
	[tilespmem:$0x1E400] =	vst v63  }
0xbf: {  	s10 =	simm.s32 @!p0 $0x0;
	_ =	swait.ge [sflag:s31], $0x4000  }
0xc0: {  	s11 =	simm.s32 @!p0 $0x14000;
	s8 =	rddreg [dreg:$0x6];
	[sflag:s31] =	ssyncset.done $0x0  }
0xc1: {  	s9 =	rddreg [dreg:$0x5];
	[sflag:s31] =	ssyncadd.s32 $0xFFFFC000;
	s8 =	sadd.s32 @!p0 $0x0, s8  }
0xc2: {  	[tilespmem:s11], [sflag:$0x1] =	stream.linear.gather @!p0 [hbm4b:s8+s10], $0x80, $0x38;
	[tilespmem:$0x1E400] =	vst v63  }
0xc3: {  	s9 =	sadd.s32 @!p0 $0x0, s9;
	s8 =	simm.s32 @!p0 $0x14200  }
0xc4: {  	[tilespmem:s8], [sflag:$0x1] =	stream.linear.gather @!p0 [hbm4b:s9+s10], $0x80, $0x38;
	[tilespmem:$0x1E400] =	vst v63  }
0xc5: {  	_ =	swait.ge [sflag:s0], $0x80  }
0xc6: {  	[sflag:s0] =	ssyncset.done $0x0  }
0xc7: {  	[sflag:s0] =	ssyncadd.s32 $0xFFFFFF80  }
0xc8: {  	_ =	swait.ge [sflag:s0], $0x80  }
0xc9: {  	[sflag:s0] =	ssyncset.done $0x0  }
0xca: {  	[sflag:s0] =	ssyncadd.s32 $0xFFFFFF80  }
0xcb: {  	[tilespmem:s30], [sflag:$0x5] =	stream.indirect.gather [hbm4b:s22+s26], $0x80, s19, s26, $0xb8;
	[tilespmem:$0x1E400] =	vst v63  }
0xcc: {  	_ =	swait.ge [sflag:s3], $0x4000  }
0xcd: {  	[sflag:s3] =	ssyncset.done $0x0  }
0xce: {  	[sflag:s3] =	ssyncadd.s32 $0xFFFFC000  }
0xcf: {  	[spmem:s1] =	stream.indirect.scatter.add.f32 [tilespmem:s28], [sflag:$0x8], $0x80, s18, s26, $0xb8;
	[tilespmem:$0x1E400] =	vst v63  }
0xd0: {  	_ =	swait.ge [sflag:s4], $0x4000  }
0xd1: {  	s11 =	simm.s32 @!p0 $0x14080;
	s8 =	rddreg [dreg:$0x4];
	[sflag:s4] =	ssyncset.done $0x0  }
0xd2: {  	s9 =	rddreg [dreg:$0x3];
	[sflag:s4] =	ssyncadd.s32 $0xFFFFC000;
	s8 =	sadd.s32 @!p0 $0x0, s8  }
0xd3: {  	[tilespmem:s11], [sflag:$0x2] =	stream.linear.gather @!p0 [hbm4b:s8+s10], $0x80, $0x38;
	[tilespmem:$0x1E400] =	vst v63  }
0xd4: {  	s9 =	sadd.s32 @!p0 $0x0, s9;
	s8 =	simm.s32 @!p0 $0x14280  }
0xd5: {  	[tilespmem:s8], [sflag:$0x2] =	stream.linear.gather @!p0 [hbm4b:s9+s10], $0x80, $0x38;
	[tilespmem:$0x1E400] =	vst v63  }
0xd6: {  	_ =	swait.ge [sflag:s5], $0x80  }
0xd7: {  	[sflag:s5] =	ssyncset.done $0x0  }
0xd8: {  	[sflag:s5] =	ssyncadd.s32 $0xFFFFFF80  }
0xd9: {  	_ =	swait.ge [sflag:s5], $0x80  }
0xda: {  	[sflag:s5] =	ssyncset.done $0x0  }
0xdb: {  	p1 =	por $0x0, $0x0;
	[sflag:s5] =	ssyncadd.s32 $0xFFFFFF80  }
0xdc: {  	[tilespmem:s28], [sflag:$0x6] =	stream.indirect.gather [hbm4b:s22+s26], $0x80, s21, s26, $0xb8;
	[tilespmem:$0x1E400] =	vst v63  }
0xdd: {  	s8 =	simm.s32 $0x40;
	s9 =	simm.s32 $0x80;
	_ =	swait.ge [sflag:s29], $0x4000  }
.LBB2_4:
0xde: {  	[sflag:s29] =	ssyncset.done $0x0  }
0xdf: {  	s11 =	simm.s32 @p1 $0x1;
	[sflag:s29] =	ssyncadd.s32 $0xFFFFC000  }
0xe0: {  	[spmem:s1] =	stream.indirect.scatter.add.f32 [tilespmem:s30], [sflag:$0x9], $0x80, s20, s26, $0xb8;
	[tilespmem:$0x1E400] =	vst v63  }
0xe1: {  	_ =	swait.ge @p1 [sflag:s11], $0x80  }
0xe2: {  	[sflag:s11] =	ssyncset.done @p1 $0x0  }
0xe3: {  	[sflag:s11] =	ssyncadd.s32 @p1 $0xFFFFFF80  }
0xe4: {  	_ =	swait.ge @p1 [sflag:s11], $0x80  }
0xe5: {  	s12 =	simm.s32 @p1 $0x14400;
	s13 =	simm.s32 @!p1 $0x9;
	[sflag:s11] =	ssyncset.done @p1 $0x0  }
0xe6: {  	s24 =	simm.s32 @p1 $0x80;
	s6 =	simm.s32 @p1 $0x14000;
	[sflag:s11] =	ssyncadd.s32 @p1 $0xFFFFFF80  }
0xe7: {  	[tilespmem:s12], [sflag:$0x5] =	stream.indirect.gather @p1 [hbm4b:s22+s24], $0x80, s6, s24, $0xb8;
	[tilespmem:$0x1E400] =	vst v63  }
0xe8: {  	_ =	swait.ge @!p1 [sflag:s13], $0x4000  }
0xe9: {  	s6 =	rddreg [dreg:$0xa]  }
0xea: {  	s11 =	simm.s32 @!p1 $0x14100;
	[sflag:s13] =	ssyncset.done @!p1 $0x0;
	s12 =	rddreg [dreg:$0x9]  }
0xeb: {  	[sflag:s13] =	ssyncadd.s32 @!p1 $0xFFFFC000;
	s13 =	simm.s32 @!p1 $0x0;
	s6 =	sadd.s32 @!p1 s8, s6  }
0xec: {  	[tilespmem:s11], [sflag:$0x3] =	stream.linear.gather @!p1 [hbm4b:s6+s13], $0x80, $0x38;
	[tilespmem:$0x1E400] =	vst v63  }
0xed: {  	s6 =	sadd.s32 @!p1 s8, s12;
	s11 =	simm.s32 @!p1 $0x14300;
	s12 =	simm.s32 @!p1 $0x1  }
0xee: {  	[tilespmem:s11], [sflag:$0x3] =	stream.linear.gather @!p1 [hbm4b:s6+s13], $0x80, $0x38;
	[tilespmem:$0x1E400] =	vst v63  }
0xef: {  	_ =	swait.ge @!p1 [sflag:s12], $0x80  }
0xf0: {  	[sflag:s12] =	ssyncset.done @!p1 $0x0  }
0xf1: {  	[sflag:s12] =	ssyncadd.s32 @!p1 $0xFFFFFF80  }
0xf2: {  	_ =	swait.ge @!p1 [sflag:s12], $0x80  }
0xf3: {  	s7 =	simm.s32 @!p1 $0x14000;
	s24 =	simm.s32 @!p1 $0x80;
	[sflag:s12] =	ssyncset.done @!p1 $0x0  }
0xf4: {  	s6 =	simm.s32 @!p1 $0x14400;
	s11 =	simm.s32 @!p1 $0x6;
	[sflag:s12] =	ssyncadd.s32 @!p1 $0xFFFFFF80  }
0xf5: {  	[tilespmem:s6], [sflag:$0x5] =	stream.indirect.gather @!p1 [hbm4b:s22+s24], $0x80, s7, s24, $0xb8;
	[tilespmem:$0x1E400] =	vst v63  }
0xf6: {  	_ =	swait.ge @!p1 [sflag:s11], $0x4000  }
0xf7: {  	s12 =	simm.s32 @!p1 $0x18400;
	[sflag:s11] =	ssyncset.done @!p1 $0x0  }
0xf8: {  	s6 =	simm.s32 @!p1 $0xA;
	s7 =	simm.s32 @!p1 $0x14380;
	[sflag:s11] =	ssyncadd.s32 @!p1 $0xFFFFC000  }
0xf9: {  	[spmem:s1] =	stream.indirect.scatter.add.f32 @!p1 [tilespmem:s12], [sflag:$0xA], $0x80, s7, s24, $0xb8;
	[tilespmem:$0x1E400] =	vst v63  }
0xfa: {  	_ =	swait.ge @!p1 [sflag:s6], $0x4000  }
0xfb: {  	s11 =	rddreg [dreg:$0x8]  }
0xfc: {  	[sflag:s6] =	ssyncset.done @!p1 $0x0;
	s12 =	rddreg [dreg:$0x7]  }
0xfd: {  	[sflag:s6] =	ssyncadd.s32 @!p1 $0xFFFFC000;
	s6 =	simm.s32 @!p1 $0x14180;
	s11 =	sadd.s32 @!p1 s8, s11  }
0xfe: {  	[tilespmem:s6], [sflag:$0x4] =	stream.linear.gather @!p1 [hbm4b:s11+s13], $0x80, $0x38;
	[tilespmem:$0x1E400] =	vst v63  }
0xff: {  	s6 =	sadd.s32 @!p1 s8, s12  }
0x100: {  	[tilespmem:s7], [sflag:$0x4] =	stream.linear.gather @!p1 [hbm4b:s6+s13], $0x80, $0x38;
	[tilespmem:$0x1E400] =	vst v63  }
0x101: {  	_ =	swait.ge [sflag:s25], $0x80  }
0x102: {  	[sflag:s25] =	ssyncset.done $0x0  }
0x103: {  	[sflag:s25] =	ssyncadd.s32 $0xFFFFFF80  }
0x104: {  	_ =	swait.ge [sflag:s25], $0x80  }
0x105: {  	[sflag:s25] =	ssyncset.done $0x0  }
0x106: {  	[sflag:s25] =	ssyncadd.s32 $0xFFFFFF80  }
0x107: {  	[tilespmem:s28], [sflag:$0x6] =	stream.indirect.gather [hbm4b:s22+s26], $0x80, s17, s26, $0xb8;
	[tilespmem:$0x1E400] =	vst v63  }
0x108: {  	_ =	swait.ge [sflag:s29], $0x4000  }
0x109: {  	[sflag:s29] =	ssyncset.done $0x0  }
0x10a: {  	p1 =	seq.s32 s8, $0x4C0;
	[sflag:s29] =	ssyncadd.s32 $0xFFFFC000  }
0x10b: {  	[spmem:s1] =	stream.indirect.scatter.add.f32 [tilespmem:s30], [sflag:$0x7], $0x80, s16, s26, $0xb8;
	[tilespmem:$0x1E400] =	vst v63  }
0x10c: {  	s11 =	simm.s32 @!p1 $0x0;
	_ =	swait.ge [sflag:s31], $0x4000  }
0x10d: {  	s12 =	simm.s32 @!p1 $0x14000;
	s6 =	rddreg [dreg:$0x6];
	[sflag:s31] =	ssyncset.done $0x0  }
0x10e: {  	s7 =	rddreg [dreg:$0x5];
	[sflag:s31] =	ssyncadd.s32 $0xFFFFC000;
	s6 =	sadd.s32 @!p1 s8, s6  }
0x10f: {  	[tilespmem:s12], [sflag:$0x1] =	stream.linear.gather @!p1 [hbm4b:s6+s11], $0x80, $0x38;
	[tilespmem:$0x1E400] =	vst v63  }
0x110: {  	s13 =	simm.s32 @!p1 $0x14200;
	s6 =	sadd.s32 @!p1 s8, s7  }
0x111: {  	[tilespmem:s13], [sflag:$0x1] =	stream.linear.gather @!p1 [hbm4b:s6+s11], $0x80, $0x38;
	[tilespmem:$0x1E400] =	vst v63  }
0x112: {  	_ =	swait.ge [sflag:s0], $0x80  }
0x113: {  	[sflag:s0] =	ssyncset.done $0x0  }
0x114: {  	[sflag:s0] =	ssyncadd.s32 $0xFFFFFF80  }
0x115: {  	_ =	swait.ge [sflag:s0], $0x80  }
0x116: {  	[sflag:s0] =	ssyncset.done $0x0  }
0x117: {  	[sflag:s0] =	ssyncadd.s32 $0xFFFFFF80  }
0x118: {  	[tilespmem:s30], [sflag:$0x5] =	stream.indirect.gather [hbm4b:s22+s26], $0x80, s19, s26, $0xb8;
	[tilespmem:$0x1E400] =	vst v63  }
0x119: {  	_ =	swait.ge [sflag:s3], $0x4000  }
0x11a: {  	[sflag:s3] =	ssyncset.done $0x0  }
0x11b: {  	[sflag:s3] =	ssyncadd.s32 $0xFFFFC000  }
0x11c: {  	[spmem:s1] =	stream.indirect.scatter.add.f32 [tilespmem:s28], [sflag:$0x8], $0x80, s18, s26, $0xb8;
	[tilespmem:$0x1E400] =	vst v63  }
0x11d: {  	_ =	swait.ge [sflag:s4], $0x4000  }
0x11e: {  	s12 =	simm.s32 @!p1 $0x14080;
	s6 =	rddreg [dreg:$0x4];
	[sflag:s4] =	ssyncset.done $0x0  }
0x11f: {  	s7 =	rddreg [dreg:$0x3];
	[sflag:s4] =	ssyncadd.s32 $0xFFFFC000;
	s6 =	sadd.s32 @!p1 s8, s6  }
0x120: {  	[tilespmem:s12], [sflag:$0x2] =	stream.linear.gather @!p1 [hbm4b:s6+s11], $0x80, $0x38;
	[tilespmem:$0x1E400] =	vst v63  }
0x121: {  	s13 =	simm.s32 @!p1 $0x14280;
	s6 =	sadd.s32 @!p1 s8, s7  }
0x122: {  	[tilespmem:s13], [sflag:$0x2] =	stream.linear.gather @!p1 [hbm4b:s6+s11], $0x80, $0x38;
	[tilespmem:$0x1E400] =	vst v63  }
0x123: {  	_ =	swait.ge [sflag:s5], $0x80  }
0x124: {  	s10 =	smov.u32 s9;
	s9 =	sadd.s32 $0x40, s9;
	[sflag:s5] =	ssyncset.done $0x0  }
0x125: {  	p0 =	sne.s32 s9, $0x500;
	[sflag:s5] =	ssyncadd.s32 $0xFFFFFF80  }
.Ltmp1:
0x126: {  	_ =	swait.ge [sflag:s5], $0x80;
	(pc) =	sbr.rel @p0 .LBB2_4-.Ltmp1, $4  }
0x127: {  	[sflag:s5] =	ssyncset.done $0x0  }
0x128: {  	s8 =	smov.u32 s10;
	[sflag:s5] =	ssyncadd.s32 $0xFFFFFF80  }
0x129: {  	[tilespmem:s28], [sflag:$0x6] =	stream.indirect.gather [hbm4b:s22+s26], $0x80, s21, s26, $0xb8;
	[tilespmem:$0x1E400] =	vst v63  }
0x12a: {  	p1 =	seq.s32 s8, $0x0;
	_ =	swait.ge [sflag:s29], $0x4000  }
0x12b: {  	[sflag:s29] =	ssyncset.done $0x0  }
0x12c: {  	s6 =	simm.s32 @p1 $0x1;
	[sflag:s29] =	ssyncadd.s32 $0xFFFFC000  }
0x12d: {  	[spmem:s1] =	stream.indirect.scatter.add.f32 [tilespmem:s30], [sflag:$0x9], $0x80, s20, s26, $0xb8;
	[tilespmem:$0x1E400] =	vst v63  }
0x12e: {  	_ =	swait.ge @p1 [sflag:s6], $0x80  }
0x12f: {  	[sflag:s6] =	ssyncset.done @p1 $0x0  }
0x130: {  	[sflag:s6] =	ssyncadd.s32 @p1 $0xFFFFFF80  }
0x131: {  	_ =	swait.ge @p1 [sflag:s6], $0x80  }
0x132: {  	s7 =	simm.s32 @p1 $0x14400;
	s9 =	simm.s32 @!p1 $0x9;
	[sflag:s6] =	ssyncset.done @p1 $0x0  }
0x133: {  	s10 =	simm.s32 @p1 $0x80;
	s11 =	simm.s32 @p1 $0x14000;
	[sflag:s6] =	ssyncadd.s32 @p1 $0xFFFFFF80  }
0x134: {  	[tilespmem:s7], [sflag:$0x5] =	stream.indirect.gather @p1 [hbm4b:s22+s10], $0x80, s11, s10, $0xb8;
	[tilespmem:$0x1E400] =	vst v63  }
0x135: {  	_ =	swait.ge @!p1 [sflag:s9], $0x4000  }
0x136: {  	s6 =	rddreg [dreg:$0xa]  }
0x137: {  	s7 =	simm.s32 @!p1 $0x14100;
	[sflag:s9] =	ssyncset.done @!p1 $0x0;
	s10 =	rddreg [dreg:$0x9]  }
0x138: {  	[sflag:s9] =	ssyncadd.s32 @!p1 $0xFFFFC000;
	s9 =	simm.s32 @!p1 $0x0;
	s6 =	sadd.s32 @!p1 s8, s6  }
0x139: {  	[tilespmem:s7], [sflag:$0x3] =	stream.linear.gather @!p1 [hbm4b:s6+s9], $0x80, $0x38;
	[tilespmem:$0x1E400] =	vst v63  }
0x13a: {  	s6 =	sadd.s32 @!p1 s8, s10;
	s7 =	simm.s32 @!p1 $0x14300;
	s10 =	simm.s32 @!p1 $0x1  }
0x13b: {  	[tilespmem:s7], [sflag:$0x3] =	stream.linear.gather @!p1 [hbm4b:s6+s9], $0x80, $0x38;
	[tilespmem:$0x1E400] =	vst v63  }
0x13c: {  	_ =	swait.ge @!p1 [sflag:s10], $0x80  }
0x13d: {  	[sflag:s10] =	ssyncset.done @!p1 $0x0  }
0x13e: {  	[sflag:s10] =	ssyncadd.s32 @!p1 $0xFFFFFF80  }
0x13f: {  	_ =	swait.ge @!p1 [sflag:s10], $0x80  }
0x140: {  	s11 =	simm.s32 @!p1 $0x80;
	s6 =	simm.s32 @!p1 $0x14400;
	[sflag:s10] =	ssyncset.done @!p1 $0x0  }
0x141: {  	s7 =	simm.s32 @!p1 $0x6;
	[sflag:s10] =	ssyncadd.s32 @!p1 $0xFFFFFF80;
	s10 =	simm.s32 @!p1 $0x14000  }
0x142: {  	[tilespmem:s6], [sflag:$0x5] =	stream.indirect.gather @!p1 [hbm4b:s22+s11], $0x80, s10, s11, $0xb8;
	[tilespmem:$0x1E400] =	vst v63  }
0x143: {  	_ =	swait.ge @!p1 [sflag:s7], $0x4000  }
0x144: {  	s6 =	simm.s32 @!p1 $0xA;
	[sflag:s7] =	ssyncset.done @!p1 $0x0  }
0x145: {  	s10 =	simm.s32 @!p1 $0x14380;
	[sflag:s7] =	ssyncadd.s32 @!p1 $0xFFFFC000;
	s7 =	simm.s32 @!p1 $0x18400  }
0x146: {  	[spmem:s1] =	stream.indirect.scatter.add.f32 @!p1 [tilespmem:s7], [sflag:$0xA], $0x80, s10, s11, $0xb8;
	[tilespmem:$0x1E400] =	vst v63  }
0x147: {  	_ =	swait.ge @!p1 [sflag:s6], $0x4000  }
0x148: {  	s7 =	rddreg [dreg:$0x8]  }
0x149: {  	[sflag:s6] =	ssyncset.done @!p1 $0x0;
	s11 =	rddreg [dreg:$0x7]  }
0x14a: {  	[sflag:s6] =	ssyncadd.s32 @!p1 $0xFFFFC000;
	s6 =	simm.s32 @!p1 $0x14180;
	s7 =	sadd.s32 @!p1 s8, s7  }
0x14b: {  	[tilespmem:s6], [sflag:$0x4] =	stream.linear.gather @!p1 [hbm4b:s7+s9], $0x80, $0x38;
	[tilespmem:$0x1E400] =	vst v63  }
0x14c: {  	s6 =	sadd.s32 @!p1 s8, s11  }
0x14d: {  	[tilespmem:s10], [sflag:$0x4] =	stream.linear.gather @!p1 [hbm4b:s6+s9], $0x80, $0x38;
	[tilespmem:$0x1E400] =	vst v63  }
0x14e: {  	_ =	swait.ge [sflag:s25], $0x80  }
0x14f: {  	[sflag:s25] =	ssyncset.done $0x0  }
0x150: {  	[sflag:s25] =	ssyncadd.s32 $0xFFFFFF80  }
0x151: {  	_ =	swait.ge [sflag:s25], $0x80  }
0x152: {  	[sflag:s25] =	ssyncset.done $0x0  }
0x153: {  	[sflag:s25] =	ssyncadd.s32 $0xFFFFFF80  }
0x154: {  	[tilespmem:s28], [sflag:$0x6] =	stream.indirect.gather [hbm4b:s22+s26], $0x80, s17, s26, $0xb8;
	[tilespmem:$0x1E400] =	vst v63  }
0x155: {  	_ =	swait.ge [sflag:s29], $0x4000  }
0x156: {  	[sflag:s29] =	ssyncset.done $0x0  }
0x157: {  	p0 =	seq.s32 s8, $0x4C0;
	[sflag:s29] =	ssyncadd.s32 $0xFFFFC000  }
0x158: {  	[spmem:s1] =	stream.indirect.scatter.add.f32 [tilespmem:s30], [sflag:$0x7], $0x80, s16, s26, $0xb8;
	[tilespmem:$0x1E400] =	vst v63  }
0x159: {  	s9 =	simm.s32 @!p0 $0x0;
	_ =	swait.ge [sflag:s31], $0x4000  }
0x15a: {  	s10 =	simm.s32 @!p0 $0x14000;
	s6 =	rddreg [dreg:$0x6];
	[sflag:s31] =	ssyncset.done $0x0  }
0x15b: {  	s7 =	rddreg [dreg:$0x5];
	[sflag:s31] =	ssyncadd.s32 $0xFFFFC000;
	s6 =	sadd.s32 @!p0 s8, s6  }
0x15c: {  	[tilespmem:s10], [sflag:$0x1] =	stream.linear.gather @!p0 [hbm4b:s6+s9], $0x80, $0x38;
	[tilespmem:$0x1E400] =	vst v63  }
0x15d: {  	s7 =	sadd.s32 @!p0 s8, s7;
	s6 =	simm.s32 @!p0 $0x14200  }
0x15e: {  	[tilespmem:s6], [sflag:$0x1] =	stream.linear.gather @!p0 [hbm4b:s7+s9], $0x80, $0x38;
	[tilespmem:$0x1E400] =	vst v63  }
0x15f: {  	_ =	swait.ge [sflag:s0], $0x80  }
0x160: {  	[sflag:s0] =	ssyncset.done $0x0  }
0x161: {  	[sflag:s0] =	ssyncadd.s32 $0xFFFFFF80  }
0x162: {  	_ =	swait.ge [sflag:s0], $0x80  }
0x163: {  	[sflag:s0] =	ssyncset.done $0x0  }
0x164: {  	[sflag:s0] =	ssyncadd.s32 $0xFFFFFF80  }
0x165: {  	[tilespmem:s30], [sflag:$0x5] =	stream.indirect.gather [hbm4b:s22+s26], $0x80, s19, s26, $0xb8;
	[tilespmem:$0x1E400] =	vst v63  }
0x166: {  	_ =	swait.ge [sflag:s3], $0x4000  }
0x167: {  	[sflag:s3] =	ssyncset.done $0x0  }
0x168: {  	[sflag:s3] =	ssyncadd.s32 $0xFFFFC000  }
0x169: {  	[spmem:s1] =	stream.indirect.scatter.add.f32 [tilespmem:s28], [sflag:$0x8], $0x80, s18, s26, $0xb8;
	[tilespmem:$0x1E400] =	vst v63  }
0x16a: {  	_ =	swait.ge [sflag:s4], $0x4000  }
0x16b: {  	s10 =	simm.s32 @!p0 $0x14080;
	s6 =	rddreg [dreg:$0x4];
	[sflag:s4] =	ssyncset.done $0x0  }
0x16c: {  	s7 =	rddreg [dreg:$0x3];
	[sflag:s4] =	ssyncadd.s32 $0xFFFFC000;
	s6 =	sadd.s32 @!p0 s8, s6  }
0x16d: {  	[tilespmem:s10], [sflag:$0x2] =	stream.linear.gather @!p0 [hbm4b:s6+s9], $0x80, $0x38;
	[tilespmem:$0x1E400] =	vst v63  }
0x16e: {  	s6 =	sadd.s32 @!p0 s8, s7;
	s7 =	simm.s32 @!p0 $0x14280  }
0x16f: {  	[tilespmem:s7], [sflag:$0x2] =	stream.linear.gather @!p0 [hbm4b:s6+s9], $0x80, $0x38;
	[tilespmem:$0x1E400] =	vst v63  }
0x170: {  	_ =	swait.ge [sflag:s5], $0x80  }
0x171: {  	[sflag:s5] =	ssyncset.done $0x0  }
0x172: {  	[sflag:s5] =	ssyncadd.s32 $0xFFFFFF80  }
0x173: {  	_ =	swait.ge [sflag:s5], $0x80  }
0x174: {  	[sflag:s5] =	ssyncset.done $0x0  }
0x175: {  	[sflag:s5] =	ssyncadd.s32 $0xFFFFFF80  }
0x176: {  	[tilespmem:s28], [sflag:$0x6] =	stream.indirect.gather [hbm4b:s22+s26], $0x80, s21, s26, $0xb8;
	[tilespmem:$0x1E400] =	vst v63  }
0x177: {  	_ =	swait.ge [sflag:s29], $0x4000  }
0x178: {  	[sflag:s29] =	ssyncset.done $0x0  }
0x179: {  	[sflag:s29] =	ssyncadd.s32 $0xFFFFC000  }
0x17a: {  	[spmem:s1] =	stream.indirect.scatter.add.f32 [tilespmem:s30], [sflag:$0x9], $0x80, s20, s26, $0xb8;
	[tilespmem:$0x1E400] =	vst v63  }
0x17b: {  	_ =	swait.ge [sflag:s3], $0x4000  }
0x17c: {  	[sflag:s3] =	ssyncset.done $0x0  }
0x17d: {  	s10 =	simm.s32 $0x14380;
	s8 =	simm.s32 $0x9;
	[sflag:s3] =	ssyncadd.s32 $0xFFFFC000  }
0x17e: {  	[spmem:s1] =	stream.indirect.scatter.add.f32 [tilespmem:s28], [sflag:$0xA], $0x80, s10, s26, $0xb8;
	[tilespmem:$0x1E400] =	vst v63  }
0x17f: {  	_ =	swait.ge [sflag:s8], $0x4000  }
0x180: {  	[sflag:s8] =	ssyncset.done $0x0  }
0x181: {  	s9 =	simm.s32 $0xA;
	[sflag:s8] =	ssyncadd.s32 $0xFFFFC000  }
0x182: {  	_ =	swait.ge [sflag:s9], $0x4000  }
0x183: {  	[sflag:s9] =	ssyncset.done $0x0  }
0x184: {  	s11 =	stileid.u32;
	[sflag:s9] =	ssyncadd.s32 $0xFFFFC000  }
0x185: {  	s6 =	sshll.u32 s11, $0x6;
	[bflag:$0x0] =	sbarrier.arrive $0xFFFF  }
0x186: {  	s12 =	sshrl.u32 s23, $0x3;
	s6 =	sor.u32 $0x1C02, s6;
	s13 =	rddreg [dreg:$0xb]  }
0x187: {  	[hbm:s13], [sflag:s6] =	dma.local [spmem:s12], $0x400  }
0x188: {  	s7 =	rddreg [dreg:$0xc]  }
0x189: {  	s8 =	rddreg [dreg:$0x1e]  }
0x18a: {  	[hbm:s7], [sflag:s6] =	dma.local [spmem:s8], $0x400  }
0x18b: {  	s7 =	rddreg [dreg:$0xd]  }
0x18c: {  	s8 =	rddreg [dreg:$0x1f]  }
0x18d: {  	[hbm:s7], [sflag:s6] =	dma.local [spmem:s8], $0x400  }
0x18e: {  	s8 =	sld [smem:$0x7EE];
	_ =	sdelay $0x1  }
0x18f: {  	s7 =	rddreg [dreg:$0xe]  }
0x190: {  	[hbm:s7], [sflag:s6] =	dma.local [spmem:s8], $0x400  }
0x191: {  	s8 =	sld [smem:$0x7EF];
	_ =	sdelay $0x1  }
0x192: {  	s7 =	rddreg [dreg:$0xf]  }
0x193: {  	[hbm:s7], [sflag:s6] =	dma.local [spmem:s8], $0x400  }
0x194: {  	s8 =	sld [smem:$0x7F0];
	_ =	sdelay $0x1  }
0x195: {  	s7 =	rddreg [dreg:$0x10]  }
0x196: {  	[hbm:s7], [sflag:s6] =	dma.local [spmem:s8], $0x400  }
0x197: {  	s8 =	sld [smem:$0x7F1];
	_ =	sdelay $0x1  }
0x198: {  	s7 =	rddreg [dreg:$0x11]  }
0x199: {  	[hbm:s7], [sflag:s6] =	dma.local [spmem:s8], $0x400  }
0x19a: {  	s8 =	sld [smem:$0x7F2];
	_ =	sdelay $0x1  }
0x19b: {  	s7 =	rddreg [dreg:$0x12]  }
0x19c: {  	[hbm:s7], [sflag:s6] =	dma.local [spmem:s8], $0x400  }
0x19d: {  	s8 =	sld [smem:$0x7F3];
	_ =	sdelay $0x1  }
0x19e: {  	s7 =	rddreg [dreg:$0x13]  }
0x19f: {  	[hbm:s7], [sflag:s6] =	dma.local [spmem:s8], $0x400  }
0x1a0: {  	s8 =	sld [smem:$0x7F4];
	_ =	sdelay $0x1  }
0x1a1: {  	s7 =	rddreg [dreg:$0x14]  }
0x1a2: {  	[hbm:s7], [sflag:s6] =	dma.local [spmem:s8], $0x400  }
0x1a3: {  	_ =	swait.ge [sflag:s25], $0x400  }
0x1a4: {  	[sflag:s25] =	ssyncset.done $0x0  }
0x1a5: {  	[sflag:s25] =	ssyncadd.s32 $0xFFFFFC00  }
0x1a6: {  	_ =	swait.ge [sflag:s25], $0x400  }
0x1a7: {  	[sflag:s25] =	ssyncset.done $0x0  }
0x1a8: {  	[sflag:s25] =	ssyncadd.s32 $0xFFFFFC00  }
0x1a9: {  	_ =	swait.ge [sflag:s25], $0x400  }
0x1aa: {  	[sflag:s25] =	ssyncset.done $0x0  }
0x1ab: {  	[sflag:s25] =	ssyncadd.s32 $0xFFFFFC00  }
0x1ac: {  	_ =	swait.ge [sflag:s25], $0x400  }
0x1ad: {  	[sflag:s25] =	ssyncset.done $0x0  }
0x1ae: {  	[sflag:s25] =	ssyncadd.s32 $0xFFFFFC00  }
0x1af: {  	_ =	swait.ge [sflag:s25], $0x400  }
0x1b0: {  	[sflag:s25] =	ssyncset.done $0x0  }
0x1b1: {  	[sflag:s25] =	ssyncadd.s32 $0xFFFFFC00  }
0x1b2: {  	_ =	swait.ge [sflag:s25], $0x400  }
0x1b3: {  	[sflag:s25] =	ssyncset.done $0x0  }
0x1b4: {  	[sflag:s25] =	ssyncadd.s32 $0xFFFFFC00  }
0x1b5: {  	_ =	swait.ge [sflag:s25], $0x400  }
0x1b6: {  	[sflag:s25] =	ssyncset.done $0x0  }
0x1b7: {  	[sflag:s25] =	ssyncadd.s32 $0xFFFFFC00  }
0x1b8: {  	_ =	swait.ge [sflag:s25], $0x400  }
0x1b9: {  	[sflag:s25] =	ssyncset.done $0x0  }
0x1ba: {  	[sflag:s25] =	ssyncadd.s32 $0xFFFFFC00  }
0x1bb: {  	_ =	swait.ge [sflag:s25], $0x400  }
0x1bc: {  	[sflag:s25] =	ssyncset.done $0x0  }
0x1bd: {  	[sflag:s25] =	ssyncadd.s32 $0xFFFFFC00  }
0x1be: {  	_ =	swait.ge [sflag:s25], $0x400  }
0x1bf: {  	s2 =	sadd.s32 $0x1, s2;
	s24 =	rddreg [dreg:$0x1d]  }
0x1c0: {  	p0 =	sne.s32 s2, s24  }
.Ltmp2:
0x1c1: {  	_ = 	snop;
	(pc) =	sbr.rel @p0 .LBB2_1-.Ltmp2, $3  }
0x1c2: {  	_ =	sdelay $0x1  }
0x1c3: {  	[sflag:s25] =	ssyncset.done $0x0  }
0x1c4: {  	[sflag:s25] =	ssyncadd.s32 $0xFFFFFC00  }
0x1c5: {  	_ =	sfence.sel $0x180000  }
0x1c6: {  	[bflag:$0x0] =	sbarrier.arrive $0xFFFF  }
0x1c7: {  	_ =	strace $0x9000004A  }
0x1c8: {  	s0 =	stileid.u32;
	[bflag:$0x2] =	sbarrier.arrive $0xFFFF  }
0x1c9: {  	p0 =	sne.s32 s0, $0x0;
	s0 =	rddreg [dreg:$0x2]  }
0x1ca: {  	s0 =	sadd.s32 @!p0 $0x100000, s0  }
0x1cb: {  	[sflag:s0] =	ssyncadd.tile.s32 @!p0 $0x1;
	_ =	shalt  }
.Lfunc_end2:
_tile_overlayer_lowered:
.L_overlay_start_2:
0x1cc: {  	(tag) =	ssettag $0x2  }
0x1cd: {  	s0 =	rddreg [dreg:$0x0];
	s2 =	stileid.u32  }
0x1ce: {  	s1 =	rddreg [dreg:$0x1];
	p0 =	sne.s32 s2, $0x0  }
0x1cf: {  	s3 =	rddreg [dreg:$0x2];
	[bflag:$0x3] =	sbarrier.arrive $0xFFFF;
	s2 =	simm.s32 @!p0 $0x1C0B  }
0x1d0: {  	[timem:s3], [sflag:s2] =	dma.local @!p0 [hbm:s0], s1  }
0x1d1: {  	s0 =	simm.s32 @!p0 $0xB  }
0x1d2: {  	_ =	swait.ge @!p0 [sflag:s0], s1  }
0x1d3: {  	s1 =	ssub.s32 @!p0 $0x0, s1;
	[sflag:s0] =	ssyncset.done @!p0 $0x0  }
0x1d4: {  	[sflag:s0] =	ssyncadd.s32 @!p0 s1  }
0x1d5: {  	[bflag:$0x3] =	sbarrier.arrive $0xFFFF  }
0x1d6: {  	_ =	shalt  }

// kernel: kernel.15.cloned.1.call-start
scs
__scs_entry_jumppad:
0x0: {  	(pc) =	sbr.rel $0x88, $3  }
0x1: {  	(tag) =	ssettag $0x0;
	lr =	simm.s32 $0x1  }
0x2: {  	[smem:$0x3F98] =	sst lr;
	_ =	strace $0xD0000000  }
0x3: {  	_ = 	snop  }
0x4: {  	_ = 	snop  }
0x5: {  	_ = 	snop  }
0x6: {  	_ = 	snop  }
0x7: {  	_ = 	snop  }
__scs_overlays_trampoline_lowered:
0x8: {  	[smem:$0x3FA7] =	sst s0  }
0x9: {  	[smem:$0x3FA8] =	sst s1  }
0xa: {  	[smem:$0x3FA9] =	sst s2  }
0xb: {  	[smem:$0x3FAA] =	sst s3  }
0xc: {  	[smem:$0x3FAB] =	sst s4  }
0xd: {  	[smem:$0x3FAC] =	sst s5  }
0xe: {  	[smem:$0x3FAD] =	sst s6  }
0xf: {  	[smem:$0x3FAE] =	sst s7  }
0x10: {  	[smem:$0x3FAF] =	sst s8  }
0x11: {  	[smem:$0x3FB0] =	sst s9;
	s0 =	simm.s32 @!p0 $0x0  }
0x12: {  	s1 =	sld [smem:$0x3F96];
	s0 =	simm.s32 @p0 $0x1  }
0x13: {  	[smem:$0x3FB1] =	sst s0;
	s0 =	simm.s32 @!p1 $0x0  }
0x14: {  	s2 =	sld [smem:$0x3F95];
	s0 =	simm.s32 @p1 $0x1  }
0x15: {  	[smem:$0x3FB2] =	sst s0;
	s0 =	simm.s32 @!p2 $0x0  }
0x16: {  	s3 =	sld [smem:$0x3FDB];
	s0 =	simm.s32 @p2 $0x1  }
0x17: {  	s4 =	simm.s32 $0x1BF5;
	[smem:$0x3FB4] =	sst s0  }
0x18: {  	s0 =	sld [smem:$0x3F97];
	_ =	swait.ge [sflag:s4], $0x0  }
0x19: {  	s7 =	sld [smem:$0x3F98]  }
0x1a: {  	s8 =	sadd.s32 $0xFFFFE003, lr  }
0x1b: {  	s9 =	sadd.s32 $0xFFFFFEF7, lr;
	s5 =	simm.s32 $0xFFFFFFFF;
	p2 =	slt.u32 s8, $0xFFFFF086  }
0x1c: {  	p1 =	slt.u32 s9, $0xF7A;
	s5 =	simm.s32 @!p2 $0x0  }
0x1d: {  	s5 =	simm.s32 @p1 $0x1;
	p0 =	seq.s32 s7, s2  }
0x1e: {  	s7 =	smul.u32 @!p0 $0xF7A, s2;
	p2 =	seq.s32 @!p0 s5, $0x0  }
0x1f: {  	s9 =	smul.u32 $0xF7A, s1;
	s8 =	simm.s32 @!p0 $0x1BF5;
	p2 =	por !p2, p0  }
0x20: {  	[sflag:s8] =	ssyncset.s32 @!p0 $0xFFFFF086;
	s6 =	sadd.s32 @!p0 s3, s7;
	s7 =	simm.s32 @!p0 $0x108  }
0x21: {  	s3 =	sadd.s32 s3, s9;
	s6 =	sadd.s32 @!p0 $0x88, s6;
	s7 =	simm.s32 @p2 $0x1082  }
0x22: {  	[simem:s7], [sflag:s8] =	dma.local @!p0 [hbm:s6], $0xF7A  }
0x23: {  	s9 =	sor.u32 $0xD0000000, s2;
	s6 =	simm.s32 $0x108;
	_ =	swait.ge @!p0 [sflag:s8], $0x0  }
0x24: {  	s3 =	sadd.s32 $0x88, s3;
	s6 =	simm.s32 @!p1 $0x1082;
	[sflag:s4] =	ssyncset.s32 $0xFFFFF086  }
0x25: {  	[simem:s6], [sflag:s4] =	dma.local [hbm:s3], $0xF7A  }
0x26: {  	[smem:$0x3F98] =	sst s1;
	(tag) =	ssettag s2;
	_ =	strace s9  }
0x27: {  	s1 =	sld [smem:$0x3FA8]  }
0x28: {  	s2 =	sld [smem:$0x3FA9]  }
0x29: {  	s4 =	sld [smem:$0x3FAB]  }
0x2a: {  	p0 =	seq.s32 s5, $0x0;
	s5 =	sld [smem:$0x3FAC]  }
0x2b: {  	s6 =	sld [smem:$0x3FAD]  }
0x2c: {  	s7 =	sld [smem:$0x3FAE]  }
0x2d: {  	s3 =	simm.s32 $0x108;
	s8 =	sld [smem:$0x3FAF]  }
0x2e: {  	s3 =	simm.s32 @!p0 $0x1082;
	s9 =	sld [smem:$0x3FB0]  }
0x2f: {  	lr =	sadd.s32 s0, s3;
	s0 =	sld [smem:$0x3FA7]  }
0x30: {  	s3 =	sld [smem:$0x3FAA]  }
0x31: {  	[smem:$0x3FB3] =	sst s10  }
0x32: {  	s10 =	sld [smem:$0x3FB1];
	_ =	sdelay $0x3  }
0x33: {  	p0 =	seq.s32 s10, $0x1;
	s10 =	sld [smem:$0x3FB3];
	_ =	sdelay $0x3  }
0x34: {  	[smem:$0x3FB3] =	sst s10  }
0x35: {  	s10 =	sld [smem:$0x3FB2];
	_ =	sdelay $0x3  }
0x36: {  	p1 =	seq.s32 s10, $0x1;
	s10 =	sld [smem:$0x3FB3];
	_ =	sdelay $0x3  }
0x37: {  	[smem:$0x3FB3] =	sst s10  }
0x38: {  	s10 =	sld [smem:$0x3FB4]  }
0x39: {  	_ = 	snop;
	(pc) =	sbr.ind lr, $3  }
0x3a: {  	_ = 	snop  }
0x3b: {  	_ = 	snop  }
0x3c: {  	p2 =	seq.s32 s10, $0x1;
	s10 =	sld [smem:$0x3FB3]  }
0x3d: {  	_ =	shalt  }
0x3e: {  	_ =	shalt  }
0x3f: {  	_ =	shalt  }
0x40: {  	_ =	shalt  }
0x41: {  	_ =	shalt  }
0x42: {  	_ =	shalt  }
0x43: {  	_ =	shalt  }
0x44: {  	_ =	shalt  }
0x45: {  	_ =	shalt  }
0x46: {  	_ =	shalt  }
0x47: {  	_ =	shalt  }
0x48: {  	_ =	shalt  }
0x49: {  	_ =	shalt  }
0x4a: {  	_ =	shalt  }
0x4b: {  	_ =	shalt  }
0x4c: {  	_ =	shalt  }
0x4d: {  	_ =	shalt  }
0x4e: {  	_ =	shalt  }
0x4f: {  	_ =	shalt  }
0x50: {  	_ =	shalt  }
0x51: {  	_ =	shalt  }
0x52: {  	_ =	shalt  }
0x53: {  	_ =	shalt  }
0x54: {  	_ =	shalt  }
0x55: {  	_ =	shalt  }
0x56: {  	_ =	shalt  }
0x57: {  	_ =	shalt  }
0x58: {  	_ =	shalt  }
0x59: {  	_ =	shalt  }
0x5a: {  	_ =	shalt  }
0x5b: {  	_ =	shalt  }
0x5c: {  	_ =	shalt  }
0x5d: {  	_ =	shalt  }
0x5e: {  	_ =	shalt  }
0x5f: {  	_ =	shalt  }
0x60: {  	_ =	shalt  }
0x61: {  	_ =	shalt  }
0x62: {  	_ =	shalt  }
0x63: {  	_ =	shalt  }
0x64: {  	_ =	shalt  }
0x65: {  	_ =	shalt  }
0x66: {  	_ =	shalt  }
0x67: {  	_ =	shalt  }
0x68: {  	_ =	shalt  }
0x69: {  	_ =	shalt  }
0x6a: {  	_ =	shalt  }
0x6b: {  	_ =	shalt  }
0x6c: {  	_ =	shalt  }
0x6d: {  	_ =	shalt  }
0x6e: {  	_ =	shalt  }
0x6f: {  	_ =	shalt  }
0x70: {  	_ =	shalt  }
0x71: {  	_ =	shalt  }
0x72: {  	_ =	shalt  }
0x73: {  	_ =	shalt  }
0x74: {  	_ =	shalt  }
0x75: {  	_ =	shalt  }
0x76: {  	_ =	shalt  }
0x77: {  	_ =	shalt  }
0x78: {  	_ =	shalt  }
0x79: {  	_ =	shalt  }
0x7a: {  	_ =	shalt  }
0x7b: {  	_ =	shalt  }
0x7c: {  	_ =	shalt  }
0x7d: {  	_ =	shalt  }
0x7e: {  	_ =	shalt  }
0x7f: {  	_ =	shalt  }
0x80: {  	_ =	shalt  }
0x81: {  	_ =	shalt  }
0x82: {  	_ =	shalt  }
0x83: {  	_ =	shalt  }
0x84: {  	_ =	shalt  }
0x85: {  	_ =	shalt  }
0x86: {  	_ =	shalt  }
0x87: {  	_ =	shalt  }
.Lfunc_end0:
.L_simem_size_0:
called_computation.2_lowered:
.L_overlay_start_0:
0x88: {  	s2 =	sld [smem:$0x3FD9]  }
0x89: {  	s3 =	sld [smem:$0x3FFE];
	_ =	sdelay $0x1  }
0x8a: {  	s1 =	srdreg.scid  }
0x8b: {  	s0 =	sand.u32 $0x1, s1  }
0x8c: {  	s16 =	sshll.u32 s0, $0xA;
	s2 =	sadd.s32 s3, s2  }
0x8d: {  	s2 =	sadd.s32 s2, s16  }
0x8e: {  	[smem:$0x3FBF] =	sst s2  }
0x8f: {  	_ = 	snop  }
0x90: {  	(tm) =	ssettm $0x1  }
0x91: {  	s17 =	sld [smem:$0x3FFB];
	_ =	sdelay $0x3  }
0x92: {  	_ =	strace s17  }
0x93: {  	s2 =	sld [smem:$0x3FFC];
	_ =	sdelay $0x3  }
0x94: {  	_ =	strace s2  }
0x95: {  	s2 =	sld [smem:$0x3FFD];
	_ =	sdelay $0x3  }
0x96: {  	_ =	strace s2  }
0x97: {  	_ =	strace $0x8FFFFFFF  }
0x98: {  	s18 =	sld [smem:$0x3FDB];
	_ =	sdelay $0x1  }
0x99: {  	s19 =	simm.s32 $_scs_section_size  }
0x9a: {  	s4 =	simm.s32 $_size__tile_overlayer_lowered;
	s5 =	simm.s32 $_tile_overlayer_lowered  }
0x9b: {  	s22 =	simm.s32 $0x1BFF;
	s21 =	sshll.u32 s5, $0x1;
	s2 =	sadd.s32 s19, s18  }
0x9c: {  	s6 =	simm.s32 $0x0;
	s20 =	sshll.u32 s4, $0x1;
	s4 =	sadd.s32 s21, s2  }
0x9d: {  	[timem:s6], [sflag:s22] =	dma.local [hbm:s4], s20  }
0x9e: {  	_ =	swait.ge [sflag:s22], s20  }
0x9f: {  	s3 =	ssub.s32 $0x0, s20;
	[sflag:s22] =	ssyncset.done $0x0  }
0xa0: {  	[sflag:s22] =	ssyncadd.s32 s3;
	_ =	sdelay $0x1  }
0xa1: {  	s23 =	simm.s32 $0x1B8B  }
0xa2: {  	_ =	swait.ge [sflag:s23], $0x1  }
0xa3: {  	[sflag:s23] =	ssyncset.done $0x0  }
0xa4: {  	s25 =	simm.s32 $0x1B8E;
	s24 =	sld [smem:$0x3FFE];
	[sflag:s23] =	ssyncadd.s32 $0xFFFFFFFF  }
0xa5: {  	s26 =	simm.s32 $execute0_lowered;
	[smem:$0x3FD2] =	sst s25  }
0xa6: {  	s4 =	sshll.u32 s26, $0x1;
	_ =	strace $0x8000004C;
	[dreg:$0x1] =	wrdreg $0xFFFFFFFF  }
0xa7: {  	s28 =	simm.s32 $_size_execute0_lowered;
	s2 =	sadd.s32 s2, s4;
	[dreg:$0x0] =	wrdreg $0x0  }
0xa8: {  	s4 =	sshll.u32 s28, $0x1;
	[dreg:$0x2] =	wrdreg s2  }
0xa9: {  	[dreg:$0x3] =	wrdreg s4  }
0xaa: {  	[dreg:$0x4] =	wrdreg $0xC0  }
0xab: {  	_ =	task [dreg:s6], $0x5FFFF  }
0xac: {  	[dreg:$0x1] =	wrdreg $0xFFFFFFFF  }
0xad: {  	[dreg:$0x0] =	wrdreg $0x60  }
0xae: {  	[dreg:$0x2] =	wrdreg s24  }
0xaf: {  	[dreg:$0x3] =	wrdreg $0x0  }
0xb0: {  	[dreg:$0x4] =	wrdreg $0x9  }
0xb1: {  	_ =	task.clear_ibuf [dreg:s6], $0x5FFFF;
	_ =	strace $0x9000004C  }
0xb2: {  	s29 =	simm.s32 $0x9;
	_ =	strace $0x8000004E  }
0xb3: {  	_ =	swait.ge [sflag:s29], $0x1  }
0xb4: {  	[sflag:s29] =	ssyncadd.s32 $0xFFFFFFFF  }
0xb5: {  	_ =	strace $0x9000004E  }
0xb6: {  	_ =	sfence  }
0xb7: {  	s30 =	sld [smem:$0x0];
	_ =	sdelay $0x2  }
0xb8: {  	s31 =	sshll.u32 s1, $0xD;
	s1 =	sshrl.u32 s1, $0x2  }
0xb9: {  	s3 =	sand.u32 $0x4000, s31;
	s1 =	sadd.s32 s1, s30  }
0xba: {  	s0 =	sor.u32 s3, s0;
	s1 =	sshll.u32 s1, $0x11  }
0xbb: {  	s0 =	sor.u32 s1, s0  }
0xbc: {  	s0 =	sadd.s32 $0x8F2B, s0  }
0xbd: {  	[sflag:s0] =	ssyncadd.remote.s32 $0x1  }
0xbe: {  	_ =	sfence.sel $0xFFFF  }
0xbf: {  	[dreg:$0x0] =	wrdreg $0xFFFFFFFF;
	(pc) =	sbr.abs _section_cstart, $3  }
0xc0: {  	[dreg:$0x1] =	wrdreg $0xFFFFFFFF  }
0xc1: {  	_ =	task.clear_ibuf [dreg:s6], $0x2FFFF;
	_ =	strace $0x9FFFFFFF  }
0xc2: {  	(tm) =	ssettm $0x7FFFFFFF  }
0xc3: {  	_ =	shalt  }
tec
execute0_lowered:
.L_overlay_start_1:
0x0: {  	(tag) =	ssettag $0x1  }
0x1: {  	s0 =	rddreg [dreg:$0x0]  }
0x2: {  	s1 =	rddreg [dreg:$0x1]  }
0x3: {  	s2 =	simm.s32 $0x0;
	s3 =	srdreg.scid;
	s21 =	stileid.u32  }
0x4: {  	[smem:$0x7FF] =	sst s2;
	s9 =	sand.u32 $0x1, s3;
	s13 =	smul.u32 $0x14000, s21  }
0x5: {  	s3 =	sadd.s32 $0xCE00, s0;
	s5 =	sadd.s32 $0x2E00, s0;
	s18 =	smul.u32 $0x2800, s21  }
0x6: {  	s12 =	sadd.s32 $0x3E000, s0;
	s4 =	sshll.u32 s9, $0x4;
	s11 =	smul.u32 $0x140000, s9  }
0x7: {  	_ =	strace $0x8000004D;
	s6 =	ssub.s32 $0x2, s9;
	s4 =	sor.u32 s21, s4  }
0x8: {  	s24 =	sshrl.u32 s6, $0x1;
	s7 =	smul.u32 $0x2800, s4;
	s10 =	sadd.s32 s11, s13  }
0x9: {  	s15 =	smul.u32 $0x28000, s9;
	s4 =	ssub.s32 s6, s24;
	s25 =	sshrl.u32 s10, $0x3  }
0xa: {  	s10 =	sadd.s32 $0x8000, s13;
	s8 =	sshrl.u32 s7, $0x3;
	s6 =	sadd.s32 s12, s25  }
0xb: {  	s7 =	sadd.s32 $0x4000, s13;
	s22 =	sadd.s32 s11, s10;
	[dreg:$0xb] =	wrdreg s6  }
0xc: {  	s6 =	sor.u32 $0x2000, s13;
	s14 =	sadd.s32 s11, s7;
	s23 =	sshrl.u32 s22, $0x3  }
0xd: {  	s26 =	sadd.s32 s11, s6;
	s17 =	sshrl.u32 s14, $0x3;
	s14 =	sadd.s32 s18, s15  }
0xe: {  	s16 =	sshrl.u32 s26, $0x3;
	s19 =	sadd.s32 s12, s17;
	s17 =	sor.u32 $0x280, s14  }
0xf: {  	s26 =	sor.u32 $0x200, s14;
	s22 =	sor.u32 $0x180, s14;
	s14 =	sor.u32 $0x100, s14  }
0x10: {  	s9 =	sadd.s32 s12, s16;
	[dreg:$0xd] =	wrdreg s19;
	s24 =	sshrl.u32 s17, $0x3  }
0x11: {  	s19 =	sshrl.u32 s26, $0x3;
	s17 =	sadd.s32 $0xA000, s13;
	s14 =	sshrl.u32 s14, $0x3  }
0x12: {  	[dreg:$0xc] =	wrdreg s9;
	s9 =	sadd.s32 $0x6000, s13;
	s25 =	sadd.s32 s24, s5  }
0x13: {  	s18 =	sadd.s32 s24, s3;
	s24 =	sshrl.u32 s22, $0x3;
	[dreg:$0x3] =	wrdreg s25  }
0x14: {  	s16 =	sadd.s32 s11, s9;
	[dreg:$0x4] =	wrdreg s18;
	s25 =	sadd.s32 s24, s5  }
0x15: {  	s18 =	sadd.s32 s11, s17;
	s26 =	sadd.s32 s24, s3;
	[dreg:$0x7] =	wrdreg s25  }
0x16: {  	s20 =	sshrl.u32 s16, $0x3;
	[dreg:$0x8] =	wrdreg s26;
	s25 =	sadd.s32 s14, s5  }
0x17: {  	s16 =	sadd.s32 $0xC000, s13;
	s15 =	sadd.s32 s12, s20;
	[dreg:$0x9] =	wrdreg s25  }
0x18: {  	s18 =	sshrl.u32 s18, $0x3;
	s20 =	sadd.s32 s19, s5;
	[dreg:$0xe] =	wrdreg s15  }
0x19: {  	s18 =	sadd.s32 s12, s18;
	s15 =	sadd.s32 s12, s23;
	[dreg:$0x5] =	wrdreg s20  }
0x1a: {  	s23 =	sadd.s32 s19, s3;
	s19 =	sadd.s32 s11, s16;
	[dreg:$0x10] =	wrdreg s18  }
0x1b: {  	[dreg:$0xf] =	wrdreg s15;
	s15 =	sadd.s32 $0xE000, s13;
	s19 =	sshrl.u32 s19, $0x3  }
0x1c: {  	[dreg:$0x6] =	wrdreg s23;
	s20 =	sadd.s32 s11, s15;
	s18 =	sadd.s32 s12, s19  }
0x1d: {  	s22 =	sshrl.u32 s20, $0x3;
	[dreg:$0x11] =	wrdreg s18;
	s18 =	sadd.s32 $0x10000, s13  }
0x1e: {  	s13 =	sadd.s32 $0x12000, s13;
	s20 =	sor.u32 $0x20, s8;
	s23 =	sadd.s32 s12, s22  }
0x1f: {  	s24 =	sadd.s32 s11, s18;
	s22 =	sadd.s32 s3, s20;
	[dreg:$0x12] =	wrdreg s23  }
0x20: {  	s11 =	sadd.s32 s11, s13;
	[dreg:$0x17] =	wrdreg s22;
	s23 =	sadd.s32 s3, s8  }
0x21: {  	s19 =	sshrl.u32 s24, $0x3;
	s24 =	sadd.s32 s5, s8;
	[dreg:$0x19] =	wrdreg s23  }
0x22: {  	s11 =	sshrl.u32 s11, $0x3;
	s19 =	sadd.s32 s12, s19;
	[dreg:$0x1a] =	wrdreg s24  }
0x23: {  	s26 =	sor.u32 $0x10, s8;
	s11 =	sadd.s32 s12, s11;
	[dreg:$0x13] =	wrdreg s19  }
0x24: {  	s28 =	simm.s32 $0x18400;
	[dreg:$0x14] =	wrdreg s11;
	s19 =	sadd.s32 s3, s26  }
0x25: {  	s8 =	sor.u32 $0x30, s8;
	s11 =	sadd.s32 s5, s26;
	[dreg:$0x15] =	wrdreg s19  }
0x26: {  	s25 =	smul.u32 $0x50000, s21;
	s26 =	sadd.s32 s3, s8;
	[dreg:$0x16] =	wrdreg s11  }
0x27: {  	s21 =	sadd.s32 s16, s1;
	s3 =	sadd.s32 s14, s3;
	[dreg:$0x1c] =	wrdreg s26  }
0x28: {  	s22 =	sadd.s32 $0x16E00, s0;
	s11 =	sadd.s32 s5, s20;
	[dreg:$0xa] =	wrdreg s3  }
0x29: {  	s12 =	sadd.s32 s7, s1;
	s5 =	sadd.s32 s5, s8;
	[dreg:$0x18] =	wrdreg s11  }
0x2a: {  	s24 =	sadd.s32 s15, s1;
	s8 =	smax.u32 s4, $0x1;
	[dreg:$0x1b] =	wrdreg s5  }
0x2b: {  	s14 =	sadd.s32 s9, s1;
	s3 =	sshrl.u32 s12, $0x3;
	[dreg:$0x1d] =	wrdreg s8  }
0x2c: {  	s19 =	sadd.s32 s10, s1;
	s4 =	sshrl.u32 s14, $0x3;
	[dreg:$0x1f] =	wrdreg s3  }
0x2d: {  	s20 =	sadd.s32 s17, s1;
	s12 =	sshrl.u32 s21, $0x3;
	[smem:$0x7EE] =	sst s4  }
0x2e: {  	s26 =	sadd.s32 s13, s1;
	s13 =	sshrl.u32 s24, $0x3;
	[smem:$0x7F1] =	sst s12  }
0x2f: {  	s11 =	sadd.s32 s6, s1;
	[smem:$0x7F2] =	sst s13;
	s15 =	sshrl.u32 s26, $0x3  }
0x30: {  	s5 =	sshrl.u32 s25, $0x2;
	s0 =	sshrl.u32 s11, $0x3;
	[smem:$0x7F4] =	sst s15  }
0x31: {  	s23 =	sadd.s32 s5, s1;
	s5 =	sshrl.u32 s19, $0x3;
	[dreg:$0x1e] =	wrdreg s0  }
0x32: {  	s25 =	sadd.s32 s18, s1;
	s11 =	sshrl.u32 s20, $0x3;
	[smem:$0x7EF] =	sst s5  }
0x33: {  	s29 =	simm.s32 $0x5;
	s14 =	sshrl.u32 s25, $0x3;
	[smem:$0x7F0] =	sst s11  }
0x34: {  	s30 =	simm.s32 $0x14400;
	[smem:$0x7F3] =	sst s14;
	s16 =	sadd.s32 $0x2000, s23  }
0x35: {  	s31 =	simm.s32 $0x7;
	s17 =	sadd.s32 $0x4000, s23;
	[smem:$0x7F5] =	sst s16  }
0x36: {  	s10 =	simm.s32 $0x14380;
	s18 =	sadd.s32 $0x6000, s23;
	[smem:$0x7F6] =	sst s17  }
0x37: {  	s3 =	simm.s32 $0x6;
	s19 =	sadd.s32 $0x8000, s23;
	[smem:$0x7F7] =	sst s18  }
0x38: {  	s4 =	simm.s32 $0x8;
	s20 =	sadd.s32 $0xA000, s23;
	[smem:$0x7F8] =	sst s19  }
0x39: {  	s15 =	simm.s32 $0x1;
	s21 =	sadd.s32 $0xC000, s23;
	[smem:$0x7F9] =	sst s20  }
0x3a: {  	s24 =	sadd.s32 $0xE000, s23;
	s25 =	sadd.s32 $0x10000, s23;
	[smem:$0x7FA] =	sst s21  }
0x3b: {  	s26 =	sadd.s32 $0x12000, s23;
	s14 =	simm.s32 $0x1C400;
	[smem:$0x7FB] =	sst s24  }
0x3c: {  	s0 =	simm.s32 $0x3;
	s5 =	simm.s32 $0x4;
	[smem:$0x7FC] =	sst s25  }
0x3d: {  	[smem:$0x7FD] =	sst s26;
	s16 =	simm.s32 $0x14200;
	s17 =	simm.s32 $0x14080  }
0x3e: {  	s18 =	simm.s32 $0x14280;
	s19 =	simm.s32 $0x14100;
	s20 =	simm.s32 $0x14300  }
0x3f: {  	v0 =	vimm.f32 $0.0e+00;
	s21 =	simm.s32 $0x14180;
	s25 =	simm.s32 $0x2;
	s26 =	simm.s32 $0x80  }
.LBB2_1:
0x40: {  	s8 =	simm.s32 $0x0;
	s9 =	simm.s32 $0x200  }
.LBB2_2:
0x41: {  	p0 =	sne.s32 s9, $0x7E00;
	[tilespmem:s8+$0x1C470] =	vst v0  }
0x42: {  	[tilespmem:s8+$0x1C400] =	vst v0  }
0x43: {  	[tilespmem:s8+$0x1C410] =	vst v0  }
.Ltmp0:
0x44: {  	[tilespmem:s8+$0x1C420] =	vst v0;
	(pc) =	sbr.rel @p0 .LBB2_2-.Ltmp0, $4  }
0x45: {  	[tilespmem:s8+$0x1C430] =	vst v0  }
0x46: {  	[tilespmem:s8+$0x1C440] =	vst v0  }
0x47: {  	[tilespmem:s8+$0x1C450] =	vst v0  }
0x48: {  	[tilespmem:s8+$0x1C460] =	vst v0;
	s8 =	sshra.s32 s9, $0x2;
	s9 =	sadd.s32 $0x200, s9  }
0x49: {  	[tilespmem:s8+$0x1C470] =	vst v0  }
0x4a: {  	[tilespmem:s8+$0x1C400] =	vst v0  }
0x4b: {  	[tilespmem:s8+$0x1C410] =	vst v0  }
0x4c: {  	[tilespmem:s8+$0x1C420] =	vst v0  }
0x4d: {  	[tilespmem:s8+$0x1C430] =	vst v0  }
0x4e: {  	[tilespmem:s8+$0x1C440] =	vst v0  }
0x4f: {  	[tilespmem:s8+$0x1C450] =	vst v0  }
0x50: {  	[tilespmem:s8+$0x1C460] =	vst v0;
	s6 =	sld [smem:$0x7F5]  }
0x51: {  	[spmem:s23] =	stream.linear.scatter [tilespmem:s14], [sflag:$0x1], $0x2000, $0x38;
	[tilespmem:$0x1E400] =	vst v63  }
0x52: {  	s12 =	sld [smem:$0x7F6]  }
0x53: {  	[spmem:s6] =	stream.linear.scatter [tilespmem:s14], [sflag:$0x1], $0x2000, $0x38;
	[tilespmem:$0x1E400] =	vst v63  }
0x54: {  	s13 =	sld [smem:$0x7F7]  }
0x55: {  	[spmem:s12] =	stream.linear.scatter [tilespmem:s14], [sflag:$0x1], $0x2000, $0x38;
	[tilespmem:$0x1E400] =	vst v63  }
0x56: {  	s24 =	sld [smem:$0x7F8]  }
0x57: {  	[spmem:s13] =	stream.linear.scatter [tilespmem:s14], [sflag:$0x1], $0x2000, $0x38;
	[tilespmem:$0x1E400] =	vst v63  }
0x58: {  	s7 =	sld [smem:$0x7F9]  }
0x59: {  	[spmem:s24] =	stream.linear.scatter [tilespmem:s14], [sflag:$0x1], $0x2000, $0x38;
	[tilespmem:$0x1E400] =	vst v63  }
0x5a: {  	s8 =	sld [smem:$0x7FA]  }
0x5b: {  	[spmem:s7] =	stream.linear.scatter [tilespmem:s14], [sflag:$0x1], $0x2000, $0x38;
	[tilespmem:$0x1E400] =	vst v63  }
0x5c: {  	s9 =	sld [smem:$0x7FB]  }
0x5d: {  	[spmem:s8] =	stream.linear.scatter [tilespmem:s14], [sflag:$0x1], $0x2000, $0x38;
	[tilespmem:$0x1E400] =	vst v63  }
0x5e: {  	s11 =	sld [smem:$0x7FC]  }
0x5f: {  	[spmem:s9] =	stream.linear.scatter [tilespmem:s14], [sflag:$0x1], $0x2000, $0x38;
	[tilespmem:$0x1E400] =	vst v63  }
0x60: {  	s12 =	sld [smem:$0x7FD]  }
0x61: {  	[spmem:s11] =	stream.linear.scatter [tilespmem:s14], [sflag:$0x1], $0x2000, $0x38;
	[tilespmem:$0x1E400] =	vst v63  }
0x62: {  	_ = 	snop  }
0x63: {  	[spmem:s12] =	stream.linear.scatter [tilespmem:s14], [sflag:$0x1], $0x2000, $0x38;
	[tilespmem:$0x1E400] =	vst v63  }
0x64: {  	_ =	swait.ge [sflag:s15], $0x2000  }
0x65: {  	[sflag:s15] =	ssyncset.done $0x0  }
0x66: {  	[sflag:s15] =	ssyncadd.s32 $0xFFFFE000  }
0x67: {  	_ =	swait.ge [sflag:s15], $0x2000  }
0x68: {  	[sflag:s15] =	ssyncset.done $0x0  }
0x69: {  	[sflag:s15] =	ssyncadd.s32 $0xFFFFE000  }
0x6a: {  	_ =	swait.ge [sflag:s15], $0x2000  }
0x6b: {  	[sflag:s15] =	ssyncset.done $0x0  }
0x6c: {  	[sflag:s15] =	ssyncadd.s32 $0xFFFFE000  }
0x6d: {  	_ =	swait.ge [sflag:s15], $0x2000  }
0x6e: {  	[sflag:s15] =	ssyncset.done $0x0  }
0x6f: {  	[sflag:s15] =	ssyncadd.s32 $0xFFFFE000  }
0x70: {  	_ =	swait.ge [sflag:s15], $0x2000  }
0x71: {  	[sflag:s15] =	ssyncset.done $0x0  }
0x72: {  	[sflag:s15] =	ssyncadd.s32 $0xFFFFE000  }
0x73: {  	_ =	swait.ge [sflag:s15], $0x2000  }
0x74: {  	[sflag:s15] =	ssyncset.done $0x0  }
0x75: {  	[sflag:s15] =	ssyncadd.s32 $0xFFFFE000  }
0x76: {  	_ =	swait.ge [sflag:s15], $0x2000  }
0x77: {  	[sflag:s15] =	ssyncset.done $0x0  }
0x78: {  	[sflag:s15] =	ssyncadd.s32 $0xFFFFE000  }
0x79: {  	_ =	swait.ge [sflag:s15], $0x2000  }
0x7a: {  	[sflag:s15] =	ssyncset.done $0x0  }
0x7b: {  	[sflag:s15] =	ssyncadd.s32 $0xFFFFE000  }
0x7c: {  	_ =	swait.ge [sflag:s15], $0x2000  }
0x7d: {  	[sflag:s15] =	ssyncset.done $0x0  }
0x7e: {  	[sflag:s15] =	ssyncadd.s32 $0xFFFFE000  }
0x7f: {  	_ =	swait.ge [sflag:s15], $0x2000  }
0x80: {  	[sflag:s15] =	ssyncset.done $0x0  }
0x81: {  	[sflag:s15] =	ssyncadd.s32 $0xFFFFE000  }
0x82: {  	[bflag:$0x0] =	sbarrier.arrive $0xFFFF  }
0x83: {  	s7 =	simm.s32 $0x14000;
	s8 =	simm.s32 $0x0;
	s13 =	rddreg [dreg:$0x19]  }
0x84: {  	[tilespmem:s7], [sflag:$0x1] =	stream.linear.gather [hbm4b:s13+s8], $0x80, $0x38;
	[tilespmem:$0x1E400] =	vst v63  }
0x85: {  	s24 =	rddreg [dreg:$0x1a]  }
0x86: {  	[tilespmem:s16], [sflag:$0x1] =	stream.linear.gather [hbm4b:s24+s8], $0x80, $0x38;
	[tilespmem:$0x1E400] =	vst v63  }
0x87: {  	s7 =	rddreg [dreg:$0x15]  }
0x88: {  	[tilespmem:s17], [sflag:$0x2] =	stream.linear.gather [hbm4b:s7+s8], $0x80, $0x38;
	[tilespmem:$0x1E400] =	vst v63  }
0x89: {  	s9 =	rddreg [dreg:$0x16]  }
0x8a: {  	[tilespmem:s18], [sflag:$0x2] =	stream.linear.gather [hbm4b:s9+s8], $0x80, $0x38;
	[tilespmem:$0x1E400] =	vst v63  }
0x8b: {  	s11 =	rddreg [dreg:$0x17]  }
0x8c: {  	[tilespmem:s19], [sflag:$0x3] =	stream.linear.gather [hbm4b:s11+s8], $0x80, $0x38;
	[tilespmem:$0x1E400] =	vst v63  }
0x8d: {  	s12 =	rddreg [dreg:$0x18]  }
0x8e: {  	[tilespmem:s20], [sflag:$0x3] =	stream.linear.gather [hbm4b:s12+s8], $0x80, $0x38;
	[tilespmem:$0x1E400] =	vst v63  }
0x8f: {  	s13 =	rddreg [dreg:$0x1c]  }
0x90: {  	[tilespmem:s21], [sflag:$0x4] =	stream.linear.gather [hbm4b:s13+s8], $0x80, $0x38;
	[tilespmem:$0x1E400] =	vst v63  }
0x91: {  	p0 =	por $0x1, $0x1;
	s24 =	rddreg [dreg:$0x1b]  }
0x92: {  	[tilespmem:s10], [sflag:$0x4] =	stream.linear.gather [hbm4b:s24+s8], $0x80, $0x38;
	[tilespmem:$0x1E400] =	vst v63  }
0x93: {  	s8 =	simm.s32 @p0 $0x1  }
0x94: {  	_ =	swait.ge @p0 [sflag:s8], $0x80  }
0x95: {  	[sflag:s8] =	ssyncset.done @p0 $0x0  }
0x96: {  	[sflag:s8] =	ssyncadd.s32 @p0 $0xFFFFFF80  }
0x97: {  	_ =	swait.ge @p0 [sflag:s8], $0x80  }
0x98: {  	s9 =	simm.s32 @p0 $0x14400;
	s11 =	simm.s32 @p0 $0x80;
	[sflag:s8] =	ssyncset.done @p0 $0x0  }
0x99: {  	s12 =	simm.s32 @p0 $0x14000;
	s10 =	simm.s32 @!p0 $0x9;
	[sflag:s8] =	ssyncadd.s32 @p0 $0xFFFFFF80  }
0x9a: {  	[tilespmem:s9], [sflag:$0x5] =	stream.indirect.gather @p0 [hbm4b:s22+s11], $0x80, s12, s11, $0xb8;
	[tilespmem:$0x1E400] =	vst v63  }
0x9b: {  	_ =	swait.ge @!p0 [sflag:s10], $0x4000  }
0x9c: {  	s8 =	rddreg [dreg:$0xa]  }
0x9d: {  	s9 =	simm.s32 @!p0 $0x14100;
	[sflag:s10] =	ssyncset.done @!p0 $0x0;
	s11 =	rddreg [dreg:$0x9]  }
0x9e: {  	[sflag:s10] =	ssyncadd.s32 @!p0 $0xFFFFC000;
	s10 =	simm.s32 @!p0 $0x0;
	s8 =	sadd.s32 @!p0 $0x0, s8  }
0x9f: {  	[tilespmem:s9], [sflag:$0x3] =	stream.linear.gather @!p0 [hbm4b:s8+s10], $0x80, $0x38;
	[tilespmem:$0x1E400] =	vst v63  }
0xa0: {  	s8 =	sadd.s32 @!p0 $0x0, s11;
	s9 =	simm.s32 @!p0 $0x14300;
	s11 =	simm.s32 @!p0 $0x1  }
0xa1: {  	[tilespmem:s9], [sflag:$0x3] =	stream.linear.gather @!p0 [hbm4b:s8+s10], $0x80, $0x38;
	[tilespmem:$0x1E400] =	vst v63  }
0xa2: {  	_ =	swait.ge @!p0 [sflag:s11], $0x80  }
0xa3: {  	[sflag:s11] =	ssyncset.done @!p0 $0x0  }
0xa4: {  	[sflag:s11] =	ssyncadd.s32 @!p0 $0xFFFFFF80  }
0xa5: {  	_ =	swait.ge @!p0 [sflag:s11], $0x80  }
0xa6: {  	s12 =	simm.s32 @!p0 $0x80;
	s8 =	simm.s32 @!p0 $0x14400;
	[sflag:s11] =	ssyncset.done @!p0 $0x0  }
0xa7: {  	s9 =	simm.s32 @!p0 $0x6;
	[sflag:s11] =	ssyncadd.s32 @!p0 $0xFFFFFF80;
	s11 =	simm.s32 @!p0 $0x14000  }
0xa8: {  	[tilespmem:s8], [sflag:$0x5] =	stream.indirect.gather @!p0 [hbm4b:s22+s12], $0x80, s11, s12, $0xb8;
	[tilespmem:$0x1E400] =	vst v63  }
0xa9: {  	_ =	swait.ge @!p0 [sflag:s9], $0x4000  }
0xaa: {  	s8 =	simm.s32 @!p0 $0xA;
	[sflag:s9] =	ssyncset.done @!p0 $0x0  }
0xab: {  	s11 =	simm.s32 @!p0 $0x14380;
	[sflag:s9] =	ssyncadd.s32 @!p0 $0xFFFFC000;
	s9 =	simm.s32 @!p0 $0x18400  }
0xac: {  	[spmem:s1] =	stream.indirect.scatter.add.f32 @!p0 [tilespmem:s9], [sflag:$0xA], $0x80, s11, s12, $0xb8;
	[tilespmem:$0x1E400] =	vst v63  }
0xad: {  	_ =	swait.ge @!p0 [sflag:s8], $0x4000  }
0xae: {  	s9 =	rddreg [dreg:$0x8]  }
0xaf: {  	[sflag:s8] =	ssyncset.done @!p0 $0x0;
	s12 =	rddreg [dreg:$0x7]  }
0xb0: {  	[sflag:s8] =	ssyncadd.s32 @!p0 $0xFFFFC000;
	s8 =	simm.s32 @!p0 $0x14180;
	s9 =	sadd.s32 @!p0 $0x0, s9  }
0xb1: {  	[tilespmem:s8], [sflag:$0x4] =	stream.linear.gather @!p0 [hbm4b:s9+s10], $0x80, $0x38;
	[tilespmem:$0x1E400] =	vst v63  }
0xb2: {  	s8 =	sadd.s32 @!p0 $0x0, s12  }
0xb3: {  	[tilespmem:s11], [sflag:$0x4] =	stream.linear.gather @!p0 [hbm4b:s8+s10], $0x80, $0x38;
	[tilespmem:$0x1E400] =	vst v63  }
0xb4: {  	_ =	swait.ge [sflag:s25], $0x80  }
0xb5: {  	[sflag:s25] =	ssyncset.done $0x0  }
0xb6: {  	[sflag:s25] =	ssyncadd.s32 $0xFFFFFF80  }
0xb7: {  	_ =	swait.ge [sflag:s25], $0x80  }
0xb8: {  	[sflag:s25] =	ssyncset.done $0x0  }
0xb9: {  	[sflag:s25] =	ssyncadd.s32 $0xFFFFFF80  }
0xba: {  	[tilespmem:s28], [sflag:$0x6] =	stream.indirect.gather [hbm4b:s22+s26], $0x80, s17, s26, $0xb8;
	[tilespmem:$0x1E400] =	vst v63  }
0xbb: {  	_ =	swait.ge [sflag:s29], $0x4000  }
0xbc: {  	[sflag:s29] =	ssyncset.done $0x0  }
0xbd: {  	p0 =	por $0x0, $0x0;
	[sflag:s29] =	ssyncadd.s32 $0xFFFFC000  }
0xbe: {  	[spmem:s1] =	stream.indirect.scatter.add.f32 [tilespmem:s30], [sflag:$0x7], $0x80, s16, s26, $0xb8;
	[tilespmem:$0x1E400] =	vst v63  }
0xbf: {  	s10 =	simm.s32 @!p0 $0x0;
	_ =	swait.ge [sflag:s31], $0x4000  }
0xc0: {  	s11 =	simm.s32 @!p0 $0x14000;
	s8 =	rddreg [dreg:$0x6];
	[sflag:s31] =	ssyncset.done $0x0  }
0xc1: {  	s9 =	rddreg [dreg:$0x5];
	[sflag:s31] =	ssyncadd.s32 $0xFFFFC000;
	s8 =	sadd.s32 @!p0 $0x0, s8  }
0xc2: {  	[tilespmem:s11], [sflag:$0x1] =	stream.linear.gather @!p0 [hbm4b:s8+s10], $0x80, $0x38;
	[tilespmem:$0x1E400] =	vst v63  }
0xc3: {  	s9 =	sadd.s32 @!p0 $0x0, s9;
	s8 =	simm.s32 @!p0 $0x14200  }
0xc4: {  	[tilespmem:s8], [sflag:$0x1] =	stream.linear.gather @!p0 [hbm4b:s9+s10], $0x80, $0x38;
	[tilespmem:$0x1E400] =	vst v63  }
0xc5: {  	_ =	swait.ge [sflag:s0], $0x80  }
0xc6: {  	[sflag:s0] =	ssyncset.done $0x0  }
0xc7: {  	[sflag:s0] =	ssyncadd.s32 $0xFFFFFF80  }
0xc8: {  	_ =	swait.ge [sflag:s0], $0x80  }
0xc9: {  	[sflag:s0] =	ssyncset.done $0x0  }
0xca: {  	[sflag:s0] =	ssyncadd.s32 $0xFFFFFF80  }
0xcb: {  	[tilespmem:s30], [sflag:$0x5] =	stream.indirect.gather [hbm4b:s22+s26], $0x80, s19, s26, $0xb8;
	[tilespmem:$0x1E400] =	vst v63  }
0xcc: {  	_ =	swait.ge [sflag:s3], $0x4000  }
0xcd: {  	[sflag:s3] =	ssyncset.done $0x0  }
0xce: {  	[sflag:s3] =	ssyncadd.s32 $0xFFFFC000  }
0xcf: {  	[spmem:s1] =	stream.indirect.scatter.add.f32 [tilespmem:s28], [sflag:$0x8], $0x80, s18, s26, $0xb8;
	[tilespmem:$0x1E400] =	vst v63  }
0xd0: {  	_ =	swait.ge [sflag:s4], $0x4000  }
0xd1: {  	s11 =	simm.s32 @!p0 $0x14080;
	s8 =	rddreg [dreg:$0x4];
	[sflag:s4] =	ssyncset.done $0x0  }
0xd2: {  	s9 =	rddreg [dreg:$0x3];
	[sflag:s4] =	ssyncadd.s32 $0xFFFFC000;
	s8 =	sadd.s32 @!p0 $0x0, s8  }
0xd3: {  	[tilespmem:s11], [sflag:$0x2] =	stream.linear.gather @!p0 [hbm4b:s8+s10], $0x80, $0x38;
	[tilespmem:$0x1E400] =	vst v63  }
0xd4: {  	s9 =	sadd.s32 @!p0 $0x0, s9;
	s8 =	simm.s32 @!p0 $0x14280  }
0xd5: {  	[tilespmem:s8], [sflag:$0x2] =	stream.linear.gather @!p0 [hbm4b:s9+s10], $0x80, $0x38;
	[tilespmem:$0x1E400] =	vst v63  }
0xd6: {  	_ =	swait.ge [sflag:s5], $0x80  }
0xd7: {  	[sflag:s5] =	ssyncset.done $0x0  }
0xd8: {  	[sflag:s5] =	ssyncadd.s32 $0xFFFFFF80  }
0xd9: {  	_ =	swait.ge [sflag:s5], $0x80  }
0xda: {  	[sflag:s5] =	ssyncset.done $0x0  }
0xdb: {  	p1 =	por $0x0, $0x0;
	[sflag:s5] =	ssyncadd.s32 $0xFFFFFF80  }
0xdc: {  	[tilespmem:s28], [sflag:$0x6] =	stream.indirect.gather [hbm4b:s22+s26], $0x80, s21, s26, $0xb8;
	[tilespmem:$0x1E400] =	vst v63  }
0xdd: {  	s8 =	simm.s32 $0x40;
	s9 =	simm.s32 $0x80;
	_ =	swait.ge [sflag:s29], $0x4000  }
.LBB2_4:
0xde: {  	[sflag:s29] =	ssyncset.done $0x0  }
0xdf: {  	s11 =	simm.s32 @p1 $0x1;
	[sflag:s29] =	ssyncadd.s32 $0xFFFFC000  }
0xe0: {  	[spmem:s1] =	stream.indirect.scatter.add.f32 [tilespmem:s30], [sflag:$0x9], $0x80, s20, s26, $0xb8;
	[tilespmem:$0x1E400] =	vst v63  }
0xe1: {  	_ =	swait.ge @p1 [sflag:s11], $0x80  }
0xe2: {  	[sflag:s11] =	ssyncset.done @p1 $0x0  }
0xe3: {  	[sflag:s11] =	ssyncadd.s32 @p1 $0xFFFFFF80  }
0xe4: {  	_ =	swait.ge @p1 [sflag:s11], $0x80  }
0xe5: {  	s12 =	simm.s32 @p1 $0x14400;
	s13 =	simm.s32 @!p1 $0x9;
	[sflag:s11] =	ssyncset.done @p1 $0x0  }
0xe6: {  	s24 =	simm.s32 @p1 $0x80;
	s6 =	simm.s32 @p1 $0x14000;
	[sflag:s11] =	ssyncadd.s32 @p1 $0xFFFFFF80  }
0xe7: {  	[tilespmem:s12], [sflag:$0x5] =	stream.indirect.gather @p1 [hbm4b:s22+s24], $0x80, s6, s24, $0xb8;
	[tilespmem:$0x1E400] =	vst v63  }
0xe8: {  	_ =	swait.ge @!p1 [sflag:s13], $0x4000  }
0xe9: {  	s6 =	rddreg [dreg:$0xa]  }
0xea: {  	s11 =	simm.s32 @!p1 $0x14100;
	[sflag:s13] =	ssyncset.done @!p1 $0x0;
	s12 =	rddreg [dreg:$0x9]  }
0xeb: {  	[sflag:s13] =	ssyncadd.s32 @!p1 $0xFFFFC000;
	s13 =	simm.s32 @!p1 $0x0;
	s6 =	sadd.s32 @!p1 s8, s6  }
0xec: {  	[tilespmem:s11], [sflag:$0x3] =	stream.linear.gather @!p1 [hbm4b:s6+s13], $0x80, $0x38;
	[tilespmem:$0x1E400] =	vst v63  }
0xed: {  	s6 =	sadd.s32 @!p1 s8, s12;
	s11 =	simm.s32 @!p1 $0x14300;
	s12 =	simm.s32 @!p1 $0x1  }
0xee: {  	[tilespmem:s11], [sflag:$0x3] =	stream.linear.gather @!p1 [hbm4b:s6+s13], $0x80, $0x38;
	[tilespmem:$0x1E400] =	vst v63  }
0xef: {  	_ =	swait.ge @!p1 [sflag:s12], $0x80  }
0xf0: {  	[sflag:s12] =	ssyncset.done @!p1 $0x0  }
0xf1: {  	[sflag:s12] =	ssyncadd.s32 @!p1 $0xFFFFFF80  }
0xf2: {  	_ =	swait.ge @!p1 [sflag:s12], $0x80  }
0xf3: {  	s7 =	simm.s32 @!p1 $0x14000;
	s24 =	simm.s32 @!p1 $0x80;
	[sflag:s12] =	ssyncset.done @!p1 $0x0  }
0xf4: {  	s6 =	simm.s32 @!p1 $0x14400;
	s11 =	simm.s32 @!p1 $0x6;
	[sflag:s12] =	ssyncadd.s32 @!p1 $0xFFFFFF80  }
0xf5: {  	[tilespmem:s6], [sflag:$0x5] =	stream.indirect.gather @!p1 [hbm4b:s22+s24], $0x80, s7, s24, $0xb8;
	[tilespmem:$0x1E400] =	vst v63  }
0xf6: {  	_ =	swait.ge @!p1 [sflag:s11], $0x4000  }
0xf7: {  	s12 =	simm.s32 @!p1 $0x18400;
	[sflag:s11] =	ssyncset.done @!p1 $0x0  }
0xf8: {  	s6 =	simm.s32 @!p1 $0xA;
	s7 =	simm.s32 @!p1 $0x14380;
	[sflag:s11] =	ssyncadd.s32 @!p1 $0xFFFFC000  }
0xf9: {  	[spmem:s1] =	stream.indirect.scatter.add.f32 @!p1 [tilespmem:s12], [sflag:$0xA], $0x80, s7, s24, $0xb8;
	[tilespmem:$0x1E400] =	vst v63  }
0xfa: {  	_ =	swait.ge @!p1 [sflag:s6], $0x4000  }
0xfb: {  	s11 =	rddreg [dreg:$0x8]  }
0xfc: {  	[sflag:s6] =	ssyncset.done @!p1 $0x0;
	s12 =	rddreg [dreg:$0x7]  }
0xfd: {  	[sflag:s6] =	ssyncadd.s32 @!p1 $0xFFFFC000;
	s6 =	simm.s32 @!p1 $0x14180;
	s11 =	sadd.s32 @!p1 s8, s11  }
0xfe: {  	[tilespmem:s6], [sflag:$0x4] =	stream.linear.gather @!p1 [hbm4b:s11+s13], $0x80, $0x38;
	[tilespmem:$0x1E400] =	vst v63  }
0xff: {  	s6 =	sadd.s32 @!p1 s8, s12  }
0x100: {  	[tilespmem:s7], [sflag:$0x4] =	stream.linear.gather @!p1 [hbm4b:s6+s13], $0x80, $0x38;
	[tilespmem:$0x1E400] =	vst v63  }
0x101: {  	_ =	swait.ge [sflag:s25], $0x80  }
0x102: {  	[sflag:s25] =	ssyncset.done $0x0  }
0x103: {  	[sflag:s25] =	ssyncadd.s32 $0xFFFFFF80  }
0x104: {  	_ =	swait.ge [sflag:s25], $0x80  }
0x105: {  	[sflag:s25] =	ssyncset.done $0x0  }
0x106: {  	[sflag:s25] =	ssyncadd.s32 $0xFFFFFF80  }
0x107: {  	[tilespmem:s28], [sflag:$0x6] =	stream.indirect.gather [hbm4b:s22+s26], $0x80, s17, s26, $0xb8;
	[tilespmem:$0x1E400] =	vst v63  }
0x108: {  	_ =	swait.ge [sflag:s29], $0x4000  }
0x109: {  	[sflag:s29] =	ssyncset.done $0x0  }
0x10a: {  	p1 =	seq.s32 s8, $0x4C0;
	[sflag:s29] =	ssyncadd.s32 $0xFFFFC000  }
0x10b: {  	[spmem:s1] =	stream.indirect.scatter.add.f32 [tilespmem:s30], [sflag:$0x7], $0x80, s16, s26, $0xb8;
	[tilespmem:$0x1E400] =	vst v63  }
0x10c: {  	s11 =	simm.s32 @!p1 $0x0;
	_ =	swait.ge [sflag:s31], $0x4000  }
0x10d: {  	s12 =	simm.s32 @!p1 $0x14000;
	s6 =	rddreg [dreg:$0x6];
	[sflag:s31] =	ssyncset.done $0x0  }
0x10e: {  	s7 =	rddreg [dreg:$0x5];
	[sflag:s31] =	ssyncadd.s32 $0xFFFFC000;
	s6 =	sadd.s32 @!p1 s8, s6  }
0x10f: {  	[tilespmem:s12], [sflag:$0x1] =	stream.linear.gather @!p1 [hbm4b:s6+s11], $0x80, $0x38;
	[tilespmem:$0x1E400] =	vst v63  }
0x110: {  	s13 =	simm.s32 @!p1 $0x14200;
	s6 =	sadd.s32 @!p1 s8, s7  }
0x111: {  	[tilespmem:s13], [sflag:$0x1] =	stream.linear.gather @!p1 [hbm4b:s6+s11], $0x80, $0x38;
	[tilespmem:$0x1E400] =	vst v63  }
0x112: {  	_ =	swait.ge [sflag:s0], $0x80  }
0x113: {  	[sflag:s0] =	ssyncset.done $0x0  }
0x114: {  	[sflag:s0] =	ssyncadd.s32 $0xFFFFFF80  }
0x115: {  	_ =	swait.ge [sflag:s0], $0x80  }
0x116: {  	[sflag:s0] =	ssyncset.done $0x0  }
0x117: {  	[sflag:s0] =	ssyncadd.s32 $0xFFFFFF80  }
0x118: {  	[tilespmem:s30], [sflag:$0x5] =	stream.indirect.gather [hbm4b:s22+s26], $0x80, s19, s26, $0xb8;
	[tilespmem:$0x1E400] =	vst v63  }
0x119: {  	_ =	swait.ge [sflag:s3], $0x4000  }
0x11a: {  	[sflag:s3] =	ssyncset.done $0x0  }
0x11b: {  	[sflag:s3] =	ssyncadd.s32 $0xFFFFC000  }
0x11c: {  	[spmem:s1] =	stream.indirect.scatter.add.f32 [tilespmem:s28], [sflag:$0x8], $0x80, s18, s26, $0xb8;
	[tilespmem:$0x1E400] =	vst v63  }
0x11d: {  	_ =	swait.ge [sflag:s4], $0x4000  }
0x11e: {  	s12 =	simm.s32 @!p1 $0x14080;
	s6 =	rddreg [dreg:$0x4];
	[sflag:s4] =	ssyncset.done $0x0  }
0x11f: {  	s7 =	rddreg [dreg:$0x3];
	[sflag:s4] =	ssyncadd.s32 $0xFFFFC000;
	s6 =	sadd.s32 @!p1 s8, s6  }
0x120: {  	[tilespmem:s12], [sflag:$0x2] =	stream.linear.gather @!p1 [hbm4b:s6+s11], $0x80, $0x38;
	[tilespmem:$0x1E400] =	vst v63  }
0x121: {  	s13 =	simm.s32 @!p1 $0x14280;
	s6 =	sadd.s32 @!p1 s8, s7  }
0x122: {  	[tilespmem:s13], [sflag:$0x2] =	stream.linear.gather @!p1 [hbm4b:s6+s11], $0x80, $0x38;
	[tilespmem:$0x1E400] =	vst v63  }
0x123: {  	_ =	swait.ge [sflag:s5], $0x80  }
0x124: {  	s10 =	smov.u32 s9;
	s9 =	sadd.s32 $0x40, s9;
	[sflag:s5] =	ssyncset.done $0x0  }
0x125: {  	p0 =	sne.s32 s9, $0x500;
	[sflag:s5] =	ssyncadd.s32 $0xFFFFFF80  }
.Ltmp1:
0x126: {  	_ =	swait.ge [sflag:s5], $0x80;
	(pc) =	sbr.rel @p0 .LBB2_4-.Ltmp1, $4  }
0x127: {  	[sflag:s5] =	ssyncset.done $0x0  }
0x128: {  	s8 =	smov.u32 s10;
	[sflag:s5] =	ssyncadd.s32 $0xFFFFFF80  }
0x129: {  	[tilespmem:s28], [sflag:$0x6] =	stream.indirect.gather [hbm4b:s22+s26], $0x80, s21, s26, $0xb8;
	[tilespmem:$0x1E400] =	vst v63  }
0x12a: {  	p1 =	seq.s32 s8, $0x0;
	_ =	swait.ge [sflag:s29], $0x4000  }
0x12b: {  	[sflag:s29] =	ssyncset.done $0x0  }
0x12c: {  	s6 =	simm.s32 @p1 $0x1;
	[sflag:s29] =	ssyncadd.s32 $0xFFFFC000  }
0x12d: {  	[spmem:s1] =	stream.indirect.scatter.add.f32 [tilespmem:s30], [sflag:$0x9], $0x80, s20, s26, $0xb8;
	[tilespmem:$0x1E400] =	vst v63  }
0x12e: {  	_ =	swait.ge @p1 [sflag:s6], $0x80  }
0x12f: {  	[sflag:s6] =	ssyncset.done @p1 $0x0  }
0x130: {  	[sflag:s6] =	ssyncadd.s32 @p1 $0xFFFFFF80  }
0x131: {  	_ =	swait.ge @p1 [sflag:s6], $0x80  }
0x132: {  	s7 =	simm.s32 @p1 $0x14400;
	s9 =	simm.s32 @!p1 $0x9;
	[sflag:s6] =	ssyncset.done @p1 $0x0  }
0x133: {  	s10 =	simm.s32 @p1 $0x80;
	s11 =	simm.s32 @p1 $0x14000;
	[sflag:s6] =	ssyncadd.s32 @p1 $0xFFFFFF80  }
0x134: {  	[tilespmem:s7], [sflag:$0x5] =	stream.indirect.gather @p1 [hbm4b:s22+s10], $0x80, s11, s10, $0xb8;
	[tilespmem:$0x1E400] =	vst v63  }
0x135: {  	_ =	swait.ge @!p1 [sflag:s9], $0x4000  }
0x136: {  	s6 =	rddreg [dreg:$0xa]  }
0x137: {  	s7 =	simm.s32 @!p1 $0x14100;
	[sflag:s9] =	ssyncset.done @!p1 $0x0;
	s10 =	rddreg [dreg:$0x9]  }
0x138: {  	[sflag:s9] =	ssyncadd.s32 @!p1 $0xFFFFC000;
	s9 =	simm.s32 @!p1 $0x0;
	s6 =	sadd.s32 @!p1 s8, s6  }
0x139: {  	[tilespmem:s7], [sflag:$0x3] =	stream.linear.gather @!p1 [hbm4b:s6+s9], $0x80, $0x38;
	[tilespmem:$0x1E400] =	vst v63  }
0x13a: {  	s6 =	sadd.s32 @!p1 s8, s10;
	s7 =	simm.s32 @!p1 $0x14300;
	s10 =	simm.s32 @!p1 $0x1  }
0x13b: {  	[tilespmem:s7], [sflag:$0x3] =	stream.linear.gather @!p1 [hbm4b:s6+s9], $0x80, $0x38;
	[tilespmem:$0x1E400] =	vst v63  }
0x13c: {  	_ =	swait.ge @!p1 [sflag:s10], $0x80  }
0x13d: {  	[sflag:s10] =	ssyncset.done @!p1 $0x0  }
0x13e: {  	[sflag:s10] =	ssyncadd.s32 @!p1 $0xFFFFFF80  }
0x13f: {  	_ =	swait.ge @!p1 [sflag:s10], $0x80  }
0x140: {  	s11 =	simm.s32 @!p1 $0x80;
	s6 =	simm.s32 @!p1 $0x14400;
	[sflag:s10] =	ssyncset.done @!p1 $0x0  }
0x141: {  	s7 =	simm.s32 @!p1 $0x6;
	[sflag:s10] =	ssyncadd.s32 @!p1 $0xFFFFFF80;
	s10 =	simm.s32 @!p1 $0x14000  }
0x142: {  	[tilespmem:s6], [sflag:$0x5] =	stream.indirect.gather @!p1 [hbm4b:s22+s11], $0x80, s10, s11, $0xb8;
	[tilespmem:$0x1E400] =	vst v63  }
0x143: {  	_ =	swait.ge @!p1 [sflag:s7], $0x4000  }
0x144: {  	s6 =	simm.s32 @!p1 $0xA;
	[sflag:s7] =	ssyncset.done @!p1 $0x0  }
0x145: {  	s10 =	simm.s32 @!p1 $0x14380;
	[sflag:s7] =	ssyncadd.s32 @!p1 $0xFFFFC000;
	s7 =	simm.s32 @!p1 $0x18400  }
0x146: {  	[spmem:s1] =	stream.indirect.scatter.add.f32 @!p1 [tilespmem:s7], [sflag:$0xA], $0x80, s10, s11, $0xb8;
	[tilespmem:$0x1E400] =	vst v63  }
0x147: {  	_ =	swait.ge @!p1 [sflag:s6], $0x4000  }
0x148: {  	s7 =	rddreg [dreg:$0x8]  }
0x149: {  	[sflag:s6] =	ssyncset.done @!p1 $0x0;
	s11 =	rddreg [dreg:$0x7]  }
0x14a: {  	[sflag:s6] =	ssyncadd.s32 @!p1 $0xFFFFC000;
	s6 =	simm.s32 @!p1 $0x14180;
	s7 =	sadd.s32 @!p1 s8, s7  }
0x14b: {  	[tilespmem:s6], [sflag:$0x4] =	stream.linear.gather @!p1 [hbm4b:s7+s9], $0x80, $0x38;
	[tilespmem:$0x1E400] =	vst v63  }
0x14c: {  	s6 =	sadd.s32 @!p1 s8, s11  }
0x14d: {  	[tilespmem:s10], [sflag:$0x4] =	stream.linear.gather @!p1 [hbm4b:s6+s9], $0x80, $0x38;
	[tilespmem:$0x1E400] =	vst v63  }
0x14e: {  	_ =	swait.ge [sflag:s25], $0x80  }
0x14f: {  	[sflag:s25] =	ssyncset.done $0x0  }
0x150: {  	[sflag:s25] =	ssyncadd.s32 $0xFFFFFF80  }
0x151: {  	_ =	swait.ge [sflag:s25], $0x80  }
0x152: {  	[sflag:s25] =	ssyncset.done $0x0  }
0x153: {  	[sflag:s25] =	ssyncadd.s32 $0xFFFFFF80  }
0x154: {  	[tilespmem:s28], [sflag:$0x6] =	stream.indirect.gather [hbm4b:s22+s26], $0x80, s17, s26, $0xb8;
	[tilespmem:$0x1E400] =	vst v63  }
0x155: {  	_ =	swait.ge [sflag:s29], $0x4000  }
0x156: {  	[sflag:s29] =	ssyncset.done $0x0  }
0x157: {  	p0 =	seq.s32 s8, $0x4C0;
	[sflag:s29] =	ssyncadd.s32 $0xFFFFC000  }
0x158: {  	[spmem:s1] =	stream.indirect.scatter.add.f32 [tilespmem:s30], [sflag:$0x7], $0x80, s16, s26, $0xb8;
	[tilespmem:$0x1E400] =	vst v63  }
0x159: {  	s9 =	simm.s32 @!p0 $0x0;
	_ =	swait.ge [sflag:s31], $0x4000  }
0x15a: {  	s10 =	simm.s32 @!p0 $0x14000;
	s6 =	rddreg [dreg:$0x6];
	[sflag:s31] =	ssyncset.done $0x0  }
0x15b: {  	s7 =	rddreg [dreg:$0x5];
	[sflag:s31] =	ssyncadd.s32 $0xFFFFC000;
	s6 =	sadd.s32 @!p0 s8, s6  }
0x15c: {  	[tilespmem:s10], [sflag:$0x1] =	stream.linear.gather @!p0 [hbm4b:s6+s9], $0x80, $0x38;
	[tilespmem:$0x1E400] =	vst v63  }
0x15d: {  	s7 =	sadd.s32 @!p0 s8, s7;
	s6 =	simm.s32 @!p0 $0x14200  }
0x15e: {  	[tilespmem:s6], [sflag:$0x1] =	stream.linear.gather @!p0 [hbm4b:s7+s9], $0x80, $0x38;
	[tilespmem:$0x1E400] =	vst v63  }
0x15f: {  	_ =	swait.ge [sflag:s0], $0x80  }
0x160: {  	[sflag:s0] =	ssyncset.done $0x0  }
0x161: {  	[sflag:s0] =	ssyncadd.s32 $0xFFFFFF80  }
0x162: {  	_ =	swait.ge [sflag:s0], $0x80  }
0x163: {  	[sflag:s0] =	ssyncset.done $0x0  }
0x164: {  	[sflag:s0] =	ssyncadd.s32 $0xFFFFFF80  }
0x165: {  	[tilespmem:s30], [sflag:$0x5] =	stream.indirect.gather [hbm4b:s22+s26], $0x80, s19, s26, $0xb8;
	[tilespmem:$0x1E400] =	vst v63  }
0x166: {  	_ =	swait.ge [sflag:s3], $0x4000  }
0x167: {  	[sflag:s3] =	ssyncset.done $0x0  }
0x168: {  	[sflag:s3] =	ssyncadd.s32 $0xFFFFC000  }
0x169: {  	[spmem:s1] =	stream.indirect.scatter.add.f32 [tilespmem:s28], [sflag:$0x8], $0x80, s18, s26, $0xb8;
	[tilespmem:$0x1E400] =	vst v63  }
0x16a: {  	_ =	swait.ge [sflag:s4], $0x4000  }
0x16b: {  	s10 =	simm.s32 @!p0 $0x14080;
	s6 =	rddreg [dreg:$0x4];
	[sflag:s4] =	ssyncset.done $0x0  }
0x16c: {  	s7 =	rddreg [dreg:$0x3];
	[sflag:s4] =	ssyncadd.s32 $0xFFFFC000;
	s6 =	sadd.s32 @!p0 s8, s6  }
0x16d: {  	[tilespmem:s10], [sflag:$0x2] =	stream.linear.gather @!p0 [hbm4b:s6+s9], $0x80, $0x38;
	[tilespmem:$0x1E400] =	vst v63  }
0x16e: {  	s6 =	sadd.s32 @!p0 s8, s7;
	s7 =	simm.s32 @!p0 $0x14280  }
0x16f: {  	[tilespmem:s7], [sflag:$0x2] =	stream.linear.gather @!p0 [hbm4b:s6+s9], $0x80, $0x38;
	[tilespmem:$0x1E400] =	vst v63  }
0x170: {  	_ =	swait.ge [sflag:s5], $0x80  }
0x171: {  	[sflag:s5] =	ssyncset.done $0x0  }
0x172: {  	[sflag:s5] =	ssyncadd.s32 $0xFFFFFF80  }
0x173: {  	_ =	swait.ge [sflag:s5], $0x80  }
0x174: {  	[sflag:s5] =	ssyncset.done $0x0  }
0x175: {  	[sflag:s5] =	ssyncadd.s32 $0xFFFFFF80  }
0x176: {  	[tilespmem:s28], [sflag:$0x6] =	stream.indirect.gather [hbm4b:s22+s26], $0x80, s21, s26, $0xb8;
	[tilespmem:$0x1E400] =	vst v63  }
0x177: {  	_ =	swait.ge [sflag:s29], $0x4000  }
0x178: {  	[sflag:s29] =	ssyncset.done $0x0  }
0x179: {  	[sflag:s29] =	ssyncadd.s32 $0xFFFFC000  }
0x17a: {  	[spmem:s1] =	stream.indirect.scatter.add.f32 [tilespmem:s30], [sflag:$0x9], $0x80, s20, s26, $0xb8;
	[tilespmem:$0x1E400] =	vst v63  }
0x17b: {  	_ =	swait.ge [sflag:s3], $0x4000  }
0x17c: {  	[sflag:s3] =	ssyncset.done $0x0  }
0x17d: {  	s10 =	simm.s32 $0x14380;
	s8 =	simm.s32 $0x9;
	[sflag:s3] =	ssyncadd.s32 $0xFFFFC000  }
0x17e: {  	[spmem:s1] =	stream.indirect.scatter.add.f32 [tilespmem:s28], [sflag:$0xA], $0x80, s10, s26, $0xb8;
	[tilespmem:$0x1E400] =	vst v63  }
0x17f: {  	_ =	swait.ge [sflag:s8], $0x4000  }
0x180: {  	[sflag:s8] =	ssyncset.done $0x0  }
0x181: {  	s9 =	simm.s32 $0xA;
	[sflag:s8] =	ssyncadd.s32 $0xFFFFC000  }
0x182: {  	_ =	swait.ge [sflag:s9], $0x4000  }
0x183: {  	[sflag:s9] =	ssyncset.done $0x0  }
0x184: {  	s11 =	stileid.u32;
	[sflag:s9] =	ssyncadd.s32 $0xFFFFC000  }
0x185: {  	s6 =	sshll.u32 s11, $0x6;
	[bflag:$0x0] =	sbarrier.arrive $0xFFFF  }
0x186: {  	s12 =	sshrl.u32 s23, $0x3;
	s6 =	sor.u32 $0x1C02, s6;
	s13 =	rddreg [dreg:$0xb]  }
0x187: {  	[hbm:s13], [sflag:s6] =	dma.local [spmem:s12], $0x400  }
0x188: {  	s7 =	rddreg [dreg:$0xc]  }
0x189: {  	s8 =	rddreg [dreg:$0x1e]  }
0x18a: {  	[hbm:s7], [sflag:s6] =	dma.local [spmem:s8], $0x400  }
0x18b: {  	s7 =	rddreg [dreg:$0xd]  }
0x18c: {  	s8 =	rddreg [dreg:$0x1f]  }
0x18d: {  	[hbm:s7], [sflag:s6] =	dma.local [spmem:s8], $0x400  }
0x18e: {  	s8 =	sld [smem:$0x7EE];
	_ =	sdelay $0x1  }
0x18f: {  	s7 =	rddreg [dreg:$0xe]  }
0x190: {  	[hbm:s7], [sflag:s6] =	dma.local [spmem:s8], $0x400  }
0x191: {  	s8 =	sld [smem:$0x7EF];
	_ =	sdelay $0x1  }
0x192: {  	s7 =	rddreg [dreg:$0xf]  }
0x193: {  	[hbm:s7], [sflag:s6] =	dma.local [spmem:s8], $0x400  }
0x194: {  	s8 =	sld [smem:$0x7F0];
	_ =	sdelay $0x1  }
0x195: {  	s7 =	rddreg [dreg:$0x10]  }
0x196: {  	[hbm:s7], [sflag:s6] =	dma.local [spmem:s8], $0x400  }
0x197: {  	s8 =	sld [smem:$0x7F1];
	_ =	sdelay $0x1  }
0x198: {  	s7 =	rddreg [dreg:$0x11]  }
0x199: {  	[hbm:s7], [sflag:s6] =	dma.local [spmem:s8], $0x400  }
0x19a: {  	s8 =	sld [smem:$0x7F2];
	_ =	sdelay $0x1  }
0x19b: {  	s7 =	rddreg [dreg:$0x12]  }
0x19c: {  	[hbm:s7], [sflag:s6] =	dma.local [spmem:s8], $0x400  }
0x19d: {  	s8 =	sld [smem:$0x7F3];
	_ =	sdelay $0x1  }
0x19e: {  	s7 =	rddreg [dreg:$0x13]  }
0x19f: {  	[hbm:s7], [sflag:s6] =	dma.local [spmem:s8], $0x400  }
0x1a0: {  	s8 =	sld [smem:$0x7F4];
	_ =	sdelay $0x1  }
0x1a1: {  	s7 =	rddreg [dreg:$0x14]  }
0x1a2: {  	[hbm:s7], [sflag:s6] =	dma.local [spmem:s8], $0x400  }
0x1a3: {  	_ =	swait.ge [sflag:s25], $0x400  }
0x1a4: {  	[sflag:s25] =	ssyncset.done $0x0  }
0x1a5: {  	[sflag:s25] =	ssyncadd.s32 $0xFFFFFC00  }
0x1a6: {  	_ =	swait.ge [sflag:s25], $0x400  }
0x1a7: {  	[sflag:s25] =	ssyncset.done $0x0  }
0x1a8: {  	[sflag:s25] =	ssyncadd.s32 $0xFFFFFC00  }
0x1a9: {  	_ =	swait.ge [sflag:s25], $0x400  }
0x1aa: {  	[sflag:s25] =	ssyncset.done $0x0  }
0x1ab: {  	[sflag:s25] =	ssyncadd.s32 $0xFFFFFC00  }
0x1ac: {  	_ =	swait.ge [sflag:s25], $0x400  }
0x1ad: {  	[sflag:s25] =	ssyncset.done $0x0  }
0x1ae: {  	[sflag:s25] =	ssyncadd.s32 $0xFFFFFC00  }
0x1af: {  	_ =	swait.ge [sflag:s25], $0x400  }
0x1b0: {  	[sflag:s25] =	ssyncset.done $0x0  }
0x1b1: {  	[sflag:s25] =	ssyncadd.s32 $0xFFFFFC00  }
0x1b2: {  	_ =	swait.ge [sflag:s25], $0x400  }
0x1b3: {  	[sflag:s25] =	ssyncset.done $0x0  }
0x1b4: {  	[sflag:s25] =	ssyncadd.s32 $0xFFFFFC00  }
0x1b5: {  	_ =	swait.ge [sflag:s25], $0x400  }
0x1b6: {  	[sflag:s25] =	ssyncset.done $0x0  }
0x1b7: {  	[sflag:s25] =	ssyncadd.s32 $0xFFFFFC00  }
0x1b8: {  	_ =	swait.ge [sflag:s25], $0x400  }
0x1b9: {  	[sflag:s25] =	ssyncset.done $0x0  }
0x1ba: {  	[sflag:s25] =	ssyncadd.s32 $0xFFFFFC00  }
0x1bb: {  	_ =	swait.ge [sflag:s25], $0x400  }
0x1bc: {  	[sflag:s25] =	ssyncset.done $0x0  }
0x1bd: {  	[sflag:s25] =	ssyncadd.s32 $0xFFFFFC00  }
0x1be: {  	_ =	swait.ge [sflag:s25], $0x400  }
0x1bf: {  	s2 =	sadd.s32 $0x1, s2;
	s24 =	rddreg [dreg:$0x1d]  }
0x1c0: {  	p0 =	sne.s32 s2, s24  }
.Ltmp2:
0x1c1: {  	_ = 	snop;
	(pc) =	sbr.rel @p0 .LBB2_1-.Ltmp2, $3  }
0x1c2: {  	_ =	sdelay $0x1  }
0x1c3: {  	[sflag:s25] =	ssyncset.done $0x0  }
0x1c4: {  	[sflag:s25] =	ssyncadd.s32 $0xFFFFFC00  }
0x1c5: {  	_ =	sfence.sel $0x180000  }
0x1c6: {  	[bflag:$0x0] =	sbarrier.arrive $0xFFFF  }
0x1c7: {  	_ =	strace $0x9000004D  }
0x1c8: {  	s0 =	stileid.u32;
	[bflag:$0x2] =	sbarrier.arrive $0xFFFF  }
0x1c9: {  	p0 =	sne.s32 s0, $0x0;
	s0 =	rddreg [dreg:$0x2]  }
0x1ca: {  	s0 =	sadd.s32 @!p0 $0x100000, s0  }
0x1cb: {  	[sflag:s0] =	ssyncadd.tile.s32 @!p0 $0x1;
	_ =	shalt  }
.Lfunc_end2:
_tile_overlayer_lowered:
.L_overlay_start_2:
0x1cc: {  	(tag) =	ssettag $0x2  }
0x1cd: {  	s0 =	rddreg [dreg:$0x0];
	s2 =	stileid.u32  }
0x1ce: {  	s1 =	rddreg [dreg:$0x1];
	p0 =	sne.s32 s2, $0x0  }
0x1cf: {  	s3 =	rddreg [dreg:$0x2];
	[bflag:$0x3] =	sbarrier.arrive $0xFFFF;
	s2 =	simm.s32 @!p0 $0x1C0B  }
0x1d0: {  	[timem:s3], [sflag:s2] =	dma.local @!p0 [hbm:s0], s1  }
0x1d1: {  	s0 =	simm.s32 @!p0 $0xB  }
0x1d2: {  	_ =	swait.ge @!p0 [sflag:s0], s1  }
0x1d3: {  	s1 =	ssub.s32 @!p0 $0x0, s1;
	[sflag:s0] =	ssyncset.done @!p0 $0x0  }
0x1d4: {  	[sflag:s0] =	ssyncadd.s32 @!p0 s1  }
0x1d5: {  	[bflag:$0x3] =	sbarrier.arrive $0xFFFF  }
0x1d6: {  	_ =	shalt  }

// kernel: kernel.9.cloned.1.call-start
scs
__scs_entry_jumppad:
0x0: {  	(pc) =	sbr.rel $0x88, $3  }
0x1: {  	(tag) =	ssettag $0x0;
	lr =	simm.s32 $0x1  }
0x2: {  	[smem:$0x3F98] =	sst lr;
	_ =	strace $0xD0000000  }
0x3: {  	_ = 	snop  }
0x4: {  	_ = 	snop  }
0x5: {  	_ = 	snop  }
0x6: {  	_ = 	snop  }
0x7: {  	_ = 	snop  }
__scs_overlays_trampoline_lowered:
0x8: {  	[smem:$0x3FA7] =	sst s0  }
0x9: {  	[smem:$0x3FA8] =	sst s1  }
0xa: {  	[smem:$0x3FA9] =	sst s2  }
0xb: {  	[smem:$0x3FAA] =	sst s3  }
0xc: {  	[smem:$0x3FAB] =	sst s4  }
0xd: {  	[smem:$0x3FAC] =	sst s5  }
0xe: {  	[smem:$0x3FAD] =	sst s6  }
0xf: {  	[smem:$0x3FAE] =	sst s7  }
0x10: {  	[smem:$0x3FAF] =	sst s8  }
0x11: {  	[smem:$0x3FB0] =	sst s9;
	s0 =	simm.s32 @!p0 $0x0  }
0x12: {  	s1 =	sld [smem:$0x3F96];
	s0 =	simm.s32 @p0 $0x1  }
0x13: {  	[smem:$0x3FB1] =	sst s0;
	s0 =	simm.s32 @!p1 $0x0  }
0x14: {  	s2 =	sld [smem:$0x3F95];
	s0 =	simm.s32 @p1 $0x1  }
0x15: {  	[smem:$0x3FB2] =	sst s0;
	s0 =	simm.s32 @!p2 $0x0  }
0x16: {  	s3 =	sld [smem:$0x3FDB];
	s0 =	simm.s32 @p2 $0x1  }
0x17: {  	s4 =	simm.s32 $0x1BF5;
	[smem:$0x3FB4] =	sst s0  }
0x18: {  	s0 =	sld [smem:$0x3F97];
	_ =	swait.ge [sflag:s4], $0x0  }
0x19: {  	s7 =	sld [smem:$0x3F98]  }
0x1a: {  	s8 =	sadd.s32 $0xFFFFE003, lr  }
0x1b: {  	s9 =	sadd.s32 $0xFFFFFEF7, lr;
	s5 =	simm.s32 $0xFFFFFFFF;
	p2 =	slt.u32 s8, $0xFFFFF086  }
0x1c: {  	p1 =	slt.u32 s9, $0xF7A;
	s5 =	simm.s32 @!p2 $0x0  }
0x1d: {  	s5 =	simm.s32 @p1 $0x1;
	p0 =	seq.s32 s7, s2  }
0x1e: {  	s7 =	smul.u32 @!p0 $0xF7A, s2;
	p2 =	seq.s32 @!p0 s5, $0x0  }
0x1f: {  	s9 =	smul.u32 $0xF7A, s1;
	s8 =	simm.s32 @!p0 $0x1BF5;
	p2 =	por !p2, p0  }
0x20: {  	[sflag:s8] =	ssyncset.s32 @!p0 $0xFFFFF086;
	s6 =	sadd.s32 @!p0 s3, s7;
	s7 =	simm.s32 @!p0 $0x108  }
0x21: {  	s3 =	sadd.s32 s3, s9;
	s6 =	sadd.s32 @!p0 $0x88, s6;
	s7 =	simm.s32 @p2 $0x1082  }
0x22: {  	[simem:s7], [sflag:s8] =	dma.local @!p0 [hbm:s6], $0xF7A  }
0x23: {  	s9 =	sor.u32 $0xD0000000, s2;
	s6 =	simm.s32 $0x108;
	_ =	swait.ge @!p0 [sflag:s8], $0x0  }
0x24: {  	s3 =	sadd.s32 $0x88, s3;
	s6 =	simm.s32 @!p1 $0x1082;
	[sflag:s4] =	ssyncset.s32 $0xFFFFF086  }
0x25: {  	[simem:s6], [sflag:s4] =	dma.local [hbm:s3], $0xF7A  }
0x26: {  	[smem:$0x3F98] =	sst s1;
	(tag) =	ssettag s2;
	_ =	strace s9  }
0x27: {  	s1 =	sld [smem:$0x3FA8]  }
0x28: {  	s2 =	sld [smem:$0x3FA9]  }
0x29: {  	s4 =	sld [smem:$0x3FAB]  }
0x2a: {  	p0 =	seq.s32 s5, $0x0;
	s5 =	sld [smem:$0x3FAC]  }
0x2b: {  	s6 =	sld [smem:$0x3FAD]  }
0x2c: {  	s7 =	sld [smem:$0x3FAE]  }
0x2d: {  	s3 =	simm.s32 $0x108;
	s8 =	sld [smem:$0x3FAF]  }
0x2e: {  	s3 =	simm.s32 @!p0 $0x1082;
	s9 =	sld [smem:$0x3FB0]  }
0x2f: {  	lr =	sadd.s32 s0, s3;
	s0 =	sld [smem:$0x3FA7]  }
0x30: {  	s3 =	sld [smem:$0x3FAA]  }
0x31: {  	[smem:$0x3FB3] =	sst s10  }
0x32: {  	s10 =	sld [smem:$0x3FB1];
	_ =	sdelay $0x3  }
0x33: {  	p0 =	seq.s32 s10, $0x1;
	s10 =	sld [smem:$0x3FB3];
	_ =	sdelay $0x3  }
0x34: {  	[smem:$0x3FB3] =	sst s10  }
0x35: {  	s10 =	sld [smem:$0x3FB2];
	_ =	sdelay $0x3  }
0x36: {  	p1 =	seq.s32 s10, $0x1;
	s10 =	sld [smem:$0x3FB3];
	_ =	sdelay $0x3  }
0x37: {  	[smem:$0x3FB3] =	sst s10  }
0x38: {  	s10 =	sld [smem:$0x3FB4]  }
0x39: {  	_ = 	snop;
	(pc) =	sbr.ind lr, $3  }
0x3a: {  	_ = 	snop  }
0x3b: {  	_ = 	snop  }
0x3c: {  	p2 =	seq.s32 s10, $0x1;
	s10 =	sld [smem:$0x3FB3]  }
0x3d: {  	_ =	shalt  }
0x3e: {  	_ =	shalt  }
0x3f: {  	_ =	shalt  }
0x40: {  	_ =	shalt  }
0x41: {  	_ =	shalt  }
0x42: {  	_ =	shalt  }
0x43: {  	_ =	shalt  }
0x44: {  	_ =	shalt  }
0x45: {  	_ =	shalt  }
0x46: {  	_ =	shalt  }
0x47: {  	_ =	shalt  }
0x48: {  	_ =	shalt  }
0x49: {  	_ =	shalt  }
0x4a: {  	_ =	shalt  }
0x4b: {  	_ =	shalt  }
0x4c: {  	_ =	shalt  }
0x4d: {  	_ =	shalt  }
0x4e: {  	_ =	shalt  }
0x4f: {  	_ =	shalt  }
0x50: {  	_ =	shalt  }
0x51: {  	_ =	shalt  }
0x52: {  	_ =	shalt  }
0x53: {  	_ =	shalt  }
0x54: {  	_ =	shalt  }
0x55: {  	_ =	shalt  }
0x56: {  	_ =	shalt  }
0x57: {  	_ =	shalt  }
0x58: {  	_ =	shalt  }
0x59: {  	_ =	shalt  }
0x5a: {  	_ =	shalt  }
0x5b: {  	_ =	shalt  }
0x5c: {  	_ =	shalt  }
0x5d: {  	_ =	shalt  }
0x5e: {  	_ =	shalt  }
0x5f: {  	_ =	shalt  }
0x60: {  	_ =	shalt  }
0x61: {  	_ =	shalt  }
0x62: {  	_ =	shalt  }
0x63: {  	_ =	shalt  }
0x64: {  	_ =	shalt  }
0x65: {  	_ =	shalt  }
0x66: {  	_ =	shalt  }
0x67: {  	_ =	shalt  }
0x68: {  	_ =	shalt  }
0x69: {  	_ =	shalt  }
0x6a: {  	_ =	shalt  }
0x6b: {  	_ =	shalt  }
0x6c: {  	_ =	shalt  }
0x6d: {  	_ =	shalt  }
0x6e: {  	_ =	shalt  }
0x6f: {  	_ =	shalt  }
0x70: {  	_ =	shalt  }
0x71: {  	_ =	shalt  }
0x72: {  	_ =	shalt  }
0x73: {  	_ =	shalt  }
0x74: {  	_ =	shalt  }
0x75: {  	_ =	shalt  }
0x76: {  	_ =	shalt  }
0x77: {  	_ =	shalt  }
0x78: {  	_ =	shalt  }
0x79: {  	_ =	shalt  }
0x7a: {  	_ =	shalt  }
0x7b: {  	_ =	shalt  }
0x7c: {  	_ =	shalt  }
0x7d: {  	_ =	shalt  }
0x7e: {  	_ =	shalt  }
0x7f: {  	_ =	shalt  }
0x80: {  	_ =	shalt  }
0x81: {  	_ =	shalt  }
0x82: {  	_ =	shalt  }
0x83: {  	_ =	shalt  }
0x84: {  	_ =	shalt  }
0x85: {  	_ =	shalt  }
0x86: {  	_ =	shalt  }
0x87: {  	_ =	shalt  }
.Lfunc_end0:
.L_simem_size_0:
called_computation_lowered:
.L_overlay_start_0:
0x88: {  	s2 =	sld [smem:$0x3FD9]  }
0x89: {  	s3 =	sld [smem:$0x3FFE];
	_ =	sdelay $0x1  }
0x8a: {  	s1 =	srdreg.scid  }
0x8b: {  	s0 =	sand.u32 $0x1, s1  }
0x8c: {  	s16 =	sshll.u32 s0, $0xA;
	s2 =	sadd.s32 s3, s2  }
0x8d: {  	s2 =	sadd.s32 s2, s16  }
0x8e: {  	[smem:$0x3FBF] =	sst s2  }
0x8f: {  	_ = 	snop  }
0x90: {  	(tm) =	ssettm $0x1  }
0x91: {  	s17 =	sld [smem:$0x3FFB];
	_ =	sdelay $0x3  }
0x92: {  	_ =	strace s17  }
0x93: {  	s2 =	sld [smem:$0x3FFC];
	_ =	sdelay $0x3  }
0x94: {  	_ =	strace s2  }
0x95: {  	s2 =	sld [smem:$0x3FFD];
	_ =	sdelay $0x3  }
0x96: {  	_ =	strace s2  }
0x97: {  	_ =	strace $0x8FFFFFFF  }
0x98: {  	s18 =	sld [smem:$0x3FDB];
	_ =	sdelay $0x1  }
0x99: {  	s19 =	simm.s32 $_scs_section_size  }
0x9a: {  	s4 =	simm.s32 $_size__tile_overlayer_lowered;
	s5 =	simm.s32 $_tile_overlayer_lowered  }
0x9b: {  	s22 =	simm.s32 $0x1BFF;
	s21 =	sshll.u32 s5, $0x1;
	s2 =	sadd.s32 s19, s18  }
0x9c: {  	s6 =	simm.s32 $0x0;
	s20 =	sshll.u32 s4, $0x1;
	s4 =	sadd.s32 s21, s2  }
0x9d: {  	[timem:s6], [sflag:s22] =	dma.local [hbm:s4], s20  }
0x9e: {  	_ =	swait.ge [sflag:s22], s20  }
0x9f: {  	s3 =	ssub.s32 $0x0, s20;
	[sflag:s22] =	ssyncset.done $0x0  }
0xa0: {  	[sflag:s22] =	ssyncadd.s32 s3;
	_ =	sdelay $0x1  }
0xa1: {  	s23 =	simm.s32 $0x1B8B  }
0xa2: {  	_ =	swait.ge [sflag:s23], $0x1  }
0xa3: {  	[sflag:s23] =	ssyncset.done $0x0  }
0xa4: {  	s25 =	simm.s32 $0x1B8E;
	s24 =	sld [smem:$0x3FFE];
	[sflag:s23] =	ssyncadd.s32 $0xFFFFFFFF  }
0xa5: {  	s26 =	simm.s32 $execute0_lowered;
	[smem:$0x3FD2] =	sst s25  }
0xa6: {  	s4 =	sshll.u32 s26, $0x1;
	_ =	strace $0x80000046;
	[dreg:$0x1] =	wrdreg $0xFFFFFFFF  }
0xa7: {  	s28 =	simm.s32 $_size_execute0_lowered;
	s2 =	sadd.s32 s2, s4;
	[dreg:$0x0] =	wrdreg $0x0  }
0xa8: {  	s4 =	sshll.u32 s28, $0x1;
	[dreg:$0x2] =	wrdreg s2  }
0xa9: {  	[dreg:$0x3] =	wrdreg s4  }
0xaa: {  	[dreg:$0x4] =	wrdreg $0xC0  }
0xab: {  	_ =	task [dreg:s6], $0x5FFFF  }
0xac: {  	[dreg:$0x1] =	wrdreg $0xFFFFFFFF  }
0xad: {  	[dreg:$0x0] =	wrdreg $0x60  }
0xae: {  	[dreg:$0x2] =	wrdreg s24  }
0xaf: {  	[dreg:$0x3] =	wrdreg $0x9  }
0xb0: {  	_ =	task.clear_ibuf [dreg:s6], $0x4FFFF;
	_ =	strace $0x90000046  }
0xb1: {  	s29 =	simm.s32 $0x9;
	_ =	strace $0x80000048  }
0xb2: {  	_ =	swait.ge [sflag:s29], $0x1  }
0xb3: {  	[sflag:s29] =	ssyncadd.s32 $0xFFFFFFFF  }
0xb4: {  	_ =	strace $0x90000048  }
0xb5: {  	_ =	sfence  }
0xb6: {  	s30 =	sld [smem:$0x0];
	_ =	sdelay $0x2  }
0xb7: {  	s31 =	sshll.u32 s1, $0xD;
	s1 =	sshrl.u32 s1, $0x2  }
0xb8: {  	s3 =	sand.u32 $0x4000, s31;
	s1 =	sadd.s32 s1, s30  }
0xb9: {  	s0 =	sor.u32 s3, s0;
	s1 =	sshll.u32 s1, $0x11  }
0xba: {  	s0 =	sor.u32 s1, s0  }
0xbb: {  	s0 =	sadd.s32 $0x8F2B, s0  }
0xbc: {  	[sflag:s0] =	ssyncadd.remote.s32 $0x1  }
0xbd: {  	_ =	sfence.sel $0xFFFF  }
0xbe: {  	[dreg:$0x0] =	wrdreg $0xFFFFFFFF;
	(pc) =	sbr.abs _section_cstart, $3  }
0xbf: {  	[dreg:$0x1] =	wrdreg $0xFFFFFFFF  }
0xc0: {  	_ =	task.clear_ibuf [dreg:s6], $0x2FFFF;
	_ =	strace $0x9FFFFFFF  }
0xc1: {  	(tm) =	ssettm $0x7FFFFFFF  }
tec
execute0_lowered:
.L_overlay_start_1:
0x0: {  	(tag) =	ssettag $0x1  }
0x1: {  	s0 =	srdreg.scid  }
0x2: {  	s4 =	rddreg [dreg:$0x0];
	s1 =	stileid.u32;
	s2 =	simm.s32 $0x0  }
0x3: {  	s15 =	simm.s32 $0x2900;
	s16 =	simm.s32 $0x2980;
	s17 =	simm.s32 $0x1  }
0x4: {  	s18 =	simm.s32 $0x2;
	s19 =	simm.s32 $0x3;
	s20 =	simm.s32 $0x4  }
0x5: {  	s21 =	simm.s32 $0x5;
	s3 =	sand.u32 $0x1, s0;
	s0 =	rddreg [dreg:$0x1]  }
0x6: {  	s22 =	simm.s32 $0x0;
	[smem:$0x7FF] =	sst s2;
	s7 =	smul.u32 $0x2800, s1  }
0x7: {  	s12 =	sadd.s32 $0x2E00, s4;
	s5 =	sshll.u32 s3, $0x4;
	s6 =	smul.u32 $0x28000, s3  }
0x8: {  	_ =	strace $0x80000047;
	s3 =	ssub.s32 $0x2, s3;
	s5 =	sor.u32 s1, s5  }
0x9: {  	s28 =	sshrl.u32 s3, $0x1;
	s5 =	smul.u32 $0x2800, s5;
	s10 =	sadd.s32 s7, s6  }
0xa: {  	s9 =	ssub.s32 s3, s28;
	s11 =	sor.u32 $0x380, s10;
	s29 =	sor.u32 $0x300, s10  }
0xb: {  	s13 =	sor.u32 $0x280, s10;
	s14 =	sor.u32 $0x200, s10;
	s5 =	sshrl.u32 s5, $0x3  }
0xc: {  	s11 =	sshrl.u32 s11, $0x3;
	s30 =	sshrl.u32 s13, $0x3;
	s31 =	sshrl.u32 s14, $0x3  }
.Ltmp0:
0xd: {  	s13 =	simm.s32 $0x2800;
	s3 =	sadd.s32 s12, s5;
	(pc) =	sbr.rel .LBB2_1-.Ltmp0, $4  }
0xe: {  	s14 =	simm.s32 $0x2880;
	s8 =	sadd.s32 s5, s4;
	s4 =	sadd.s32 $0x10, s3  }
0xf: {  	s5 =	sadd.s32 $0x20, s3;
	s6 =	sadd.s32 $0x30, s3;
	s7 =	sadd.s32 $0x16E00, s8  }
0x10: {  	s8 =	smax.u32 s9, $0x1;
	s9 =	sadd.s32 s11, s12;
	s11 =	sshrl.u32 s29, $0x3  }
0x11: {  	v0 =	vimm.f32 $0.0e+00;
	s10 =	sadd.s32 s11, s12;
	s11 =	sadd.s32 s30, s12;
	s12 =	sadd.s32 s31, s12  }
.LBB2_6:
0x12: {  	s22 =	sadd.s32 $0x1, s22  }
0x13: {  	p0 =	sne.s32 s22, s8  }
.Ltmp1:
0x14: {  	_ = 	snop;
	(pc) =	sbr.rel @!p0 .LBB2_7-.Ltmp1, $4  }
0x15: {  	[hbm4b:s7+s2] =	stream.linear.scatter [tilespmem:s2], [sflag:$0x5], $0x2800, $0x38;
	[tilespmem:$0x2A00] =	vst v63  }
0x16: {  	_ =	swait.ge [sflag:s21], $0x2800  }
0x17: {  	[sflag:s21] =	ssyncset.done $0x0  }
0x18: {  	[sflag:s21] =	ssyncadd.s32 $0xFFFFD800  }
.LBB2_1:
0x19: {  	s23 =	simm.s32 $0x70;
	s24 =	simm.s32 $0x3C0  }
.LBB2_2:
0x1a: {  	p0 =	sne.s32 s24, $0x9FC0;
	[tilespmem:s23+$0x0] =	vst v0  }
0x1b: {  	[tilespmem:s23+$0xFFFFFF90] =	vst v0  }
0x1c: {  	[tilespmem:s23+$0xFFFFFFA0] =	vst v0  }
.Ltmp2:
0x1d: {  	[tilespmem:s23+$0xFFFFFFB0] =	vst v0;
	(pc) =	sbr.rel @p0 .LBB2_2-.Ltmp2, $4  }
0x1e: {  	[tilespmem:s23+$0xFFFFFFC0] =	vst v0  }
0x1f: {  	[tilespmem:s23+$0xFFFFFFD0] =	vst v0  }
0x20: {  	[tilespmem:s23+$0xFFFFFFE0] =	vst v0  }
0x21: {  	[tilespmem:s23+$0xFFFFFFF0] =	vst v0;
	s23 =	sshra.s32 s24, $0x2;
	s24 =	sadd.s32 $0x200, s24  }
0x22: {  	[tilespmem:s23+$0x0] =	vst v0  }
0x23: {  	[tilespmem:s23+$0xFFFFFF90] =	vst v0  }
0x24: {  	[tilespmem:s23+$0xFFFFFFA0] =	vst v0  }
0x25: {  	[tilespmem:s23+$0xFFFFFFB0] =	vst v0  }
0x26: {  	[tilespmem:s23+$0xFFFFFFC0] =	vst v0  }
0x27: {  	[tilespmem:s23+$0xFFFFFFD0] =	vst v0  }
0x28: {  	[tilespmem:s23+$0xFFFFFFE0] =	vst v0  }
0x29: {  	[tilespmem:s23+$0xFFFFFFF0] =	vst v0;
	s23 =	simm.s32 $0x0  }
0x2a: {  	[tilespmem:s13], [sflag:$0x1] =	stream.linear.gather [hbm4b:s3+s23], $0x80, $0x38;
	[tilespmem:$0x2A00] =	vst v63  }
0x2b: {  	_ = 	snop  }
0x2c: {  	[tilespmem:s14], [sflag:$0x2] =	stream.linear.gather [hbm4b:s4+s23], $0x80, $0x38;
	[tilespmem:$0x2A00] =	vst v63  }
0x2d: {  	_ = 	snop  }
0x2e: {  	[tilespmem:s15], [sflag:$0x3] =	stream.linear.gather [hbm4b:s5+s23], $0x80, $0x38;
	[tilespmem:$0x2A00] =	vst v63  }
0x2f: {  	_ = 	snop  }
0x30: {  	[tilespmem:s16], [sflag:$0x4] =	stream.linear.gather [hbm4b:s6+s23], $0x80, $0x38;
	[tilespmem:$0x2A00] =	vst v63  }
.LBB2_4:
0x31: {  	_ =	swait.ge [sflag:s17], $0x80  }
0x32: {  	[sflag:s17] =	ssyncset.done $0x0  }
0x33: {  	[sflag:s17] =	ssyncadd.s32 $0xFFFFFF80  }
0x34: {  	v1 =	vld [tilespmem:$0x2800];
	_ =	sdelay $0x4  }
0x35: {  	(xrf1) =	vunique.msk.u32 $0xffff, v1;
	_ =	sdelay $0xd  }
0x36: {  	_, v2, vm0 =	vpop (xrf1);
	_ =	sdelay $0x3  }
0x37: {  	v2 =	vcvt.s32.f32 v2;
	_ =	sdelay $0x1  }
0x38: {  	[tilespmem:v1+s2+$0x0] =	vst.idx.add.f32.msk vm0, v2  }
0x39: {  	v1 =	vld [tilespmem:$0x2810];
	_ =	sdelay $0x4  }
0x3a: {  	(xrf1) =	vunique.msk.u32 $0xffff, v1;
	_ =	sdelay $0xd  }
0x3b: {  	_, v2, vm0 =	vpop (xrf1);
	_ =	sdelay $0x3  }
0x3c: {  	v2 =	vcvt.s32.f32 v2;
	_ =	sdelay $0x1  }
0x3d: {  	[tilespmem:v1+s2+$0x0] =	vst.idx.add.f32.msk vm0, v2  }
0x3e: {  	v1 =	vld [tilespmem:$0x2820];
	_ =	sdelay $0x4  }
0x3f: {  	(xrf1) =	vunique.msk.u32 $0xffff, v1;
	_ =	sdelay $0xd  }
0x40: {  	_, v2, vm0 =	vpop (xrf1);
	_ =	sdelay $0x3  }
0x41: {  	v2 =	vcvt.s32.f32 v2;
	_ =	sdelay $0x1  }
0x42: {  	[tilespmem:v1+s2+$0x0] =	vst.idx.add.f32.msk vm0, v2  }
0x43: {  	v1 =	vld [tilespmem:$0x2830];
	_ =	sdelay $0x4  }
0x44: {  	(xrf1) =	vunique.msk.u32 $0xffff, v1;
	_ =	sdelay $0xd  }
0x45: {  	_, v2, vm0 =	vpop (xrf1);
	_ =	sdelay $0x3  }
0x46: {  	v2 =	vcvt.s32.f32 v2;
	_ =	sdelay $0x1  }
0x47: {  	[tilespmem:v1+s2+$0x0] =	vst.idx.add.f32.msk vm0, v2  }
0x48: {  	v1 =	vld [tilespmem:$0x2840];
	_ =	sdelay $0x4  }
0x49: {  	(xrf1) =	vunique.msk.u32 $0xffff, v1;
	_ =	sdelay $0xd  }
0x4a: {  	_, v2, vm0 =	vpop (xrf1);
	_ =	sdelay $0x3  }
0x4b: {  	v2 =	vcvt.s32.f32 v2;
	_ =	sdelay $0x1  }
0x4c: {  	[tilespmem:v1+s2+$0x0] =	vst.idx.add.f32.msk vm0, v2  }
0x4d: {  	v1 =	vld [tilespmem:$0x2850];
	_ =	sdelay $0x4  }
0x4e: {  	(xrf1) =	vunique.msk.u32 $0xffff, v1;
	_ =	sdelay $0xd  }
0x4f: {  	_, v2, vm0 =	vpop (xrf1);
	_ =	sdelay $0x3  }
0x50: {  	v2 =	vcvt.s32.f32 v2;
	_ =	sdelay $0x1  }
0x51: {  	[tilespmem:v1+s2+$0x0] =	vst.idx.add.f32.msk vm0, v2  }
0x52: {  	v1 =	vld [tilespmem:$0x2860];
	_ =	sdelay $0x4  }
0x53: {  	(xrf1) =	vunique.msk.u32 $0xffff, v1;
	_ =	sdelay $0xd  }
0x54: {  	_, v2, vm0 =	vpop (xrf1);
	_ =	sdelay $0x3  }
0x55: {  	v2 =	vcvt.s32.f32 v2;
	_ =	sdelay $0x1  }
0x56: {  	[tilespmem:v1+s2+$0x0] =	vst.idx.add.f32.msk vm0, v2  }
0x57: {  	v1 =	vld [tilespmem:$0x2870];
	_ =	sdelay $0x4  }
0x58: {  	(xrf1) =	vunique.msk.u32 $0xffff, v1;
	_ =	sdelay $0xd  }
0x59: {  	_, v2, vm0 =	vpop (xrf1);
	_ =	sdelay $0x3  }
0x5a: {  	v2 =	vcvt.s32.f32 v2  }
0x5b: {  	p0 =	seq.s32 s23, $0x4C0  }
0x5c: {  	s25 =	sadd.s32 @!p0 s23, s12;
	s24 =	simm.s32 @!p0 $0x0;
	s26 =	simm.s32 @!p0 $0x2800;
	[tilespmem:v1+s2+$0x0] =	vst.idx.add.f32.msk vm0, v2  }
0x5d: {  	[tilespmem:s26], [sflag:$0x1] =	stream.linear.gather @!p0 [hbm4b:s25+s24], $0x80, $0x38;
	[tilespmem:$0x2A00] =	vst v63  }
0x5e: {  	_ =	swait.ge [sflag:s18], $0x80  }
0x5f: {  	[sflag:s18] =	ssyncset.done $0x0  }
0x60: {  	[sflag:s18] =	ssyncadd.s32 $0xFFFFFF80  }
0x61: {  	v1 =	vld [tilespmem:$0x2880];
	_ =	sdelay $0x4  }
0x62: {  	(xrf1) =	vunique.msk.u32 $0xffff, v1;
	_ =	sdelay $0xd  }
0x63: {  	_, v2, vm0 =	vpop (xrf1);
	_ =	sdelay $0x3  }
0x64: {  	v2 =	vcvt.s32.f32 v2;
	_ =	sdelay $0x1  }
0x65: {  	[tilespmem:v1+s2+$0x0] =	vst.idx.add.f32.msk vm0, v2  }
0x66: {  	v1 =	vld [tilespmem:$0x2890];
	_ =	sdelay $0x4  }
0x67: {  	(xrf1) =	vunique.msk.u32 $0xffff, v1;
	_ =	sdelay $0xd  }
0x68: {  	_, v2, vm0 =	vpop (xrf1);
	_ =	sdelay $0x3  }
0x69: {  	v2 =	vcvt.s32.f32 v2;
	_ =	sdelay $0x1  }
0x6a: {  	[tilespmem:v1+s2+$0x0] =	vst.idx.add.f32.msk vm0, v2  }
0x6b: {  	v1 =	vld [tilespmem:$0x28A0];
	_ =	sdelay $0x4  }
0x6c: {  	(xrf1) =	vunique.msk.u32 $0xffff, v1;
	_ =	sdelay $0xd  }
0x6d: {  	_, v2, vm0 =	vpop (xrf1);
	_ =	sdelay $0x3  }
0x6e: {  	v2 =	vcvt.s32.f32 v2;
	_ =	sdelay $0x1  }
0x6f: {  	[tilespmem:v1+s2+$0x0] =	vst.idx.add.f32.msk vm0, v2  }
0x70: {  	v1 =	vld [tilespmem:$0x28B0];
	_ =	sdelay $0x4  }
0x71: {  	(xrf1) =	vunique.msk.u32 $0xffff, v1;
	_ =	sdelay $0xd  }
0x72: {  	_, v2, vm0 =	vpop (xrf1);
	_ =	sdelay $0x3  }
0x73: {  	v2 =	vcvt.s32.f32 v2;
	_ =	sdelay $0x1  }
0x74: {  	[tilespmem:v1+s2+$0x0] =	vst.idx.add.f32.msk vm0, v2  }
0x75: {  	v1 =	vld [tilespmem:$0x28C0];
	_ =	sdelay $0x4  }
0x76: {  	(xrf1) =	vunique.msk.u32 $0xffff, v1;
	_ =	sdelay $0xd  }
0x77: {  	_, v2, vm0 =	vpop (xrf1);
	_ =	sdelay $0x3  }
0x78: {  	v2 =	vcvt.s32.f32 v2;
	_ =	sdelay $0x1  }
0x79: {  	[tilespmem:v1+s2+$0x0] =	vst.idx.add.f32.msk vm0, v2  }
0x7a: {  	v1 =	vld [tilespmem:$0x28D0];
	_ =	sdelay $0x4  }
0x7b: {  	(xrf1) =	vunique.msk.u32 $0xffff, v1;
	_ =	sdelay $0xd  }
0x7c: {  	_, v2, vm0 =	vpop (xrf1);
	_ =	sdelay $0x3  }
0x7d: {  	v2 =	vcvt.s32.f32 v2;
	_ =	sdelay $0x1  }
0x7e: {  	[tilespmem:v1+s2+$0x0] =	vst.idx.add.f32.msk vm0, v2  }
0x7f: {  	v1 =	vld [tilespmem:$0x28E0];
	_ =	sdelay $0x4  }
0x80: {  	(xrf1) =	vunique.msk.u32 $0xffff, v1;
	_ =	sdelay $0xd  }
0x81: {  	_, v2, vm0 =	vpop (xrf1);
	_ =	sdelay $0x3  }
0x82: {  	v2 =	vcvt.s32.f32 v2;
	_ =	sdelay $0x1  }
0x83: {  	[tilespmem:v1+s2+$0x0] =	vst.idx.add.f32.msk vm0, v2  }
0x84: {  	v1 =	vld [tilespmem:$0x28F0];
	_ =	sdelay $0x4  }
0x85: {  	(xrf1) =	vunique.msk.u32 $0xffff, v1;
	_ =	sdelay $0xd  }
0x86: {  	_, v2, vm0 =	vpop (xrf1);
	_ =	sdelay $0x3  }
0x87: {  	v2 =	vcvt.s32.f32 v2;
	_ =	sdelay $0x1  }
0x88: {  	s25 =	sadd.s32 @!p0 s23, s11;
	s26 =	simm.s32 @!p0 $0x2880;
	[tilespmem:v1+s2+$0x0] =	vst.idx.add.f32.msk vm0, v2  }
0x89: {  	[tilespmem:s26], [sflag:$0x2] =	stream.linear.gather @!p0 [hbm4b:s25+s24], $0x80, $0x38;
	[tilespmem:$0x2A00] =	vst v63  }
0x8a: {  	_ =	swait.ge [sflag:s19], $0x80  }
0x8b: {  	[sflag:s19] =	ssyncset.done $0x0  }
0x8c: {  	[sflag:s19] =	ssyncadd.s32 $0xFFFFFF80  }
0x8d: {  	v1 =	vld [tilespmem:$0x2900];
	_ =	sdelay $0x4  }
0x8e: {  	(xrf1) =	vunique.msk.u32 $0xffff, v1;
	_ =	sdelay $0xd  }
0x8f: {  	_, v2, vm0 =	vpop (xrf1);
	_ =	sdelay $0x3  }
0x90: {  	v2 =	vcvt.s32.f32 v2;
	_ =	sdelay $0x1  }
0x91: {  	[tilespmem:v1+s2+$0x0] =	vst.idx.add.f32.msk vm0, v2  }
0x92: {  	v1 =	vld [tilespmem:$0x2910];
	_ =	sdelay $0x4  }
0x93: {  	(xrf1) =	vunique.msk.u32 $0xffff, v1;
	_ =	sdelay $0xd  }
0x94: {  	_, v2, vm0 =	vpop (xrf1);
	_ =	sdelay $0x3  }
0x95: {  	v2 =	vcvt.s32.f32 v2;
	_ =	sdelay $0x1  }
0x96: {  	[tilespmem:v1+s2+$0x0] =	vst.idx.add.f32.msk vm0, v2  }
0x97: {  	v1 =	vld [tilespmem:$0x2920];
	_ =	sdelay $0x4  }
0x98: {  	(xrf1) =	vunique.msk.u32 $0xffff, v1;
	_ =	sdelay $0xd  }
0x99: {  	_, v2, vm0 =	vpop (xrf1);
	_ =	sdelay $0x3  }
0x9a: {  	v2 =	vcvt.s32.f32 v2;
	_ =	sdelay $0x1  }
0x9b: {  	[tilespmem:v1+s2+$0x0] =	vst.idx.add.f32.msk vm0, v2  }
0x9c: {  	v1 =	vld [tilespmem:$0x2930];
	_ =	sdelay $0x4  }
0x9d: {  	(xrf1) =	vunique.msk.u32 $0xffff, v1;
	_ =	sdelay $0xd  }
0x9e: {  	_, v2, vm0 =	vpop (xrf1);
	_ =	sdelay $0x3  }
0x9f: {  	v2 =	vcvt.s32.f32 v2;
	_ =	sdelay $0x1  }
0xa0: {  	[tilespmem:v1+s2+$0x0] =	vst.idx.add.f32.msk vm0, v2  }
0xa1: {  	v1 =	vld [tilespmem:$0x2940];
	_ =	sdelay $0x4  }
0xa2: {  	(xrf1) =	vunique.msk.u32 $0xffff, v1;
	_ =	sdelay $0xd  }
0xa3: {  	_, v2, vm0 =	vpop (xrf1);
	_ =	sdelay $0x3  }
0xa4: {  	v2 =	vcvt.s32.f32 v2;
	_ =	sdelay $0x1  }
0xa5: {  	[tilespmem:v1+s2+$0x0] =	vst.idx.add.f32.msk vm0, v2  }
0xa6: {  	v1 =	vld [tilespmem:$0x2950];
	_ =	sdelay $0x4  }
0xa7: {  	(xrf1) =	vunique.msk.u32 $0xffff, v1;
	_ =	sdelay $0xd  }
0xa8: {  	_, v2, vm0 =	vpop (xrf1);
	_ =	sdelay $0x3  }
0xa9: {  	v2 =	vcvt.s32.f32 v2;
	_ =	sdelay $0x1  }
0xaa: {  	[tilespmem:v1+s2+$0x0] =	vst.idx.add.f32.msk vm0, v2  }
0xab: {  	v1 =	vld [tilespmem:$0x2960];
	_ =	sdelay $0x4  }
0xac: {  	(xrf1) =	vunique.msk.u32 $0xffff, v1;
	_ =	sdelay $0xd  }
0xad: {  	_, v2, vm0 =	vpop (xrf1);
	_ =	sdelay $0x3  }
0xae: {  	v2 =	vcvt.s32.f32 v2;
	_ =	sdelay $0x1  }
0xaf: {  	[tilespmem:v1+s2+$0x0] =	vst.idx.add.f32.msk vm0, v2  }
0xb0: {  	v1 =	vld [tilespmem:$0x2970];
	_ =	sdelay $0x4  }
0xb1: {  	(xrf1) =	vunique.msk.u32 $0xffff, v1;
	_ =	sdelay $0xd  }
0xb2: {  	_, v2, vm0 =	vpop (xrf1);
	_ =	sdelay $0x3  }
0xb3: {  	v2 =	vcvt.s32.f32 v2;
	_ =	sdelay $0x1  }
0xb4: {  	s25 =	sadd.s32 @!p0 s23, s10;
	s26 =	simm.s32 @!p0 $0x2900;
	[tilespmem:v1+s2+$0x0] =	vst.idx.add.f32.msk vm0, v2  }
0xb5: {  	[tilespmem:s26], [sflag:$0x3] =	stream.linear.gather @!p0 [hbm4b:s25+s24], $0x80, $0x38;
	[tilespmem:$0x2A00] =	vst v63  }
0xb6: {  	_ =	swait.ge [sflag:s20], $0x80  }
0xb7: {  	[sflag:s20] =	ssyncset.done $0x0  }
0xb8: {  	[sflag:s20] =	ssyncadd.s32 $0xFFFFFF80  }
0xb9: {  	v1 =	vld [tilespmem:$0x2980];
	_ =	sdelay $0x4  }
0xba: {  	(xrf1) =	vunique.msk.u32 $0xffff, v1;
	_ =	sdelay $0xd  }
0xbb: {  	_, v2, vm0 =	vpop (xrf1);
	_ =	sdelay $0x3  }
0xbc: {  	v2 =	vcvt.s32.f32 v2;
	_ =	sdelay $0x1  }
0xbd: {  	[tilespmem:v1+s2+$0x0] =	vst.idx.add.f32.msk vm0, v2  }
0xbe: {  	v1 =	vld [tilespmem:$0x2990];
	_ =	sdelay $0x4  }
0xbf: {  	(xrf1) =	vunique.msk.u32 $0xffff, v1;
	_ =	sdelay $0xd  }
0xc0: {  	_, v2, vm0 =	vpop (xrf1);
	_ =	sdelay $0x3  }
0xc1: {  	v2 =	vcvt.s32.f32 v2;
	_ =	sdelay $0x1  }
0xc2: {  	[tilespmem:v1+s2+$0x0] =	vst.idx.add.f32.msk vm0, v2  }
0xc3: {  	v1 =	vld [tilespmem:$0x29A0];
	_ =	sdelay $0x4  }
0xc4: {  	(xrf1) =	vunique.msk.u32 $0xffff, v1;
	_ =	sdelay $0xd  }
0xc5: {  	_, v2, vm0 =	vpop (xrf1);
	_ =	sdelay $0x3  }
0xc6: {  	v2 =	vcvt.s32.f32 v2;
	_ =	sdelay $0x1  }
0xc7: {  	[tilespmem:v1+s2+$0x0] =	vst.idx.add.f32.msk vm0, v2  }
0xc8: {  	v1 =	vld [tilespmem:$0x29B0];
	_ =	sdelay $0x4  }
0xc9: {  	(xrf1) =	vunique.msk.u32 $0xffff, v1;
	_ =	sdelay $0xd  }
0xca: {  	_, v2, vm0 =	vpop (xrf1);
	_ =	sdelay $0x3  }
0xcb: {  	v2 =	vcvt.s32.f32 v2;
	_ =	sdelay $0x1  }
0xcc: {  	[tilespmem:v1+s2+$0x0] =	vst.idx.add.f32.msk vm0, v2  }
0xcd: {  	v1 =	vld [tilespmem:$0x29C0];
	_ =	sdelay $0x4  }
0xce: {  	(xrf1) =	vunique.msk.u32 $0xffff, v1;
	_ =	sdelay $0xd  }
0xcf: {  	_, v2, vm0 =	vpop (xrf1);
	_ =	sdelay $0x3  }
0xd0: {  	v2 =	vcvt.s32.f32 v2;
	_ =	sdelay $0x1  }
0xd1: {  	[tilespmem:v1+s2+$0x0] =	vst.idx.add.f32.msk vm0, v2  }
0xd2: {  	v1 =	vld [tilespmem:$0x29D0];
	_ =	sdelay $0x4  }
0xd3: {  	(xrf1) =	vunique.msk.u32 $0xffff, v1;
	_ =	sdelay $0xd  }
0xd4: {  	_, v2, vm0 =	vpop (xrf1);
	_ =	sdelay $0x3  }
0xd5: {  	v2 =	vcvt.s32.f32 v2;
	_ =	sdelay $0x1  }
0xd6: {  	[tilespmem:v1+s2+$0x0] =	vst.idx.add.f32.msk vm0, v2  }
0xd7: {  	v1 =	vld [tilespmem:$0x29E0];
	_ =	sdelay $0x4  }
0xd8: {  	(xrf1) =	vunique.msk.u32 $0xffff, v1;
	_ =	sdelay $0xd  }
0xd9: {  	_, v2, vm0 =	vpop (xrf1);
	_ =	sdelay $0x3  }
0xda: {  	v2 =	vcvt.s32.f32 v2;
	_ =	sdelay $0x1  }
0xdb: {  	[tilespmem:v1+s2+$0x0] =	vst.idx.add.f32.msk vm0, v2  }
0xdc: {  	v1 =	vld [tilespmem:$0x29F0];
	_ =	sdelay $0x4  }
0xdd: {  	(xrf1) =	vunique.msk.u32 $0xffff, v1;
	_ =	sdelay $0xd  }
0xde: {  	_, v2, vm0 =	vpop (xrf1);
	_ =	sdelay $0x1  }
.Ltmp3:
0xdf: {  	_ = 	snop;
	(pc) =	sbr.rel @p0 .LBB2_6-.Ltmp3, $3  }
0xe0: {  	_ = 	snop  }
0xe1: {  	v2 =	vcvt.s32.f32 v2;
	_ =	sdelay $0x1  }
0xe2: {  	[tilespmem:v1+s2+$0x0] =	vst.idx.add.f32.msk vm0, v2  }
.Ltmp4:
0xe3: {  	(pc) =	sbr.rel .LBB2_4-.Ltmp4, $3  }
0xe4: {  	_ =	sdelay $0x1  }
0xe5: {  	s24 =	sadd.s32 s23, s9;
	s23 =	sadd.s32 $0x40, s23  }
0xe6: {  	[tilespmem:s16], [sflag:$0x4] =	stream.linear.gather [hbm4b:s24+s2], $0x80, $0x38;
	[tilespmem:$0x2A00] =	vst v63  }
.LBB2_7:
0xe7: {  	_ =	sfence.sel $0x180000  }
0xe8: {  	[bflag:$0x0] =	sbarrier.arrive $0xFFFF  }
0xe9: {  	p0 =	sne.s32 s1, $0x0;
	_ =	strace $0x90000047  }
0xea: {  	s0 =	sadd.s32 @!p0 $0x100000, s0;
	[bflag:$0x2] =	sbarrier.arrive $0xFFFF  }
0xeb: {  	[sflag:s0] =	ssyncadd.tile.s32 @!p0 $0x1;
	_ =	shalt  }
.Lfunc_end2:
_tile_overlayer_lowered:
.L_overlay_start_2:
0xec: {  	(tag) =	ssettag $0x2  }
0xed: {  	s0 =	rddreg [dreg:$0x0];
	s2 =	stileid.u32  }
0xee: {  	s1 =	rddreg [dreg:$0x1];
	p0 =	sne.s32 s2, $0x0  }
0xef: {  	s3 =	rddreg [dreg:$0x2];
	[bflag:$0x3] =	sbarrier.arrive $0xFFFF;
	s2 =	simm.s32 @!p0 $0x1C05  }
0xf0: {  	[timem:s3], [sflag:s2] =	dma.local @!p0 [hbm:s0], s1  }
0xf1: {  	s0 =	simm.s32 @!p0 $0x5  }
0xf2: {  	_ =	swait.ge @!p0 [sflag:s0], s1  }
0xf3: {  	s1 =	ssub.s32 @!p0 $0x0, s1;
	[sflag:s0] =	ssyncset.done @!p0 $0x0  }
0xf4: {  	[sflag:s0] =	ssyncadd.s32 @!p0 s1  }
0xf5: {  	[bflag:$0x3] =	sbarrier.arrive $0xFFFF  }
0xf6: {  	_ =	shalt  }

</sc_bundles>
